<compile_context>
chip_gen: v7x
topology: tpu7x:2x2x1
jax: 0.10.2.dev20260603
libtpu: 0.0.44.dev20260713+nightly
codegen_flags: <defaults>
</compile_context>

<pallas_src>
import functools

import jax
import jax.numpy as jnp
from jax import lax
from jax.experimental import pallas as pl
from jax.experimental.pallas import tpu as pltpu
from jax.experimental.pallas import tpu_sc as plsc

F32 = jnp.float32
I32 = jnp.int32

NC = 2
NS = 16
NW = NC * NS
LANES = 16
EB = 128


def _sc_mesh():
    return plsc.VectorSubcoreMesh(
        core_axis_name="c", subcore_axis_name="s", num_cores=NC, num_subcores=NS
    )


def _make_sc_a(npad, nba, nbb, npc):

    @functools.partial(
        pl.kernel,
        out_type=(
            jax.ShapeDtypeStruct((npad,), F32),
            jax.ShapeDtypeStruct((NW, nbb, EB), F32),
        ),
        mesh=_sc_mesh(),
        scratch_types=[
            pltpu.VMEM_SHARED((npad,), F32),
            pltpu.VMEM((nba, EB), I32),
            pltpu.VMEM((nba, EB), F32),
            pltpu.VMEM((nbb, EB), I32),
            pltpu.VMEM((nbb, EB), F32),
            pltpu.VMEM((EB,), F32),
            pltpu.VMEM((npc,), F32),
        ],
    )
    def sc_a(srcA_hbm, ewA_hbm, srcB_hbm, ewB_hbm, z1_hbm,
             dinv_hbm, w2_hbm,
             deg_sh, srcA_v, ewA_v, srcB_v, ewB_v, dv_buf, deg_t):
        cid = lax.axis_index("c")
        sid = lax.axis_index("s")

        @pl.when(sid == 0)
        def _():
            pltpu.sync_copy(z1_hbm, deg_sh)

        pltpu.sync_copy(srcA_hbm.at[sid], srcA_v)
        pltpu.sync_copy(ewA_hbm.at[sid], ewA_v)
        plsc.subcore_barrier()

        def deg_body(j, carry):
            pltpu.sync_copy(ewA_v.at[j], deg_sh.at[srcA_v.at[j]], add=True)
            return carry

        lax.fori_loop(0, nba, deg_body, 0)
        plsc.subcore_barrier()

        pltpu.sync_copy(deg_sh.at[pl.ds(sid * npc, npc)], deg_t)

        def newton_body(k, carry):
            d = deg_t[pl.ds(k * LANES, LANES)]
            bits = lax.bitcast_convert_type(d, I32)
            y = lax.bitcast_convert_type(jnp.int32(0x5F3759DF) - (bits >> 1), F32)
            for _ in range(4):
                y = y * (1.5 - 0.5 * d * y * y)
            y = jnp.where(d > 0.0, y, 0.0)
            deg_t[pl.ds(k * LANES, LANES)] = y
            return carry

        lax.fori_loop(0, npc // LANES, newton_body, 0)
        pltpu.sync_copy(deg_t, deg_sh.at[pl.ds(sid * npc, npc)])

        @pl.when(cid == 0)
        def _():
            pltpu.sync_copy(deg_t, dinv_hbm.at[pl.ds(sid * npc, npc)])

        plsc.subcore_barrier()

        wid = sid * NC + cid
        pltpu.sync_copy(srcB_hbm.at[wid], srcB_v)
        pltpu.sync_copy(ewB_hbm.at[wid], ewB_v)

        def w2_body(j, carry):
            pltpu.sync_copy(deg_sh.at[srcB_v.at[j]], dv_buf)
            for k in range(EB // LANES):
                sl = pl.ds(k * LANES, LANES)
                ewB_v[j, sl] = ewB_v[j, sl] * dv_buf[sl]
            return carry

        lax.fori_loop(0, nbb, w2_body, 0)
        pltpu.sync_copy(ewB_v, w2_hbm.at[wid])

    return sc_a


def _make_sc_b(npad, nbb, npc, d):

    @functools.partial(
        pl.kernel,
        out_type=(
            jax.ShapeDtypeStruct((NC, npad, d), F32),
            jax.ShapeDtypeStruct((NC, npad, d), F32),
        ),
        mesh=_sc_mesh(),
        scratch_types=[
            pltpu.VMEM_SHARED((npad, d), F32),
            pltpu.VMEM((nbb, EB), I32),
            pltpu.VMEM((nbb, EB), I32),
            pltpu.VMEM((EB,), F32),
            pltpu.VMEM((EB, d), F32),
            pltpu.VMEM((npc,), F32),
            pltpu.SemaphoreType.DMA,
            pltpu.SemaphoreType.DMA,
        ],
    )
    def sc_b(x_hbm, h_hbm, src_hbm, dst_hbm, w2_hbm, dinv_hbm, z2_hbm,
             s_out, t_out,
             acc, src_v, dst_v, w2b, bufA, dinv_t, semA, semB):
        cid = lax.axis_index("c")
        sid = lax.axis_index("s")
        wid = sid * NC + cid
        rs = sid * npc

        pltpu.sync_copy(src_hbm.at[wid], src_v)
        pltpu.sync_copy(dst_hbm.at[wid], dst_v)
        pltpu.sync_copy(z2_hbm.at[pl.ds(rs, npc)], acc.at[pl.ds(rs, npc)])
        plsc.subcore_barrier()

        def s_body(j, carry):
            pltpu.async_copy(x_hbm.at[dst_v.at[j]], bufA, semA).wait()
            pltpu.sync_copy(bufA, acc.at[src_v.at[j]], add=True)
            pltpu.async_copy(x_hbm.at[src_v.at[j]], bufA, semB).wait()
            pltpu.sync_copy(bufA, acc.at[dst_v.at[j]], add=True)
            return carry

        lax.fori_loop(0, nbb, s_body, 0)
        plsc.subcore_barrier()
        pltpu.sync_copy(acc.at[pl.ds(rs, npc)], s_out.at[cid, pl.ds(rs, npc)])
        plsc.subcore_barrier()

        pltpu.sync_copy(z2_hbm.at[pl.ds(rs, npc)], acc.at[pl.ds(rs, npc)])
        plsc.subcore_barrier()

        def t_body(j, carry):
            pltpu.sync_copy(w2_hbm.at[wid].at[j], w2b)
            pltpu.async_copy(h_hbm.at[src_v.at[j]], bufA, semA).wait()

            def scale_body(g, c2):
                wv = w2b[pl.ds(g * LANES, LANES)]
                for l in range(LANES):
                    sv = jnp.full((LANES,), wv[l], F32)
                    e2 = g * LANES + l
                    for k in range(d // LANES):
                        sl = pl.ds(k * LANES, LANES)
                        bufA[e2, sl] = bufA[e2, sl] * sv
                return c2

            lax.fori_loop(0, EB // LANES, scale_body, 0)
            pltpu.sync_copy(bufA, acc.at[dst_v.at[j]], add=True)
            return carry

        lax.fori_loop(0, nbb, t_body, 0)
        plsc.subcore_barrier()

        pltpu.sync_copy(dinv_hbm.at[pl.ds(rs, npc)], dinv_t)

        def out_body(q, carry):
            base = rs + q * EB
            pltpu.sync_copy(acc.at[pl.ds(base, EB)], bufA)

            def row_body(g, c2):
                dv = dinv_t[pl.ds(q * EB + g * LANES, LANES)]
                for l in range(LANES):
                    sv = jnp.full((LANES,), -dv[l], F32)
                    r = g * LANES + l
                    for k in range(d // LANES):
                        sl = pl.ds(k * LANES, LANES)
                        bufA[r, sl] = bufA[r, sl] * sv
                return c2

            lax.fori_loop(0, EB // LANES, row_body, 0)
            pltpu.sync_copy(bufA, t_out.at[cid, pl.ds(base, EB)])
            return carry

        lax.fori_loop(0, npc // EB, out_body, 0)

    return sc_b


def _tc_body(x_ref, h_ref, c_ref, sp_ref, tp_ref,
             wg_ref, t0_ref, t1_ref, bg_ref, lw_ref, lb_ref,
             out_ref, h0_ref, c0_ref):
    hid = h_ref.shape[1]
    x1 = x_ref[...] + sp_ref[0] + sp_ref[1]
    tx1 = tp_ref[0] + tp_ref[1]
    hcur = h_ref[...]
    z = (
        jnp.dot(x1, wg_ref[...], preferred_element_type=F32,
                precision=lax.Precision.HIGHEST)
        + jnp.dot(hcur, t0_ref[...], preferred_element_type=F32,
                  precision=lax.Precision.HIGHEST)
        + jnp.dot(tx1, t1_ref[...], preferred_element_type=F32,
                  precision=lax.Precision.HIGHEST)
        + bg_ref[...]
    )
    gi = jax.nn.sigmoid(z[:, :hid])
    gf = jax.nn.sigmoid(z[:, hid:2 * hid])
    gt = jnp.tanh(z[:, 2 * hid:3 * hid])
    go = jax.nn.sigmoid(z[:, 3 * hid:])
    c0 = gf * c_ref[...] + gi * gt
    h0 = go * jnp.tanh(c0)
    out = jnp.dot(jnp.maximum(h0, 0.0), lw_ref[...], preferred_element_type=F32,
                  precision=lax.Precision.HIGHEST) + lb_ref[...]
    out_ref[...] = out
    h0_ref[...] = h0
    c0_ref[...] = c0


def kernel(x, edge_index, edge_weight, h, c, snapshot_ts, params):
    n, d = x.shape
    hid = h.shape[1]
    e = edge_index.shape[1]

    npad = ((n + 1 + NS * EB - 1) // (NS * EB)) * NS * EB
    npc = npad // NS
    ep = ((e + NW * EB - 1) // (NW * EB)) * NW * EB
    nbb = ep // (NW * EB)
    nba = ep // (NS * EB)

    src = edge_index[0]
    dst = edge_index[1]
    padn = jnp.full((ep - e,), n, I32)
    srcp = jnp.concatenate([src, padn])
    dstp = jnp.concatenate([dst, padn])
    ewp = jnp.concatenate([edge_weight, jnp.zeros((ep - e,), F32)])

    srcB = srcp.reshape(NW, nbb, EB)
    dstB = dstp.reshape(NW, nbb, EB)
    ewB = ewp.reshape(NW, nbb, EB)
    srcA = srcp.reshape(NS, nba, EB)
    ewA = ewp.reshape(NS, nba, EB)

    x_pad = jnp.zeros((npad, d), F32).at[:n].set(x)
    h_pad = jnp.zeros((npad, hid), F32).at[:n].set(h)
    z1 = jnp.zeros((npad,), F32)
    z2 = jnp.zeros((npad, d), F32)

    sc_a = _make_sc_a(npad, nba, nbb, npc)
    dinv, w2 = sc_a(srcA, ewA, srcB, ewB, z1)

    sc_b = _make_sc_b(npad, nbb, npc, d)
    s_parts, t_parts = sc_b(x_pad, h_pad, srcB, dstB, w2, dinv, z2)

    wg = jnp.concatenate([params["W_" + g] for g in ("i", "f", "c", "o")], axis=1)
    t0g = jnp.concatenate([params["T0_" + g] for g in ("i", "f", "c", "o")], axis=1)
    t1g = jnp.concatenate([params["T1_" + g] for g in ("i", "f", "c", "o")], axis=1)
    bg = jnp.concatenate(
        [params["b_" + g] + params["bc_" + g][None, :] for g in ("i", "f", "c", "o")],
        axis=1)
    lw = params["lin_W"]
    lb = params["lin_b"][None, :]

    rows = 1000
    grid = (n // rows,)
    sds = jax.ShapeDtypeStruct
    out, h0, c0 = pl.pallas_call(
        _tc_body,
        grid=grid,
        in_specs=[
            pl.BlockSpec((rows, d), lambda i: (i, 0)),
            pl.BlockSpec((rows, hid), lambda i: (i, 0)),
            pl.BlockSpec((rows, hid), lambda i: (i, 0)),
            pl.BlockSpec((NC, rows, d), lambda i: (0, i, 0)),
            pl.BlockSpec((NC, rows, hid), lambda i: (0, i, 0)),
            pl.BlockSpec((d, 4 * hid), lambda i: (0, 0)),
            pl.BlockSpec((hid, 4 * hid), lambda i: (0, 0)),
            pl.BlockSpec((hid, 4 * hid), lambda i: (0, 0)),
            pl.BlockSpec((1, 4 * hid), lambda i: (0, 0)),
            pl.BlockSpec((hid, hid), lambda i: (0, 0)),
            pl.BlockSpec((1, hid), lambda i: (0, 0)),
        ],
        out_specs=[
            pl.BlockSpec((rows, hid), lambda i: (i, 0)),
            pl.BlockSpec((rows, hid), lambda i: (i, 0)),
            pl.BlockSpec((rows, hid), lambda i: (i, 0)),
        ],
        out_shape=(
            sds((n, hid), F32),
            sds((n, hid), F32),
            sds((n, hid), F32),
        ),
    )(x, h, c, s_parts, t_parts, wg, t0g, t1g, bg, lw, lb)

    return (out, h0, c0)

# --- scband reference (transcript-rebuilt; emitter-appended) ---
"""Pipeline reference for scband-recurrent-gcn-61426622267687 (READ-ONLY COPY).

The authoritative reference and input builder live on the scoring server;
editing this copy changes nothing except your own understanding.
"""

import jax, jax.numpy as jnp
import numpy as np

N = 10000
E = 320000
D = 128
HID = 128

def _init_params(key):
    ks = jax.random.split(key, 22)
    def g(k, shape, s=0.05):
        return jax.random.normal(k, shape, dtype=jnp.float32) * s
    p = {}
    i = 0
    for name in ["i", "f", "c", "o"]:
        p["W_" + name] = g(ks[i], (D, HID)); i += 1
        p["b_" + name] = g(ks[i], (1, HID)); i += 1
        p["T0_" + name] = g(ks[i], (HID, HID)); i += 1
        p["T1_" + name] = g(ks[i], (HID, HID)); i += 1
        p["bc_" + name] = g(ks[i], (HID,)); i += 1
    p["lin_W"] = g(ks[20], (HID, HID))
    p["lin_b"] = g(ks[21], (HID,))
    return p

def _forward(x, edge_weight, h, c, params, src, dst):
    # simulated neighbor-sampler augmentation: neighbor across each edge
    src_nb = x[dst]
    dst_nb = x[src]
    x1 = x.at[src].add(src_nb)
    x1 = x1.at[dst].add(dst_nb)
    # GCLSTM with K=2 ChebConv on H (sym normalization, lambda_max=2 -> Lhat = -D^-1/2 A D^-1/2 off-diag, 0 diag)
    deg = jnp.zeros((x.shape[0],), x.dtype).at[src].add(edge_weight)
    dinv = jnp.where(deg > 0, deg ** -0.5, 0.0)
    w_norm = dinv[src] * edge_weight * dinv[dst]
    Tx1 = -(jnp.zeros_like(h).at[dst].add(w_norm[:, None] * h[src]))
    def gate(name, act):
        z = x1 @ params["W_" + name] + params["b_" + name]
        z = z + h @ params["T0_" + name] + Tx1 @ params["T1_" + name] + params["bc_" + name]
        return act(z)
    I = gate("i", jax.nn.sigmoid)
    Fg = gate("f", jax.nn.sigmoid)
    T = gate("c", jnp.tanh)
    c0 = Fg * c + I * T
    O = gate("o", jax.nn.sigmoid)
    h0 = O * jnp.tanh(c0)
    out = jax.nn.relu(h0) @ params["lin_W"] + params["lin_b"]
    return (out, h0, c0)

def setup_inputs(seed: int = 0):
    key = jax.random.key(seed)
    ks = jax.random.split(key, 7)
    x = jax.random.normal(ks[0], (N, D), dtype=jnp.float32)
    edge_index = jax.random.randint(ks[1], (2, E), 0, N, dtype=jnp.int32)
    edge_weight = jax.random.uniform(ks[2], (E,), dtype=jnp.float32)
    h = jax.random.normal(ks[3], (N, HID), dtype=jnp.float32)
    c = jax.random.normal(ks[4], (N, HID), dtype=jnp.float32)
    snapshot_ts = jax.random.uniform(ks[5], (E,), dtype=jnp.float32)
    params = _init_params(ks[6])
    return {"x": x, "edge_index": edge_index, "edge_weight": edge_weight, "h": h, "c": c, "snapshot_ts": snapshot_ts, "params": params}

def reference(x, edge_index, edge_weight, h, c, snapshot_ts, params):
    src = edge_index[0]
    dst = edge_index[1]
    return _forward(x, edge_weight, h, c, params, src, dst)

if __name__ == "__main__":
    import jax
    _d = setup_inputs()
    print(jax.jit(kernel)(*tuple(_d.values())))

</pallas_src>

<mosaic_0001>
#map = affine_map<(d0, d1) -> (0, 0, 0)>
#map1 = affine_map<(d0, d1) -> (0)>
module attributes {stable_mosaic.version = 14 : i64} {
  func.func @sc_a(%arg0: i32, %arg1: i32, %arg2: memref<16x158x128xi32, #tpu.memory_space<hbm>>, %arg3: memref<16x158x128xf32, #tpu.memory_space<hbm>>, %arg4: memref<32x79x128xi32, #tpu.memory_space<hbm>>, %arg5: memref<32x79x128xf32, #tpu.memory_space<hbm>>, %arg6: memref<10240xf32, #tpu.memory_space<hbm>>, %arg7: memref<10240xf32, #tpu.memory_space<hbm>>, %arg8: memref<32x79x128xf32, #tpu.memory_space<hbm>>, %arg9: memref<10240xf32, #tpu.memory_space<vmem_shared>>, %arg10: memref<158x128xi32, #tpu.memory_space<vmem>>, %arg11: memref<158x128xf32, #tpu.memory_space<vmem>>, %arg12: memref<79x128xi32, #tpu.memory_space<vmem>>, %arg13: memref<79x128xf32, #tpu.memory_space<vmem>>, %arg14: memref<128xf32, #tpu.memory_space<vmem>>, %arg15: memref<640xf32, #tpu.memory_space<vmem>>) attributes {dimension_semantics = [#tpu.dimension_semantics<core_parallel>, #tpu.dimension_semantics<subcore_parallel>], iteration_bounds = array<i64: 2, 16>, scalar_prefetch = 0 : i64, scratch_operands = 7 : i64, tpu.core_type = #tpu.core_type<sc_vector_subcore>, window_params = [{transform_indices = #map}, {transform_indices = #map}, {transform_indices = #map}, {transform_indices = #map}, {transform_indices = #map1}, {transform_indices = #map1}, {transform_indices = #map}]} {
    %eq3A = arith.constant 0 : i32
    %eq3A_0 = arith.cmpi eq, %arg1, %eq3A : i32
    %convert_element_type3A = arith.extui %eq3A_0 : i1 to i32
    %cond3A = arith.constant 0 : i32
    %cond3A_1 = arith.cmpi ne, %convert_element_type3A, %cond3A : i32
    scf.if %cond3A_1 {
      "tpu.region"() ({
        %run_scoped3A = tpu.sem_alloc : memref<!tpu.dma_semaphore, #tpu.memory_space<semaphore_mem>>
        tpu.enqueue_dma source(%arg6 : memref<10240xf32, #tpu.memory_space<hbm>>) target(%arg9 : memref<10240xf32, #tpu.memory_space<vmem_shared>>) target_semaphore(%run_scoped3A : memref<!tpu.dma_semaphore, #tpu.memory_space<semaphore_mem>>)
        tpu.wait_dma2 semaphore(%run_scoped3A : memref<!tpu.dma_semaphore, #tpu.memory_space<semaphore_mem>>) src(%arg6 : memref<10240xf32, #tpu.memory_space<hbm>>) dst(%arg9 : memref<10240xf32, #tpu.memory_space<vmem_shared>>)
        tpu.yield
      }) : () -> ()
    } else {
    }
    "tpu.region"() ({
      %run_scoped3A = tpu.sem_alloc : memref<!tpu.dma_semaphore, #tpu.memory_space<semaphore_mem>>
      %dma_start3A = arith.constant 0 : i32
      %dma_start3A_31 = arith.constant 0 : i32
      %dma_start3A_32 = tpu.memref_slice %arg2[%arg1, %dma_start3A, %dma_start3A_31] : memref<16x158x128xi32, #tpu.memory_space<hbm>> -> memref<1x158x128xi32, #tpu.memory_space<hbm>>
      %dma_start3A_33 = tpu.memref_squeeze %dma_start3A_32 : memref<1x158x128xi32, #tpu.memory_space<hbm>> -> memref<158x128xi32, #tpu.memory_space<hbm>>
      %dma_start3A_34 = arith.constant 0 : i32
      %dma_start3A_35 = arith.constant 0 : i32
      %dma_start3A_36 = tpu.memref_slice %arg2[%arg1, %dma_start3A_34, %dma_start3A_35] : memref<16x158x128xi32, #tpu.memory_space<hbm>> -> memref<1x158x128xi32, #tpu.memory_space<hbm>>
      %dma_start3A_37 = tpu.memref_squeeze %dma_start3A_36 : memref<1x158x128xi32, #tpu.memory_space<hbm>> -> memref<158x128xi32, #tpu.memory_space<hbm>>
      tpu.enqueue_dma source(%dma_start3A_37 : memref<158x128xi32, #tpu.memory_space<hbm>>) target(%arg10 : memref<158x128xi32, #tpu.memory_space<vmem>>) target_semaphore(%run_scoped3A : memref<!tpu.dma_semaphore, #tpu.memory_space<semaphore_mem>>)
      %dma_wait3A = arith.constant 0 : i32
      %dma_wait3A_38 = arith.constant 0 : i32
      %dma_wait3A_39 = tpu.memref_slice %arg2[%arg1, %dma_wait3A, %dma_wait3A_38] : memref<16x158x128xi32, #tpu.memory_space<hbm>> -> memref<1x158x128xi32, #tpu.memory_space<hbm>>
      %dma_wait3A_40 = tpu.memref_squeeze %dma_wait3A_39 : memref<1x158x128xi32, #tpu.memory_space<hbm>> -> memref<158x128xi32, #tpu.memory_space<hbm>>
      %dma_wait3A_41 = arith.constant 0 : i32
      %dma_wait3A_42 = arith.constant 0 : i32
      %dma_wait3A_43 = tpu.memref_slice %arg2[%arg1, %dma_wait3A_41, %dma_wait3A_42] : memref<16x158x128xi32, #tpu.memory_space<hbm>> -> memref<1x158x128xi32, #tpu.memory_space<hbm>>
      %dma_wait3A_44 = tpu.memref_squeeze %dma_wait3A_43 : memref<1x158x128xi32, #tpu.memory_space<hbm>> -> memref<158x128xi32, #tpu.memory_space<hbm>>
      tpu.wait_dma2 semaphore(%run_scoped3A : memref<!tpu.dma_semaphore, #tpu.memory_space<semaphore_mem>>) src(%dma_wait3A_44 : memref<158x128xi32, #tpu.memory_space<hbm>>) dst(%arg10 : memref<158x128xi32, #tpu.memory_space<vmem>>)
      tpu.yield
    }) : () -> ()
    "tpu.region"() ({
      %run_scoped3A = tpu.sem_alloc : memref<!tpu.dma_semaphore, #tpu.memory_space<semaphore_mem>>
      %dma_start3A = arith.constant 0 : i32
      %dma_start3A_31 = arith.constant 0 : i32
      %dma_start3A_32 = tpu.memref_slice %arg3[%arg1, %dma_start3A, %dma_start3A_31] : memref<16x158x128xf32, #tpu.memory_space<hbm>> -> memref<1x158x128xf32, #tpu.memory_space<hbm>>
      %dma_start3A_33 = tpu.memref_squeeze %dma_start3A_32 : memref<1x158x128xf32, #tpu.memory_space<hbm>> -> memref<158x128xf32, #tpu.memory_space<hbm>>
      %dma_start3A_34 = arith.constant 0 : i32
      %dma_start3A_35 = arith.constant 0 : i32
      %dma_start3A_36 = tpu.memref_slice %arg3[%arg1, %dma_start3A_34, %dma_start3A_35] : memref<16x158x128xf32, #tpu.memory_space<hbm>> -> memref<1x158x128xf32, #tpu.memory_space<hbm>>
      %dma_start3A_37 = tpu.memref_squeeze %dma_start3A_36 : memref<1x158x128xf32, #tpu.memory_space<hbm>> -> memref<158x128xf32, #tpu.memory_space<hbm>>
      tpu.enqueue_dma source(%dma_start3A_37 : memref<158x128xf32, #tpu.memory_space<hbm>>) target(%arg11 : memref<158x128xf32, #tpu.memory_space<vmem>>) target_semaphore(%run_scoped3A : memref<!tpu.dma_semaphore, #tpu.memory_space<semaphore_mem>>)
      %dma_wait3A = arith.constant 0 : i32
      %dma_wait3A_38 = arith.constant 0 : i32
      %dma_wait3A_39 = tpu.memref_slice %arg3[%arg1, %dma_wait3A, %dma_wait3A_38] : memref<16x158x128xf32, #tpu.memory_space<hbm>> -> memref<1x158x128xf32, #tpu.memory_space<hbm>>
      %dma_wait3A_40 = tpu.memref_squeeze %dma_wait3A_39 : memref<1x158x128xf32, #tpu.memory_space<hbm>> -> memref<158x128xf32, #tpu.memory_space<hbm>>
      %dma_wait3A_41 = arith.constant 0 : i32
      %dma_wait3A_42 = arith.constant 0 : i32
      %dma_wait3A_43 = tpu.memref_slice %arg3[%arg1, %dma_wait3A_41, %dma_wait3A_42] : memref<16x158x128xf32, #tpu.memory_space<hbm>> -> memref<1x158x128xf32, #tpu.memory_space<hbm>>
      %dma_wait3A_44 = tpu.memref_squeeze %dma_wait3A_43 : memref<1x158x128xf32, #tpu.memory_space<hbm>> -> memref<158x128xf32, #tpu.memory_space<hbm>>
      tpu.wait_dma2 semaphore(%run_scoped3A : memref<!tpu.dma_semaphore, #tpu.memory_space<semaphore_mem>>) src(%dma_wait3A_44 : memref<158x128xf32, #tpu.memory_space<hbm>>) dst(%arg11 : memref<158x128xf32, #tpu.memory_space<vmem>>)
      tpu.yield
    }) : () -> ()
    %barrier3A = arith.constant 0 : index
    tpu.barrier barrier_id(%barrier3A)
    %scan3A = arith.constant 0 : i32
    %scan3A_2 = arith.constant 0 : i32
    %scan3A_3 = arith.constant 158 : i32
    %scan3A_4 = arith.addi %scan3A_2, %scan3A_3 : i32
    %scan3A_5 = arith.constant 1 : i32
    scf.for %scan3A_31 = %scan3A_2 to %scan3A_4 step %scan3A_5  : i32 {
      "tpu.region"() ({
        %run_scoped3A = tpu.sem_alloc : memref<!tpu.dma_semaphore, #tpu.memory_space<semaphore_mem>>
        %dma_start3A = arith.constant 0 : i32
        %dma_start3A_32 = tpu.memref_slice %arg11[%scan3A_31, %dma_start3A] : memref<158x128xf32, #tpu.memory_space<vmem>> -> memref<1x128xf32, #tpu.memory_space<vmem>>
        %dma_start3A_33 = tpu.memref_squeeze %dma_start3A_32 : memref<1x128xf32, #tpu.memory_space<vmem>> -> memref<128xf32, #tpu.memory_space<vmem>>
        %dma_start3A_34 = arith.constant 0 : i32
        %dma_start3A_35 = tpu.memref_slice %arg10[%scan3A_31, %dma_start3A_34] : memref<158x128xi32, #tpu.memory_space<vmem>> -> memref<1x128xi32, #tpu.memory_space<vmem>>
        %dma_start3A_36 = tpu.memref_squeeze %dma_start3A_35 : memref<1x128xi32, #tpu.memory_space<vmem>> -> memref<128xi32, #tpu.memory_space<vmem>>
        %dma_start3A_37 = arith.constant 0 : i32
        %dma_start3A_38 = tpu.memref_slice %arg9[%dma_start3A_37] : memref<10240xf32, #tpu.memory_space<vmem_shared>> -> memref<10240xf32, #tpu.memory_space<vmem_shared>>
        tpu.enqueue_indirect_dma source(%dma_start3A_33 : memref<128xf32, #tpu.memory_space<vmem>>) target(%dma_start3A_38 : memref<10240xf32, #tpu.memory_space<vmem_shared>>) offsets(%dma_start3A_36 : memref<128xi32, #tpu.memory_space<vmem>>) semaphore(%run_scoped3A : memref<!tpu.dma_semaphore, #tpu.memory_space<semaphore_mem>>) {add = true}
        %dma_wait3A = arith.constant 0 : i32
        %dma_wait3A_39 = tpu.memref_slice %arg11[%scan3A_31, %dma_wait3A] : memref<158x128xf32, #tpu.memory_space<vmem>> -> memref<1x128xf32, #tpu.memory_space<vmem>>
        %dma_wait3A_40 = tpu.memref_squeeze %dma_wait3A_39 : memref<1x128xf32, #tpu.memory_space<vmem>> -> memref<128xf32, #tpu.memory_space<vmem>>
        %dma_wait3A_41 = arith.constant 0 : i32
        %dma_wait3A_42 = tpu.memref_slice %arg10[%scan3A_31, %dma_wait3A_41] : memref<158x128xi32, #tpu.memory_space<vmem>> -> memref<1x128xi32, #tpu.memory_space<vmem>>
        %dma_wait3A_43 = tpu.memref_squeeze %dma_wait3A_42 : memref<1x128xi32, #tpu.memory_space<vmem>> -> memref<128xi32, #tpu.memory_space<vmem>>
        %dma_wait3A_44 = arith.constant 0 : i32
        %dma_wait3A_45 = tpu.memref_slice %arg9[%dma_wait3A_44] : memref<10240xf32, #tpu.memory_space<vmem_shared>> -> memref<10240xf32, #tpu.memory_space<vmem_shared>>
        tpu.wait_indirect_dma semaphore(%run_scoped3A : memref<!tpu.dma_semaphore, #tpu.memory_space<semaphore_mem>>) src(%dma_wait3A_40 : memref<128xf32, #tpu.memory_space<vmem>>) dst(%dma_wait3A_45 : memref<10240xf32, #tpu.memory_space<vmem_shared>>)
        tpu.yield
      }) : () -> ()
    }
    %scan3A_6 = arith.constant 158 : i32
    %barrier3A_7 = arith.constant 0 : index
    tpu.barrier barrier_id(%barrier3A_7)
    %mul3A = arith.constant 640 : i32
    %mul3A_8 = arith.muli %arg1, %mul3A : i32
    "tpu.region"() ({
      %run_scoped3A = tpu.sem_alloc : memref<!tpu.dma_semaphore, #tpu.memory_space<semaphore_mem>>
      %dma_start3A = tpu.memref_slice %arg9[%mul3A_8] : memref<10240xf32, #tpu.memory_space<vmem_shared>> -> memref<640xf32, #tpu.memory_space<vmem_shared>>
      %dma_start3A_31 = tpu.memref_slice %arg9[%mul3A_8] : memref<10240xf32, #tpu.memory_space<vmem_shared>> -> memref<640xf32, #tpu.memory_space<vmem_shared>>
      tpu.enqueue_dma source(%dma_start3A_31 : memref<640xf32, #tpu.memory_space<vmem_shared>>) target(%arg15 : memref<640xf32, #tpu.memory_space<vmem>>) target_semaphore(%run_scoped3A : memref<!tpu.dma_semaphore, #tpu.memory_space<semaphore_mem>>)
      %dma_wait3A = tpu.memref_slice %arg9[%mul3A_8] : memref<10240xf32, #tpu.memory_space<vmem_shared>> -> memref<640xf32, #tpu.memory_space<vmem_shared>>
      %dma_wait3A_32 = tpu.memref_slice %arg9[%mul3A_8] : memref<10240xf32, #tpu.memory_space<vmem_shared>> -> memref<640xf32, #tpu.memory_space<vmem_shared>>
      tpu.wait_dma2 semaphore(%run_scoped3A : memref<!tpu.dma_semaphore, #tpu.memory_space<semaphore_mem>>) src(%dma_wait3A_32 : memref<640xf32, #tpu.memory_space<vmem_shared>>) dst(%arg15 : memref<640xf32, #tpu.memory_space<vmem>>)
      tpu.yield
    }) : () -> ()
    %scan3A_9 = arith.constant 0 : i32
    %scan3A_10 = arith.constant 0 : i32
    %scan3A_11 = arith.constant 40 : i32
    %scan3A_12 = arith.addi %scan3A_10, %scan3A_11 : i32
    %scan3A_13 = arith.constant 1 : i32
    scf.for %scan3A_31 = %scan3A_10 to %scan3A_12 step %scan3A_13  : i32 {
      %mul3A_32 = arith.constant 16 : i32
      %mul3A_33 = arith.muli %scan3A_31, %mul3A_32 : i32
      %get3A = arith.index_cast %mul3A_33 : i32 to index
      %get3A_34 = tpu.vector_load %arg15[%get3A] {strides = array<i32>} : memref<640xf32, #tpu.memory_space<vmem>>, vector<16xf32>,
      %get3A_35 = vector.shape_cast %get3A_34 : vector<16xf32> to vector<16xf32>
      %bitcast_convert_type3A = tpu.bitcast %get3A_35 : vector<16xf32> -> vector<16xi32>
      %shift_right_arithmetic3A = arith.constant 1 : i32
      %shift_right_arithmetic3A_36 = vector.broadcast %shift_right_arithmetic3A : i32 to vector<16xi32>
      %shift_right_arithmetic3A_37 = arith.shrsi %bitcast_convert_type3A, %shift_right_arithmetic3A_36 : vector<16xi32>
      %sub3A = arith.constant 1597463007 : i32
      %sub3A_38 = vector.broadcast %sub3A : i32 to vector<16xi32>
      %sub3A_39 = arith.subi %sub3A_38, %shift_right_arithmetic3A_37 : vector<16xi32>
      %bitcast_convert_type3A_40 = tpu.bitcast %sub3A_39 : vector<16xi32> -> vector<16xf32>
      %mul3A_41 = arith.constant 5.000000e-01 : f32
      %mul3A_42 = vector.broadcast %mul3A_41 : f32 to vector<16xf32>
      %mul3A_43 = arith.mulf %mul3A_42, %get3A_35 : vector<16xf32>
      %mul3A_44 = arith.mulf %mul3A_43, %bitcast_convert_type3A_40 : vector<16xf32>
      %mul3A_45 = arith.mulf %mul3A_44, %bitcast_convert_type3A_40 : vector<16xf32>
      %sub3A_46 = arith.constant 1.500000e+00 : f32
      %sub3A_47 = vector.broadcast %sub3A_46 : f32 to vector<16xf32>
      %sub3A_48 = arith.subf %sub3A_47, %mul3A_45 : vector<16xf32>
      %mul3A_49 = arith.mulf %bitcast_convert_type3A_40, %sub3A_48 : vector<16xf32>
      %mul3A_50 = arith.constant 5.000000e-01 : f32
      %mul3A_51 = vector.broadcast %mul3A_50 : f32 to vector<16xf32>
      %mul3A_52 = arith.mulf %mul3A_51, %get3A_35 : vector<16xf32>
      %mul3A_53 = arith.mulf %mul3A_52, %mul3A_49 : vector<16xf32>
      %mul3A_54 = arith.mulf %mul3A_53, %mul3A_49 : vector<16xf32>
      %sub3A_55 = arith.constant 1.500000e+00 : f32
      %sub3A_56 = vector.broadcast %sub3A_55 : f32 to vector<16xf32>
      %sub3A_57 = arith.subf %sub3A_56, %mul3A_54 : vector<16xf32>
      %mul3A_58 = arith.mulf %mul3A_49, %sub3A_57 : vector<16xf32>
      %mul3A_59 = arith.constant 5.000000e-01 : f32
      %mul3A_60 = vector.broadcast %mul3A_59 : f32 to vector<16xf32>
      %mul3A_61 = arith.mulf %mul3A_60, %get3A_35 : vector<16xf32>
      %mul3A_62 = arith.mulf %mul3A_61, %mul3A_58 : vector<16xf32>
      %mul3A_63 = arith.mulf %mul3A_62, %mul3A_58 : vector<16xf32>
      %sub3A_64 = arith.constant 1.500000e+00 : f32
      %sub3A_65 = vector.broadcast %sub3A_64 : f32 to vector<16xf32>
      %sub3A_66 = arith.subf %sub3A_65, %mul3A_63 : vector<16xf32>
      %mul3A_67 = arith.mulf %mul3A_58, %sub3A_66 : vector<16xf32>
      %mul3A_68 = arith.constant 5.000000e-01 : f32
      %mul3A_69 = vector.broadcast %mul3A_68 : f32 to vector<16xf32>
      %mul3A_70 = arith.mulf %mul3A_69, %get3A_35 : vector<16xf32>
      %mul3A_71 = arith.mulf %mul3A_70, %mul3A_67 : vector<16xf32>
      %mul3A_72 = arith.mulf %mul3A_71, %mul3A_67 : vector<16xf32>
      %sub3A_73 = arith.constant 1.500000e+00 : f32
      %sub3A_74 = vector.broadcast %sub3A_73 : f32 to vector<16xf32>
      %sub3A_75 = arith.subf %sub3A_74, %mul3A_72 : vector<16xf32>
      %mul3A_76 = arith.mulf %mul3A_67, %sub3A_75 : vector<16xf32>
      %gt3A = arith.constant 0.000000e+00 : f32
      %gt3A_77 = vector.broadcast %gt3A : f32 to vector<16xf32>
      %gt3A_78 = arith.cmpf ogt, %get3A_35, %gt3A_77 : vector<16xf32>
      %jit3A = arith.constant 0.000000e+00 : f32
      %broadcast_in_dim3A = vector.broadcast %jit3A : f32 to vector<16xf32>
      %select_n3A = arith.select %gt3A_78, %mul3A_76, %broadcast_in_dim3A : vector<16xi1>, vector<16xf32>
      %mul3A_79 = arith.constant 16 : i32
      %mul3A_80 = arith.muli %scan3A_31, %mul3A_79 : i32
      %swap3A = arith.index_cast %mul3A_80 : i32 to index
      %swap3A_81 = tpu.vector_load %arg15[%swap3A] {strides = array<i32>} : memref<640xf32, #tpu.memory_space<vmem>>, vector<16xf32>,
      %swap3A_82 = vector.shape_cast %swap3A_81 : vector<16xf32> to vector<16xf32>
      %swap3A_83 = vector.shape_cast %select_n3A : vector<16xf32> to vector<16xf32>
      tpu.vector_store %arg15[%swap3A], %swap3A_83 {strides = array<i32>} : memref<640xf32, #tpu.memory_space<vmem>>, vector<16xf32>,
    }
    %scan3A_14 = arith.constant 40 : i32
    %mul3A_15 = arith.constant 640 : i32
    %mul3A_16 = arith.muli %arg1, %mul3A_15 : i32
    "tpu.region"() ({
      %run_scoped3A = tpu.sem_alloc : memref<!tpu.dma_semaphore, #tpu.memory_space<semaphore_mem>>
      %dma_start3A = tpu.memref_slice %arg9[%mul3A_16] : memref<10240xf32, #tpu.memory_space<vmem_shared>> -> memref<640xf32, #tpu.memory_space<vmem_shared>>
      %dma_start3A_31 = tpu.memref_slice %arg9[%mul3A_16] : memref<10240xf32, #tpu.memory_space<vmem_shared>> -> memref<640xf32, #tpu.memory_space<vmem_shared>>
      tpu.enqueue_dma source(%arg15 : memref<640xf32, #tpu.memory_space<vmem>>) target(%dma_start3A_31 : memref<640xf32, #tpu.memory_space<vmem_shared>>) target_semaphore(%run_scoped3A : memref<!tpu.dma_semaphore, #tpu.memory_space<semaphore_mem>>)
      %dma_wait3A = tpu.memref_slice %arg9[%mul3A_16] : memref<10240xf32, #tpu.memory_space<vmem_shared>> -> memref<640xf32, #tpu.memory_space<vmem_shared>>
      %dma_wait3A_32 = tpu.memref_slice %arg9[%mul3A_16] : memref<10240xf32, #tpu.memory_space<vmem_shared>> -> memref<640xf32, #tpu.memory_space<vmem_shared>>
      tpu.wait_dma2 semaphore(%run_scoped3A : memref<!tpu.dma_semaphore, #tpu.memory_space<semaphore_mem>>) src(%arg15 : memref<640xf32, #tpu.memory_space<vmem>>) dst(%dma_wait3A_32 : memref<640xf32, #tpu.memory_space<vmem_shared>>)
      tpu.yield
    }) : () -> ()
    %eq3A_17 = arith.constant 0 : i32
    %eq3A_18 = arith.cmpi eq, %arg0, %eq3A_17 : i32
    %convert_element_type3A_19 = arith.extui %eq3A_18 : i1 to i32
    %cond3A_20 = arith.constant 0 : i32
    %cond3A_21 = arith.cmpi ne, %convert_element_type3A_19, %cond3A_20 : i32
    scf.if %cond3A_21 {
      %mul3A_31 = arith.constant 640 : i32
      %mul3A_32 = arith.muli %arg1, %mul3A_31 : i32
      "tpu.region"() ({
        %run_scoped3A = tpu.sem_alloc : memref<!tpu.dma_semaphore, #tpu.memory_space<semaphore_mem>>
        %dma_start3A = tpu.memref_slice %arg7[%mul3A_32] : memref<10240xf32, #tpu.memory_space<hbm>> -> memref<640xf32, #tpu.memory_space<hbm>>
        %dma_start3A_33 = tpu.memref_slice %arg7[%mul3A_32] : memref<10240xf32, #tpu.memory_space<hbm>> -> memref<640xf32, #tpu.memory_space<hbm>>
        tpu.enqueue_dma source(%arg15 : memref<640xf32, #tpu.memory_space<vmem>>) target(%dma_start3A_33 : memref<640xf32, #tpu.memory_space<hbm>>) target_semaphore(%run_scoped3A : memref<!tpu.dma_semaphore, #tpu.memory_space<semaphore_mem>>)
        %dma_wait3A = tpu.memref_slice %arg7[%mul3A_32] : memref<10240xf32, #tpu.memory_space<hbm>> -> memref<640xf32, #tpu.memory_space<hbm>>
        %dma_wait3A_34 = tpu.memref_slice %arg7[%mul3A_32] : memref<10240xf32, #tpu.memory_space<hbm>> -> memref<640xf32, #tpu.memory_space<hbm>>
        tpu.wait_dma2 semaphore(%run_scoped3A : memref<!tpu.dma_semaphore, #tpu.memory_space<semaphore_mem>>) src(%arg15 : memref<640xf32, #tpu.memory_space<vmem>>) dst(%dma_wait3A_34 : memref<640xf32, #tpu.memory_space<hbm>>)
        tpu.yield
      }) : () -> ()
    } else {
    }
    %barrier3A_22 = arith.constant 0 : index
    tpu.barrier barrier_id(%barrier3A_22)
    %mul3A_23 = arith.constant 2 : i32
    %mul3A_24 = arith.muli %arg1, %mul3A_23 : i32
    %add3A = arith.addi %mul3A_24, %arg0 : i32
    "tpu.region"() ({
      %run_scoped3A = tpu.sem_alloc : memref<!tpu.dma_semaphore, #tpu.memory_space<semaphore_mem>>
      %dma_start3A = arith.constant 0 : i32
      %dma_start3A_31 = arith.constant 0 : i32
      %dma_start3A_32 = tpu.memref_slice %arg4[%add3A, %dma_start3A, %dma_start3A_31] : memref<32x79x128xi32, #tpu.memory_space<hbm>> -> memref<1x79x128xi32, #tpu.memory_space<hbm>>
      %dma_start3A_33 = tpu.memref_squeeze %dma_start3A_32 : memref<1x79x128xi32, #tpu.memory_space<hbm>> -> memref<79x128xi32, #tpu.memory_space<hbm>>
      %dma_start3A_34 = arith.constant 0 : i32
      %dma_start3A_35 = arith.constant 0 : i32
      %dma_start3A_36 = tpu.memref_slice %arg4[%add3A, %dma_start3A_34, %dma_start3A_35] : memref<32x79x128xi32, #tpu.memory_space<hbm>> -> memref<1x79x128xi32, #tpu.memory_space<hbm>>
      %dma_start3A_37 = tpu.memref_squeeze %dma_start3A_36 : memref<1x79x128xi32, #tpu.memory_space<hbm>> -> memref<79x128xi32, #tpu.memory_space<hbm>>
      tpu.enqueue_dma source(%dma_start3A_37 : memref<79x128xi32, #tpu.memory_space<hbm>>) target(%arg12 : memref<79x128xi32, #tpu.memory_space<vmem>>) target_semaphore(%run_scoped3A : memref<!tpu.dma_semaphore, #tpu.memory_space<semaphore_mem>>)
      %dma_wait3A = arith.constant 0 : i32
      %dma_wait3A_38 = arith.constant 0 : i32
      %dma_wait3A_39 = tpu.memref_slice %arg4[%add3A, %dma_wait3A, %dma_wait3A_38] : memref<32x79x128xi32, #tpu.memory_space<hbm>> -> memref<1x79x128xi32, #tpu.memory_space<hbm>>
      %dma_wait3A_40 = tpu.memref_squeeze %dma_wait3A_39 : memref<1x79x128xi32, #tpu.memory_space<hbm>> -> memref<79x128xi32, #tpu.memory_space<hbm>>
      %dma_wait3A_41 = arith.constant 0 : i32
      %dma_wait3A_42 = arith.constant 0 : i32
      %dma_wait3A_43 = tpu.memref_slice %arg4[%add3A, %dma_wait3A_41, %dma_wait3A_42] : memref<32x79x128xi32, #tpu.memory_space<hbm>> -> memref<1x79x128xi32, #tpu.memory_space<hbm>>
      %dma_wait3A_44 = tpu.memref_squeeze %dma_wait3A_43 : memref<1x79x128xi32, #tpu.memory_space<hbm>> -> memref<79x128xi32, #tpu.memory_space<hbm>>
      tpu.wait_dma2 semaphore(%run_scoped3A : memref<!tpu.dma_semaphore, #tpu.memory_space<semaphore_mem>>) src(%dma_wait3A_44 : memref<79x128xi32, #tpu.memory_space<hbm>>) dst(%arg12 : memref<79x128xi32, #tpu.memory_space<vmem>>)
      tpu.yield
    }) : () -> ()
    "tpu.region"() ({
      %run_scoped3A = tpu.sem_alloc : memref<!tpu.dma_semaphore, #tpu.memory_space<semaphore_mem>>
      %dma_start3A = arith.constant 0 : i32
      %dma_start3A_31 = arith.constant 0 : i32
      %dma_start3A_32 = tpu.memref_slice %arg5[%add3A, %dma_start3A, %dma_start3A_31] : memref<32x79x128xf32, #tpu.memory_space<hbm>> -> memref<1x79x128xf32, #tpu.memory_space<hbm>>
      %dma_start3A_33 = tpu.memref_squeeze %dma_start3A_32 : memref<1x79x128xf32, #tpu.memory_space<hbm>> -> memref<79x128xf32, #tpu.memory_space<hbm>>
      %dma_start3A_34 = arith.constant 0 : i32
      %dma_start3A_35 = arith.constant 0 : i32
      %dma_start3A_36 = tpu.memref_slice %arg5[%add3A, %dma_start3A_34, %dma_start3A_35] : memref<32x79x128xf32, #tpu.memory_space<hbm>> -> memref<1x79x128xf32, #tpu.memory_space<hbm>>
      %dma_start3A_37 = tpu.memref_squeeze %dma_start3A_36 : memref<1x79x128xf32, #tpu.memory_space<hbm>> -> memref<79x128xf32, #tpu.memory_space<hbm>>
      tpu.enqueue_dma source(%dma_start3A_37 : memref<79x128xf32, #tpu.memory_space<hbm>>) target(%arg13 : memref<79x128xf32, #tpu.memory_space<vmem>>) target_semaphore(%run_scoped3A : memref<!tpu.dma_semaphore, #tpu.memory_space<semaphore_mem>>)
      %dma_wait3A = arith.constant 0 : i32
      %dma_wait3A_38 = arith.constant 0 : i32
      %dma_wait3A_39 = tpu.memref_slice %arg5[%add3A, %dma_wait3A, %dma_wait3A_38] : memref<32x79x128xf32, #tpu.memory_space<hbm>> -> memref<1x79x128xf32, #tpu.memory_space<hbm>>
      %dma_wait3A_40 = tpu.memref_squeeze %dma_wait3A_39 : memref<1x79x128xf32, #tpu.memory_space<hbm>> -> memref<79x128xf32, #tpu.memory_space<hbm>>
      %dma_wait3A_41 = arith.constant 0 : i32
      %dma_wait3A_42 = arith.constant 0 : i32
      %dma_wait3A_43 = tpu.memref_slice %arg5[%add3A, %dma_wait3A_41, %dma_wait3A_42] : memref<32x79x128xf32, #tpu.memory_space<hbm>> -> memref<1x79x128xf32, #tpu.memory_space<hbm>>
      %dma_wait3A_44 = tpu.memref_squeeze %dma_wait3A_43 : memref<1x79x128xf32, #tpu.memory_space<hbm>> -> memref<79x128xf32, #tpu.memory_space<hbm>>
      tpu.wait_dma2 semaphore(%run_scoped3A : memref<!tpu.dma_semaphore, #tpu.memory_space<semaphore_mem>>) src(%dma_wait3A_44 : memref<79x128xf32, #tpu.memory_space<hbm>>) dst(%arg13 : memref<79x128xf32, #tpu.memory_space<vmem>>)
      tpu.yield
    }) : () -> ()
    %scan3A_25 = arith.constant 0 : i32
    %scan3A_26 = arith.constant 0 : i32
    %scan3A_27 = arith.constant 79 : i32
    %scan3A_28 = arith.addi %scan3A_26, %scan3A_27 : i32
    %scan3A_29 = arith.constant 1 : i32
    scf.for %scan3A_31 = %scan3A_26 to %scan3A_28 step %scan3A_29  : i32 {
      "tpu.region"() ({
        %run_scoped3A = tpu.sem_alloc : memref<!tpu.dma_semaphore, #tpu.memory_space<semaphore_mem>>
        %dma_start3A = arith.constant 0 : i32
        %dma_start3A_134 = tpu.memref_slice %arg12[%scan3A_31, %dma_start3A] : memref<79x128xi32, #tpu.memory_space<vmem>> -> memref<1x128xi32, #tpu.memory_space<vmem>>
        %dma_start3A_135 = tpu.memref_squeeze %dma_start3A_134 : memref<1x128xi32, #tpu.memory_space<vmem>> -> memref<128xi32, #tpu.memory_space<vmem>>
        %dma_start3A_136 = arith.constant 0 : i32
        %dma_start3A_137 = tpu.memref_slice %arg9[%dma_start3A_136] : memref<10240xf32, #tpu.memory_space<vmem_shared>> -> memref<10240xf32, #tpu.memory_space<vmem_shared>>
        tpu.enqueue_indirect_dma source(%dma_start3A_137 : memref<10240xf32, #tpu.memory_space<vmem_shared>>) target(%arg14 : memref<128xf32, #tpu.memory_space<vmem>>) offsets(%dma_start3A_135 : memref<128xi32, #tpu.memory_space<vmem>>) semaphore(%run_scoped3A : memref<!tpu.dma_semaphore, #tpu.memory_space<semaphore_mem>>)
        %dma_wait3A = arith.constant 0 : i32
        %dma_wait3A_138 = tpu.memref_slice %arg12[%scan3A_31, %dma_wait3A] : memref<79x128xi32, #tpu.memory_space<vmem>> -> memref<1x128xi32, #tpu.memory_space<vmem>>
        %dma_wait3A_139 = tpu.memref_squeeze %dma_wait3A_138 : memref<1x128xi32, #tpu.memory_space<vmem>> -> memref<128xi32, #tpu.memory_space<vmem>>
        %dma_wait3A_140 = arith.constant 0 : i32
        %dma_wait3A_141 = tpu.memref_slice %arg9[%dma_wait3A_140] : memref<10240xf32, #tpu.memory_space<vmem_shared>> -> memref<10240xf32, #tpu.memory_space<vmem_shared>>
        tpu.wait_indirect_dma semaphore(%run_scoped3A : memref<!tpu.dma_semaphore, #tpu.memory_space<semaphore_mem>>) src(%dma_wait3A_141 : memref<10240xf32, #tpu.memory_space<vmem_shared>>) dst(%arg14 : memref<128xf32, #tpu.memory_space<vmem>>)
        tpu.yield
      }) : () -> ()
      %get3A = arith.index_cast %scan3A_31 : i32 to index
      %get3A_32 = arith.constant 0 : index
      %get3A_33 = tpu.vector_load %arg13[%get3A, %get3A_32] {strides = array<i32>} : memref<79x128xf32, #tpu.memory_space<vmem>>, vector<1x16xf32>,
      %get3A_34 = vector.shape_cast %get3A_33 : vector<1x16xf32> to vector<16xf32>
      %get3A_35 = arith.constant 0 : index
      %get3A_36 = tpu.vector_load %arg14[%get3A_35] {strides = array<i32>} : memref<128xf32, #tpu.memory_space<vmem>>, vector<16xf32>,
      %get3A_37 = vector.shape_cast %get3A_36 : vector<16xf32> to vector<16xf32>
      %mul3A_38 = arith.mulf %get3A_34, %get3A_37 : vector<16xf32>
      %swap3A = arith.index_cast %scan3A_31 : i32 to index
      %swap3A_39 = arith.constant 0 : index
      %swap3A_40 = tpu.vector_load %arg13[%swap3A, %swap3A_39] {strides = array<i32>} : memref<79x128xf32, #tpu.memory_space<vmem>>, vector<1x16xf32>,
      %swap3A_41 = vector.shape_cast %swap3A_40 : vector<1x16xf32> to vector<16xf32>
      %swap3A_42 = vector.shape_cast %mul3A_38 : vector<16xf32> to vector<1x16xf32>
      tpu.vector_store %arg13[%swap3A, %swap3A_39], %swap3A_42 {strides = array<i32>} : memref<79x128xf32, #tpu.memory_space<vmem>>, vector<1x16xf32>,
      %get3A_43 = arith.index_cast %scan3A_31 : i32 to index
      %get3A_44 = arith.constant 16 : index
      %get3A_45 = tpu.vector_load %arg13[%get3A_43, %get3A_44] {strides = array<i32>} : memref<79x128xf32, #tpu.memory_space<vmem>>, vector<1x16xf32>,
      %get3A_46 = vector.shape_cast %get3A_45 : vector<1x16xf32> to vector<16xf32>
      %get3A_47 = arith.constant 16 : index
      %get3A_48 = tpu.vector_load %arg14[%get3A_47] {strides = array<i32>} : memref<128xf32, #tpu.memory_space<vmem>>, vector<16xf32>,
      %get3A_49 = vector.shape_cast %get3A_48 : vector<16xf32> to vector<16xf32>
      %mul3A_50 = arith.mulf %get3A_46, %get3A_49 : vector<16xf32>
      %swap3A_51 = arith.index_cast %scan3A_31 : i32 to index
      %swap3A_52 = arith.constant 16 : index
      %swap3A_53 = tpu.vector_load %arg13[%swap3A_51, %swap3A_52] {strides = array<i32>} : memref<79x128xf32, #tpu.memory_space<vmem>>, vector<1x16xf32>,
      %swap3A_54 = vector.shape_cast %swap3A_53 : vector<1x16xf32> to vector<16xf32>
      %swap3A_55 = vector.shape_cast %mul3A_50 : vector<16xf32> to vector<1x16xf32>
      tpu.vector_store %arg13[%swap3A_51, %swap3A_52], %swap3A_55 {strides = array<i32>} : memref<79x128xf32, #tpu.memory_space<vmem>>, vector<1x16xf32>,
      %get3A_56 = arith.index_cast %scan3A_31 : i32 to index
      %get3A_57 = arith.constant 32 : index
      %get3A_58 = tpu.vector_load %arg13[%get3A_56, %get3A_57] {strides = array<i32>} : memref<79x128xf32, #tpu.memory_space<vmem>>, vector<1x16xf32>,
      %get3A_59 = vector.shape_cast %get3A_58 : vector<1x16xf32> to vector<16xf32>
      %get3A_60 = arith.constant 32 : index
      %get3A_61 = tpu.vector_load %arg14[%get3A_60] {strides = array<i32>} : memref<128xf32, #tpu.memory_space<vmem>>, vector<16xf32>,
      %get3A_62 = vector.shape_cast %get3A_61 : vector<16xf32> to vector<16xf32>
      %mul3A_63 = arith.mulf %get3A_59, %get3A_62 : vector<16xf32>
      %swap3A_64 = arith.index_cast %scan3A_31 : i32 to index
      %swap3A_65 = arith.constant 32 : index
      %swap3A_66 = tpu.vector_load %arg13[%swap3A_64, %swap3A_65] {strides = array<i32>} : memref<79x128xf32, #tpu.memory_space<vmem>>, vector<1x16xf32>,
      %swap3A_67 = vector.shape_cast %swap3A_66 : vector<1x16xf32> to vector<16xf32>
      %swap3A_68 = vector.shape_cast %mul3A_63 : vector<16xf32> to vector<1x16xf32>
      tpu.vector_store %arg13[%swap3A_64, %swap3A_65], %swap3A_68 {strides = array<i32>} : memref<79x128xf32, #tpu.memory_space<vmem>>, vector<1x16xf32>,
      %get3A_69 = arith.index_cast %scan3A_31 : i32 to index
      %get3A_70 = arith.constant 48 : index
      %get3A_71 = tpu.vector_load %arg13[%get3A_69, %get3A_70] {strides = array<i32>} : memref<79x128xf32, #tpu.memory_space<vmem>>, vector<1x16xf32>,
      %get3A_72 = vector.shape_cast %get3A_71 : vector<1x16xf32> to vector<16xf32>
      %get3A_73 = arith.constant 48 : index
      %get3A_74 = tpu.vector_load %arg14[%get3A_73] {strides = array<i32>} : memref<128xf32, #tpu.memory_space<vmem>>, vector<16xf32>,
      %get3A_75 = vector.shape_cast %get3A_74 : vector<16xf32> to vector<16xf32>
      %mul3A_76 = arith.mulf %get3A_72, %get3A_75 : vector<16xf32>
      %swap3A_77 = arith.index_cast %scan3A_31 : i32 to index
      %swap3A_78 = arith.constant 48 : index
      %swap3A_79 = tpu.vector_load %arg13[%swap3A_77, %swap3A_78] {strides = array<i32>} : memref<79x128xf32, #tpu.memory_space<vmem>>, vector<1x16xf32>,
      %swap3A_80 = vector.shape_cast %swap3A_79 : vector<1x16xf32> to vector<16xf32>
      %swap3A_81 = vector.shape_cast %mul3A_76 : vector<16xf32> to vector<1x16xf32>
      tpu.vector_store %arg13[%swap3A_77, %swap3A_78], %swap3A_81 {strides = array<i32>} : memref<79x128xf32, #tpu.memory_space<vmem>>, vector<1x16xf32>,
      %get3A_82 = arith.index_cast %scan3A_31 : i32 to index
      %get3A_83 = arith.constant 64 : index
      %get3A_84 = tpu.vector_load %arg13[%get3A_82, %get3A_83] {strides = array<i32>} : memref<79x128xf32, #tpu.memory_space<vmem>>, vector<1x16xf32>,
      %get3A_85 = vector.shape_cast %get3A_84 : vector<1x16xf32> to vector<16xf32>
      %get3A_86 = arith.constant 64 : index
      %get3A_87 = tpu.vector_load %arg14[%get3A_86] {strides = array<i32>} : memref<128xf32, #tpu.memory_space<vmem>>, vector<16xf32>,
      %get3A_88 = vector.shape_cast %get3A_87 : vector<16xf32> to vector<16xf32>
      %mul3A_89 = arith.mulf %get3A_85, %get3A_88 : vector<16xf32>
      %swap3A_90 = arith.index_cast %scan3A_31 : i32 to index
      %swap3A_91 = arith.constant 64 : index
      %swap3A_92 = tpu.vector_load %arg13[%swap3A_90, %swap3A_91] {strides = array<i32>} : memref<79x128xf32, #tpu.memory_space<vmem>>, vector<1x16xf32>,
      %swap3A_93 = vector.shape_cast %swap3A_92 : vector<1x16xf32> to vector<16xf32>
      %swap3A_94 = vector.shape_cast %mul3A_89 : vector<16xf32> to vector<1x16xf32>
      tpu.vector_store %arg13[%swap3A_90, %swap3A_91], %swap3A_94 {strides = array<i32>} : memref<79x128xf32, #tpu.memory_space<vmem>>, vector<1x16xf32>,
      %get3A_95 = arith.index_cast %scan3A_31 : i32 to index
      %get3A_96 = arith.constant 80 : index
      %get3A_97 = tpu.vector_load %arg13[%get3A_95, %get3A_96] {strides = array<i32>} : memref<79x128xf32, #tpu.memory_space<vmem>>, vector<1x16xf32>,
      %get3A_98 = vector.shape_cast %get3A_97 : vector<1x16xf32> to vector<16xf32>
      %get3A_99 = arith.constant 80 : index
      %get3A_100 = tpu.vector_load %arg14[%get3A_99] {strides = array<i32>} : memref<128xf32, #tpu.memory_space<vmem>>, vector<16xf32>,
      %get3A_101 = vector.shape_cast %get3A_100 : vector<16xf32> to vector<16xf32>
      %mul3A_102 = arith.mulf %get3A_98, %get3A_101 : vector<16xf32>
      %swap3A_103 = arith.index_cast %scan3A_31 : i32 to index
      %swap3A_104 = arith.constant 80 : index
      %swap3A_105 = tpu.vector_load %arg13[%swap3A_103, %swap3A_104] {strides = array<i32>} : memref<79x128xf32, #tpu.memory_space<vmem>>, vector<1x16xf32>,
      %swap3A_106 = vector.shape_cast %swap3A_105 : vector<1x16xf32> to vector<16xf32>
      %swap3A_107 = vector.shape_cast %mul3A_102 : vector<16xf32> to vector<1x16xf32>
      tpu.vector_store %arg13[%swap3A_103, %swap3A_104], %swap3A_107 {strides = array<i32>} : memref<79x128xf32, #tpu.memory_space<vmem>>, vector<1x16xf32>,
      %get3A_108 = arith.index_cast %scan3A_31 : i32 to index
      %get3A_109 = arith.constant 96 : index
      %get3A_110 = tpu.vector_load %arg13[%get3A_108, %get3A_109] {strides = array<i32>} : memref<79x128xf32, #tpu.memory_space<vmem>>, vector<1x16xf32>,
      %get3A_111 = vector.shape_cast %get3A_110 : vector<1x16xf32> to vector<16xf32>
      %get3A_112 = arith.constant 96 : index
      %get3A_113 = tpu.vector_load %arg14[%get3A_112] {strides = array<i32>} : memref<128xf32, #tpu.memory_space<vmem>>, vector<16xf32>,
      %get3A_114 = vector.shape_cast %get3A_113 : vector<16xf32> to vector<16xf32>
      %mul3A_115 = arith.mulf %get3A_111, %get3A_114 : vector<16xf32>
      %swap3A_116 = arith.index_cast %scan3A_31 : i32 to index
      %swap3A_117 = arith.constant 96 : index
      %swap3A_118 = tpu.vector_load %arg13[%swap3A_116, %swap3A_117] {strides = array<i32>} : memref<79x128xf32, #tpu.memory_space<vmem>>, vector<1x16xf32>,
      %swap3A_119 = vector.shape_cast %swap3A_118 : vector<1x16xf32> to vector<16xf32>
      %swap3A_120 = vector.shape_cast %mul3A_115 : vector<16xf32> to vector<1x16xf32>
      tpu.vector_store %arg13[%swap3A_116, %swap3A_117], %swap3A_120 {strides = array<i32>} : memref<79x128xf32, #tpu.memory_space<vmem>>, vector<1x16xf32>,
      %get3A_121 = arith.index_cast %scan3A_31 : i32 to index
      %get3A_122 = arith.constant 112 : index
      %get3A_123 = tpu.vector_load %arg13[%get3A_121, %get3A_122] {strides = array<i32>} : memref<79x128xf32, #tpu.memory_space<vmem>>, vector<1x16xf32>,
      %get3A_124 = vector.shape_cast %get3A_123 : vector<1x16xf32> to vector<16xf32>
      %get3A_125 = arith.constant 112 : index
      %get3A_126 = tpu.vector_load %arg14[%get3A_125] {strides = array<i32>} : memref<128xf32, #tpu.memory_space<vmem>>, vector<16xf32>,
      %get3A_127 = vector.shape_cast %get3A_126 : vector<16xf32> to vector<16xf32>
      %mul3A_128 = arith.mulf %get3A_124, %get3A_127 : vector<16xf32>
      %swap3A_129 = arith.index_cast %scan3A_31 : i32 to index
      %swap3A_130 = arith.constant 112 : index
      %swap3A_131 = tpu.vector_load %arg13[%swap3A_129, %swap3A_130] {strides = array<i32>} : memref<79x128xf32, #tpu.memory_space<vmem>>, vector<1x16xf32>,
      %swap3A_132 = vector.shape_cast %swap3A_131 : vector<1x16xf32> to vector<16xf32>
      %swap3A_133 = vector.shape_cast %mul3A_128 : vector<16xf32> to vector<1x16xf32>
      tpu.vector_store %arg13[%swap3A_129, %swap3A_130], %swap3A_133 {strides = array<i32>} : memref<79x128xf32, #tpu.memory_space<vmem>>, vector<1x16xf32>,
    }
    %scan3A_30 = arith.constant 79 : i32
    "tpu.region"() ({
      %run_scoped3A = tpu.sem_alloc : memref<!tpu.dma_semaphore, #tpu.memory_space<semaphore_mem>>
      %dma_start3A = arith.constant 0 : i32
      %dma_start3A_31 = arith.constant 0 : i32
      %dma_start3A_32 = tpu.memref_slice %arg8[%add3A, %dma_start3A, %dma_start3A_31] : memref<32x79x128xf32, #tpu.memory_space<hbm>> -> memref<1x79x128xf32, #tpu.memory_space<hbm>>
      %dma_start3A_33 = tpu.memref_squeeze %dma_start3A_32 : memref<1x79x128xf32, #tpu.memory_space<hbm>> -> memref<79x128xf32, #tpu.memory_space<hbm>>
      %dma_start3A_34 = arith.constant 0 : i32
      %dma_start3A_35 = arith.constant 0 : i32
      %dma_start3A_36 = tpu.memref_slice %arg8[%add3A, %dma_start3A_34, %dma_start3A_35] : memref<32x79x128xf32, #tpu.memory_space<hbm>> -> memref<1x79x128xf32, #tpu.memory_space<hbm>>
      %dma_start3A_37 = tpu.memref_squeeze %dma_start3A_36 : memref<1x79x128xf32, #tpu.memory_space<hbm>> -> memref<79x128xf32, #tpu.memory_space<hbm>>
      tpu.enqueue_dma source(%arg13 : memref<79x128xf32, #tpu.memory_space<vmem>>) target(%dma_start3A_37 : memref<79x128xf32, #tpu.memory_space<hbm>>) target_semaphore(%run_scoped3A : memref<!tpu.dma_semaphore, #tpu.memory_space<semaphore_mem>>)
      %dma_wait3A = arith.constant 0 : i32
      %dma_wait3A_38 = arith.constant 0 : i32
      %dma_wait3A_39 = tpu.memref_slice %arg8[%add3A, %dma_wait3A, %dma_wait3A_38] : memref<32x79x128xf32, #tpu.memory_space<hbm>> -> memref<1x79x128xf32, #tpu.memory_space<hbm>>
      %dma_wait3A_40 = tpu.memref_squeeze %dma_wait3A_39 : memref<1x79x128xf32, #tpu.memory_space<hbm>> -> memref<79x128xf32, #tpu.memory_space<hbm>>
      %dma_wait3A_41 = arith.constant 0 : i32
      %dma_wait3A_42 = arith.constant 0 : i32
      %dma_wait3A_43 = tpu.memref_slice %arg8[%add3A, %dma_wait3A_41, %dma_wait3A_42] : memref<32x79x128xf32, #tpu.memory_space<hbm>> -> memref<1x79x128xf32, #tpu.memory_space<hbm>>
      %dma_wait3A_44 = tpu.memref_squeeze %dma_wait3A_43 : memref<1x79x128xf32, #tpu.memory_space<hbm>> -> memref<79x128xf32, #tpu.memory_space<hbm>>
      tpu.wait_dma2 semaphore(%run_scoped3A : memref<!tpu.dma_semaphore, #tpu.memory_space<semaphore_mem>>) src(%arg13 : memref<79x128xf32, #tpu.memory_space<vmem>>) dst(%dma_wait3A_44 : memref<79x128xf32, #tpu.memory_space<hbm>>)
      tpu.yield
    }) : () -> ()
    return
  }
}

#map = affine_map<(d0, d1) -> (0, 0)>
#map1 = affine_map<(d0, d1) -> (0, 0, 0)>
#map2 = affine_map<(d0, d1) -> (0)>
module attributes {stable_mosaic.version = 14 : i64} {
  func.func @sc_b(%arg0: i32, %arg1: i32, %arg2: memref<10240x128xf32, #tpu.memory_space<hbm>>, %arg3: memref<10240x128xf32, #tpu.memory_space<hbm>>, %arg4: memref<32x79x128xi32, #tpu.memory_space<hbm>>, %arg5: memref<32x79x128xi32, #tpu.memory_space<hbm>>, %arg6: memref<32x79x128xf32, #tpu.memory_space<hbm>>, %arg7: memref<10240xf32, #tpu.memory_space<hbm>>, %arg8: memref<10240x128xf32, #tpu.memory_space<hbm>>, %arg9: memref<2x10240x128xf32, #tpu.memory_space<hbm>>, %arg10: memref<2x10240x128xf32, #tpu.memory_space<hbm>>, %arg11: memref<10240x128xf32, #tpu.memory_space<vmem_shared>>, %arg12: memref<79x128xi32, #tpu.memory_space<vmem>>, %arg13: memref<79x128xi32, #tpu.memory_space<vmem>>, %arg14: memref<128xf32, #tpu.memory_space<vmem>>, %arg15: memref<128x128xf32, #tpu.memory_space<vmem>>, %arg16: memref<640xf32, #tpu.memory_space<vmem>>, %arg17: memref<!tpu.dma_semaphore, #tpu.memory_space<semaphore_mem>>, %arg18: memref<!tpu.dma_semaphore, #tpu.memory_space<semaphore_mem>>) attributes {dimension_semantics = [#tpu.dimension_semantics<core_parallel>, #tpu.dimension_semantics<subcore_parallel>], iteration_bounds = array<i64: 2, 16>, scalar_prefetch = 0 : i64, scratch_operands = 8 : i64, tpu.core_type = #tpu.core_type<sc_vector_subcore>, window_params = [{transform_indices = #map}, {transform_indices = #map}, {transform_indices = #map1}, {transform_indices = #map1}, {transform_indices = #map1}, {transform_indices = #map2}, {transform_indices = #map}, {transform_indices = #map1}, {transform_indices = #map1}]} {
    %mul3A = arith.constant 2 : i32
    %mul3A_0 = arith.muli %arg1, %mul3A : i32
    %add3A = arith.addi %mul3A_0, %arg0 : i32
    %mul3A_1 = arith.constant 640 : i32
    %mul3A_2 = arith.muli %arg1, %mul3A_1 : i32
    "tpu.region"() ({
      %run_scoped3A = tpu.sem_alloc : memref<!tpu.dma_semaphore, #tpu.memory_space<semaphore_mem>>
      %dma_start3A = arith.constant 0 : i32
      %dma_start3A_24 = arith.constant 0 : i32
      %dma_start3A_25 = tpu.memref_slice %arg4[%add3A, %dma_start3A, %dma_start3A_24] : memref<32x79x128xi32, #tpu.memory_space<hbm>> -> memref<1x79x128xi32, #tpu.memory_space<hbm>>
      %dma_start3A_26 = tpu.memref_squeeze %dma_start3A_25 : memref<1x79x128xi32, #tpu.memory_space<hbm>> -> memref<79x128xi32, #tpu.memory_space<hbm>>
      %dma_start3A_27 = arith.constant 0 : i32
      %dma_start3A_28 = arith.constant 0 : i32
      %dma_start3A_29 = tpu.memref_slice %arg4[%add3A, %dma_start3A_27, %dma_start3A_28] : memref<32x79x128xi32, #tpu.memory_space<hbm>> -> memref<1x79x128xi32, #tpu.memory_space<hbm>>
      %dma_start3A_30 = tpu.memref_squeeze %dma_start3A_29 : memref<1x79x128xi32, #tpu.memory_space<hbm>> -> memref<79x128xi32, #tpu.memory_space<hbm>>
      tpu.enqueue_dma source(%dma_start3A_30 : memref<79x128xi32, #tpu.memory_space<hbm>>) target(%arg12 : memref<79x128xi32, #tpu.memory_space<vmem>>) target_semaphore(%run_scoped3A : memref<!tpu.dma_semaphore, #tpu.memory_space<semaphore_mem>>)
      %dma_wait3A = arith.constant 0 : i32
      %dma_wait3A_31 = arith.constant 0 : i32
      %dma_wait3A_32 = tpu.memref_slice %arg4[%add3A, %dma_wait3A, %dma_wait3A_31] : memref<32x79x128xi32, #tpu.memory_space<hbm>> -> memref<1x79x128xi32, #tpu.memory_space<hbm>>
      %dma_wait3A_33 = tpu.memref_squeeze %dma_wait3A_32 : memref<1x79x128xi32, #tpu.memory_space<hbm>> -> memref<79x128xi32, #tpu.memory_space<hbm>>
      %dma_wait3A_34 = arith.constant 0 : i32
      %dma_wait3A_35 = arith.constant 0 : i32
      %dma_wait3A_36 = tpu.memref_slice %arg4[%add3A, %dma_wait3A_34, %dma_wait3A_35] : memref<32x79x128xi32, #tpu.memory_space<hbm>> -> memref<1x79x128xi32, #tpu.memory_space<hbm>>
      %dma_wait3A_37 = tpu.memref_squeeze %dma_wait3A_36 : memref<1x79x128xi32, #tpu.memory_space<hbm>> -> memref<79x128xi32, #tpu.memory_space<hbm>>
      tpu.wait_dma2 semaphore(%run_scoped3A : memref<!tpu.dma_semaphore, #tpu.memory_space<semaphore_mem>>) src(%dma_wait3A_37 : memref<79x128xi32, #tpu.memory_space<hbm>>) dst(%arg12 : memref<79x128xi32, #tpu.memory_space<vmem>>)
      tpu.yield
    }) : () -> ()
    "tpu.region"() ({
      %run_scoped3A = tpu.sem_alloc : memref<!tpu.dma_semaphore, #tpu.memory_space<semaphore_mem>>
      %dma_start3A = arith.constant 0 : i32
      %dma_start3A_24 = arith.constant 0 : i32
      %dma_start3A_25 = tpu.memref_slice %arg5[%add3A, %dma_start3A, %dma_start3A_24] : memref<32x79x128xi32, #tpu.memory_space<hbm>> -> memref<1x79x128xi32, #tpu.memory_space<hbm>>
      %dma_start3A_26 = tpu.memref_squeeze %dma_start3A_25 : memref<1x79x128xi32, #tpu.memory_space<hbm>> -> memref<79x128xi32, #tpu.memory_space<hbm>>
      %dma_start3A_27 = arith.constant 0 : i32
      %dma_start3A_28 = arith.constant 0 : i32
      %dma_start3A_29 = tpu.memref_slice %arg5[%add3A, %dma_start3A_27, %dma_start3A_28] : memref<32x79x128xi32, #tpu.memory_space<hbm>> -> memref<1x79x128xi32, #tpu.memory_space<hbm>>
      %dma_start3A_30 = tpu.memref_squeeze %dma_start3A_29 : memref<1x79x128xi32, #tpu.memory_space<hbm>> -> memref<79x128xi32, #tpu.memory_space<hbm>>
      tpu.enqueue_dma source(%dma_start3A_30 : memref<79x128xi32, #tpu.memory_space<hbm>>) target(%arg13 : memref<79x128xi32, #tpu.memory_space<vmem>>) target_semaphore(%run_scoped3A : memref<!tpu.dma_semaphore, #tpu.memory_space<semaphore_mem>>)
      %dma_wait3A = arith.constant 0 : i32
      %dma_wait3A_31 = arith.constant 0 : i32
      %dma_wait3A_32 = tpu.memref_slice %arg5[%add3A, %dma_wait3A, %dma_wait3A_31] : memref<32x79x128xi32, #tpu.memory_space<hbm>> -> memref<1x79x128xi32, #tpu.memory_space<hbm>>
      %dma_wait3A_33 = tpu.memref_squeeze %dma_wait3A_32 : memref<1x79x128xi32, #tpu.memory_space<hbm>> -> memref<79x128xi32, #tpu.memory_space<hbm>>
      %dma_wait3A_34 = arith.constant 0 : i32
      %dma_wait3A_35 = arith.constant 0 : i32
      %dma_wait3A_36 = tpu.memref_slice %arg5[%add3A, %dma_wait3A_34, %dma_wait3A_35] : memref<32x79x128xi32, #tpu.memory_space<hbm>> -> memref<1x79x128xi32, #tpu.memory_space<hbm>>
      %dma_wait3A_37 = tpu.memref_squeeze %dma_wait3A_36 : memref<1x79x128xi32, #tpu.memory_space<hbm>> -> memref<79x128xi32, #tpu.memory_space<hbm>>
      tpu.wait_dma2 semaphore(%run_scoped3A : memref<!tpu.dma_semaphore, #tpu.memory_space<semaphore_mem>>) src(%dma_wait3A_37 : memref<79x128xi32, #tpu.memory_space<hbm>>) dst(%arg13 : memref<79x128xi32, #tpu.memory_space<vmem>>)
      tpu.yield
    }) : () -> ()
    "tpu.region"() ({
      %run_scoped3A = tpu.sem_alloc : memref<!tpu.dma_semaphore, #tpu.memory_space<semaphore_mem>>
      %dma_start3A = arith.constant 0 : i32
      %dma_start3A_24 = tpu.memref_slice %arg11[%mul3A_2, %dma_start3A] : memref<10240x128xf32, #tpu.memory_space<vmem_shared>> -> memref<640x128xf32, #tpu.memory_space<vmem_shared>>
      %dma_start3A_25 = arith.constant 0 : i32
      %dma_start3A_26 = tpu.memref_slice %arg8[%mul3A_2, %dma_start3A_25] : memref<10240x128xf32, #tpu.memory_space<hbm>> -> memref<640x128xf32, #tpu.memory_space<hbm>>
      tpu.enqueue_dma source(%dma_start3A_26 : memref<640x128xf32, #tpu.memory_space<hbm>>) target(%dma_start3A_24 : memref<640x128xf32, #tpu.memory_space<vmem_shared>>) target_semaphore(%run_scoped3A : memref<!tpu.dma_semaphore, #tpu.memory_space<semaphore_mem>>)
      %dma_wait3A = arith.constant 0 : i32
      %dma_wait3A_27 = tpu.memref_slice %arg11[%mul3A_2, %dma_wait3A] : memref<10240x128xf32, #tpu.memory_space<vmem_shared>> -> memref<640x128xf32, #tpu.memory_space<vmem_shared>>
      %dma_wait3A_28 = arith.constant 0 : i32
      %dma_wait3A_29 = tpu.memref_slice %arg8[%mul3A_2, %dma_wait3A_28] : memref<10240x128xf32, #tpu.memory_space<hbm>> -> memref<640x128xf32, #tpu.memory_space<hbm>>
      tpu.wait_dma2 semaphore(%run_scoped3A : memref<!tpu.dma_semaphore, #tpu.memory_space<semaphore_mem>>) src(%dma_wait3A_29 : memref<640x128xf32, #tpu.memory_space<hbm>>) dst(%dma_wait3A_27 : memref<640x128xf32, #tpu.memory_space<vmem_shared>>)
      tpu.yield
    }) : () -> ()
    %barrier3A = arith.constant 0 : index
    tpu.barrier barrier_id(%barrier3A)
    %scan3A = arith.constant 0 : i32
    %scan3A_3 = arith.constant 0 : i32
    %scan3A_4 = arith.constant 79 : i32
    %scan3A_5 = arith.addi %scan3A_3, %scan3A_4 : i32
    %scan3A_6 = arith.constant 1 : i32
    scf.for %scan3A_24 = %scan3A_3 to %scan3A_5 step %scan3A_6  : i32 {
      %dma_start3A = arith.constant 0 : i32
      %dma_start3A_25 = tpu.memref_slice %arg13[%scan3A_24, %dma_start3A] : memref<79x128xi32, #tpu.memory_space<vmem>> -> memref<1x128xi32, #tpu.memory_space<vmem>>
      %dma_start3A_26 = tpu.memref_squeeze %dma_start3A_25 : memref<1x128xi32, #tpu.memory_space<vmem>> -> memref<128xi32, #tpu.memory_space<vmem>>
      %dma_start3A_27 = arith.constant 0 : i32
      %dma_start3A_28 = arith.constant 0 : i32
      %dma_start3A_29 = tpu.memref_slice %arg2[%dma_start3A_27, %dma_start3A_28] : memref<10240x128xf32, #tpu.memory_space<hbm>> -> memref<10240x128xf32, #tpu.memory_space<hbm>>
      tpu.enqueue_indirect_dma source(%dma_start3A_29 : memref<10240x128xf32, #tpu.memory_space<hbm>>) target(%arg15 : memref<128x128xf32, #tpu.memory_space<vmem>>) offsets(%dma_start3A_26 : memref<128xi32, #tpu.memory_space<vmem>>) semaphore(%arg17 : memref<!tpu.dma_semaphore, #tpu.memory_space<semaphore_mem>>)
      %dma_wait3A = arith.constant 0 : i32
      %dma_wait3A_30 = tpu.memref_slice %arg13[%scan3A_24, %dma_wait3A] : memref<79x128xi32, #tpu.memory_space<vmem>> -> memref<1x128xi32, #tpu.memory_space<vmem>>
      %dma_wait3A_31 = tpu.memref_squeeze %dma_wait3A_30 : memref<1x128xi32, #tpu.memory_space<vmem>> -> memref<128xi32, #tpu.memory_space<vmem>>
      %dma_wait3A_32 = arith.constant 0 : i32
      %dma_wait3A_33 = arith.constant 0 : i32
      %dma_wait3A_34 = tpu.memref_slice %arg2[%dma_wait3A_32, %dma_wait3A_33] : memref<10240x128xf32, #tpu.memory_space<hbm>> -> memref<10240x128xf32, #tpu.memory_space<hbm>>
      tpu.wait_indirect_dma semaphore(%arg17 : memref<!tpu.dma_semaphore, #tpu.memory_space<semaphore_mem>>) src(%dma_wait3A_34 : memref<10240x128xf32, #tpu.memory_space<hbm>>) dst(%arg15 : memref<128x128xf32, #tpu.memory_space<vmem>>)
      "tpu.region"() ({
        %run_scoped3A = tpu.sem_alloc : memref<!tpu.dma_semaphore, #tpu.memory_space<semaphore_mem>>
        %dma_start3A_47 = arith.constant 0 : i32
        %dma_start3A_48 = tpu.memref_slice %arg12[%scan3A_24, %dma_start3A_47] : memref<79x128xi32, #tpu.memory_space<vmem>> -> memref<1x128xi32, #tpu.memory_space<vmem>>
        %dma_start3A_49 = tpu.memref_squeeze %dma_start3A_48 : memref<1x128xi32, #tpu.memory_space<vmem>> -> memref<128xi32, #tpu.memory_space<vmem>>
        %dma_start3A_50 = arith.constant 0 : i32
        %dma_start3A_51 = arith.constant 0 : i32
        %dma_start3A_52 = tpu.memref_slice %arg11[%dma_start3A_50, %dma_start3A_51] : memref<10240x128xf32, #tpu.memory_space<vmem_shared>> -> memref<10240x128xf32, #tpu.memory_space<vmem_shared>>
        tpu.enqueue_indirect_dma source(%arg15 : memref<128x128xf32, #tpu.memory_space<vmem>>) target(%dma_start3A_52 : memref<10240x128xf32, #tpu.memory_space<vmem_shared>>) offsets(%dma_start3A_49 : memref<128xi32, #tpu.memory_space<vmem>>) semaphore(%run_scoped3A : memref<!tpu.dma_semaphore, #tpu.memory_space<semaphore_mem>>) {add = true}
        %dma_wait3A_53 = arith.constant 0 : i32
        %dma_wait3A_54 = tpu.memref_slice %arg12[%scan3A_24, %dma_wait3A_53] : memref<79x128xi32, #tpu.memory_space<vmem>> -> memref<1x128xi32, #tpu.memory_space<vmem>>
        %dma_wait3A_55 = tpu.memref_squeeze %dma_wait3A_54 : memref<1x128xi32, #tpu.memory_space<vmem>> -> memref<128xi32, #tpu.memory_space<vmem>>
        %dma_wait3A_56 = arith.constant 0 : i32
        %dma_wait3A_57 = arith.constant 0 : i32
        %dma_wait3A_58 = tpu.memref_slice %arg11[%dma_wait3A_56, %dma_wait3A_57] : memref<10240x128xf32, #tpu.memory_space<vmem_shared>> -> memref<10240x128xf32, #tpu.memory_space<vmem_shared>>
        tpu.wait_indirect_dma semaphore(%run_scoped3A : memref<!tpu.dma_semaphore, #tpu.memory_space<semaphore_mem>>) src(%arg15 : memref<128x128xf32, #tpu.memory_space<vmem>>) dst(%dma_wait3A_58 : memref<10240x128xf32, #tpu.memory_space<vmem_shared>>)
        tpu.yield
      }) : () -> ()
      %dma_start3A_35 = arith.constant 0 : i32
      %dma_start3A_36 = tpu.memref_slice %arg12[%scan3A_24, %dma_start3A_35] : memref<79x128xi32, #tpu.memory_space<vmem>> -> memref<1x128xi32, #tpu.memory_space<vmem>>
      %dma_start3A_37 = tpu.memref_squeeze %dma_start3A_36 : memref<1x128xi32, #tpu.memory_space<vmem>> -> memref<128xi32, #tpu.memory_space<vmem>>
      %dma_start3A_38 = arith.constant 0 : i32
      %dma_start3A_39 = arith.constant 0 : i32
      %dma_start3A_40 = tpu.memref_slice %arg2[%dma_start3A_38, %dma_start3A_39] : memref<10240x128xf32, #tpu.memory_space<hbm>> -> memref<10240x128xf32, #tpu.memory_space<hbm>>
      tpu.enqueue_indirect_dma source(%dma_start3A_40 : memref<10240x128xf32, #tpu.memory_space<hbm>>) target(%arg15 : memref<128x128xf32, #tpu.memory_space<vmem>>) offsets(%dma_start3A_37 : memref<128xi32, #tpu.memory_space<vmem>>) semaphore(%arg18 : memref<!tpu.dma_semaphore, #tpu.memory_space<semaphore_mem>>)
      %dma_wait3A_41 = arith.constant 0 : i32
      %dma_wait3A_42 = tpu.memref_slice %arg12[%scan3A_24, %dma_wait3A_41] : memref<79x128xi32, #tpu.memory_space<vmem>> -> memref<1x128xi32, #tpu.memory_space<vmem>>
      %dma_wait3A_43 = tpu.memref_squeeze %dma_wait3A_42 : memref<1x128xi32, #tpu.memory_space<vmem>> -> memref<128xi32, #tpu.memory_space<vmem>>
      %dma_wait3A_44 = arith.constant 0 : i32
      %dma_wait3A_45 = arith.constant 0 : i32
      %dma_wait3A_46 = tpu.memref_slice %arg2[%dma_wait3A_44, %dma_wait3A_45] : memref<10240x128xf32, #tpu.memory_space<hbm>> -> memref<10240x128xf32, #tpu.memory_space<hbm>>
      tpu.wait_indirect_dma semaphore(%arg18 : memref<!tpu.dma_semaphore, #tpu.memory_space<semaphore_mem>>) src(%dma_wait3A_46 : memref<10240x128xf32, #tpu.memory_space<hbm>>) dst(%arg15 : memref<128x128xf32, #tpu.memory_space<vmem>>)
      "tpu.region"() ({
        %run_scoped3A = tpu.sem_alloc : memref<!tpu.dma_semaphore, #tpu.memory_space<semaphore_mem>>
        %dma_start3A_47 = arith.constant 0 : i32
        %dma_start3A_48 = tpu.memref_slice %arg13[%scan3A_24, %dma_start3A_47] : memref<79x128xi32, #tpu.memory_space<vmem>> -> memref<1x128xi32, #tpu.memory_space<vmem>>
        %dma_start3A_49 = tpu.memref_squeeze %dma_start3A_48 : memref<1x128xi32, #tpu.memory_space<vmem>> -> memref<128xi32, #tpu.memory_space<vmem>>
        %dma_start3A_50 = arith.constant 0 : i32
        %dma_start3A_51 = arith.constant 0 : i32
        %dma_start3A_52 = tpu.memref_slice %arg11[%dma_start3A_50, %dma_start3A_51] : memref<10240x128xf32, #tpu.memory_space<vmem_shared>> -> memref<10240x128xf32, #tpu.memory_space<vmem_shared>>
        tpu.enqueue_indirect_dma source(%arg15 : memref<128x128xf32, #tpu.memory_space<vmem>>) target(%dma_start3A_52 : memref<10240x128xf32, #tpu.memory_space<vmem_shared>>) offsets(%dma_start3A_49 : memref<128xi32, #tpu.memory_space<vmem>>) semaphore(%run_scoped3A : memref<!tpu.dma_semaphore, #tpu.memory_space<semaphore_mem>>) {add = true}
        %dma_wait3A_53 = arith.constant 0 : i32
        %dma_wait3A_54 = tpu.memref_slice %arg13[%scan3A_24, %dma_wait3A_53] : memref<79x128xi32, #tpu.memory_space<vmem>> -> memref<1x128xi32, #tpu.memory_space<vmem>>
        %dma_wait3A_55 = tpu.memref_squeeze %dma_wait3A_54 : memref<1x128xi32, #tpu.memory_space<vmem>> -> memref<128xi32, #tpu.memory_space<vmem>>
        %dma_wait3A_56 = arith.constant 0 : i32
        %dma_wait3A_57 = arith.constant 0 : i32
        %dma_wait3A_58 = tpu.memref_slice %arg11[%dma_wait3A_56, %dma_wait3A_57] : memref<10240x128xf32, #tpu.memory_space<vmem_shared>> -> memref<10240x128xf32, #tpu.memory_space<vmem_shared>>
        tpu.wait_indirect_dma semaphore(%run_scoped3A : memref<!tpu.dma_semaphore, #tpu.memory_space<semaphore_mem>>) src(%arg15 : memref<128x128xf32, #tpu.memory_space<vmem>>) dst(%dma_wait3A_58 : memref<10240x128xf32, #tpu.memory_space<vmem_shared>>)
        tpu.yield
      }) : () -> ()
    }
    %scan3A_7 = arith.constant 79 : i32
    %barrier3A_8 = arith.constant 0 : index
    tpu.barrier barrier_id(%barrier3A_8)
    "tpu.region"() ({
      %run_scoped3A = tpu.sem_alloc : memref<!tpu.dma_semaphore, #tpu.memory_space<semaphore_mem>>
      %dma_start3A = arith.constant 0 : i32
      %dma_start3A_24 = tpu.memref_slice %arg9[%arg0, %mul3A_2, %dma_start3A] : memref<2x10240x128xf32, #tpu.memory_space<hbm>> -> memref<1x640x128xf32, #tpu.memory_space<hbm>>
      %dma_start3A_25 = tpu.memref_squeeze %dma_start3A_24 : memref<1x640x128xf32, #tpu.memory_space<hbm>> -> memref<640x128xf32, #tpu.memory_space<hbm>>
      %dma_start3A_26 = arith.constant 0 : i32
      %dma_start3A_27 = tpu.memref_slice %arg11[%mul3A_2, %dma_start3A_26] : memref<10240x128xf32, #tpu.memory_space<vmem_shared>> -> memref<640x128xf32, #tpu.memory_space<vmem_shared>>
      tpu.enqueue_dma source(%dma_start3A_27 : memref<640x128xf32, #tpu.memory_space<vmem_shared>>) target(%dma_start3A_25 : memref<640x128xf32, #tpu.memory_space<hbm>>) target_semaphore(%run_scoped3A : memref<!tpu.dma_semaphore, #tpu.memory_space<semaphore_mem>>)
      %dma_wait3A = arith.constant 0 : i32
      %dma_wait3A_28 = tpu.memref_slice %arg9[%arg0, %mul3A_2, %dma_wait3A] : memref<2x10240x128xf32, #tpu.memory_space<hbm>> -> memref<1x640x128xf32, #tpu.memory_space<hbm>>
      %dma_wait3A_29 = tpu.memref_squeeze %dma_wait3A_28 : memref<1x640x128xf32, #tpu.memory_space<hbm>> -> memref<640x128xf32, #tpu.memory_space<hbm>>
      %dma_wait3A_30 = arith.constant 0 : i32
      %dma_wait3A_31 = tpu.memref_slice %arg11[%mul3A_2, %dma_wait3A_30] : memref<10240x128xf32, #tpu.memory_space<vmem_shared>> -> memref<640x128xf32, #tpu.memory_space<vmem_shared>>
      tpu.wait_dma2 semaphore(%run_scoped3A : memref<!tpu.dma_semaphore, #tpu.memory_space<semaphore_mem>>) src(%dma_wait3A_31 : memref<640x128xf32, #tpu.memory_space<vmem_shared>>) dst(%dma_wait3A_29 : memref<640x128xf32, #tpu.memory_space<hbm>>)
      tpu.yield
    }) : () -> ()
    %barrier3A_9 = arith.constant 0 : index
    tpu.barrier barrier_id(%barrier3A_9)
    "tpu.region"() ({
      %run_scoped3A = tpu.sem_alloc : memref<!tpu.dma_semaphore, #tpu.memory_space<semaphore_mem>>
      %dma_start3A = arith.constant 0 : i32
      %dma_start3A_24 = tpu.memref_slice %arg11[%mul3A_2, %dma_start3A] : memref<10240x128xf32, #tpu.memory_space<vmem_shared>> -> memref<640x128xf32, #tpu.memory_space<vmem_shared>>
      %dma_start3A_25 = arith.constant 0 : i32
      %dma_start3A_26 = tpu.memref_slice %arg8[%mul3A_2, %dma_start3A_25] : memref<10240x128xf32, #tpu.memory_space<hbm>> -> memref<640x128xf32, #tpu.memory_space<hbm>>
      tpu.enqueue_dma source(%dma_start3A_26 : memref<640x128xf32, #tpu.memory_space<hbm>>) target(%dma_start3A_24 : memref<640x128xf32, #tpu.memory_space<vmem_shared>>) target_semaphore(%run_scoped3A : memref<!tpu.dma_semaphore, #tpu.memory_space<semaphore_mem>>)
      %dma_wait3A = arith.constant 0 : i32
      %dma_wait3A_27 = tpu.memref_slice %arg11[%mul3A_2, %dma_wait3A] : memref<10240x128xf32, #tpu.memory_space<vmem_shared>> -> memref<640x128xf32, #tpu.memory_space<vmem_shared>>
      %dma_wait3A_28 = arith.constant 0 : i32
      %dma_wait3A_29 = tpu.memref_slice %arg8[%mul3A_2, %dma_wait3A_28] : memref<10240x128xf32, #tpu.memory_space<hbm>> -> memref<640x128xf32, #tpu.memory_space<hbm>>
      tpu.wait_dma2 semaphore(%run_scoped3A : memref<!tpu.dma_semaphore, #tpu.memory_space<semaphore_mem>>) src(%dma_wait3A_29 : memref<640x128xf32, #tpu.memory_space<hbm>>) dst(%dma_wait3A_27 : memref<640x128xf32, #tpu.memory_space<vmem_shared>>)
      tpu.yield
    }) : () -> ()
    %barrier3A_10 = arith.constant 0 : index
    tpu.barrier barrier_id(%barrier3A_10)
    %scan3A_11 = arith.constant 0 : i32
    %scan3A_12 = arith.constant 0 : i32
    %scan3A_13 = arith.constant 79 : i32
    %scan3A_14 = arith.addi %scan3A_12, %scan3A_13 : i32
    %scan3A_15 = arith.constant 1 : i32
    scf.for %scan3A_24 = %scan3A_12 to %scan3A_14 step %scan3A_15  : i32 {
      "tpu.region"() ({
        %run_scoped3A = tpu.sem_alloc : memref<!tpu.dma_semaphore, #tpu.memory_space<semaphore_mem>>
        %dma_start3A_41 = arith.constant 0 : i32
        %dma_start3A_42 = arith.constant 0 : i32
        %dma_start3A_43 = tpu.memref_slice %arg6[%add3A, %dma_start3A_41, %dma_start3A_42] : memref<32x79x128xf32, #tpu.memory_space<hbm>> -> memref<1x79x128xf32, #tpu.memory_space<hbm>>
        %dma_start3A_44 = tpu.memref_squeeze %dma_start3A_43 : memref<1x79x128xf32, #tpu.memory_space<hbm>> -> memref<79x128xf32, #tpu.memory_space<hbm>>
        %dma_start3A_45 = arith.constant 0 : i32
        %dma_start3A_46 = tpu.memref_slice %dma_start3A_44[%scan3A_24, %dma_start3A_45] : memref<79x128xf32, #tpu.memory_space<hbm>> -> memref<1x128xf32, #tpu.memory_space<hbm>>
        %dma_start3A_47 = tpu.memref_squeeze %dma_start3A_46 : memref<1x128xf32, #tpu.memory_space<hbm>> -> memref<128xf32, #tpu.memory_space<hbm>>
        %dma_start3A_48 = arith.constant 0 : i32
        %dma_start3A_49 = arith.constant 0 : i32
        %dma_start3A_50 = tpu.memref_slice %arg6[%add3A, %dma_start3A_48, %dma_start3A_49] : memref<32x79x128xf32, #tpu.memory_space<hbm>> -> memref<1x79x128xf32, #tpu.memory_space<hbm>>
        %dma_start3A_51 = tpu.memref_squeeze %dma_start3A_50 : memref<1x79x128xf32, #tpu.memory_space<hbm>> -> memref<79x128xf32, #tpu.memory_space<hbm>>
        %dma_start3A_52 = arith.constant 0 : i32
        %dma_start3A_53 = tpu.memref_slice %dma_start3A_51[%scan3A_24, %dma_start3A_52] : memref<79x128xf32, #tpu.memory_space<hbm>> -> memref<1x128xf32, #tpu.memory_space<hbm>>
        %dma_start3A_54 = tpu.memref_squeeze %dma_start3A_53 : memref<1x128xf32, #tpu.memory_space<hbm>> -> memref<128xf32, #tpu.memory_space<hbm>>
        tpu.enqueue_dma source(%dma_start3A_54 : memref<128xf32, #tpu.memory_space<hbm>>) target(%arg14 : memref<128xf32, #tpu.memory_space<vmem>>) target_semaphore(%run_scoped3A : memref<!tpu.dma_semaphore, #tpu.memory_space<semaphore_mem>>)
        %dma_wait3A_55 = arith.constant 0 : i32
        %dma_wait3A_56 = arith.constant 0 : i32
        %dma_wait3A_57 = tpu.memref_slice %arg6[%add3A, %dma_wait3A_55, %dma_wait3A_56] : memref<32x79x128xf32, #tpu.memory_space<hbm>> -> memref<1x79x128xf32, #tpu.memory_space<hbm>>
        %dma_wait3A_58 = tpu.memref_squeeze %dma_wait3A_57 : memref<1x79x128xf32, #tpu.memory_space<hbm>> -> memref<79x128xf32, #tpu.memory_space<hbm>>
        %dma_wait3A_59 = arith.constant 0 : i32
        %dma_wait3A_60 = tpu.memref_slice %dma_wait3A_58[%scan3A_24, %dma_wait3A_59] : memref<79x128xf32, #tpu.memory_space<hbm>> -> memref<1x128xf32, #tpu.memory_space<hbm>>
        %dma_wait3A_61 = tpu.memref_squeeze %dma_wait3A_60 : memref<1x128xf32, #tpu.memory_space<hbm>> -> memref<128xf32, #tpu.memory_space<hbm>>
        %dma_wait3A_62 = arith.constant 0 : i32
        %dma_wait3A_63 = arith.constant 0 : i32
        %dma_wait3A_64 = tpu.memref_slice %arg6[%add3A, %dma_wait3A_62, %dma_wait3A_63] : memref<32x79x128xf32, #tpu.memory_space<hbm>> -> memref<1x79x128xf32, #tpu.memory_space<hbm>>
        %dma_wait3A_65 = tpu.memref_squeeze %dma_wait3A_64 : memref<1x79x128xf32, #tpu.memory_space<hbm>> -> memref<79x128xf32, #tpu.memory_space<hbm>>
        %dma_wait3A_66 = arith.constant 0 : i32
        %dma_wait3A_67 = tpu.memref_slice %dma_wait3A_65[%scan3A_24, %dma_wait3A_66] : memref<79x128xf32, #tpu.memory_space<hbm>> -> memref<1x128xf32, #tpu.memory_space<hbm>>
        %dma_wait3A_68 = tpu.memref_squeeze %dma_wait3A_67 : memref<1x128xf32, #tpu.memory_space<hbm>> -> memref<128xf32, #tpu.memory_space<hbm>>
        tpu.wait_dma2 semaphore(%run_scoped3A : memref<!tpu.dma_semaphore, #tpu.memory_space<semaphore_mem>>) src(%dma_wait3A_68 : memref<128xf32, #tpu.memory_space<hbm>>) dst(%arg14 : memref<128xf32, #tpu.memory_space<vmem>>)
        tpu.yield
      }) : () -> ()
      %dma_start3A = arith.constant 0 : i32
      %dma_start3A_25 = tpu.memref_slice %arg12[%scan3A_24, %dma_start3A] : memref<79x128xi32, #tpu.memory_space<vmem>> -> memref<1x128xi32, #tpu.memory_space<vmem>>
      %dma_start3A_26 = tpu.memref_squeeze %dma_start3A_25 : memref<1x128xi32, #tpu.memory_space<vmem>> -> memref<128xi32, #tpu.memory_space<vmem>>
      %dma_start3A_27 = arith.constant 0 : i32
      %dma_start3A_28 = arith.constant 0 : i32
      %dma_start3A_29 = tpu.memref_slice %arg3[%dma_start3A_27, %dma_start3A_28] : memref<10240x128xf32, #tpu.memory_space<hbm>> -> memref<10240x128xf32, #tpu.memory_space<hbm>>
      tpu.enqueue_indirect_dma source(%dma_start3A_29 : memref<10240x128xf32, #tpu.memory_space<hbm>>) target(%arg15 : memref<128x128xf32, #tpu.memory_space<vmem>>) offsets(%dma_start3A_26 : memref<128xi32, #tpu.memory_space<vmem>>) semaphore(%arg17 : memref<!tpu.dma_semaphore, #tpu.memory_space<semaphore_mem>>)
      %dma_wait3A = arith.constant 0 : i32
      %dma_wait3A_30 = tpu.memref_slice %arg12[%scan3A_24, %dma_wait3A] : memref<79x128xi32, #tpu.memory_space<vmem>> -> memref<1x128xi32, #tpu.memory_space<vmem>>
      %dma_wait3A_31 = tpu.memref_squeeze %dma_wait3A_30 : memref<1x128xi32, #tpu.memory_space<vmem>> -> memref<128xi32, #tpu.memory_space<vmem>>
      %dma_wait3A_32 = arith.constant 0 : i32
      %dma_wait3A_33 = arith.constant 0 : i32
      %dma_wait3A_34 = tpu.memref_slice %arg3[%dma_wait3A_32, %dma_wait3A_33] : memref<10240x128xf32, #tpu.memory_space<hbm>> -> memref<10240x128xf32, #tpu.memory_space<hbm>>
      tpu.wait_indirect_dma semaphore(%arg17 : memref<!tpu.dma_semaphore, #tpu.memory_space<semaphore_mem>>) src(%dma_wait3A_34 : memref<10240x128xf32, #tpu.memory_space<hbm>>) dst(%arg15 : memref<128x128xf32, #tpu.memory_space<vmem>>)
      %scan3A_35 = arith.constant 0 : i32
      %scan3A_36 = arith.constant 0 : i32
      %scan3A_37 = arith.constant 8 : i32
      %scan3A_38 = arith.addi %scan3A_36, %scan3A_37 : i32
      %scan3A_39 = arith.constant 1 : i32
      scf.for %scan3A_41 = %scan3A_36 to %scan3A_38 step %scan3A_39  : i32 {
        %mul3A_42 = arith.constant 16 : i32
        %mul3A_43 = arith.muli %scan3A_41, %mul3A_42 : i32
        %get3A = arith.index_cast %mul3A_43 : i32 to index
        %get3A_44 = tpu.vector_load %arg14[%get3A] {strides = array<i32>} : memref<128xf32, #tpu.memory_space<vmem>>, vector<16xf32>,
        %get3A_45 = vector.shape_cast %get3A_44 : vector<16xf32> to vector<16xf32>
        %slice3A = vector.extract_strided_slice %get3A_45 {offsets = [0], sizes = [1], strides = [1]} : vector<16xf32> to vector<1xf32>
        %squeeze3A = vector.extract %slice3A[0] : f32 from vector<1xf32>
        %broadcast_in_dim3A = vector.broadcast %squeeze3A : f32 to vector<16xf32>
        %mul3A_46 = arith.constant 16 : i32
        %mul3A_47 = arith.muli %scan3A_41, %mul3A_46 : i32
        %add3A_48 = arith.constant 0 : i32
        %add3A_49 = arith.addi %mul3A_47, %add3A_48 : i32
        %get3A_50 = arith.index_cast %add3A_49 : i32 to index
        %get3A_51 = arith.constant 0 : index
        %get3A_52 = tpu.vector_load %arg15[%get3A_50, %get3A_51] {strides = array<i32>} : memref<128x128xf32, #tpu.memory_space<vmem>>, vector<1x16xf32>,
        %get3A_53 = vector.shape_cast %get3A_52 : vector<1x16xf32> to vector<16xf32>
        %mul3A_54 = arith.mulf %get3A_53, %broadcast_in_dim3A : vector<16xf32>
        %swap3A = arith.index_cast %add3A_49 : i32 to index
        %swap3A_55 = arith.constant 0 : index
        %swap3A_56 = tpu.vector_load %arg15[%swap3A, %swap3A_55] {strides = array<i32>} : memref<128x128xf32, #tpu.memory_space<vmem>>, vector<1x16xf32>,
        %swap3A_57 = vector.shape_cast %swap3A_56 : vector<1x16xf32> to vector<16xf32>
        %swap3A_58 = vector.shape_cast %mul3A_54 : vector<16xf32> to vector<1x16xf32>
        tpu.vector_store %arg15[%swap3A, %swap3A_55], %swap3A_58 {strides = array<i32>} : memref<128x128xf32, #tpu.memory_space<vmem>>, vector<1x16xf32>,
        %get3A_59 = arith.index_cast %add3A_49 : i32 to index
        %get3A_60 = arith.constant 16 : index
        %get3A_61 = tpu.vector_load %arg15[%get3A_59, %get3A_60] {strides = array<i32>} : memref<128x128xf32, #tpu.memory_space<vmem>>, vector<1x16xf32>,
        %get3A_62 = vector.shape_cast %get3A_61 : vector<1x16xf32> to vector<16xf32>
        %mul3A_63 = arith.mulf %get3A_62, %broadcast_in_dim3A : vector<16xf32>
        %swap3A_64 = arith.index_cast %add3A_49 : i32 to index
        %swap3A_65 = arith.constant 16 : index
        %swap3A_66 = tpu.vector_load %arg15[%swap3A_64, %swap3A_65] {strides = array<i32>} : memref<128x128xf32, #tpu.memory_space<vmem>>, vector<1x16xf32>,
        %swap3A_67 = vector.shape_cast %swap3A_66 : vector<1x16xf32> to vector<16xf32>
        %swap3A_68 = vector.shape_cast %mul3A_63 : vector<16xf32> to vector<1x16xf32>
        tpu.vector_store %arg15[%swap3A_64, %swap3A_65], %swap3A_68 {strides = array<i32>} : memref<128x128xf32, #tpu.memory_space<vmem>>, vector<1x16xf32>,
        %get3A_69 = arith.index_cast %add3A_49 : i32 to index
        %get3A_70 = arith.constant 32 : index
        %get3A_71 = tpu.vector_load %arg15[%get3A_69, %get3A_70] {strides = array<i32>} : memref<128x128xf32, #tpu.memory_space<vmem>>, vector<1x16xf32>,
        %get3A_72 = vector.shape_cast %get3A_71 : vector<1x16xf32> to vector<16xf32>
        %mul3A_73 = arith.mulf %get3A_72, %broadcast_in_dim3A : vector<16xf32>
        %swap3A_74 = arith.index_cast %add3A_49 : i32 to index
        %swap3A_75 = arith.constant 32 : index
        %swap3A_76 = tpu.vector_load %arg15[%swap3A_74, %swap3A_75] {strides = array<i32>} : memref<128x128xf32, #tpu.memory_space<vmem>>, vector<1x16xf32>,
        %swap3A_77 = vector.shape_cast %swap3A_76 : vector<1x16xf32> to vector<16xf32>
        %swap3A_78 = vector.shape_cast %mul3A_73 : vector<16xf32> to vector<1x16xf32>
        tpu.vector_store %arg15[%swap3A_74, %swap3A_75], %swap3A_78 {strides = array<i32>} : memref<128x128xf32, #tpu.memory_space<vmem>>, vector<1x16xf32>,
        %get3A_79 = arith.index_cast %add3A_49 : i32 to index
        %get3A_80 = arith.constant 48 : index
        %get3A_81 = tpu.vector_load %arg15[%get3A_79, %get3A_80] {strides = array<i32>} : memref<128x128xf32, #tpu.memory_space<vmem>>, vector<1x16xf32>,
        %get3A_82 = vector.shape_cast %get3A_81 : vector<1x16xf32> to vector<16xf32>
        %mul3A_83 = arith.mulf %get3A_82, %broadcast_in_dim3A : vector<16xf32>
        %swap3A_84 = arith.index_cast %add3A_49 : i32 to index
        %swap3A_85 = arith.constant 48 : index
        %swap3A_86 = tpu.vector_load %arg15[%swap3A_84, %swap3A_85] {strides = array<i32>} : memref<128x128xf32, #tpu.memory_space<vmem>>, vector<1x16xf32>,
        %swap3A_87 = vector.shape_cast %swap3A_86 : vector<1x16xf32> to vector<16xf32>
        %swap3A_88 = vector.shape_cast %mul3A_83 : vector<16xf32> to vector<1x16xf32>
        tpu.vector_store %arg15[%swap3A_84, %swap3A_85], %swap3A_88 {strides = array<i32>} : memref<128x128xf32, #tpu.memory_space<vmem>>, vector<1x16xf32>,
        %get3A_89 = arith.index_cast %add3A_49 : i32 to index
        %get3A_90 = arith.constant 64 : index
        %get3A_91 = tpu.vector_load %arg15[%get3A_89, %get3A_90] {strides = array<i32>} : memref<128x128xf32, #tpu.memory_space<vmem>>, vector<1x16xf32>,
        %get3A_92 = vector.shape_cast %get3A_91 : vector<1x16xf32> to vector<16xf32>
        %mul3A_93 = arith.mulf %get3A_92, %broadcast_in_dim3A : vector<16xf32>
        %swap3A_94 = arith.index_cast %add3A_49 : i32 to index
        %swap3A_95 = arith.constant 64 : index
        %swap3A_96 = tpu.vector_load %arg15[%swap3A_94, %swap3A_95] {strides = array<i32>} : memref<128x128xf32, #tpu.memory_space<vmem>>, vector<1x16xf32>,
        %swap3A_97 = vector.shape_cast %swap3A_96 : vector<1x16xf32> to vector<16xf32>
        %swap3A_98 = vector.shape_cast %mul3A_93 : vector<16xf32> to vector<1x16xf32>
        tpu.vector_store %arg15[%swap3A_94, %swap3A_95], %swap3A_98 {strides = array<i32>} : memref<128x128xf32, #tpu.memory_space<vmem>>, vector<1x16xf32>,
        %get3A_99 = arith.index_cast %add3A_49 : i32 to index
        %get3A_100 = arith.constant 80 : index
        %get3A_101 = tpu.vector_load %arg15[%get3A_99, %get3A_100] {strides = array<i32>} : memref<128x128xf32, #tpu.memory_space<vmem>>, vector<1x16xf32>,
        %get3A_102 = vector.shape_cast %get3A_101 : vector<1x16xf32> to vector<16xf32>
        %mul3A_103 = arith.mulf %get3A_102, %broadcast_in_dim3A : vector<16xf32>
        %swap3A_104 = arith.index_cast %add3A_49 : i32 to index
        %swap3A_105 = arith.constant 80 : index
        %swap3A_106 = tpu.vector_load %arg15[%swap3A_104, %swap3A_105] {strides = array<i32>} : memref<128x128xf32, #tpu.memory_space<vmem>>, vector<1x16xf32>,
        %swap3A_107 = vector.shape_cast %swap3A_106 : vector<1x16xf32> to vector<16xf32>
        %swap3A_108 = vector.shape_cast %mul3A_103 : vector<16xf32> to vector<1x16xf32>
        tpu.vector_store %arg15[%swap3A_104, %swap3A_105], %swap3A_108 {strides = array<i32>} : memref<128x128xf32, #tpu.memory_space<vmem>>, vector<1x16xf32>,
        %get3A_109 = arith.index_cast %add3A_49 : i32 to index
        %get3A_110 = arith.constant 96 : index
        %get3A_111 = tpu.vector_load %arg15[%get3A_109, %get3A_110] {strides = array<i32>} : memref<128x128xf32, #tpu.memory_space<vmem>>, vector<1x16xf32>,
        %get3A_112 = vector.shape_cast %get3A_111 : vector<1x16xf32> to vector<16xf32>
        %mul3A_113 = arith.mulf %get3A_112, %broadcast_in_dim3A : vector<16xf32>
        %swap3A_114 = arith.index_cast %add3A_49 : i32 to index
        %swap3A_115 = arith.constant 96 : index
        %swap3A_116 = tpu.vector_load %arg15[%swap3A_114, %swap3A_115] {strides = array<i32>} : memref<128x128xf32, #tpu.memory_space<vmem>>, vector<1x16xf32>,
        %swap3A_117 = vector.shape_cast %swap3A_116 : vector<1x16xf32> to vector<16xf32>
        %swap3A_118 = vector.shape_cast %mul3A_113 : vector<16xf32> to vector<1x16xf32>
        tpu.vector_store %arg15[%swap3A_114, %swap3A_115], %swap3A_118 {strides = array<i32>} : memref<128x128xf32, #tpu.memory_space<vmem>>, vector<1x16xf32>,
        %get3A_119 = arith.index_cast %add3A_49 : i32 to index
        %get3A_120 = arith.constant 112 : index
        %get3A_121 = tpu.vector_load %arg15[%get3A_119, %get3A_120] {strides = array<i32>} : memref<128x128xf32, #tpu.memory_space<vmem>>, vector<1x16xf32>,
        %get3A_122 = vector.shape_cast %get3A_121 : vector<1x16xf32> to vector<16xf32>
        %mul3A_123 = arith.mulf %get3A_122, %broadcast_in_dim3A : vector<16xf32>
        %swap3A_124 = arith.index_cast %add3A_49 : i32 to index
        %swap3A_125 = arith.constant 112 : index
        %swap3A_126 = tpu.vector_load %arg15[%swap3A_124, %swap3A_125] {strides = array<i32>} : memref<128x128xf32, #tpu.memory_space<vmem>>, vector<1x16xf32>,
        %swap3A_127 = vector.shape_cast %swap3A_126 : vector<1x16xf32> to vector<16xf32>
        %swap3A_128 = vector.shape_cast %mul3A_123 : vector<16xf32> to vector<1x16xf32>
        tpu.vector_store %arg15[%swap3A_124, %swap3A_125], %swap3A_128 {strides = array<i32>} : memref<128x128xf32, #tpu.memory_space<vmem>>, vector<1x16xf32>,
        %slice3A_129 = vector.extract_strided_slice %get3A_45 {offsets = [1], sizes = [1], strides = [1]} : vector<16xf32> to vector<1xf32>
        %squeeze3A_130 = vector.extract %slice3A_129[0] : f32 from vector<1xf32>
        %broadcast_in_dim3A_131 = vector.broadcast %squeeze3A_130 : f32 to vector<16xf32>
        %mul3A_132 = arith.constant 16 : i32
        %mul3A_133 = arith.muli %scan3A_41, %mul3A_132 : i32
        %add3A_134 = arith.constant 1 : i32
        %add3A_135 = arith.addi %mul3A_133, %add3A_134 : i32
        %get3A_136 = arith.index_cast %add3A_135 : i32 to index
        %get3A_137 = arith.constant 0 : index
        %get3A_138 = tpu.vector_load %arg15[%get3A_136, %get3A_137] {strides = array<i32>} : memref<128x128xf32, #tpu.memory_space<vmem>>, vector<1x16xf32>,
        %get3A_139 = vector.shape_cast %get3A_138 : vector<1x16xf32> to vector<16xf32>
        %mul3A_140 = arith.mulf %get3A_139, %broadcast_in_dim3A_131 : vector<16xf32>
        %swap3A_141 = arith.index_cast %add3A_135 : i32 to index
        %swap3A_142 = arith.constant 0 : index
        %swap3A_143 = tpu.vector_load %arg15[%swap3A_141, %swap3A_142] {strides = array<i32>} : memref<128x128xf32, #tpu.memory_space<vmem>>, vector<1x16xf32>,
        %swap3A_144 = vector.shape_cast %swap3A_143 : vector<1x16xf32> to vector<16xf32>
        %swap3A_145 = vector.shape_cast %mul3A_140 : vector<16xf32> to vector<1x16xf32>
        tpu.vector_store %arg15[%swap3A_141, %swap3A_142], %swap3A_145 {strides = array<i32>} : memref<128x128xf32, #tpu.memory_space<vmem>>, vector<1x16xf32>,
        %get3A_146 = arith.index_cast %add3A_135 : i32 to index
        %get3A_147 = arith.constant 16 : index
        %get3A_148 = tpu.vector_load %arg15[%get3A_146, %get3A_147] {strides = array<i32>} : memref<128x128xf32, #tpu.memory_space<vmem>>, vector<1x16xf32>,
        %get3A_149 = vector.shape_cast %get3A_148 : vector<1x16xf32> to vector<16xf32>
        %mul3A_150 = arith.mulf %get3A_149, %broadcast_in_dim3A_131 : vector<16xf32>
        %swap3A_151 = arith.index_cast %add3A_135 : i32 to index
        %swap3A_152 = arith.constant 16 : index
        %swap3A_153 = tpu.vector_load %arg15[%swap3A_151, %swap3A_152] {strides = array<i32>} : memref<128x128xf32, #tpu.memory_space<vmem>>, vector<1x16xf32>,
        %swap3A_154 = vector.shape_cast %swap3A_153 : vector<1x16xf32> to vector<16xf32>
        %swap3A_155 = vector.shape_cast %mul3A_150 : vector<16xf32> to vector<1x16xf32>
        tpu.vector_store %arg15[%swap3A_151, %swap3A_152], %swap3A_155 {strides = array<i32>} : memref<128x128xf32, #tpu.memory_space<vmem>>, vector<1x16xf32>,
        %get3A_156 = arith.index_cast %add3A_135 : i32 to index
        %get3A_157 = arith.constant 32 : index
        %get3A_158 = tpu.vector_load %arg15[%get3A_156, %get3A_157] {strides = array<i32>} : memref<128x128xf32, #tpu.memory_space<vmem>>, vector<1x16xf32>,
        %get3A_159 = vector.shape_cast %get3A_158 : vector<1x16xf32> to vector<16xf32>
        %mul3A_160 = arith.mulf %get3A_159, %broadcast_in_dim3A_131 : vector<16xf32>
        %swap3A_161 = arith.index_cast %add3A_135 : i32 to index
        %swap3A_162 = arith.constant 32 : index
        %swap3A_163 = tpu.vector_load %arg15[%swap3A_161, %swap3A_162] {strides = array<i32>} : memref<128x128xf32, #tpu.memory_space<vmem>>, vector<1x16xf32>,
        %swap3A_164 = vector.shape_cast %swap3A_163 : vector<1x16xf32> to vector<16xf32>
        %swap3A_165 = vector.shape_cast %mul3A_160 : vector<16xf32> to vector<1x16xf32>
        tpu.vector_store %arg15[%swap3A_161, %swap3A_162], %swap3A_165 {strides = array<i32>} : memref<128x128xf32, #tpu.memory_space<vmem>>, vector<1x16xf32>,
        %get3A_166 = arith.index_cast %add3A_135 : i32 to index
        %get3A_167 = arith.constant 48 : index
        %get3A_168 = tpu.vector_load %arg15[%get3A_166, %get3A_167] {strides = array<i32>} : memref<128x128xf32, #tpu.memory_space<vmem>>, vector<1x16xf32>,
        %get3A_169 = vector.shape_cast %get3A_168 : vector<1x16xf32> to vector<16xf32>
        %mul3A_170 = arith.mulf %get3A_169, %broadcast_in_dim3A_131 : vector<16xf32>
        %swap3A_171 = arith.index_cast %add3A_135 : i32 to index
        %swap3A_172 = arith.constant 48 : index
        %swap3A_173 = tpu.vector_load %arg15[%swap3A_171, %swap3A_172] {strides = array<i32>} : memref<128x128xf32, #tpu.memory_space<vmem>>, vector<1x16xf32>,
        %swap3A_174 = vector.shape_cast %swap3A_173 : vector<1x16xf32> to vector<16xf32>
        %swap3A_175 = vector.shape_cast %mul3A_170 : vector<16xf32> to vector<1x16xf32>
        tpu.vector_store %arg15[%swap3A_171, %swap3A_172], %swap3A_175 {strides = array<i32>} : memref<128x128xf32, #tpu.memory_space<vmem>>, vector<1x16xf32>,
        %get3A_176 = arith.index_cast %add3A_135 : i32 to index
        %get3A_177 = arith.constant 64 : index
        %get3A_178 = tpu.vector_load %arg15[%get3A_176, %get3A_177] {strides = array<i32>} : memref<128x128xf32, #tpu.memory_space<vmem>>, vector<1x16xf32>,
        %get3A_179 = vector.shape_cast %get3A_178 : vector<1x16xf32> to vector<16xf32>
        %mul3A_180 = arith.mulf %get3A_179, %broadcast_in_dim3A_131 : vector<16xf32>
        %swap3A_181 = arith.index_cast %add3A_135 : i32 to index
        %swap3A_182 = arith.constant 64 : index
        %swap3A_183 = tpu.vector_load %arg15[%swap3A_181, %swap3A_182] {strides = array<i32>} : memref<128x128xf32, #tpu.memory_space<vmem>>, vector<1x16xf32>,
        %swap3A_184 = vector.shape_cast %swap3A_183 : vector<1x16xf32> to vector<16xf32>
        %swap3A_185 = vector.shape_cast %mul3A_180 : vector<16xf32> to vector<1x16xf32>
        tpu.vector_store %arg15[%swap3A_181, %swap3A_182], %swap3A_185 {strides = array<i32>} : memref<128x128xf32, #tpu.memory_space<vmem>>, vector<1x16xf32>,
        %get3A_186 = arith.index_cast %add3A_135 : i32 to index
        %get3A_187 = arith.constant 80 : index
        %get3A_188 = tpu.vector_load %arg15[%get3A_186, %get3A_187] {strides = array<i32>} : memref<128x128xf32, #tpu.memory_space<vmem>>, vector<1x16xf32>,
        %get3A_189 = vector.shape_cast %get3A_188 : vector<1x16xf32> to vector<16xf32>
        %mul3A_190 = arith.mulf %get3A_189, %broadcast_in_dim3A_131 : vector<16xf32>
        %swap3A_191 = arith.index_cast %add3A_135 : i32 to index
        %swap3A_192 = arith.constant 80 : index
        %swap3A_193 = tpu.vector_load %arg15[%swap3A_191, %swap3A_192] {strides = array<i32>} : memref<128x128xf32, #tpu.memory_space<vmem>>, vector<1x16xf32>,
        %swap3A_194 = vector.shape_cast %swap3A_193 : vector<1x16xf32> to vector<16xf32>
        %swap3A_195 = vector.shape_cast %mul3A_190 : vector<16xf32> to vector<1x16xf32>
        tpu.vector_store %arg15[%swap3A_191, %swap3A_192], %swap3A_195 {strides = array<i32>} : memref<128x128xf32, #tpu.memory_space<vmem>>, vector<1x16xf32>,
        %get3A_196 = arith.index_cast %add3A_135 : i32 to index
        %get3A_197 = arith.constant 96 : index
        %get3A_198 = tpu.vector_load %arg15[%get3A_196, %get3A_197] {strides = array<i32>} : memref<128x128xf32, #tpu.memory_space<vmem>>, vector<1x16xf32>,
        %get3A_199 = vector.shape_cast %get3A_198 : vector<1x16xf32> to vector<16xf32>
        %mul3A_200 = arith.mulf %get3A_199, %broadcast_in_dim3A_131 : vector<16xf32>
        %swap3A_201 = arith.index_cast %add3A_135 : i32 to index
        %swap3A_202 = arith.constant 96 : index
        %swap3A_203 = tpu.vector_load %arg15[%swap3A_201, %swap3A_202] {strides = array<i32>} : memref<128x128xf32, #tpu.memory_space<vmem>>, vector<1x16xf32>,
        %swap3A_204 = vector.shape_cast %swap3A_203 : vector<1x16xf32> to vector<16xf32>
        %swap3A_205 = vector.shape_cast %mul3A_200 : vector<16xf32> to vector<1x16xf32>
        tpu.vector_store %arg15[%swap3A_201, %swap3A_202], %swap3A_205 {strides = array<i32>} : memref<128x128xf32, #tpu.memory_space<vmem>>, vector<1x16xf32>,
        %get3A_206 = arith.index_cast %add3A_135 : i32 to index
        %get3A_207 = arith.constant 112 : index
        %get3A_208 = tpu.vector_load %arg15[%get3A_206, %get3A_207] {strides = array<i32>} : memref<128x128xf32, #tpu.memory_space<vmem>>, vector<1x16xf32>,
        %get3A_209 = vector.shape_cast %get3A_208 : vector<1x16xf32> to vector<16xf32>
        %mul3A_210 = arith.mulf %get3A_209, %broadcast_in_dim3A_131 : vector<16xf32>
        %swap3A_211 = arith.index_cast %add3A_135 : i32 to index
        %swap3A_212 = arith.constant 112 : index
        %swap3A_213 = tpu.vector_load %arg15[%swap3A_211, %swap3A_212] {strides = array<i32>} : memref<128x128xf32, #tpu.memory_space<vmem>>, vector<1x16xf32>,
        %swap3A_214 = vector.shape_cast %swap3A_213 : vector<1x16xf32> to vector<16xf32>
        %swap3A_215 = vector.shape_cast %mul3A_210 : vector<16xf32> to vector<1x16xf32>
        tpu.vector_store %arg15[%swap3A_211, %swap3A_212], %swap3A_215 {strides = array<i32>} : memref<128x128xf32, #tpu.memory_space<vmem>>, vector<1x16xf32>,
        %slice3A_216 = vector.extract_strided_slice %get3A_45 {offsets = [2], sizes = [1], strides = [1]} : vector<16xf32> to vector<1xf32>
        %squeeze3A_217 = vector.extract %slice3A_216[0] : f32 from vector<1xf32>
        %broadcast_in_dim3A_218 = vector.broadcast %squeeze3A_217 : f32 to vector<16xf32>
        %mul3A_219 = arith.constant 16 : i32
        %mul3A_220 = arith.muli %scan3A_41, %mul3A_219 : i32
        %add3A_221 = arith.constant 2 : i32
        %add3A_222 = arith.addi %mul3A_220, %add3A_221 : i32
        %get3A_223 = arith.index_cast %add3A_222 : i32 to index
        %get3A_224 = arith.constant 0 : index
        %get3A_225 = tpu.vector_load %arg15[%get3A_223, %get3A_224] {strides = array<i32>} : memref<128x128xf32, #tpu.memory_space<vmem>>, vector<1x16xf32>,
        %get3A_226 = vector.shape_cast %get3A_225 : vector<1x16xf32> to vector<16xf32>
        %mul3A_227 = arith.mulf %get3A_226, %broadcast_in_dim3A_218 : vector<16xf32>
        %swap3A_228 = arith.index_cast %add3A_222 : i32 to index
        %swap3A_229 = arith.constant 0 : index
        %swap3A_230 = tpu.vector_load %arg15[%swap3A_228, %swap3A_229] {strides = array<i32>} : memref<128x128xf32, #tpu.memory_space<vmem>>, vector<1x16xf32>,
        %swap3A_231 = vector.shape_cast %swap3A_230 : vector<1x16xf32> to vector<16xf32>
        %swap3A_232 = vector.shape_cast %mul3A_227 : vector<16xf32> to vector<1x16xf32>
        tpu.vector_store %arg15[%swap3A_228, %swap3A_229], %swap3A_232 {strides = array<i32>} : memref<128x128xf32, #tpu.memory_space<vmem>>, vector<1x16xf32>,
        %get3A_233 = arith.index_cast %add3A_222 : i32 to index
        %get3A_234 = arith.constant 16 : index
        %get3A_235 = tpu.vector_load %arg15[%get3A_233, %get3A_234] {strides = array<i32>} : memref<128x128xf32, #tpu.memory_space<vmem>>, vector<1x16xf32>,
        %get3A_236 = vector.shape_cast %get3A_235 : vector<1x16xf32> to vector<16xf32>
        %mul3A_237 = arith.mulf %get3A_236, %broadcast_in_dim3A_218 : vector<16xf32>
        %swap3A_238 = arith.index_cast %add3A_222 : i32 to index
        %swap3A_239 = arith.constant 16 : index
        %swap3A_240 = tpu.vector_load %arg15[%swap3A_238, %swap3A_239] {strides = array<i32>} : memref<128x128xf32, #tpu.memory_space<vmem>>, vector<1x16xf32>,
        %swap3A_241 = vector.shape_cast %swap3A_240 : vector<1x16xf32> to vector<16xf32>
        %swap3A_242 = vector.shape_cast %mul3A_237 : vector<16xf32> to vector<1x16xf32>
        tpu.vector_store %arg15[%swap3A_238, %swap3A_239], %swap3A_242 {strides = array<i32>} : memref<128x128xf32, #tpu.memory_space<vmem>>, vector<1x16xf32>,
        %get3A_243 = arith.index_cast %add3A_222 : i32 to index
        %get3A_244 = arith.constant 32 : index
        %get3A_245 = tpu.vector_load %arg15[%get3A_243, %get3A_244] {strides = array<i32>} : memref<128x128xf32, #tpu.memory_space<vmem>>, vector<1x16xf32>,
        %get3A_246 = vector.shape_cast %get3A_245 : vector<1x16xf32> to vector<16xf32>
        %mul3A_247 = arith.mulf %get3A_246, %broadcast_in_dim3A_218 : vector<16xf32>
        %swap3A_248 = arith.index_cast %add3A_222 : i32 to index
        %swap3A_249 = arith.constant 32 : index
        %swap3A_250 = tpu.vector_load %arg15[%swap3A_248, %swap3A_249] {strides = array<i32>} : memref<128x128xf32, #tpu.memory_space<vmem>>, vector<1x16xf32>,
        %swap3A_251 = vector.shape_cast %swap3A_250 : vector<1x16xf32> to vector<16xf32>
        %swap3A_252 = vector.shape_cast %mul3A_247 : vector<16xf32> to vector<1x16xf32>
        tpu.vector_store %arg15[%swap3A_248, %swap3A_249], %swap3A_252 {strides = array<i32>} : memref<128x128xf32, #tpu.memory_space<vmem>>, vector<1x16xf32>,
        %get3A_253 = arith.index_cast %add3A_222 : i32 to index
        %get3A_254 = arith.constant 48 : index
        %get3A_255 = tpu.vector_load %arg15[%get3A_253, %get3A_254] {strides = array<i32>} : memref<128x128xf32, #tpu.memory_space<vmem>>, vector<1x16xf32>,
        %get3A_256 = vector.shape_cast %get3A_255 : vector<1x16xf32> to vector<16xf32>
        %mul3A_257 = arith.mulf %get3A_256, %broadcast_in_dim3A_218 : vector<16xf32>
        %swap3A_258 = arith.index_cast %add3A_222 : i32 to index
        %swap3A_259 = arith.constant 48 : index
        %swap3A_260 = tpu.vector_load %arg15[%swap3A_258, %swap3A_259] {strides = array<i32>} : memref<128x128xf32, #tpu.memory_space<vmem>>, vector<1x16xf32>,
        %swap3A_261 = vector.shape_cast %swap3A_260 : vector<1x16xf32> to vector<16xf32>
        %swap3A_262 = vector.shape_cast %mul3A_257 : vector<16xf32> to vector<1x16xf32>
        tpu.vector_store %arg15[%swap3A_258, %swap3A_259], %swap3A_262 {strides = array<i32>} : memref<128x128xf32, #tpu.memory_space<vmem>>, vector<1x16xf32>,
        %get3A_263 = arith.index_cast %add3A_222 : i32 to index
        %get3A_264 = arith.constant 64 : index
        %get3A_265 = tpu.vector_load %arg15[%get3A_263, %get3A_264] {strides = array<i32>} : memref<128x128xf32, #tpu.memory_space<vmem>>, vector<1x16xf32>,
        %get3A_266 = vector.shape_cast %get3A_265 : vector<1x16xf32> to vector<16xf32>
        %mul3A_267 = arith.mulf %get3A_266, %broadcast_in_dim3A_218 : vector<16xf32>
        %swap3A_268 = arith.index_cast %add3A_222 : i32 to index
        %swap3A_269 = arith.constant 64 : index
        %swap3A_270 = tpu.vector_load %arg15[%swap3A_268, %swap3A_269] {strides = array<i32>} : memref<128x128xf32, #tpu.memory_space<vmem>>, vector<1x16xf32>,
        %swap3A_271 = vector.shape_cast %swap3A_270 : vector<1x16xf32> to vector<16xf32>
        %swap3A_272 = vector.shape_cast %mul3A_267 : vector<16xf32> to vector<1x16xf32>
        tpu.vector_store %arg15[%swap3A_268, %swap3A_269], %swap3A_272 {strides = array<i32>} : memref<128x128xf32, #tpu.memory_space<vmem>>, vector<1x16xf32>,
        %get3A_273 = arith.index_cast %add3A_222 : i32 to index
        %get3A_274 = arith.constant 80 : index
        %get3A_275 = tpu.vector_load %arg15[%get3A_273, %get3A_274] {strides = array<i32>} : memref<128x128xf32, #tpu.memory_space<vmem>>, vector<1x16xf32>,
        %get3A_276 = vector.shape_cast %get3A_275 : vector<1x16xf32> to vector<16xf32>
        %mul3A_277 = arith.mulf %get3A_276, %broadcast_in_dim3A_218 : vector<16xf32>
        %swap3A_278 = arith.index_cast %add3A_222 : i32 to index
        %swap3A_279 = arith.constant 80 : index
        %swap3A_280 = tpu.vector_load %arg15[%swap3A_278, %swap3A_279] {strides = array<i32>} : memref<128x128xf32, #tpu.memory_space<vmem>>, vector<1x16xf32>,
        %swap3A_281 = vector.shape_cast %swap3A_280 : vector<1x16xf32> to vector<16xf32>
        %swap3A_282 = vector.shape_cast %mul3A_277 : vector<16xf32> to vector<1x16xf32>
        tpu.vector_store %arg15[%swap3A_278, %swap3A_279], %swap3A_282 {strides = array<i32>} : memref<128x128xf32, #tpu.memory_space<vmem>>, vector<1x16xf32>,
        %get3A_283 = arith.index_cast %add3A_222 : i32 to index
        %get3A_284 = arith.constant 96 : index
        %get3A_285 = tpu.vector_load %arg15[%get3A_283, %get3A_284] {strides = array<i32>} : memref<128x128xf32, #tpu.memory_space<vmem>>, vector<1x16xf32>,
        %get3A_286 = vector.shape_cast %get3A_285 : vector<1x16xf32> to vector<16xf32>
        %mul3A_287 = arith.mulf %get3A_286, %broadcast_in_dim3A_218 : vector<16xf32>
        %swap3A_288 = arith.index_cast %add3A_222 : i32 to index
        %swap3A_289 = arith.constant 96 : index
        %swap3A_290 = tpu.vector_load %arg15[%swap3A_288, %swap3A_289] {strides = array<i32>} : memref<128x128xf32, #tpu.memory_space<vmem>>, vector<1x16xf32>,
        %swap3A_291 = vector.shape_cast %swap3A_290 : vector<1x16xf32> to vector<16xf32>
        %swap3A_292 = vector.shape_cast %mul3A_287 : vector<16xf32> to vector<1x16xf32>
        tpu.vector_store %arg15[%swap3A_288, %swap3A_289], %swap3A_292 {strides = array<i32>} : memref<128x128xf32, #tpu.memory_space<vmem>>, vector<1x16xf32>,
        %get3A_293 = arith.index_cast %add3A_222 : i32 to index
        %get3A_294 = arith.constant 112 : index
        %get3A_295 = tpu.vector_load %arg15[%get3A_293, %get3A_294] {strides = array<i32>} : memref<128x128xf32, #tpu.memory_space<vmem>>, vector<1x16xf32>,
        %get3A_296 = vector.shape_cast %get3A_295 : vector<1x16xf32> to vector<16xf32>
        %mul3A_297 = arith.mulf %get3A_296, %broadcast_in_dim3A_218 : vector<16xf32>
        %swap3A_298 = arith.index_cast %add3A_222 : i32 to index
        %swap3A_299 = arith.constant 112 : index
        %swap3A_300 = tpu.vector_load %arg15[%swap3A_298, %swap3A_299] {strides = array<i32>} : memref<128x128xf32, #tpu.memory_space<vmem>>, vector<1x16xf32>,
        %swap3A_301 = vector.shape_cast %swap3A_300 : vector<1x16xf32> to vector<16xf32>
        %swap3A_302 = vector.shape_cast %mul3A_297 : vector<16xf32> to vector<1x16xf32>
        tpu.vector_store %arg15[%swap3A_298, %swap3A_299], %swap3A_302 {strides = array<i32>} : memref<128x128xf32, #tpu.memory_space<vmem>>, vector<1x16xf32>,
        %slice3A_303 = vector.extract_strided_slice %get3A_45 {offsets = [3], sizes = [1], strides = [1]} : vector<16xf32> to vector<1xf32>
        %squeeze3A_304 = vector.extract %slice3A_303[0] : f32 from vector<1xf32>
        %broadcast_in_dim3A_305 = vector.broadcast %squeeze3A_304 : f32 to vector<16xf32>
        %mul3A_306 = arith.constant 16 : i32
        %mul3A_307 = arith.muli %scan3A_41, %mul3A_306 : i32
        %add3A_308 = arith.constant 3 : i32
        %add3A_309 = arith.addi %mul3A_307, %add3A_308 : i32
        %get3A_310 = arith.index_cast %add3A_309 : i32 to index
        %get3A_311 = arith.constant 0 : index
        %get3A_312 = tpu.vector_load %arg15[%get3A_310, %get3A_311] {strides = array<i32>} : memref<128x128xf32, #tpu.memory_space<vmem>>, vector<1x16xf32>,
        %get3A_313 = vector.shape_cast %get3A_312 : vector<1x16xf32> to vector<16xf32>
        %mul3A_314 = arith.mulf %get3A_313, %broadcast_in_dim3A_305 : vector<16xf32>
        %swap3A_315 = arith.index_cast %add3A_309 : i32 to index
        %swap3A_316 = arith.constant 0 : index
        %swap3A_317 = tpu.vector_load %arg15[%swap3A_315, %swap3A_316] {strides = array<i32>} : memref<128x128xf32, #tpu.memory_space<vmem>>, vector<1x16xf32>,
        %swap3A_318 = vector.shape_cast %swap3A_317 : vector<1x16xf32> to vector<16xf32>
        %swap3A_319 = vector.shape_cast %mul3A_314 : vector<16xf32> to vector<1x16xf32>
        tpu.vector_store %arg15[%swap3A_315, %swap3A_316], %swap3A_319 {strides = array<i32>} : memref<128x128xf32, #tpu.memory_space<vmem>>, vector<1x16xf32>,
        %get3A_320 = arith.index_cast %add3A_309 : i32 to index
        %get3A_321 = arith.constant 16 : index
        %get3A_322 = tpu.vector_load %arg15[%get3A_320, %get3A_321] {strides = array<i32>} : memref<128x128xf32, #tpu.memory_space<vmem>>, vector<1x16xf32>,
        %get3A_323 = vector.shape_cast %get3A_322 : vector<1x16xf32> to vector<16xf32>
        %mul3A_324 = arith.mulf %get3A_323, %broadcast_in_dim3A_305 : vector<16xf32>
        %swap3A_325 = arith.index_cast %add3A_309 : i32 to index
        %swap3A_326 = arith.constant 16 : index
        %swap3A_327 = tpu.vector_load %arg15[%swap3A_325, %swap3A_326] {strides = array<i32>} : memref<128x128xf32, #tpu.memory_space<vmem>>, vector<1x16xf32>,
        %swap3A_328 = vector.shape_cast %swap3A_327 : vector<1x16xf32> to vector<16xf32>
        %swap3A_329 = vector.shape_cast %mul3A_324 : vector<16xf32> to vector<1x16xf32>
        tpu.vector_store %arg15[%swap3A_325, %swap3A_326], %swap3A_329 {strides = array<i32>} : memref<128x128xf32, #tpu.memory_space<vmem>>, vector<1x16xf32>,
        %get3A_330 = arith.index_cast %add3A_309 : i32 to index
        %get3A_331 = arith.constant 32 : index
        %get3A_332 = tpu.vector_load %arg15[%get3A_330, %get3A_331] {strides = array<i32>} : memref<128x128xf32, #tpu.memory_space<vmem>>, vector<1x16xf32>,
        %get3A_333 = vector.shape_cast %get3A_332 : vector<1x16xf32> to vector<16xf32>
        %mul3A_334 = arith.mulf %get3A_333, %broadcast_in_dim3A_305 : vector<16xf32>
        %swap3A_335 = arith.index_cast %add3A_309 : i32 to index
        %swap3A_336 = arith.constant 32 : index
        %swap3A_337 = tpu.vector_load %arg15[%swap3A_335, %swap3A_336] {strides = array<i32>} : memref<128x128xf32, #tpu.memory_space<vmem>>, vector<1x16xf32>,
        %swap3A_338 = vector.shape_cast %swap3A_337 : vector<1x16xf32> to vector<16xf32>
        %swap3A_339 = vector.shape_cast %mul3A_334 : vector<16xf32> to vector<1x16xf32>
        tpu.vector_store %arg15[%swap3A_335, %swap3A_336], %swap3A_339 {strides = array<i32>} : memref<128x128xf32, #tpu.memory_space<vmem>>, vector<1x16xf32>,
        %get3A_340 = arith.index_cast %add3A_309 : i32 to index
        %get3A_341 = arith.constant 48 : index
        %get3A_342 = tpu.vector_load %arg15[%get3A_340, %get3A_341] {strides = array<i32>} : memref<128x128xf32, #tpu.memory_space<vmem>>, vector<1x16xf32>,
        %get3A_343 = vector.shape_cast %get3A_342 : vector<1x16xf32> to vector<16xf32>
        %mul3A_344 = arith.mulf %get3A_343, %broadcast_in_dim3A_305 : vector<16xf32>
        %swap3A_345 = arith.index_cast %add3A_309 : i32 to index
        %swap3A_346 = arith.constant 48 : index
        %swap3A_347 = tpu.vector_load %arg15[%swap3A_345, %swap3A_346] {strides = array<i32>} : memref<128x128xf32, #tpu.memory_space<vmem>>, vector<1x16xf32>,
        %swap3A_348 = vector.shape_cast %swap3A_347 : vector<1x16xf32> to vector<16xf32>
        %swap3A_349 = vector.shape_cast %mul3A_344 : vector<16xf32> to vector<1x16xf32>
        tpu.vector_store %arg15[%swap3A_345, %swap3A_346], %swap3A_349 {strides = array<i32>} : memref<128x128xf32, #tpu.memory_space<vmem>>, vector<1x16xf32>,
        %get3A_350 = arith.index_cast %add3A_309 : i32 to index
        %get3A_351 = arith.constant 64 : index
        %get3A_352 = tpu.vector_load %arg15[%get3A_350, %get3A_351] {strides = array<i32>} : memref<128x128xf32, #tpu.memory_space<vmem>>, vector<1x16xf32>,
        %get3A_353 = vector.shape_cast %get3A_352 : vector<1x16xf32> to vector<16xf32>
        %mul3A_354 = arith.mulf %get3A_353, %broadcast_in_dim3A_305 : vector<16xf32>
        %swap3A_355 = arith.index_cast %add3A_309 : i32 to index
        %swap3A_356 = arith.constant 64 : index
        %swap3A_357 = tpu.vector_load %arg15[%swap3A_355, %swap3A_356] {strides = array<i32>} : memref<128x128xf32, #tpu.memory_space<vmem>>, vector<1x16xf32>,
        %swap3A_358 = vector.shape_cast %swap3A_357 : vector<1x16xf32> to vector<16xf32>
        %swap3A_359 = vector.shape_cast %mul3A_354 : vector<16xf32> to vector<1x16xf32>
        tpu.vector_store %arg15[%swap3A_355, %swap3A_356], %swap3A_359 {strides = array<i32>} : memref<128x128xf32, #tpu.memory_space<vmem>>, vector<1x16xf32>,
        %get3A_360 = arith.index_cast %add3A_309 : i32 to index
        %get3A_361 = arith.constant 80 : index
        %get3A_362 = tpu.vector_load %arg15[%get3A_360, %get3A_361] {strides = array<i32>} : memref<128x128xf32, #tpu.memory_space<vmem>>, vector<1x16xf32>,
        %get3A_363 = vector.shape_cast %get3A_362 : vector<1x16xf32> to vector<16xf32>
        %mul3A_364 = arith.mulf %get3A_363, %broadcast_in_dim3A_305 : vector<16xf32>
        %swap3A_365 = arith.index_cast %add3A_309 : i32 to index
        %swap3A_366 = arith.constant 80 : index
        %swap3A_367 = tpu.vector_load %arg15[%swap3A_365, %swap3A_366] {strides = array<i32>} : memref<128x128xf32, #tpu.memory_space<vmem>>, vector<1x16xf32>,
        %swap3A_368 = vector.shape_cast %swap3A_367 : vector<1x16xf32> to vector<16xf32>
        %swap3A_369 = vector.shape_cast %mul3A_364 : vector<16xf32> to vector<1x16xf32>
        tpu.vector_store %arg15[%swap3A_365, %swap3A_366], %swap3A_369 {strides = array<i32>} : memref<128x128xf32, #tpu.memory_space<vmem>>, vector<1x16xf32>,
        %get3A_370 = arith.index_cast %add3A_309 : i32 to index
        %get3A_371 = arith.constant 96 : index
        %get3A_372 = tpu.vector_load %arg15[%get3A_370, %get3A_371] {strides = array<i32>} : memref<128x128xf32, #tpu.memory_space<vmem>>, vector<1x16xf32>,
        %get3A_373 = vector.shape_cast %get3A_372 : vector<1x16xf32> to vector<16xf32>
        %mul3A_374 = arith.mulf %get3A_373, %broadcast_in_dim3A_305 : vector<16xf32>
        %swap3A_375 = arith.index_cast %add3A_309 : i32 to index
        %swap3A_376 = arith.constant 96 : index
        %swap3A_377 = tpu.vector_load %arg15[%swap3A_375, %swap3A_376] {strides = array<i32>} : memref<128x128xf32, #tpu.memory_space<vmem>>, vector<1x16xf32>,
        %swap3A_378 = vector.shape_cast %swap3A_377 : vector<1x16xf32> to vector<16xf32>
        %swap3A_379 = vector.shape_cast %mul3A_374 : vector<16xf32> to vector<1x16xf32>
        tpu.vector_store %arg15[%swap3A_375, %swap3A_376], %swap3A_379 {strides = array<i32>} : memref<128x128xf32, #tpu.memory_space<vmem>>, vector<1x16xf32>,
        %get3A_380 = arith.index_cast %add3A_309 : i32 to index
        %get3A_381 = arith.constant 112 : index
        %get3A_382 = tpu.vector_load %arg15[%get3A_380, %get3A_381] {strides = array<i32>} : memref<128x128xf32, #tpu.memory_space<vmem>>, vector<1x16xf32>,
        %get3A_383 = vector.shape_cast %get3A_382 : vector<1x16xf32> to vector<16xf32>
        %mul3A_384 = arith.mulf %get3A_383, %broadcast_in_dim3A_305 : vector<16xf32>
        %swap3A_385 = arith.index_cast %add3A_309 : i32 to index
        %swap3A_386 = arith.constant 112 : index
        %swap3A_387 = tpu.vector_load %arg15[%swap3A_385, %swap3A_386] {strides = array<i32>} : memref<128x128xf32, #tpu.memory_space<vmem>>, vector<1x16xf32>,
        %swap3A_388 = vector.shape_cast %swap3A_387 : vector<1x16xf32> to vector<16xf32>
        %swap3A_389 = vector.shape_cast %mul3A_384 : vector<16xf32> to vector<1x16xf32>
        tpu.vector_store %arg15[%swap3A_385, %swap3A_386], %swap3A_389 {strides = array<i32>} : memref<128x128xf32, #tpu.memory_space<vmem>>, vector<1x16xf32>,
        %slice3A_390 = vector.extract_strided_slice %get3A_45 {offsets = [4], sizes = [1], strides = [1]} : vector<16xf32> to vector<1xf32>
        %squeeze3A_391 = vector.extract %slice3A_390[0] : f32 from vector<1xf32>
        %broadcast_in_dim3A_392 = vector.broadcast %squeeze3A_391 : f32 to vector<16xf32>
        %mul3A_393 = arith.constant 16 : i32
        %mul3A_394 = arith.muli %scan3A_41, %mul3A_393 : i32
        %add3A_395 = arith.constant 4 : i32
        %add3A_396 = arith.addi %mul3A_394, %add3A_395 : i32
        %get3A_397 = arith.index_cast %add3A_396 : i32 to index
        %get3A_398 = arith.constant 0 : index
        %get3A_399 = tpu.vector_load %arg15[%get3A_397, %get3A_398] {strides = array<i32>} : memref<128x128xf32, #tpu.memory_space<vmem>>, vector<1x16xf32>,
        %get3A_400 = vector.shape_cast %get3A_399 : vector<1x16xf32> to vector<16xf32>
        %mul3A_401 = arith.mulf %get3A_400, %broadcast_in_dim3A_392 : vector<16xf32>
        %swap3A_402 = arith.index_cast %add3A_396 : i32 to index
        %swap3A_403 = arith.constant 0 : index
        %swap3A_404 = tpu.vector_load %arg15[%swap3A_402, %swap3A_403] {strides = array<i32>} : memref<128x128xf32, #tpu.memory_space<vmem>>, vector<1x16xf32>,
        %swap3A_405 = vector.shape_cast %swap3A_404 : vector<1x16xf32> to vector<16xf32>
        %swap3A_406 = vector.shape_cast %mul3A_401 : vector<16xf32> to vector<1x16xf32>
        tpu.vector_store %arg15[%swap3A_402, %swap3A_403], %swap3A_406 {strides = array<i32>} : memref<128x128xf32, #tpu.memory_space<vmem>>, vector<1x16xf32>,
        %get3A_407 = arith.index_cast %add3A_396 : i32 to index
        %get3A_408 = arith.constant 16 : index
        %get3A_409 = tpu.vector_load %arg15[%get3A_407, %get3A_408] {strides = array<i32>} : memref<128x128xf32, #tpu.memory_space<vmem>>, vector<1x16xf32>,
        %get3A_410 = vector.shape_cast %get3A_409 : vector<1x16xf32> to vector<16xf32>
        %mul3A_411 = arith.mulf %get3A_410, %broadcast_in_dim3A_392 : vector<16xf32>
        %swap3A_412 = arith.index_cast %add3A_396 : i32 to index
        %swap3A_413 = arith.constant 16 : index
        %swap3A_414 = tpu.vector_load %arg15[%swap3A_412, %swap3A_413] {strides = array<i32>} : memref<128x128xf32, #tpu.memory_space<vmem>>, vector<1x16xf32>,
        %swap3A_415 = vector.shape_cast %swap3A_414 : vector<1x16xf32> to vector<16xf32>
        %swap3A_416 = vector.shape_cast %mul3A_411 : vector<16xf32> to vector<1x16xf32>
        tpu.vector_store %arg15[%swap3A_412, %swap3A_413], %swap3A_416 {strides = array<i32>} : memref<128x128xf32, #tpu.memory_space<vmem>>, vector<1x16xf32>,
        %get3A_417 = arith.index_cast %add3A_396 : i32 to index
        %get3A_418 = arith.constant 32 : index
        %get3A_419 = tpu.vector_load %arg15[%get3A_417, %get3A_418] {strides = array<i32>} : memref<128x128xf32, #tpu.memory_space<vmem>>, vector<1x16xf32>,
        %get3A_420 = vector.shape_cast %get3A_419 : vector<1x16xf32> to vector<16xf32>
        %mul3A_421 = arith.mulf %get3A_420, %broadcast_in_dim3A_392 : vector<16xf32>
        %swap3A_422 = arith.index_cast %add3A_396 : i32 to index
        %swap3A_423 = arith.constant 32 : index
        %swap3A_424 = tpu.vector_load %arg15[%swap3A_422, %swap3A_423] {strides = array<i32>} : memref<128x128xf32, #tpu.memory_space<vmem>>, vector<1x16xf32>,
        %swap3A_425 = vector.shape_cast %swap3A_424 : vector<1x16xf32> to vector<16xf32>
        %swap3A_426 = vector.shape_cast %mul3A_421 : vector<16xf32> to vector<1x16xf32>
        tpu.vector_store %arg15[%swap3A_422, %swap3A_423], %swap3A_426 {strides = array<i32>} : memref<128x128xf32, #tpu.memory_space<vmem>>, vector<1x16xf32>,
        %get3A_427 = arith.index_cast %add3A_396 : i32 to index
        %get3A_428 = arith.constant 48 : index
        %get3A_429 = tpu.vector_load %arg15[%get3A_427, %get3A_428] {strides = array<i32>} : memref<128x128xf32, #tpu.memory_space<vmem>>, vector<1x16xf32>,
        %get3A_430 = vector.shape_cast %get3A_429 : vector<1x16xf32> to vector<16xf32>
        %mul3A_431 = arith.mulf %get3A_430, %broadcast_in_dim3A_392 : vector<16xf32>
        %swap3A_432 = arith.index_cast %add3A_396 : i32 to index
        %swap3A_433 = arith.constant 48 : index
        %swap3A_434 = tpu.vector_load %arg15[%swap3A_432, %swap3A_433] {strides = array<i32>} : memref<128x128xf32, #tpu.memory_space<vmem>>, vector<1x16xf32>,
        %swap3A_435 = vector.shape_cast %swap3A_434 : vector<1x16xf32> to vector<16xf32>
        %swap3A_436 = vector.shape_cast %mul3A_431 : vector<16xf32> to vector<1x16xf32>
        tpu.vector_store %arg15[%swap3A_432, %swap3A_433], %swap3A_436 {strides = array<i32>} : memref<128x128xf32, #tpu.memory_space<vmem>>, vector<1x16xf32>,
        %get3A_437 = arith.index_cast %add3A_396 : i32 to index
        %get3A_438 = arith.constant 64 : index
        %get3A_439 = tpu.vector_load %arg15[%get3A_437, %get3A_438] {strides = array<i32>} : memref<128x128xf32, #tpu.memory_space<vmem>>, vector<1x16xf32>,
        %get3A_440 = vector.shape_cast %get3A_439 : vector<1x16xf32> to vector<16xf32>
        %mul3A_441 = arith.mulf %get3A_440, %broadcast_in_dim3A_392 : vector<16xf32>
        %swap3A_442 = arith.index_cast %add3A_396 : i32 to index
        %swap3A_443 = arith.constant 64 : index
        %swap3A_444 = tpu.vector_load %arg15[%swap3A_442, %swap3A_443] {strides = array<i32>} : memref<128x128xf32, #tpu.memory_space<vmem>>, vector<1x16xf32>,
        %swap3A_445 = vector.shape_cast %swap3A_444 : vector<1x16xf32> to vector<16xf32>
        %swap3A_446 = vector.shape_cast %mul3A_441 : vector<16xf32> to vector<1x16xf32>
        tpu.vector_store %arg15[%swap3A_442, %swap3A_443], %swap3A_446 {strides = array<i32>} : memref<128x128xf32, #tpu.memory_space<vmem>>, vector<1x16xf32>,
        %get3A_447 = arith.index_cast %add3A_396 : i32 to index
        %get3A_448 = arith.constant 80 : index
        %get3A_449 = tpu.vector_load %arg15[%get3A_447, %get3A_448] {strides = array<i32>} : memref<128x128xf32, #tpu.memory_space<vmem>>, vector<1x16xf32>,
        %get3A_450 = vector.shape_cast %get3A_449 : vector<1x16xf32> to vector<16xf32>
        %mul3A_451 = arith.mulf %get3A_450, %broadcast_in_dim3A_392 : vector<16xf32>
        %swap3A_452 = arith.index_cast %add3A_396 : i32 to index
        %swap3A_453 = arith.constant 80 : index
        %swap3A_454 = tpu.vector_load %arg15[%swap3A_452, %swap3A_453] {strides = array<i32>} : memref<128x128xf32, #tpu.memory_space<vmem>>, vector<1x16xf32>,
        %swap3A_455 = vector.shape_cast %swap3A_454 : vector<1x16xf32> to vector<16xf32>
        %swap3A_456 = vector.shape_cast %mul3A_451 : vector<16xf32> to vector<1x16xf32>
        tpu.vector_store %arg15[%swap3A_452, %swap3A_453], %swap3A_456 {strides = array<i32>} : memref<128x128xf32, #tpu.memory_space<vmem>>, vector<1x16xf32>,
        %get3A_457 = arith.index_cast %add3A_396 : i32 to index
        %get3A_458 = arith.constant 96 : index
        %get3A_459 = tpu.vector_load %arg15[%get3A_457, %get3A_458] {strides = array<i32>} : memref<128x128xf32, #tpu.memory_space<vmem>>, vector<1x16xf32>,
        %get3A_460 = vector.shape_cast %get3A_459 : vector<1x16xf32> to vector<16xf32>
        %mul3A_461 = arith.mulf %get3A_460, %broadcast_in_dim3A_392 : vector<16xf32>
        %swap3A_462 = arith.index_cast %add3A_396 : i32 to index
        %swap3A_463 = arith.constant 96 : index
        %swap3A_464 = tpu.vector_load %arg15[%swap3A_462, %swap3A_463] {strides = array<i32>} : memref<128x128xf32, #tpu.memory_space<vmem>>, vector<1x16xf32>,
        %swap3A_465 = vector.shape_cast %swap3A_464 : vector<1x16xf32> to vector<16xf32>
        %swap3A_466 = vector.shape_cast %mul3A_461 : vector<16xf32> to vector<1x16xf32>
        tpu.vector_store %arg15[%swap3A_462, %swap3A_463], %swap3A_466 {strides = array<i32>} : memref<128x128xf32, #tpu.memory_space<vmem>>, vector<1x16xf32>,
        %get3A_467 = arith.index_cast %add3A_396 : i32 to index
        %get3A_468 = arith.constant 112 : index
        %get3A_469 = tpu.vector_load %arg15[%get3A_467, %get3A_468] {strides = array<i32>} : memref<128x128xf32, #tpu.memory_space<vmem>>, vector<1x16xf32>,
        %get3A_470 = vector.shape_cast %get3A_469 : vector<1x16xf32> to vector<16xf32>
        %mul3A_471 = arith.mulf %get3A_470, %broadcast_in_dim3A_392 : vector<16xf32>
        %swap3A_472 = arith.index_cast %add3A_396 : i32 to index
        %swap3A_473 = arith.constant 112 : index
        %swap3A_474 = tpu.vector_load %arg15[%swap3A_472, %swap3A_473] {strides = array<i32>} : memref<128x128xf32, #tpu.memory_space<vmem>>, vector<1x16xf32>,
        %swap3A_475 = vector.shape_cast %swap3A_474 : vector<1x16xf32> to vector<16xf32>
        %swap3A_476 = vector.shape_cast %mul3A_471 : vector<16xf32> to vector<1x16xf32>
        tpu.vector_store %arg15[%swap3A_472, %swap3A_473], %swap3A_476 {strides = array<i32>} : memref<128x128xf32, #tpu.memory_space<vmem>>, vector<1x16xf32>,
        %slice3A_477 = vector.extract_strided_slice %get3A_45 {offsets = [5], sizes = [1], strides = [1]} : vector<16xf32> to vector<1xf32>
        %squeeze3A_478 = vector.extract %slice3A_477[0] : f32 from vector<1xf32>
        %broadcast_in_dim3A_479 = vector.broadcast %squeeze3A_478 : f32 to vector<16xf32>
        %mul3A_480 = arith.constant 16 : i32
        %mul3A_481 = arith.muli %scan3A_41, %mul3A_480 : i32
        %add3A_482 = arith.constant 5 : i32
        %add3A_483 = arith.addi %mul3A_481, %add3A_482 : i32
        %get3A_484 = arith.index_cast %add3A_483 : i32 to index
        %get3A_485 = arith.constant 0 : index
        %get3A_486 = tpu.vector_load %arg15[%get3A_484, %get3A_485] {strides = array<i32>} : memref<128x128xf32, #tpu.memory_space<vmem>>, vector<1x16xf32>,
        %get3A_487 = vector.shape_cast %get3A_486 : vector<1x16xf32> to vector<16xf32>
        %mul3A_488 = arith.mulf %get3A_487, %broadcast_in_dim3A_479 : vector<16xf32>
        %swap3A_489 = arith.index_cast %add3A_483 : i32 to index
        %swap3A_490 = arith.constant 0 : index
        %swap3A_491 = tpu.vector_load %arg15[%swap3A_489, %swap3A_490] {strides = array<i32>} : memref<128x128xf32, #tpu.memory_space<vmem>>, vector<1x16xf32>,
        %swap3A_492 = vector.shape_cast %swap3A_491 : vector<1x16xf32> to vector<16xf32>
        %swap3A_493 = vector.shape_cast %mul3A_488 : vector<16xf32> to vector<1x16xf32>
        tpu.vector_store %arg15[%swap3A_489, %swap3A_490], %swap3A_493 {strides = array<i32>} : memref<128x128xf32, #tpu.memory_space<vmem>>, vector<1x16xf32>,
        %get3A_494 = arith.index_cast %add3A_483 : i32 to index
        %get3A_495 = arith.constant 16 : index
        %get3A_496 = tpu.vector_load %arg15[%get3A_494, %get3A_495] {strides = array<i32>} : memref<128x128xf32, #tpu.memory_space<vmem>>, vector<1x16xf32>,
        %get3A_497 = vector.shape_cast %get3A_496 : vector<1x16xf32> to vector<16xf32>
        %mul3A_498 = arith.mulf %get3A_497, %broadcast_in_dim3A_479 : vector<16xf32>
        %swap3A_499 = arith.index_cast %add3A_483 : i32 to index
        %swap3A_500 = arith.constant 16 : index
        %swap3A_501 = tpu.vector_load %arg15[%swap3A_499, %swap3A_500] {strides = array<i32>} : memref<128x128xf32, #tpu.memory_space<vmem>>, vector<1x16xf32>,
        %swap3A_502 = vector.shape_cast %swap3A_501 : vector<1x16xf32> to vector<16xf32>
        %swap3A_503 = vector.shape_cast %mul3A_498 : vector<16xf32> to vector<1x16xf32>
        tpu.vector_store %arg15[%swap3A_499, %swap3A_500], %swap3A_503 {strides = array<i32>} : memref<128x128xf32, #tpu.memory_space<vmem>>, vector<1x16xf32>,
        %get3A_504 = arith.index_cast %add3A_483 : i32 to index
        %get3A_505 = arith.constant 32 : index
        %get3A_506 = tpu.vector_load %arg15[%get3A_504, %get3A_505] {strides = array<i32>} : memref<128x128xf32, #tpu.memory_space<vmem>>, vector<1x16xf32>,
        %get3A_507 = vector.shape_cast %get3A_506 : vector<1x16xf32> to vector<16xf32>
        %mul3A_508 = arith.mulf %get3A_507, %broadcast_in_dim3A_479 : vector<16xf32>
        %swap3A_509 = arith.index_cast %add3A_483 : i32 to index
        %swap3A_510 = arith.constant 32 : index
        %swap3A_511 = tpu.vector_load %arg15[%swap3A_509, %swap3A_510] {strides = array<i32>} : memref<128x128xf32, #tpu.memory_space<vmem>>, vector<1x16xf32>,
        %swap3A_512 = vector.shape_cast %swap3A_511 : vector<1x16xf32> to vector<16xf32>
        %swap3A_513 = vector.shape_cast %mul3A_508 : vector<16xf32> to vector<1x16xf32>
        tpu.vector_store %arg15[%swap3A_509, %swap3A_510], %swap3A_513 {strides = array<i32>} : memref<128x128xf32, #tpu.memory_space<vmem>>, vector<1x16xf32>,
        %get3A_514 = arith.index_cast %add3A_483 : i32 to index
        %get3A_515 = arith.constant 48 : index
        %get3A_516 = tpu.vector_load %arg15[%get3A_514, %get3A_515] {strides = array<i32>} : memref<128x128xf32, #tpu.memory_space<vmem>>, vector<1x16xf32>,
        %get3A_517 = vector.shape_cast %get3A_516 : vector<1x16xf32> to vector<16xf32>
        %mul3A_518 = arith.mulf %get3A_517, %broadcast_in_dim3A_479 : vector<16xf32>
        %swap3A_519 = arith.index_cast %add3A_483 : i32 to index
        %swap3A_520 = arith.constant 48 : index
        %swap3A_521 = tpu.vector_load %arg15[%swap3A_519, %swap3A_520] {strides = array<i32>} : memref<128x128xf32, #tpu.memory_space<vmem>>, vector<1x16xf32>,
        %swap3A_522 = vector.shape_cast %swap3A_521 : vector<1x16xf32> to vector<16xf32>
        %swap3A_523 = vector.shape_cast %mul3A_518 : vector<16xf32> to vector<1x16xf32>
        tpu.vector_store %arg15[%swap3A_519, %swap3A_520], %swap3A_523 {strides = array<i32>} : memref<128x128xf32, #tpu.memory_space<vmem>>, vector<1x16xf32>,
        %get3A_524 = arith.index_cast %add3A_483 : i32 to index
        %get3A_525 = arith.constant 64 : index
        %get3A_526 = tpu.vector_load %arg15[%get3A_524, %get3A_525] {strides = array<i32>} : memref<128x128xf32, #tpu.memory_space<vmem>>, vector<1x16xf32>,
        %get3A_527 = vector.shape_cast %get3A_526 : vector<1x16xf32> to vector<16xf32>
        %mul3A_528 = arith.mulf %get3A_527, %broadcast_in_dim3A_479 : vector<16xf32>
        %swap3A_529 = arith.index_cast %add3A_483 : i32 to index
        %swap3A_530 = arith.constant 64 : index
        %swap3A_531 = tpu.vector_load %arg15[%swap3A_529, %swap3A_530] {strides = array<i32>} : memref<128x128xf32, #tpu.memory_space<vmem>>, vector<1x16xf32>,
        %swap3A_532 = vector.shape_cast %swap3A_531 : vector<1x16xf32> to vector<16xf32>
        %swap3A_533 = vector.shape_cast %mul3A_528 : vector<16xf32> to vector<1x16xf32>
        tpu.vector_store %arg15[%swap3A_529, %swap3A_530], %swap3A_533 {strides = array<i32>} : memref<128x128xf32, #tpu.memory_space<vmem>>, vector<1x16xf32>,
        %get3A_534 = arith.index_cast %add3A_483 : i32 to index
        %get3A_535 = arith.constant 80 : index
        %get3A_536 = tpu.vector_load %arg15[%get3A_534, %get3A_535] {strides = array<i32>} : memref<128x128xf32, #tpu.memory_space<vmem>>, vector<1x16xf32>,
        %get3A_537 = vector.shape_cast %get3A_536 : vector<1x16xf32> to vector<16xf32>
        %mul3A_538 = arith.mulf %get3A_537, %broadcast_in_dim3A_479 : vector<16xf32>
        %swap3A_539 = arith.index_cast %add3A_483 : i32 to index
        %swap3A_540 = arith.constant 80 : index
        %swap3A_541 = tpu.vector_load %arg15[%swap3A_539, %swap3A_540] {strides = array<i32>} : memref<128x128xf32, #tpu.memory_space<vmem>>, vector<1x16xf32>,
        %swap3A_542 = vector.shape_cast %swap3A_541 : vector<1x16xf32> to vector<16xf32>
        %swap3A_543 = vector.shape_cast %mul3A_538 : vector<16xf32> to vector<1x16xf32>
        tpu.vector_store %arg15[%swap3A_539, %swap3A_540], %swap3A_543 {strides = array<i32>} : memref<128x128xf32, #tpu.memory_space<vmem>>, vector<1x16xf32>,
        %get3A_544 = arith.index_cast %add3A_483 : i32 to index
        %get3A_545 = arith.constant 96 : index
        %get3A_546 = tpu.vector_load %arg15[%get3A_544, %get3A_545] {strides = array<i32>} : memref<128x128xf32, #tpu.memory_space<vmem>>, vector<1x16xf32>,
        %get3A_547 = vector.shape_cast %get3A_546 : vector<1x16xf32> to vector<16xf32>
        %mul3A_548 = arith.mulf %get3A_547, %broadcast_in_dim3A_479 : vector<16xf32>
        %swap3A_549 = arith.index_cast %add3A_483 : i32 to index
        %swap3A_550 = arith.constant 96 : index
        %swap3A_551 = tpu.vector_load %arg15[%swap3A_549, %swap3A_550] {strides = array<i32>} : memref<128x128xf32, #tpu.memory_space<vmem>>, vector<1x16xf32>,
        %swap3A_552 = vector.shape_cast %swap3A_551 : vector<1x16xf32> to vector<16xf32>
        %swap3A_553 = vector.shape_cast %mul3A_548 : vector<16xf32> to vector<1x16xf32>
        tpu.vector_store %arg15[%swap3A_549, %swap3A_550], %swap3A_553 {strides = array<i32>} : memref<128x128xf32, #tpu.memory_space<vmem>>, vector<1x16xf32>,
        %get3A_554 = arith.index_cast %add3A_483 : i32 to index
        %get3A_555 = arith.constant 112 : index
        %get3A_556 = tpu.vector_load %arg15[%get3A_554, %get3A_555] {strides = array<i32>} : memref<128x128xf32, #tpu.memory_space<vmem>>, vector<1x16xf32>,
        %get3A_557 = vector.shape_cast %get3A_556 : vector<1x16xf32> to vector<16xf32>
        %mul3A_558 = arith.mulf %get3A_557, %broadcast_in_dim3A_479 : vector<16xf32>
        %swap3A_559 = arith.index_cast %add3A_483 : i32 to index
        %swap3A_560 = arith.constant 112 : index
        %swap3A_561 = tpu.vector_load %arg15[%swap3A_559, %swap3A_560] {strides = array<i32>} : memref<128x128xf32, #tpu.memory_space<vmem>>, vector<1x16xf32>,
        %swap3A_562 = vector.shape_cast %swap3A_561 : vector<1x16xf32> to vector<16xf32>
        %swap3A_563 = vector.shape_cast %mul3A_558 : vector<16xf32> to vector<1x16xf32>
        tpu.vector_store %arg15[%swap3A_559, %swap3A_560], %swap3A_563 {strides = array<i32>} : memref<128x128xf32, #tpu.memory_space<vmem>>, vector<1x16xf32>,
        %slice3A_564 = vector.extract_strided_slice %get3A_45 {offsets = [6], sizes = [1], strides = [1]} : vector<16xf32> to vector<1xf32>
        %squeeze3A_565 = vector.extract %slice3A_564[0] : f32 from vector<1xf32>
        %broadcast_in_dim3A_566 = vector.broadcast %squeeze3A_565 : f32 to vector<16xf32>
        %mul3A_567 = arith.constant 16 : i32
        %mul3A_568 = arith.muli %scan3A_41, %mul3A_567 : i32
        %add3A_569 = arith.constant 6 : i32
        %add3A_570 = arith.addi %mul3A_568, %add3A_569 : i32
        %get3A_571 = arith.index_cast %add3A_570 : i32 to index
        %get3A_572 = arith.constant 0 : index
        %get3A_573 = tpu.vector_load %arg15[%get3A_571, %get3A_572] {strides = array<i32>} : memref<128x128xf32, #tpu.memory_space<vmem>>, vector<1x16xf32>,
        %get3A_574 = vector.shape_cast %get3A_573 : vector<1x16xf32> to vector<16xf32>
        %mul3A_575 = arith.mulf %get3A_574, %broadcast_in_dim3A_566 : vector<16xf32>
        %swap3A_576 = arith.index_cast %add3A_570 : i32 to index
        %swap3A_577 = arith.constant 0 : index
        %swap3A_578 = tpu.vector_load %arg15[%swap3A_576, %swap3A_577] {strides = array<i32>} : memref<128x128xf32, #tpu.memory_space<vmem>>, vector<1x16xf32>,
        %swap3A_579 = vector.shape_cast %swap3A_578 : vector<1x16xf32> to vector<16xf32>
        %swap3A_580 = vector.shape_cast %mul3A_575 : vector<16xf32> to vector<1x16xf32>
        tpu.vector_store %arg15[%swap3A_576, %swap3A_577], %swap3A_580 {strides = array<i32>} : memref<128x128xf32, #tpu.memory_space<vmem>>, vector<1x16xf32>,
        %get3A_581 = arith.index_cast %add3A_570 : i32 to index
        %get3A_582 = arith.constant 16 : index
        %get3A_583 = tpu.vector_load %arg15[%get3A_581, %get3A_582] {strides = array<i32>} : memref<128x128xf32, #tpu.memory_space<vmem>>, vector<1x16xf32>,
        %get3A_584 = vector.shape_cast %get3A_583 : vector<1x16xf32> to vector<16xf32>
        %mul3A_585 = arith.mulf %get3A_584, %broadcast_in_dim3A_566 : vector<16xf32>
        %swap3A_586 = arith.index_cast %add3A_570 : i32 to index
        %swap3A_587 = arith.constant 16 : index
        %swap3A_588 = tpu.vector_load %arg15[%swap3A_586, %swap3A_587] {strides = array<i32>} : memref<128x128xf32, #tpu.memory_space<vmem>>, vector<1x16xf32>,
        %swap3A_589 = vector.shape_cast %swap3A_588 : vector<1x16xf32> to vector<16xf32>
        %swap3A_590 = vector.shape_cast %mul3A_585 : vector<16xf32> to vector<1x16xf32>
        tpu.vector_store %arg15[%swap3A_586, %swap3A_587], %swap3A_590 {strides = array<i32>} : memref<128x128xf32, #tpu.memory_space<vmem>>, vector<1x16xf32>,
        %get3A_591 = arith.index_cast %add3A_570 : i32 to index
        %get3A_592 = arith.constant 32 : index
        %get3A_593 = tpu.vector_load %arg15[%get3A_591, %get3A_592] {strides = array<i32>} : memref<128x128xf32, #tpu.memory_space<vmem>>, vector<1x16xf32>,
        %get3A_594 = vector.shape_cast %get3A_593 : vector<1x16xf32> to vector<16xf32>
        %mul3A_595 = arith.mulf %get3A_594, %broadcast_in_dim3A_566 : vector<16xf32>
        %swap3A_596 = arith.index_cast %add3A_570 : i32 to index
        %swap3A_597 = arith.constant 32 : index
        %swap3A_598 = tpu.vector_load %arg15[%swap3A_596, %swap3A_597] {strides = array<i32>} : memref<128x128xf32, #tpu.memory_space<vmem>>, vector<1x16xf32>,
        %swap3A_599 = vector.shape_cast %swap3A_598 : vector<1x16xf32> to vector<16xf32>
        %swap3A_600 = vector.shape_cast %mul3A_595 : vector<16xf32> to vector<1x16xf32>
        tpu.vector_store %arg15[%swap3A_596, %swap3A_597], %swap3A_600 {strides = array<i32>} : memref<128x128xf32, #tpu.memory_space<vmem>>, vector<1x16xf32>,
        %get3A_601 = arith.index_cast %add3A_570 : i32 to index
        %get3A_602 = arith.constant 48 : index
        %get3A_603 = tpu.vector_load %arg15[%get3A_601, %get3A_602] {strides = array<i32>} : memref<128x128xf32, #tpu.memory_space<vmem>>, vector<1x16xf32>,
        %get3A_604 = vector.shape_cast %get3A_603 : vector<1x16xf32> to vector<16xf32>
        %mul3A_605 = arith.mulf %get3A_604, %broadcast_in_dim3A_566 : vector<16xf32>
        %swap3A_606 = arith.index_cast %add3A_570 : i32 to index
        %swap3A_607 = arith.constant 48 : index
        %swap3A_608 = tpu.vector_load %arg15[%swap3A_606, %swap3A_607] {strides = array<i32>} : memref<128x128xf32, #tpu.memory_space<vmem>>, vector<1x16xf32>,
        %swap3A_609 = vector.shape_cast %swap3A_608 : vector<1x16xf32> to vector<16xf32>
        %swap3A_610 = vector.shape_cast %mul3A_605 : vector<16xf32> to vector<1x16xf32>
        tpu.vector_store %arg15[%swap3A_606, %swap3A_607], %swap3A_610 {strides = array<i32>} : memref<128x128xf32, #tpu.memory_space<vmem>>, vector<1x16xf32>,
        %get3A_611 = arith.index_cast %add3A_570 : i32 to index
        %get3A_612 = arith.constant 64 : index
        %get3A_613 = tpu.vector_load %arg15[%get3A_611, %get3A_612] {strides = array<i32>} : memref<128x128xf32, #tpu.memory_space<vmem>>, vector<1x16xf32>,
        %get3A_614 = vector.shape_cast %get3A_613 : vector<1x16xf32> to vector<16xf32>
        %mul3A_615 = arith.mulf %get3A_614, %broadcast_in_dim3A_566 : vector<16xf32>
        %swap3A_616 = arith.index_cast %add3A_570 : i32 to index
        %swap3A_617 = arith.constant 64 : index
        %swap3A_618 = tpu.vector_load %arg15[%swap3A_616, %swap3A_617] {strides = array<i32>} : memref<128x128xf32, #tpu.memory_space<vmem>>, vector<1x16xf32>,
        %swap3A_619 = vector.shape_cast %swap3A_618 : vector<1x16xf32> to vector<16xf32>
        %swap3A_620 = vector.shape_cast %mul3A_615 : vector<16xf32> to vector<1x16xf32>
        tpu.vector_store %arg15[%swap3A_616, %swap3A_617], %swap3A_620 {strides = array<i32>} : memref<128x128xf32, #tpu.memory_space<vmem>>, vector<1x16xf32>,
        %get3A_621 = arith.index_cast %add3A_570 : i32 to index
        %get3A_622 = arith.constant 80 : index
        %get3A_623 = tpu.vector_load %arg15[%get3A_621, %get3A_622] {strides = array<i32>} : memref<128x128xf32, #tpu.memory_space<vmem>>, vector<1x16xf32>,
        %get3A_624 = vector.shape_cast %get3A_623 : vector<1x16xf32> to vector<16xf32>
        %mul3A_625 = arith.mulf %get3A_624, %broadcast_in_dim3A_566 : vector<16xf32>
        %swap3A_626 = arith.index_cast %add3A_570 : i32 to index
        %swap3A_627 = arith.constant 80 : index
        %swap3A_628 = tpu.vector_load %arg15[%swap3A_626, %swap3A_627] {strides = array<i32>} : memref<128x128xf32, #tpu.memory_space<vmem>>, vector<1x16xf32>,
        %swap3A_629 = vector.shape_cast %swap3A_628 : vector<1x16xf32> to vector<16xf32>
        %swap3A_630 = vector.shape_cast %mul3A_625 : vector<16xf32> to vector<1x16xf32>
        tpu.vector_store %arg15[%swap3A_626, %swap3A_627], %swap3A_630 {strides = array<i32>} : memref<128x128xf32, #tpu.memory_space<vmem>>, vector<1x16xf32>,
        %get3A_631 = arith.index_cast %add3A_570 : i32 to index
        %get3A_632 = arith.constant 96 : index
        %get3A_633 = tpu.vector_load %arg15[%get3A_631, %get3A_632] {strides = array<i32>} : memref<128x128xf32, #tpu.memory_space<vmem>>, vector<1x16xf32>,
        %get3A_634 = vector.shape_cast %get3A_633 : vector<1x16xf32> to vector<16xf32>
        %mul3A_635 = arith.mulf %get3A_634, %broadcast_in_dim3A_566 : vector<16xf32>
        %swap3A_636 = arith.index_cast %add3A_570 : i32 to index
        %swap3A_637 = arith.constant 96 : index
        %swap3A_638 = tpu.vector_load %arg15[%swap3A_636, %swap3A_637] {strides = array<i32>} : memref<128x128xf32, #tpu.memory_space<vmem>>, vector<1x16xf32>,
        %swap3A_639 = vector.shape_cast %swap3A_638 : vector<1x16xf32> to vector<16xf32>
        %swap3A_640 = vector.shape_cast %mul3A_635 : vector<16xf32> to vector<1x16xf32>
        tpu.vector_store %arg15[%swap3A_636, %swap3A_637], %swap3A_640 {strides = array<i32>} : memref<128x128xf32, #tpu.memory_space<vmem>>, vector<1x16xf32>,
        %get3A_641 = arith.index_cast %add3A_570 : i32 to index
        %get3A_642 = arith.constant 112 : index
        %get3A_643 = tpu.vector_load %arg15[%get3A_641, %get3A_642] {strides = array<i32>} : memref<128x128xf32, #tpu.memory_space<vmem>>, vector<1x16xf32>,
        %get3A_644 = vector.shape_cast %get3A_643 : vector<1x16xf32> to vector<16xf32>
        %mul3A_645 = arith.mulf %get3A_644, %broadcast_in_dim3A_566 : vector<16xf32>
        %swap3A_646 = arith.index_cast %add3A_570 : i32 to index
        %swap3A_647 = arith.constant 112 : index
        %swap3A_648 = tpu.vector_load %arg15[%swap3A_646, %swap3A_647] {strides = array<i32>} : memref<128x128xf32, #tpu.memory_space<vmem>>, vector<1x16xf32>,
        %swap3A_649 = vector.shape_cast %swap3A_648 : vector<1x16xf32> to vector<16xf32>
        %swap3A_650 = vector.shape_cast %mul3A_645 : vector<16xf32> to vector<1x16xf32>
        tpu.vector_store %arg15[%swap3A_646, %swap3A_647], %swap3A_650 {strides = array<i32>} : memref<128x128xf32, #tpu.memory_space<vmem>>, vector<1x16xf32>,
        %slice3A_651 = vector.extract_strided_slice %get3A_45 {offsets = [7], sizes = [1], strides = [1]} : vector<16xf32> to vector<1xf32>
        %squeeze3A_652 = vector.extract %slice3A_651[0] : f32 from vector<1xf32>
        %broadcast_in_dim3A_653 = vector.broadcast %squeeze3A_652 : f32 to vector<16xf32>
        %mul3A_654 = arith.constant 16 : i32
        %mul3A_655 = arith.muli %scan3A_41, %mul3A_654 : i32
        %add3A_656 = arith.constant 7 : i32
        %add3A_657 = arith.addi %mul3A_655, %add3A_656 : i32
        %get3A_658 = arith.index_cast %add3A_657 : i32 to index
        %get3A_659 = arith.constant 0 : index
        %get3A_660 = tpu.vector_load %arg15[%get3A_658, %get3A_659] {strides = array<i32>} : memref<128x128xf32, #tpu.memory_space<vmem>>, vector<1x16xf32>,
        %get3A_661 = vector.shape_cast %get3A_660 : vector<1x16xf32> to vector<16xf32>
        %mul3A_662 = arith.mulf %get3A_661, %broadcast_in_dim3A_653 : vector<16xf32>
        %swap3A_663 = arith.index_cast %add3A_657 : i32 to index
        %swap3A_664 = arith.constant 0 : index
        %swap3A_665 = tpu.vector_load %arg15[%swap3A_663, %swap3A_664] {strides = array<i32>} : memref<128x128xf32, #tpu.memory_space<vmem>>, vector<1x16xf32>,
        %swap3A_666 = vector.shape_cast %swap3A_665 : vector<1x16xf32> to vector<16xf32>
        %swap3A_667 = vector.shape_cast %mul3A_662 : vector<16xf32> to vector<1x16xf32>
        tpu.vector_store %arg15[%swap3A_663, %swap3A_664], %swap3A_667 {strides = array<i32>} : memref<128x128xf32, #tpu.memory_space<vmem>>, vector<1x16xf32>,
        %get3A_668 = arith.index_cast %add3A_657 : i32 to index
        %get3A_669 = arith.constant 16 : index
        %get3A_670 = tpu.vector_load %arg15[%get3A_668, %get3A_669] {strides = array<i32>} : memref<128x128xf32, #tpu.memory_space<vmem>>, vector<1x16xf32>,
        %get3A_671 = vector.shape_cast %get3A_670 : vector<1x16xf32> to vector<16xf32>
        %mul3A_672 = arith.mulf %get3A_671, %broadcast_in_dim3A_653 : vector<16xf32>
        %swap3A_673 = arith.index_cast %add3A_657 : i32 to index
        %swap3A_674 = arith.constant 16 : index
        %swap3A_675 = tpu.vector_load %arg15[%swap3A_673, %swap3A_674] {strides = array<i32>} : memref<128x128xf32, #tpu.memory_space<vmem>>, vector<1x16xf32>,
        %swap3A_676 = vector.shape_cast %swap3A_675 : vector<1x16xf32> to vector<16xf32>
        %swap3A_677 = vector.shape_cast %mul3A_672 : vector<16xf32> to vector<1x16xf32>
        tpu.vector_store %arg15[%swap3A_673, %swap3A_674], %swap3A_677 {strides = array<i32>} : memref<128x128xf32, #tpu.memory_space<vmem>>, vector<1x16xf32>,
        %get3A_678 = arith.index_cast %add3A_657 : i32 to index
        %get3A_679 = arith.constant 32 : index
        %get3A_680 = tpu.vector_load %arg15[%get3A_678, %get3A_679] {strides = array<i32>} : memref<128x128xf32, #tpu.memory_space<vmem>>, vector<1x16xf32>,
        %get3A_681 = vector.shape_cast %get3A_680 : vector<1x16xf32> to vector<16xf32>
        %mul3A_682 = arith.mulf %get3A_681, %broadcast_in_dim3A_653 : vector<16xf32>
        %swap3A_683 = arith.index_cast %add3A_657 : i32 to index
        %swap3A_684 = arith.constant 32 : index
        %swap3A_685 = tpu.vector_load %arg15[%swap3A_683, %swap3A_684] {strides = array<i32>} : memref<128x128xf32, #tpu.memory_space<vmem>>, vector<1x16xf32>,
        %swap3A_686 = vector.shape_cast %swap3A_685 : vector<1x16xf32> to vector<16xf32>
        %swap3A_687 = vector.shape_cast %mul3A_682 : vector<16xf32> to vector<1x16xf32>
        tpu.vector_store %arg15[%swap3A_683, %swap3A_684], %swap3A_687 {strides = array<i32>} : memref<128x128xf32, #tpu.memory_space<vmem>>, vector<1x16xf32>,
        %get3A_688 = arith.index_cast %add3A_657 : i32 to index
        %get3A_689 = arith.constant 48 : index
        %get3A_690 = tpu.vector_load %arg15[%get3A_688, %get3A_689] {strides = array<i32>} : memref<128x128xf32, #tpu.memory_space<vmem>>, vector<1x16xf32>,
        %get3A_691 = vector.shape_cast %get3A_690 : vector<1x16xf32> to vector<16xf32>
        %mul3A_692 = arith.mulf %get3A_691, %broadcast_in_dim3A_653 : vector<16xf32>
        %swap3A_693 = arith.index_cast %add3A_657 : i32 to index
        %swap3A_694 = arith.constant 48 : index
        %swap3A_695 = tpu.vector_load %arg15[%swap3A_693, %swap3A_694] {strides = array<i32>} : memref<128x128xf32, #tpu.memory_space<vmem>>, vector<1x16xf32>,
        %swap3A_696 = vector.shape_cast %swap3A_695 : vector<1x16xf32> to vector<16xf32>
        %swap3A_697 = vector.shape_cast %mul3A_692 : vector<16xf32> to vector<1x16xf32>
        tpu.vector_store %arg15[%swap3A_693, %swap3A_694], %swap3A_697 {strides = array<i32>} : memref<128x128xf32, #tpu.memory_space<vmem>>, vector<1x16xf32>,
        %get3A_698 = arith.index_cast %add3A_657 : i32 to index
        %get3A_699 = arith.constant 64 : index
        %get3A_700 = tpu.vector_load %arg15[%get3A_698, %get3A_699] {strides = array<i32>} : memref<128x128xf32, #tpu.memory_space<vmem>>, vector<1x16xf32>,
        %get3A_701 = vector.shape_cast %get3A_700 : vector<1x16xf32> to vector<16xf32>
        %mul3A_702 = arith.mulf %get3A_701, %broadcast_in_dim3A_653 : vector<16xf32>
        %swap3A_703 = arith.index_cast %add3A_657 : i32 to index
        %swap3A_704 = arith.constant 64 : index
        %swap3A_705 = tpu.vector_load %arg15[%swap3A_703, %swap3A_704] {strides = array<i32>} : memref<128x128xf32, #tpu.memory_space<vmem>>, vector<1x16xf32>,
        %swap3A_706 = vector.shape_cast %swap3A_705 : vector<1x16xf32> to vector<16xf32>
        %swap3A_707 = vector.shape_cast %mul3A_702 : vector<16xf32> to vector<1x16xf32>
        tpu.vector_store %arg15[%swap3A_703, %swap3A_704], %swap3A_707 {strides = array<i32>} : memref<128x128xf32, #tpu.memory_space<vmem>>, vector<1x16xf32>,
        %get3A_708 = arith.index_cast %add3A_657 : i32 to index
        %get3A_709 = arith.constant 80 : index
        %get3A_710 = tpu.vector_load %arg15[%get3A_708, %get3A_709] {strides = array<i32>} : memref<128x128xf32, #tpu.memory_space<vmem>>, vector<1x16xf32>,
        %get3A_711 = vector.shape_cast %get3A_710 : vector<1x16xf32> to vector<16xf32>
        %mul3A_712 = arith.mulf %get3A_711, %broadcast_in_dim3A_653 : vector<16xf32>
        %swap3A_713 = arith.index_cast %add3A_657 : i32 to index
        %swap3A_714 = arith.constant 80 : index
        %swap3A_715 = tpu.vector_load %arg15[%swap3A_713, %swap3A_714] {strides = array<i32>} : memref<128x128xf32, #tpu.memory_space<vmem>>, vector<1x16xf32>,
        %swap3A_716 = vector.shape_cast %swap3A_715 : vector<1x16xf32> to vector<16xf32>
        %swap3A_717 = vector.shape_cast %mul3A_712 : vector<16xf32> to vector<1x16xf32>
        tpu.vector_store %arg15[%swap3A_713, %swap3A_714], %swap3A_717 {strides = array<i32>} : memref<128x128xf32, #tpu.memory_space<vmem>>, vector<1x16xf32>,
        %get3A_718 = arith.index_cast %add3A_657 : i32 to index
        %get3A_719 = arith.constant 96 : index
        %get3A_720 = tpu.vector_load %arg15[%get3A_718, %get3A_719] {strides = array<i32>} : memref<128x128xf32, #tpu.memory_space<vmem>>, vector<1x16xf32>,
        %get3A_721 = vector.shape_cast %get3A_720 : vector<1x16xf32> to vector<16xf32>
        %mul3A_722 = arith.mulf %get3A_721, %broadcast_in_dim3A_653 : vector<16xf32>
        %swap3A_723 = arith.index_cast %add3A_657 : i32 to index
        %swap3A_724 = arith.constant 96 : index
        %swap3A_725 = tpu.vector_load %arg15[%swap3A_723, %swap3A_724] {strides = array<i32>} : memref<128x128xf32, #tpu.memory_space<vmem>>, vector<1x16xf32>,
        %swap3A_726 = vector.shape_cast %swap3A_725 : vector<1x16xf32> to vector<16xf32>
        %swap3A_727 = vector.shape_cast %mul3A_722 : vector<16xf32> to vector<1x16xf32>
        tpu.vector_store %arg15[%swap3A_723, %swap3A_724], %swap3A_727 {strides = array<i32>} : memref<128x128xf32, #tpu.memory_space<vmem>>, vector<1x16xf32>,
        %get3A_728 = arith.index_cast %add3A_657 : i32 to index
        %get3A_729 = arith.constant 112 : index
        %get3A_730 = tpu.vector_load %arg15[%get3A_728, %get3A_729] {strides = array<i32>} : memref<128x128xf32, #tpu.memory_space<vmem>>, vector<1x16xf32>,
        %get3A_731 = vector.shape_cast %get3A_730 : vector<1x16xf32> to vector<16xf32>
        %mul3A_732 = arith.mulf %get3A_731, %broadcast_in_dim3A_653 : vector<16xf32>
        %swap3A_733 = arith.index_cast %add3A_657 : i32 to index
        %swap3A_734 = arith.constant 112 : index
        %swap3A_735 = tpu.vector_load %arg15[%swap3A_733, %swap3A_734] {strides = array<i32>} : memref<128x128xf32, #tpu.memory_space<vmem>>, vector<1x16xf32>,
        %swap3A_736 = vector.shape_cast %swap3A_735 : vector<1x16xf32> to vector<16xf32>
        %swap3A_737 = vector.shape_cast %mul3A_732 : vector<16xf32> to vector<1x16xf32>
        tpu.vector_store %arg15[%swap3A_733, %swap3A_734], %swap3A_737 {strides = array<i32>} : memref<128x128xf32, #tpu.memory_space<vmem>>, vector<1x16xf32>,
        %slice3A_738 = vector.extract_strided_slice %get3A_45 {offsets = [8], sizes = [1], strides = [1]} : vector<16xf32> to vector<1xf32>
        %squeeze3A_739 = vector.extract %slice3A_738[0] : f32 from vector<1xf32>
        %broadcast_in_dim3A_740 = vector.broadcast %squeeze3A_739 : f32 to vector<16xf32>
        %mul3A_741 = arith.constant 16 : i32
        %mul3A_742 = arith.muli %scan3A_41, %mul3A_741 : i32
        %add3A_743 = arith.constant 8 : i32
        %add3A_744 = arith.addi %mul3A_742, %add3A_743 : i32
        %get3A_745 = arith.index_cast %add3A_744 : i32 to index
        %get3A_746 = arith.constant 0 : index
        %get3A_747 = tpu.vector_load %arg15[%get3A_745, %get3A_746] {strides = array<i32>} : memref<128x128xf32, #tpu.memory_space<vmem>>, vector<1x16xf32>,
        %get3A_748 = vector.shape_cast %get3A_747 : vector<1x16xf32> to vector<16xf32>
        %mul3A_749 = arith.mulf %get3A_748, %broadcast_in_dim3A_740 : vector<16xf32>
        %swap3A_750 = arith.index_cast %add3A_744 : i32 to index
        %swap3A_751 = arith.constant 0 : index
        %swap3A_752 = tpu.vector_load %arg15[%swap3A_750, %swap3A_751] {strides = array<i32>} : memref<128x128xf32, #tpu.memory_space<vmem>>, vector<1x16xf32>,
        %swap3A_753 = vector.shape_cast %swap3A_752 : vector<1x16xf32> to vector<16xf32>
        %swap3A_754 = vector.shape_cast %mul3A_749 : vector<16xf32> to vector<1x16xf32>
        tpu.vector_store %arg15[%swap3A_750, %swap3A_751], %swap3A_754 {strides = array<i32>} : memref<128x128xf32, #tpu.memory_space<vmem>>, vector<1x16xf32>,
        %get3A_755 = arith.index_cast %add3A_744 : i32 to index
        %get3A_756 = arith.constant 16 : index
        %get3A_757 = tpu.vector_load %arg15[%get3A_755, %get3A_756] {strides = array<i32>} : memref<128x128xf32, #tpu.memory_space<vmem>>, vector<1x16xf32>,
        %get3A_758 = vector.shape_cast %get3A_757 : vector<1x16xf32> to vector<16xf32>
        %mul3A_759 = arith.mulf %get3A_758, %broadcast_in_dim3A_740 : vector<16xf32>
        %swap3A_760 = arith.index_cast %add3A_744 : i32 to index
        %swap3A_761 = arith.constant 16 : index
        %swap3A_762 = tpu.vector_load %arg15[%swap3A_760, %swap3A_761] {strides = array<i32>} : memref<128x128xf32, #tpu.memory_space<vmem>>, vector<1x16xf32>,
        %swap3A_763 = vector.shape_cast %swap3A_762 : vector<1x16xf32> to vector<16xf32>
        %swap3A_764 = vector.shape_cast %mul3A_759 : vector<16xf32> to vector<1x16xf32>
        tpu.vector_store %arg15[%swap3A_760, %swap3A_761], %swap3A_764 {strides = array<i32>} : memref<128x128xf32, #tpu.memory_space<vmem>>, vector<1x16xf32>,
        %get3A_765 = arith.index_cast %add3A_744 : i32 to index
        %get3A_766 = arith.constant 32 : index
        %get3A_767 = tpu.vector_load %arg15[%get3A_765, %get3A_766] {strides = array<i32>} : memref<128x128xf32, #tpu.memory_space<vmem>>, vector<1x16xf32>,
        %get3A_768 = vector.shape_cast %get3A_767 : vector<1x16xf32> to vector<16xf32>
        %mul3A_769 = arith.mulf %get3A_768, %broadcast_in_dim3A_740 : vector<16xf32>
        %swap3A_770 = arith.index_cast %add3A_744 : i32 to index
        %swap3A_771 = arith.constant 32 : index
        %swap3A_772 = tpu.vector_load %arg15[%swap3A_770, %swap3A_771] {strides = array<i32>} : memref<128x128xf32, #tpu.memory_space<vmem>>, vector<1x16xf32>,
        %swap3A_773 = vector.shape_cast %swap3A_772 : vector<1x16xf32> to vector<16xf32>
        %swap3A_774 = vector.shape_cast %mul3A_769 : vector<16xf32> to vector<1x16xf32>
        tpu.vector_store %arg15[%swap3A_770, %swap3A_771], %swap3A_774 {strides = array<i32>} : memref<128x128xf32, #tpu.memory_space<vmem>>, vector<1x16xf32>,
        %get3A_775 = arith.index_cast %add3A_744 : i32 to index
        %get3A_776 = arith.constant 48 : index
        %get3A_777 = tpu.vector_load %arg15[%get3A_775, %get3A_776] {strides = array<i32>} : memref<128x128xf32, #tpu.memory_space<vmem>>, vector<1x16xf32>,
        %get3A_778 = vector.shape_cast %get3A_777 : vector<1x16xf32> to vector<16xf32>
        %mul3A_779 = arith.mulf %get3A_778, %broadcast_in_dim3A_740 : vector<16xf32>
        %swap3A_780 = arith.index_cast %add3A_744 : i32 to index
        %swap3A_781 = arith.constant 48 : index
        %swap3A_782 = tpu.vector_load %arg15[%swap3A_780, %swap3A_781] {strides = array<i32>} : memref<128x128xf32, #tpu.memory_space<vmem>>, vector<1x16xf32>,
        %swap3A_783 = vector.shape_cast %swap3A_782 : vector<1x16xf32> to vector<16xf32>
        %swap3A_784 = vector.shape_cast %mul3A_779 : vector<16xf32> to vector<1x16xf32>
        tpu.vector_store %arg15[%swap3A_780, %swap3A_781], %swap3A_784 {strides = array<i32>} : memref<128x128xf32, #tpu.memory_space<vmem>>, vector<1x16xf32>,
        %get3A_785 = arith.index_cast %add3A_744 : i32 to index
        %get3A_786 = arith.constant 64 : index
        %get3A_787 = tpu.vector_load %arg15[%get3A_785, %get3A_786] {strides = array<i32>} : memref<128x128xf32, #tpu.memory_space<vmem>>, vector<1x16xf32>,
        %get3A_788 = vector.shape_cast %get3A_787 : vector<1x16xf32> to vector<16xf32>
        %mul3A_789 = arith.mulf %get3A_788, %broadcast_in_dim3A_740 : vector<16xf32>
        %swap3A_790 = arith.index_cast %add3A_744 : i32 to index
        %swap3A_791 = arith.constant 64 : index
        %swap3A_792 = tpu.vector_load %arg15[%swap3A_790, %swap3A_791] {strides = array<i32>} : memref<128x128xf32, #tpu.memory_space<vmem>>, vector<1x16xf32>,
        %swap3A_793 = vector.shape_cast %swap3A_792 : vector<1x16xf32> to vector<16xf32>
        %swap3A_794 = vector.shape_cast %mul3A_789 : vector<16xf32> to vector<1x16xf32>
        tpu.vector_store %arg15[%swap3A_790, %swap3A_791], %swap3A_794 {strides = array<i32>} : memref<128x128xf32, #tpu.memory_space<vmem>>, vector<1x16xf32>,
        %get3A_795 = arith.index_cast %add3A_744 : i32 to index
        %get3A_796 = arith.constant 80 : index
        %get3A_797 = tpu.vector_load %arg15[%get3A_795, %get3A_796] {strides = array<i32>} : memref<128x128xf32, #tpu.memory_space<vmem>>, vector<1x16xf32>,
        %get3A_798 = vector.shape_cast %get3A_797 : vector<1x16xf32> to vector<16xf32>
        %mul3A_799 = arith.mulf %get3A_798, %broadcast_in_dim3A_740 : vector<16xf32>
        %swap3A_800 = arith.index_cast %add3A_744 : i32 to index
        %swap3A_801 = arith.constant 80 : index
        %swap3A_802 = tpu.vector_load %arg15[%swap3A_800, %swap3A_801] {strides = array<i32>} : memref<128x128xf32, #tpu.memory_space<vmem>>, vector<1x16xf32>,
        %swap3A_803 = vector.shape_cast %swap3A_802 : vector<1x16xf32> to vector<16xf32>
        %swap3A_804 = vector.shape_cast %mul3A_799 : vector<16xf32> to vector<1x16xf32>
        tpu.vector_store %arg15[%swap3A_800, %swap3A_801], %swap3A_804 {strides = array<i32>} : memref<128x128xf32, #tpu.memory_space<vmem>>, vector<1x16xf32>,
        %get3A_805 = arith.index_cast %add3A_744 : i32 to index
        %get3A_806 = arith.constant 96 : index
        %get3A_807 = tpu.vector_load %arg15[%get3A_805, %get3A_806] {strides = array<i32>} : memref<128x128xf32, #tpu.memory_space<vmem>>, vector<1x16xf32>,
        %get3A_808 = vector.shape_cast %get3A_807 : vector<1x16xf32> to vector<16xf32>
        %mul3A_809 = arith.mulf %get3A_808, %broadcast_in_dim3A_740 : vector<16xf32>
        %swap3A_810 = arith.index_cast %add3A_744 : i32 to index
        %swap3A_811 = arith.constant 96 : index
        %swap3A_812 = tpu.vector_load %arg15[%swap3A_810, %swap3A_811] {strides = array<i32>} : memref<128x128xf32, #tpu.memory_space<vmem>>, vector<1x16xf32>,
        %swap3A_813 = vector.shape_cast %swap3A_812 : vector<1x16xf32> to vector<16xf32>
        %swap3A_814 = vector.shape_cast %mul3A_809 : vector<16xf32> to vector<1x16xf32>
        tpu.vector_store %arg15[%swap3A_810, %swap3A_811], %swap3A_814 {strides = array<i32>} : memref<128x128xf32, #tpu.memory_space<vmem>>, vector<1x16xf32>,
        %get3A_815 = arith.index_cast %add3A_744 : i32 to index
        %get3A_816 = arith.constant 112 : index
        %get3A_817 = tpu.vector_load %arg15[%get3A_815, %get3A_816] {strides = array<i32>} : memref<128x128xf32, #tpu.memory_space<vmem>>, vector<1x16xf32>,
        %get3A_818 = vector.shape_cast %get3A_817 : vector<1x16xf32> to vector<16xf32>
        %mul3A_819 = arith.mulf %get3A_818, %broadcast_in_dim3A_740 : vector<16xf32>
        %swap3A_820 = arith.index_cast %add3A_744 : i32 to index
        %swap3A_821 = arith.constant 112 : index
        %swap3A_822 = tpu.vector_load %arg15[%swap3A_820, %swap3A_821] {strides = array<i32>} : memref<128x128xf32, #tpu.memory_space<vmem>>, vector<1x16xf32>,
        %swap3A_823 = vector.shape_cast %swap3A_822 : vector<1x16xf32> to vector<16xf32>
        %swap3A_824 = vector.shape_cast %mul3A_819 : vector<16xf32> to vector<1x16xf32>
        tpu.vector_store %arg15[%swap3A_820, %swap3A_821], %swap3A_824 {strides = array<i32>} : memref<128x128xf32, #tpu.memory_space<vmem>>, vector<1x16xf32>,
        %slice3A_825 = vector.extract_strided_slice %get3A_45 {offsets = [9], sizes = [1], strides = [1]} : vector<16xf32> to vector<1xf32>
        %squeeze3A_826 = vector.extract %slice3A_825[0] : f32 from vector<1xf32>
        %broadcast_in_dim3A_827 = vector.broadcast %squeeze3A_826 : f32 to vector<16xf32>
        %mul3A_828 = arith.constant 16 : i32
        %mul3A_829 = arith.muli %scan3A_41, %mul3A_828 : i32
        %add3A_830 = arith.constant 9 : i32
        %add3A_831 = arith.addi %mul3A_829, %add3A_830 : i32
        %get3A_832 = arith.index_cast %add3A_831 : i32 to index
        %get3A_833 = arith.constant 0 : index
        %get3A_834 = tpu.vector_load %arg15[%get3A_832, %get3A_833] {strides = array<i32>} : memref<128x128xf32, #tpu.memory_space<vmem>>, vector<1x16xf32>,
        %get3A_835 = vector.shape_cast %get3A_834 : vector<1x16xf32> to vector<16xf32>
        %mul3A_836 = arith.mulf %get3A_835, %broadcast_in_dim3A_827 : vector<16xf32>
        %swap3A_837 = arith.index_cast %add3A_831 : i32 to index
        %swap3A_838 = arith.constant 0 : index
        %swap3A_839 = tpu.vector_load %arg15[%swap3A_837, %swap3A_838] {strides = array<i32>} : memref<128x128xf32, #tpu.memory_space<vmem>>, vector<1x16xf32>,
        %swap3A_840 = vector.shape_cast %swap3A_839 : vector<1x16xf32> to vector<16xf32>
        %swap3A_841 = vector.shape_cast %mul3A_836 : vector<16xf32> to vector<1x16xf32>
        tpu.vector_store %arg15[%swap3A_837, %swap3A_838], %swap3A_841 {strides = array<i32>} : memref<128x128xf32, #tpu.memory_space<vmem>>, vector<1x16xf32>,
        %get3A_842 = arith.index_cast %add3A_831 : i32 to index
        %get3A_843 = arith.constant 16 : index
        %get3A_844 = tpu.vector_load %arg15[%get3A_842, %get3A_843] {strides = array<i32>} : memref<128x128xf32, #tpu.memory_space<vmem>>, vector<1x16xf32>,
        %get3A_845 = vector.shape_cast %get3A_844 : vector<1x16xf32> to vector<16xf32>
        %mul3A_846 = arith.mulf %get3A_845, %broadcast_in_dim3A_827 : vector<16xf32>
        %swap3A_847 = arith.index_cast %add3A_831 : i32 to index
        %swap3A_848 = arith.constant 16 : index
        %swap3A_849 = tpu.vector_load %arg15[%swap3A_847, %swap3A_848] {strides = array<i32>} : memref<128x128xf32, #tpu.memory_space<vmem>>, vector<1x16xf32>,
        %swap3A_850 = vector.shape_cast %swap3A_849 : vector<1x16xf32> to vector<16xf32>
        %swap3A_851 = vector.shape_cast %mul3A_846 : vector<16xf32> to vector<1x16xf32>
        tpu.vector_store %arg15[%swap3A_847, %swap3A_848], %swap3A_851 {strides = array<i32>} : memref<128x128xf32, #tpu.memory_space<vmem>>, vector<1x16xf32>,
        %get3A_852 = arith.index_cast %add3A_831 : i32 to index
        %get3A_853 = arith.constant 32 : index
        %get3A_854 = tpu.vector_load %arg15[%get3A_852, %get3A_853] {strides = array<i32>} : memref<128x128xf32, #tpu.memory_space<vmem>>, vector<1x16xf32>,
        %get3A_855 = vector.shape_cast %get3A_854 : vector<1x16xf32> to vector<16xf32>
        %mul3A_856 = arith.mulf %get3A_855, %broadcast_in_dim3A_827 : vector<16xf32>
        %swap3A_857 = arith.index_cast %add3A_831 : i32 to index
        %swap3A_858 = arith.constant 32 : index
        %swap3A_859 = tpu.vector_load %arg15[%swap3A_857, %swap3A_858] {strides = array<i32>} : memref<128x128xf32, #tpu.memory_space<vmem>>, vector<1x16xf32>,
        %swap3A_860 = vector.shape_cast %swap3A_859 : vector<1x16xf32> to vector<16xf32>
        %swap3A_861 = vector.shape_cast %mul3A_856 : vector<16xf32> to vector<1x16xf32>
        tpu.vector_store %arg15[%swap3A_857, %swap3A_858], %swap3A_861 {strides = array<i32>} : memref<128x128xf32, #tpu.memory_space<vmem>>, vector<1x16xf32>,
        %get3A_862 = arith.index_cast %add3A_831 : i32 to index
        %get3A_863 = arith.constant 48 : index
        %get3A_864 = tpu.vector_load %arg15[%get3A_862, %get3A_863] {strides = array<i32>} : memref<128x128xf32, #tpu.memory_space<vmem>>, vector<1x16xf32>,
        %get3A_865 = vector.shape_cast %get3A_864 : vector<1x16xf32> to vector<16xf32>
        %mul3A_866 = arith.mulf %get3A_865, %broadcast_in_dim3A_827 : vector<16xf32>
        %swap3A_867 = arith.index_cast %add3A_831 : i32 to index
        %swap3A_868 = arith.constant 48 : index
        %swap3A_869 = tpu.vector_load %arg15[%swap3A_867, %swap3A_868] {strides = array<i32>} : memref<128x128xf32, #tpu.memory_space<vmem>>, vector<1x16xf32>,
        %swap3A_870 = vector.shape_cast %swap3A_869 : vector<1x16xf32> to vector<16xf32>
        %swap3A_871 = vector.shape_cast %mul3A_866 : vector<16xf32> to vector<1x16xf32>
        tpu.vector_store %arg15[%swap3A_867, %swap3A_868], %swap3A_871 {strides = array<i32>} : memref<128x128xf32, #tpu.memory_space<vmem>>, vector<1x16xf32>,
        %get3A_872 = arith.index_cast %add3A_831 : i32 to index
        %get3A_873 = arith.constant 64 : index
        %get3A_874 = tpu.vector_load %arg15[%get3A_872, %get3A_873] {strides = array<i32>} : memref<128x128xf32, #tpu.memory_space<vmem>>, vector<1x16xf32>,
        %get3A_875 = vector.shape_cast %get3A_874 : vector<1x16xf32> to vector<16xf32>
        %mul3A_876 = arith.mulf %get3A_875, %broadcast_in_dim3A_827 : vector<16xf32>
        %swap3A_877 = arith.index_cast %add3A_831 : i32 to index
        %swap3A_878 = arith.constant 64 : index
        %swap3A_879 = tpu.vector_load %arg15[%swap3A_877, %swap3A_878] {strides = array<i32>} : memref<128x128xf32, #tpu.memory_space<vmem>>, vector<1x16xf32>,
        %swap3A_880 = vector.shape_cast %swap3A_879 : vector<1x16xf32> to vector<16xf32>
        %swap3A_881 = vector.shape_cast %mul3A_876 : vector<16xf32> to vector<1x16xf32>
        tpu.vector_store %arg15[%swap3A_877, %swap3A_878], %swap3A_881 {strides = array<i32>} : memref<128x128xf32, #tpu.memory_space<vmem>>, vector<1x16xf32>,
        %get3A_882 = arith.index_cast %add3A_831 : i32 to index
        %get3A_883 = arith.constant 80 : index
        %get3A_884 = tpu.vector_load %arg15[%get3A_882, %get3A_883] {strides = array<i32>} : memref<128x128xf32, #tpu.memory_space<vmem>>, vector<1x16xf32>,
        %get3A_885 = vector.shape_cast %get3A_884 : vector<1x16xf32> to vector<16xf32>
        %mul3A_886 = arith.mulf %get3A_885, %broadcast_in_dim3A_827 : vector<16xf32>
        %swap3A_887 = arith.index_cast %add3A_831 : i32 to index
        %swap3A_888 = arith.constant 80 : index
        %swap3A_889 = tpu.vector_load %arg15[%swap3A_887, %swap3A_888] {strides = array<i32>} : memref<128x128xf32, #tpu.memory_space<vmem>>, vector<1x16xf32>,
        %swap3A_890 = vector.shape_cast %swap3A_889 : vector<1x16xf32> to vector<16xf32>
        %swap3A_891 = vector.shape_cast %mul3A_886 : vector<16xf32> to vector<1x16xf32>
        tpu.vector_store %arg15[%swap3A_887, %swap3A_888], %swap3A_891 {strides = array<i32>} : memref<128x128xf32, #tpu.memory_space<vmem>>, vector<1x16xf32>,
        %get3A_892 = arith.index_cast %add3A_831 : i32 to index
        %get3A_893 = arith.constant 96 : index
        %get3A_894 = tpu.vector_load %arg15[%get3A_892, %get3A_893] {strides = array<i32>} : memref<128x128xf32, #tpu.memory_space<vmem>>, vector<1x16xf32>,
        %get3A_895 = vector.shape_cast %get3A_894 : vector<1x16xf32> to vector<16xf32>
        %mul3A_896 = arith.mulf %get3A_895, %broadcast_in_dim3A_827 : vector<16xf32>
        %swap3A_897 = arith.index_cast %add3A_831 : i32 to index
        %swap3A_898 = arith.constant 96 : index
        %swap3A_899 = tpu.vector_load %arg15[%swap3A_897, %swap3A_898] {strides = array<i32>} : memref<128x128xf32, #tpu.memory_space<vmem>>, vector<1x16xf32>,
        %swap3A_900 = vector.shape_cast %swap3A_899 : vector<1x16xf32> to vector<16xf32>
        %swap3A_901 = vector.shape_cast %mul3A_896 : vector<16xf32> to vector<1x16xf32>
        tpu.vector_store %arg15[%swap3A_897, %swap3A_898], %swap3A_901 {strides = array<i32>} : memref<128x128xf32, #tpu.memory_space<vmem>>, vector<1x16xf32>,
        %get3A_902 = arith.index_cast %add3A_831 : i32 to index
        %get3A_903 = arith.constant 112 : index
        %get3A_904 = tpu.vector_load %arg15[%get3A_902, %get3A_903] {strides = array<i32>} : memref<128x128xf32, #tpu.memory_space<vmem>>, vector<1x16xf32>,
        %get3A_905 = vector.shape_cast %get3A_904 : vector<1x16xf32> to vector<16xf32>
        %mul3A_906 = arith.mulf %get3A_905, %broadcast_in_dim3A_827 : vector<16xf32>
        %swap3A_907 = arith.index_cast %add3A_831 : i32 to index
        %swap3A_908 = arith.constant 112 : index
        %swap3A_909 = tpu.vector_load %arg15[%swap3A_907, %swap3A_908] {strides = array<i32>} : memref<128x128xf32, #tpu.memory_space<vmem>>, vector<1x16xf32>,
        %swap3A_910 = vector.shape_cast %swap3A_909 : vector<1x16xf32> to vector<16xf32>
        %swap3A_911 = vector.shape_cast %mul3A_906 : vector<16xf32> to vector<1x16xf32>
        tpu.vector_store %arg15[%swap3A_907, %swap3A_908], %swap3A_911 {strides = array<i32>} : memref<128x128xf32, #tpu.memory_space<vmem>>, vector<1x16xf32>,
        %slice3A_912 = vector.extract_strided_slice %get3A_45 {offsets = [10], sizes = [1], strides = [1]} : vector<16xf32> to vector<1xf32>
        %squeeze3A_913 = vector.extract %slice3A_912[0] : f32 from vector<1xf32>
        %broadcast_in_dim3A_914 = vector.broadcast %squeeze3A_913 : f32 to vector<16xf32>
        %mul3A_915 = arith.constant 16 : i32
        %mul3A_916 = arith.muli %scan3A_41, %mul3A_915 : i32
        %add3A_917 = arith.constant 10 : i32
        %add3A_918 = arith.addi %mul3A_916, %add3A_917 : i32
        %get3A_919 = arith.index_cast %add3A_918 : i32 to index
        %get3A_920 = arith.constant 0 : index
        %get3A_921 = tpu.vector_load %arg15[%get3A_919, %get3A_920] {strides = array<i32>} : memref<128x128xf32, #tpu.memory_space<vmem>>, vector<1x16xf32>,
        %get3A_922 = vector.shape_cast %get3A_921 : vector<1x16xf32> to vector<16xf32>
        %mul3A_923 = arith.mulf %get3A_922, %broadcast_in_dim3A_914 : vector<16xf32>
        %swap3A_924 = arith.index_cast %add3A_918 : i32 to index
        %swap3A_925 = arith.constant 0 : index
        %swap3A_926 = tpu.vector_load %arg15[%swap3A_924, %swap3A_925] {strides = array<i32>} : memref<128x128xf32, #tpu.memory_space<vmem>>, vector<1x16xf32>,
        %swap3A_927 = vector.shape_cast %swap3A_926 : vector<1x16xf32> to vector<16xf32>
        %swap3A_928 = vector.shape_cast %mul3A_923 : vector<16xf32> to vector<1x16xf32>
        tpu.vector_store %arg15[%swap3A_924, %swap3A_925], %swap3A_928 {strides = array<i32>} : memref<128x128xf32, #tpu.memory_space<vmem>>, vector<1x16xf32>,
        %get3A_929 = arith.index_cast %add3A_918 : i32 to index
        %get3A_930 = arith.constant 16 : index
        %get3A_931 = tpu.vector_load %arg15[%get3A_929, %get3A_930] {strides = array<i32>} : memref<128x128xf32, #tpu.memory_space<vmem>>, vector<1x16xf32>,
        %get3A_932 = vector.shape_cast %get3A_931 : vector<1x16xf32> to vector<16xf32>
        %mul3A_933 = arith.mulf %get3A_932, %broadcast_in_dim3A_914 : vector<16xf32>
        %swap3A_934 = arith.index_cast %add3A_918 : i32 to index
        %swap3A_935 = arith.constant 16 : index
        %swap3A_936 = tpu.vector_load %arg15[%swap3A_934, %swap3A_935] {strides = array<i32>} : memref<128x128xf32, #tpu.memory_space<vmem>>, vector<1x16xf32>,
        %swap3A_937 = vector.shape_cast %swap3A_936 : vector<1x16xf32> to vector<16xf32>
        %swap3A_938 = vector.shape_cast %mul3A_933 : vector<16xf32> to vector<1x16xf32>
        tpu.vector_store %arg15[%swap3A_934, %swap3A_935], %swap3A_938 {strides = array<i32>} : memref<128x128xf32, #tpu.memory_space<vmem>>, vector<1x16xf32>,
        %get3A_939 = arith.index_cast %add3A_918 : i32 to index
        %get3A_940 = arith.constant 32 : index
        %get3A_941 = tpu.vector_load %arg15[%get3A_939, %get3A_940] {strides = array<i32>} : memref<128x128xf32, #tpu.memory_space<vmem>>, vector<1x16xf32>,
        %get3A_942 = vector.shape_cast %get3A_941 : vector<1x16xf32> to vector<16xf32>
        %mul3A_943 = arith.mulf %get3A_942, %broadcast_in_dim3A_914 : vector<16xf32>
        %swap3A_944 = arith.index_cast %add3A_918 : i32 to index
        %swap3A_945 = arith.constant 32 : index
        %swap3A_946 = tpu.vector_load %arg15[%swap3A_944, %swap3A_945] {strides = array<i32>} : memref<128x128xf32, #tpu.memory_space<vmem>>, vector<1x16xf32>,
        %swap3A_947 = vector.shape_cast %swap3A_946 : vector<1x16xf32> to vector<16xf32>
        %swap3A_948 = vector.shape_cast %mul3A_943 : vector<16xf32> to vector<1x16xf32>
        tpu.vector_store %arg15[%swap3A_944, %swap3A_945], %swap3A_948 {strides = array<i32>} : memref<128x128xf32, #tpu.memory_space<vmem>>, vector<1x16xf32>,
        %get3A_949 = arith.index_cast %add3A_918 : i32 to index
        %get3A_950 = arith.constant 48 : index
        %get3A_951 = tpu.vector_load %arg15[%get3A_949, %get3A_950] {strides = array<i32>} : memref<128x128xf32, #tpu.memory_space<vmem>>, vector<1x16xf32>,
        %get3A_952 = vector.shape_cast %get3A_951 : vector<1x16xf32> to vector<16xf32>
        %mul3A_953 = arith.mulf %get3A_952, %broadcast_in_dim3A_914 : vector<16xf32>
        %swap3A_954 = arith.index_cast %add3A_918 : i32 to index
        %swap3A_955 = arith.constant 48 : index
        %swap3A_956 = tpu.vector_load %arg15[%swap3A_954, %swap3A_955] {strides = array<i32>} : memref<128x128xf32, #tpu.memory_space<vmem>>, vector<1x16xf32>,
        %swap3A_957 = vector.shape_cast %swap3A_956 : vector<1x16xf32> to vector<16xf32>
        %swap3A_958 = vector.shape_cast %mul3A_953 : vector<16xf32> to vector<1x16xf32>
        tpu.vector_store %arg15[%swap3A_954, %swap3A_955], %swap3A_958 {strides = array<i32>} : memref<128x128xf32, #tpu.memory_space<vmem>>, vector<1x16xf32>,
        %get3A_959 = arith.index_cast %add3A_918 : i32 to index
        %get3A_960 = arith.constant 64 : index
        %get3A_961 = tpu.vector_load %arg15[%get3A_959, %get3A_960] {strides = array<i32>} : memref<128x128xf32, #tpu.memory_space<vmem>>, vector<1x16xf32>,
        %get3A_962 = vector.shape_cast %get3A_961 : vector<1x16xf32> to vector<16xf32>
        %mul3A_963 = arith.mulf %get3A_962, %broadcast_in_dim3A_914 : vector<16xf32>
        %swap3A_964 = arith.index_cast %add3A_918 : i32 to index
        %swap3A_965 = arith.constant 64 : index
        %swap3A_966 = tpu.vector_load %arg15[%swap3A_964, %swap3A_965] {strides = array<i32>} : memref<128x128xf32, #tpu.memory_space<vmem>>, vector<1x16xf32>,
        %swap3A_967 = vector.shape_cast %swap3A_966 : vector<1x16xf32> to vector<16xf32>
        %swap3A_968 = vector.shape_cast %mul3A_963 : vector<16xf32> to vector<1x16xf32>
        tpu.vector_store %arg15[%swap3A_964, %swap3A_965], %swap3A_968 {strides = array<i32>} : memref<128x128xf32, #tpu.memory_space<vmem>>, vector<1x16xf32>,
        %get3A_969 = arith.index_cast %add3A_918 : i32 to index
        %get3A_970 = arith.constant 80 : index
        %get3A_971 = tpu.vector_load %arg15[%get3A_969, %get3A_970] {strides = array<i32>} : memref<128x128xf32, #tpu.memory_space<vmem>>, vector<1x16xf32>,
        %get3A_972 = vector.shape_cast %get3A_971 : vector<1x16xf32> to vector<16xf32>
        %mul3A_973 = arith.mulf %get3A_972, %broadcast_in_dim3A_914 : vector<16xf32>
        %swap3A_974 = arith.index_cast %add3A_918 : i32 to index
        %swap3A_975 = arith.constant 80 : index
        %swap3A_976 = tpu.vector_load %arg15[%swap3A_974, %swap3A_975] {strides = array<i32>} : memref<128x128xf32, #tpu.memory_space<vmem>>, vector<1x16xf32>,
        %swap3A_977 = vector.shape_cast %swap3A_976 : vector<1x16xf32> to vector<16xf32>
        %swap3A_978 = vector.shape_cast %mul3A_973 : vector<16xf32> to vector<1x16xf32>
        tpu.vector_store %arg15[%swap3A_974, %swap3A_975], %swap3A_978 {strides = array<i32>} : memref<128x128xf32, #tpu.memory_space<vmem>>, vector<1x16xf32>,
        %get3A_979 = arith.index_cast %add3A_918 : i32 to index
        %get3A_980 = arith.constant 96 : index
        %get3A_981 = tpu.vector_load %arg15[%get3A_979, %get3A_980] {strides = array<i32>} : memref<128x128xf32, #tpu.memory_space<vmem>>, vector<1x16xf32>,
        %get3A_982 = vector.shape_cast %get3A_981 : vector<1x16xf32> to vector<16xf32>
        %mul3A_983 = arith.mulf %get3A_982, %broadcast_in_dim3A_914 : vector<16xf32>
        %swap3A_984 = arith.index_cast %add3A_918 : i32 to index
        %swap3A_985 = arith.constant 96 : index
        %swap3A_986 = tpu.vector_load %arg15[%swap3A_984, %swap3A_985] {strides = array<i32>} : memref<128x128xf32, #tpu.memory_space<vmem>>, vector<1x16xf32>,
        %swap3A_987 = vector.shape_cast %swap3A_986 : vector<1x16xf32> to vector<16xf32>
        %swap3A_988 = vector.shape_cast %mul3A_983 : vector<16xf32> to vector<1x16xf32>
        tpu.vector_store %arg15[%swap3A_984, %swap3A_985], %swap3A_988 {strides = array<i32>} : memref<128x128xf32, #tpu.memory_space<vmem>>, vector<1x16xf32>,
        %get3A_989 = arith.index_cast %add3A_918 : i32 to index
        %get3A_990 = arith.constant 112 : index
        %get3A_991 = tpu.vector_load %arg15[%get3A_989, %get3A_990] {strides = array<i32>} : memref<128x128xf32, #tpu.memory_space<vmem>>, vector<1x16xf32>,
        %get3A_992 = vector.shape_cast %get3A_991 : vector<1x16xf32> to vector<16xf32>
        %mul3A_993 = arith.mulf %get3A_992, %broadcast_in_dim3A_914 : vector<16xf32>
        %swap3A_994 = arith.index_cast %add3A_918 : i32 to index
        %swap3A_995 = arith.constant 112 : index
        %swap3A_996 = tpu.vector_load %arg15[%swap3A_994, %swap3A_995] {strides = array<i32>} : memref<128x128xf32, #tpu.memory_space<vmem>>, vector<1x16xf32>,
        %swap3A_997 = vector.shape_cast %swap3A_996 : vector<1x16xf32> to vector<16xf32>
        %swap3A_998 = vector.shape_cast %mul3A_993 : vector<16xf32> to vector<1x16xf32>
        tpu.vector_store %arg15[%swap3A_994, %swap3A_995], %swap3A_998 {strides = array<i32>} : memref<128x128xf32, #tpu.memory_space<vmem>>, vector<1x16xf32>,
        %slice3A_999 = vector.extract_strided_slice %get3A_45 {offsets = [11], sizes = [1], strides = [1]} : vector<16xf32> to vector<1xf32>
        %squeeze3A_1000 = vector.extract %slice3A_999[0] : f32 from vector<1xf32>
        %broadcast_in_dim3A_1001 = vector.broadcast %squeeze3A_1000 : f32 to vector<16xf32>
        %mul3A_1002 = arith.constant 16 : i32
        %mul3A_1003 = arith.muli %scan3A_41, %mul3A_1002 : i32
        %add3A_1004 = arith.constant 11 : i32
        %add3A_1005 = arith.addi %mul3A_1003, %add3A_1004 : i32
        %get3A_1006 = arith.index_cast %add3A_1005 : i32 to index
        %get3A_1007 = arith.constant 0 : index
        %get3A_1008 = tpu.vector_load %arg15[%get3A_1006, %get3A_1007] {strides = array<i32>} : memref<128x128xf32, #tpu.memory_space<vmem>>, vector<1x16xf32>,
        %get3A_1009 = vector.shape_cast %get3A_1008 : vector<1x16xf32> to vector<16xf32>
        %mul3A_1010 = arith.mulf %get3A_1009, %broadcast_in_dim3A_1001 : vector<16xf32>
        %swap3A_1011 = arith.index_cast %add3A_1005 : i32 to index
        %swap3A_1012 = arith.constant 0 : index
        %swap3A_1013 = tpu.vector_load %arg15[%swap3A_1011, %swap3A_1012] {strides = array<i32>} : memref<128x128xf32, #tpu.memory_space<vmem>>, vector<1x16xf32>,
        %swap3A_1014 = vector.shape_cast %swap3A_1013 : vector<1x16xf32> to vector<16xf32>
        %swap3A_1015 = vector.shape_cast %mul3A_1010 : vector<16xf32> to vector<1x16xf32>
        tpu.vector_store %arg15[%swap3A_1011, %swap3A_1012], %swap3A_1015 {strides = array<i32>} : memref<128x128xf32, #tpu.memory_space<vmem>>, vector<1x16xf32>,
        %get3A_1016 = arith.index_cast %add3A_1005 : i32 to index
        %get3A_1017 = arith.constant 16 : index
        %get3A_1018 = tpu.vector_load %arg15[%get3A_1016, %get3A_1017] {strides = array<i32>} : memref<128x128xf32, #tpu.memory_space<vmem>>, vector<1x16xf32>,
        %get3A_1019 = vector.shape_cast %get3A_1018 : vector<1x16xf32> to vector<16xf32>
        %mul3A_1020 = arith.mulf %get3A_1019, %broadcast_in_dim3A_1001 : vector<16xf32>
        %swap3A_1021 = arith.index_cast %add3A_1005 : i32 to index
        %swap3A_1022 = arith.constant 16 : index
        %swap3A_1023 = tpu.vector_load %arg15[%swap3A_1021, %swap3A_1022] {strides = array<i32>} : memref<128x128xf32, #tpu.memory_space<vmem>>, vector<1x16xf32>,
        %swap3A_1024 = vector.shape_cast %swap3A_1023 : vector<1x16xf32> to vector<16xf32>
        %swap3A_1025 = vector.shape_cast %mul3A_1020 : vector<16xf32> to vector<1x16xf32>
        tpu.vector_store %arg15[%swap3A_1021, %swap3A_1022], %swap3A_1025 {strides = array<i32>} : memref<128x128xf32, #tpu.memory_space<vmem>>, vector<1x16xf32>,
        %get3A_1026 = arith.index_cast %add3A_1005 : i32 to index
        %get3A_1027 = arith.constant 32 : index
        %get3A_1028 = tpu.vector_load %arg15[%get3A_1026, %get3A_1027] {strides = array<i32>} : memref<128x128xf32, #tpu.memory_space<vmem>>, vector<1x16xf32>,
        %get3A_1029 = vector.shape_cast %get3A_1028 : vector<1x16xf32> to vector<16xf32>
        %mul3A_1030 = arith.mulf %get3A_1029, %broadcast_in_dim3A_1001 : vector<16xf32>
        %swap3A_1031 = arith.index_cast %add3A_1005 : i32 to index
        %swap3A_1032 = arith.constant 32 : index
        %swap3A_1033 = tpu.vector_load %arg15[%swap3A_1031, %swap3A_1032] {strides = array<i32>} : memref<128x128xf32, #tpu.memory_space<vmem>>, vector<1x16xf32>,
        %swap3A_1034 = vector.shape_cast %swap3A_1033 : vector<1x16xf32> to vector<16xf32>
        %swap3A_1035 = vector.shape_cast %mul3A_1030 : vector<16xf32> to vector<1x16xf32>
        tpu.vector_store %arg15[%swap3A_1031, %swap3A_1032], %swap3A_1035 {strides = array<i32>} : memref<128x128xf32, #tpu.memory_space<vmem>>, vector<1x16xf32>,
        %get3A_1036 = arith.index_cast %add3A_1005 : i32 to index
        %get3A_1037 = arith.constant 48 : index
        %get3A_1038 = tpu.vector_load %arg15[%get3A_1036, %get3A_1037] {strides = array<i32>} : memref<128x128xf32, #tpu.memory_space<vmem>>, vector<1x16xf32>,
        %get3A_1039 = vector.shape_cast %get3A_1038 : vector<1x16xf32> to vector<16xf32>
        %mul3A_1040 = arith.mulf %get3A_1039, %broadcast_in_dim3A_1001 : vector<16xf32>
        %swap3A_1041 = arith.index_cast %add3A_1005 : i32 to index
        %swap3A_1042 = arith.constant 48 : index
        %swap3A_1043 = tpu.vector_load %arg15[%swap3A_1041, %swap3A_1042] {strides = array<i32>} : memref<128x128xf32, #tpu.memory_space<vmem>>, vector<1x16xf32>,
        %swap3A_1044 = vector.shape_cast %swap3A_1043 : vector<1x16xf32> to vector<16xf32>
        %swap3A_1045 = vector.shape_cast %mul3A_1040 : vector<16xf32> to vector<1x16xf32>
        tpu.vector_store %arg15[%swap3A_1041, %swap3A_1042], %swap3A_1045 {strides = array<i32>} : memref<128x128xf32, #tpu.memory_space<vmem>>, vector<1x16xf32>,
        %get3A_1046 = arith.index_cast %add3A_1005 : i32 to index
        %get3A_1047 = arith.constant 64 : index
        %get3A_1048 = tpu.vector_load %arg15[%get3A_1046, %get3A_1047] {strides = array<i32>} : memref<128x128xf32, #tpu.memory_space<vmem>>, vector<1x16xf32>,
        %get3A_1049 = vector.shape_cast %get3A_1048 : vector<1x16xf32> to vector<16xf32>
        %mul3A_1050 = arith.mulf %get3A_1049, %broadcast_in_dim3A_1001 : vector<16xf32>
        %swap3A_1051 = arith.index_cast %add3A_1005 : i32 to index
        %swap3A_1052 = arith.constant 64 : index
        %swap3A_1053 = tpu.vector_load %arg15[%swap3A_1051, %swap3A_1052] {strides = array<i32>} : memref<128x128xf32, #tpu.memory_space<vmem>>, vector<1x16xf32>,
        %swap3A_1054 = vector.shape_cast %swap3A_1053 : vector<1x16xf32> to vector<16xf32>
        %swap3A_1055 = vector.shape_cast %mul3A_1050 : vector<16xf32> to vector<1x16xf32>
        tpu.vector_store %arg15[%swap3A_1051, %swap3A_1052], %swap3A_1055 {strides = array<i32>} : memref<128x128xf32, #tpu.memory_space<vmem>>, vector<1x16xf32>,
        %get3A_1056 = arith.index_cast %add3A_1005 : i32 to index
        %get3A_1057 = arith.constant 80 : index
        %get3A_1058 = tpu.vector_load %arg15[%get3A_1056, %get3A_1057] {strides = array<i32>} : memref<128x128xf32, #tpu.memory_space<vmem>>, vector<1x16xf32>,
        %get3A_1059 = vector.shape_cast %get3A_1058 : vector<1x16xf32> to vector<16xf32>
        %mul3A_1060 = arith.mulf %get3A_1059, %broadcast_in_dim3A_1001 : vector<16xf32>
        %swap3A_1061 = arith.index_cast %add3A_1005 : i32 to index
        %swap3A_1062 = arith.constant 80 : index
        %swap3A_1063 = tpu.vector_load %arg15[%swap3A_1061, %swap3A_1062] {strides = array<i32>} : memref<128x128xf32, #tpu.memory_space<vmem>>, vector<1x16xf32>,
        %swap3A_1064 = vector.shape_cast %swap3A_1063 : vector<1x16xf32> to vector<16xf32>
        %swap3A_1065 = vector.shape_cast %mul3A_1060 : vector<16xf32> to vector<1x16xf32>
        tpu.vector_store %arg15[%swap3A_1061, %swap3A_1062], %swap3A_1065 {strides = array<i32>} : memref<128x128xf32, #tpu.memory_space<vmem>>, vector<1x16xf32>,
        %get3A_1066 = arith.index_cast %add3A_1005 : i32 to index
        %get3A_1067 = arith.constant 96 : index
        %get3A_1068 = tpu.vector_load %arg15[%get3A_1066, %get3A_1067] {strides = array<i32>} : memref<128x128xf32, #tpu.memory_space<vmem>>, vector<1x16xf32>,
        %get3A_1069 = vector.shape_cast %get3A_1068 : vector<1x16xf32> to vector<16xf32>
        %mul3A_1070 = arith.mulf %get3A_1069, %broadcast_in_dim3A_1001 : vector<16xf32>
        %swap3A_1071 = arith.index_cast %add3A_1005 : i32 to index
        %swap3A_1072 = arith.constant 96 : index
        %swap3A_1073 = tpu.vector_load %arg15[%swap3A_1071, %swap3A_1072] {strides = array<i32>} : memref<128x128xf32, #tpu.memory_space<vmem>>, vector<1x16xf32>,
        %swap3A_1074 = vector.shape_cast %swap3A_1073 : vector<1x16xf32> to vector<16xf32>
        %swap3A_1075 = vector.shape_cast %mul3A_1070 : vector<16xf32> to vector<1x16xf32>
        tpu.vector_store %arg15[%swap3A_1071, %swap3A_1072], %swap3A_1075 {strides = array<i32>} : memref<128x128xf32, #tpu.memory_space<vmem>>, vector<1x16xf32>,
        %get3A_1076 = arith.index_cast %add3A_1005 : i32 to index
        %get3A_1077 = arith.constant 112 : index
        %get3A_1078 = tpu.vector_load %arg15[%get3A_1076, %get3A_1077] {strides = array<i32>} : memref<128x128xf32, #tpu.memory_space<vmem>>, vector<1x16xf32>,
        %get3A_1079 = vector.shape_cast %get3A_1078 : vector<1x16xf32> to vector<16xf32>
        %mul3A_1080 = arith.mulf %get3A_1079, %broadcast_in_dim3A_1001 : vector<16xf32>
        %swap3A_1081 = arith.index_cast %add3A_1005 : i32 to index
        %swap3A_1082 = arith.constant 112 : index
        %swap3A_1083 = tpu.vector_load %arg15[%swap3A_1081, %swap3A_1082] {strides = array<i32>} : memref<128x128xf32, #tpu.memory_space<vmem>>, vector<1x16xf32>,
        %swap3A_1084 = vector.shape_cast %swap3A_1083 : vector<1x16xf32> to vector<16xf32>
        %swap3A_1085 = vector.shape_cast %mul3A_1080 : vector<16xf32> to vector<1x16xf32>
        tpu.vector_store %arg15[%swap3A_1081, %swap3A_1082], %swap3A_1085 {strides = array<i32>} : memref<128x128xf32, #tpu.memory_space<vmem>>, vector<1x16xf32>,
        %slice3A_1086 = vector.extract_strided_slice %get3A_45 {offsets = [12], sizes = [1], strides = [1]} : vector<16xf32> to vector<1xf32>
        %squeeze3A_1087 = vector.extract %slice3A_1086[0] : f32 from vector<1xf32>
        %broadcast_in_dim3A_1088 = vector.broadcast %squeeze3A_1087 : f32 to vector<16xf32>
        %mul3A_1089 = arith.constant 16 : i32
        %mul3A_1090 = arith.muli %scan3A_41, %mul3A_1089 : i32
        %add3A_1091 = arith.constant 12 : i32
        %add3A_1092 = arith.addi %mul3A_1090, %add3A_1091 : i32
        %get3A_1093 = arith.index_cast %add3A_1092 : i32 to index
        %get3A_1094 = arith.constant 0 : index
        %get3A_1095 = tpu.vector_load %arg15[%get3A_1093, %get3A_1094] {strides = array<i32>} : memref<128x128xf32, #tpu.memory_space<vmem>>, vector<1x16xf32>,
        %get3A_1096 = vector.shape_cast %get3A_1095 : vector<1x16xf32> to vector<16xf32>
        %mul3A_1097 = arith.mulf %get3A_1096, %broadcast_in_dim3A_1088 : vector<16xf32>
        %swap3A_1098 = arith.index_cast %add3A_1092 : i32 to index
        %swap3A_1099 = arith.constant 0 : index
        %swap3A_1100 = tpu.vector_load %arg15[%swap3A_1098, %swap3A_1099] {strides = array<i32>} : memref<128x128xf32, #tpu.memory_space<vmem>>, vector<1x16xf32>,
        %swap3A_1101 = vector.shape_cast %swap3A_1100 : vector<1x16xf32> to vector<16xf32>
        %swap3A_1102 = vector.shape_cast %mul3A_1097 : vector<16xf32> to vector<1x16xf32>
        tpu.vector_store %arg15[%swap3A_1098, %swap3A_1099], %swap3A_1102 {strides = array<i32>} : memref<128x128xf32, #tpu.memory_space<vmem>>, vector<1x16xf32>,
        %get3A_1103 = arith.index_cast %add3A_1092 : i32 to index
        %get3A_1104 = arith.constant 16 : index
        %get3A_1105 = tpu.vector_load %arg15[%get3A_1103, %get3A_1104] {strides = array<i32>} : memref<128x128xf32, #tpu.memory_space<vmem>>, vector<1x16xf32>,
        %get3A_1106 = vector.shape_cast %get3A_1105 : vector<1x16xf32> to vector<16xf32>
        %mul3A_1107 = arith.mulf %get3A_1106, %broadcast_in_dim3A_1088 : vector<16xf32>
        %swap3A_1108 = arith.index_cast %add3A_1092 : i32 to index
        %swap3A_1109 = arith.constant 16 : index
        %swap3A_1110 = tpu.vector_load %arg15[%swap3A_1108, %swap3A_1109] {strides = array<i32>} : memref<128x128xf32, #tpu.memory_space<vmem>>, vector<1x16xf32>,
        %swap3A_1111 = vector.shape_cast %swap3A_1110 : vector<1x16xf32> to vector<16xf32>
        %swap3A_1112 = vector.shape_cast %mul3A_1107 : vector<16xf32> to vector<1x16xf32>
        tpu.vector_store %arg15[%swap3A_1108, %swap3A_1109], %swap3A_1112 {strides = array<i32>} : memref<128x128xf32, #tpu.memory_space<vmem>>, vector<1x16xf32>,
        %get3A_1113 = arith.index_cast %add3A_1092 : i32 to index
        %get3A_1114 = arith.constant 32 : index
        %get3A_1115 = tpu.vector_load %arg15[%get3A_1113, %get3A_1114] {strides = array<i32>} : memref<128x128xf32, #tpu.memory_space<vmem>>, vector<1x16xf32>,
        %get3A_1116 = vector.shape_cast %get3A_1115 : vector<1x16xf32> to vector<16xf32>
        %mul3A_1117 = arith.mulf %get3A_1116, %broadcast_in_dim3A_1088 : vector<16xf32>
        %swap3A_1118 = arith.index_cast %add3A_1092 : i32 to index
        %swap3A_1119 = arith.constant 32 : index
        %swap3A_1120 = tpu.vector_load %arg15[%swap3A_1118, %swap3A_1119] {strides = array<i32>} : memref<128x128xf32, #tpu.memory_space<vmem>>, vector<1x16xf32>,
        %swap3A_1121 = vector.shape_cast %swap3A_1120 : vector<1x16xf32> to vector<16xf32>
        %swap3A_1122 = vector.shape_cast %mul3A_1117 : vector<16xf32> to vector<1x16xf32>
        tpu.vector_store %arg15[%swap3A_1118, %swap3A_1119], %swap3A_1122 {strides = array<i32>} : memref<128x128xf32, #tpu.memory_space<vmem>>, vector<1x16xf32>,
        %get3A_1123 = arith.index_cast %add3A_1092 : i32 to index
        %get3A_1124 = arith.constant 48 : index
        %get3A_1125 = tpu.vector_load %arg15[%get3A_1123, %get3A_1124] {strides = array<i32>} : memref<128x128xf32, #tpu.memory_space<vmem>>, vector<1x16xf32>,
        %get3A_1126 = vector.shape_cast %get3A_1125 : vector<1x16xf32> to vector<16xf32>
        %mul3A_1127 = arith.mulf %get3A_1126, %broadcast_in_dim3A_1088 : vector<16xf32>
        %swap3A_1128 = arith.index_cast %add3A_1092 : i32 to index
        %swap3A_1129 = arith.constant 48 : index
        %swap3A_1130 = tpu.vector_load %arg15[%swap3A_1128, %swap3A_1129] {strides = array<i32>} : memref<128x128xf32, #tpu.memory_space<vmem>>, vector<1x16xf32>,
        %swap3A_1131 = vector.shape_cast %swap3A_1130 : vector<1x16xf32> to vector<16xf32>
        %swap3A_1132 = vector.shape_cast %mul3A_1127 : vector<16xf32> to vector<1x16xf32>
        tpu.vector_store %arg15[%swap3A_1128, %swap3A_1129], %swap3A_1132 {strides = array<i32>} : memref<128x128xf32, #tpu.memory_space<vmem>>, vector<1x16xf32>,
        %get3A_1133 = arith.index_cast %add3A_1092 : i32 to index
        %get3A_1134 = arith.constant 64 : index
        %get3A_1135 = tpu.vector_load %arg15[%get3A_1133, %get3A_1134] {strides = array<i32>} : memref<128x128xf32, #tpu.memory_space<vmem>>, vector<1x16xf32>,
        %get3A_1136 = vector.shape_cast %get3A_1135 : vector<1x16xf32> to vector<16xf32>
        %mul3A_1137 = arith.mulf %get3A_1136, %broadcast_in_dim3A_1088 : vector<16xf32>
        %swap3A_1138 = arith.index_cast %add3A_1092 : i32 to index
        %swap3A_1139 = arith.constant 64 : index
        %swap3A_1140 = tpu.vector_load %arg15[%swap3A_1138, %swap3A_1139] {strides = array<i32>} : memref<128x128xf32, #tpu.memory_space<vmem>>, vector<1x16xf32>,
        %swap3A_1141 = vector.shape_cast %swap3A_1140 : vector<1x16xf32> to vector<16xf32>
        %swap3A_1142 = vector.shape_cast %mul3A_1137 : vector<16xf32> to vector<1x16xf32>
        tpu.vector_store %arg15[%swap3A_1138, %swap3A_1139], %swap3A_1142 {strides = array<i32>} : memref<128x128xf32, #tpu.memory_space<vmem>>, vector<1x16xf32>,
        %get3A_1143 = arith.index_cast %add3A_1092 : i32 to index
        %get3A_1144 = arith.constant 80 : index
        %get3A_1145 = tpu.vector_load %arg15[%get3A_1143, %get3A_1144] {strides = array<i32>} : memref<128x128xf32, #tpu.memory_space<vmem>>, vector<1x16xf32>,
        %get3A_1146 = vector.shape_cast %get3A_1145 : vector<1x16xf32> to vector<16xf32>
        %mul3A_1147 = arith.mulf %get3A_1146, %broadcast_in_dim3A_1088 : vector<16xf32>
        %swap3A_1148 = arith.index_cast %add3A_1092 : i32 to index
        %swap3A_1149 = arith.constant 80 : index
        %swap3A_1150 = tpu.vector_load %arg15[%swap3A_1148, %swap3A_1149] {strides = array<i32>} : memref<128x128xf32, #tpu.memory_space<vmem>>, vector<1x16xf32>,
        %swap3A_1151 = vector.shape_cast %swap3A_1150 : vector<1x16xf32> to vector<16xf32>
        %swap3A_1152 = vector.shape_cast %mul3A_1147 : vector<16xf32> to vector<1x16xf32>
        tpu.vector_store %arg15[%swap3A_1148, %swap3A_1149], %swap3A_1152 {strides = array<i32>} : memref<128x128xf32, #tpu.memory_space<vmem>>, vector<1x16xf32>,
        %get3A_1153 = arith.index_cast %add3A_1092 : i32 to index
        %get3A_1154 = arith.constant 96 : index
        %get3A_1155 = tpu.vector_load %arg15[%get3A_1153, %get3A_1154] {strides = array<i32>} : memref<128x128xf32, #tpu.memory_space<vmem>>, vector<1x16xf32>,
        %get3A_1156 = vector.shape_cast %get3A_1155 : vector<1x16xf32> to vector<16xf32>
        %mul3A_1157 = arith.mulf %get3A_1156, %broadcast_in_dim3A_1088 : vector<16xf32>
        %swap3A_1158 = arith.index_cast %add3A_1092 : i32 to index
        %swap3A_1159 = arith.constant 96 : index
        %swap3A_1160 = tpu.vector_load %arg15[%swap3A_1158, %swap3A_1159] {strides = array<i32>} : memref<128x128xf32, #tpu.memory_space<vmem>>, vector<1x16xf32>,
        %swap3A_1161 = vector.shape_cast %swap3A_1160 : vector<1x16xf32> to vector<16xf32>
        %swap3A_1162 = vector.shape_cast %mul3A_1157 : vector<16xf32> to vector<1x16xf32>
        tpu.vector_store %arg15[%swap3A_1158, %swap3A_1159], %swap3A_1162 {strides = array<i32>} : memref<128x128xf32, #tpu.memory_space<vmem>>, vector<1x16xf32>,
        %get3A_1163 = arith.index_cast %add3A_1092 : i32 to index
        %get3A_1164 = arith.constant 112 : index
        %get3A_1165 = tpu.vector_load %arg15[%get3A_1163, %get3A_1164] {strides = array<i32>} : memref<128x128xf32, #tpu.memory_space<vmem>>, vector<1x16xf32>,
        %get3A_1166 = vector.shape_cast %get3A_1165 : vector<1x16xf32> to vector<16xf32>
        %mul3A_1167 = arith.mulf %get3A_1166, %broadcast_in_dim3A_1088 : vector<16xf32>
        %swap3A_1168 = arith.index_cast %add3A_1092 : i32 to index
        %swap3A_1169 = arith.constant 112 : index
        %swap3A_1170 = tpu.vector_load %arg15[%swap3A_1168, %swap3A_1169] {strides = array<i32>} : memref<128x128xf32, #tpu.memory_space<vmem>>, vector<1x16xf32>,
        %swap3A_1171 = vector.shape_cast %swap3A_1170 : vector<1x16xf32> to vector<16xf32>
        %swap3A_1172 = vector.shape_cast %mul3A_1167 : vector<16xf32> to vector<1x16xf32>
        tpu.vector_store %arg15[%swap3A_1168, %swap3A_1169], %swap3A_1172 {strides = array<i32>} : memref<128x128xf32, #tpu.memory_space<vmem>>, vector<1x16xf32>,
        %slice3A_1173 = vector.extract_strided_slice %get3A_45 {offsets = [13], sizes = [1], strides = [1]} : vector<16xf32> to vector<1xf32>
        %squeeze3A_1174 = vector.extract %slice3A_1173[0] : f32 from vector<1xf32>
        %broadcast_in_dim3A_1175 = vector.broadcast %squeeze3A_1174 : f32 to vector<16xf32>
        %mul3A_1176 = arith.constant 16 : i32
        %mul3A_1177 = arith.muli %scan3A_41, %mul3A_1176 : i32
        %add3A_1178 = arith.constant 13 : i32
        %add3A_1179 = arith.addi %mul3A_1177, %add3A_1178 : i32
        %get3A_1180 = arith.index_cast %add3A_1179 : i32 to index
        %get3A_1181 = arith.constant 0 : index
        %get3A_1182 = tpu.vector_load %arg15[%get3A_1180, %get3A_1181] {strides = array<i32>} : memref<128x128xf32, #tpu.memory_space<vmem>>, vector<1x16xf32>,
        %get3A_1183 = vector.shape_cast %get3A_1182 : vector<1x16xf32> to vector<16xf32>
        %mul3A_1184 = arith.mulf %get3A_1183, %broadcast_in_dim3A_1175 : vector<16xf32>
        %swap3A_1185 = arith.index_cast %add3A_1179 : i32 to index
        %swap3A_1186 = arith.constant 0 : index
        %swap3A_1187 = tpu.vector_load %arg15[%swap3A_1185, %swap3A_1186] {strides = array<i32>} : memref<128x128xf32, #tpu.memory_space<vmem>>, vector<1x16xf32>,
        %swap3A_1188 = vector.shape_cast %swap3A_1187 : vector<1x16xf32> to vector<16xf32>
        %swap3A_1189 = vector.shape_cast %mul3A_1184 : vector<16xf32> to vector<1x16xf32>
        tpu.vector_store %arg15[%swap3A_1185, %swap3A_1186], %swap3A_1189 {strides = array<i32>} : memref<128x128xf32, #tpu.memory_space<vmem>>, vector<1x16xf32>,
        %get3A_1190 = arith.index_cast %add3A_1179 : i32 to index
        %get3A_1191 = arith.constant 16 : index
        %get3A_1192 = tpu.vector_load %arg15[%get3A_1190, %get3A_1191] {strides = array<i32>} : memref<128x128xf32, #tpu.memory_space<vmem>>, vector<1x16xf32>,
        %get3A_1193 = vector.shape_cast %get3A_1192 : vector<1x16xf32> to vector<16xf32>
        %mul3A_1194 = arith.mulf %get3A_1193, %broadcast_in_dim3A_1175 : vector<16xf32>
        %swap3A_1195 = arith.index_cast %add3A_1179 : i32 to index
        %swap3A_1196 = arith.constant 16 : index
        %swap3A_1197 = tpu.vector_load %arg15[%swap3A_1195, %swap3A_1196] {strides = array<i32>} : memref<128x128xf32, #tpu.memory_space<vmem>>, vector<1x16xf32>,
        %swap3A_1198 = vector.shape_cast %swap3A_1197 : vector<1x16xf32> to vector<16xf32>
        %swap3A_1199 = vector.shape_cast %mul3A_1194 : vector<16xf32> to vector<1x16xf32>
        tpu.vector_store %arg15[%swap3A_1195, %swap3A_1196], %swap3A_1199 {strides = array<i32>} : memref<128x128xf32, #tpu.memory_space<vmem>>, vector<1x16xf32>,
        %get3A_1200 = arith.index_cast %add3A_1179 : i32 to index
        %get3A_1201 = arith.constant 32 : index
        %get3A_1202 = tpu.vector_load %arg15[%get3A_1200, %get3A_1201] {strides = array<i32>} : memref<128x128xf32, #tpu.memory_space<vmem>>, vector<1x16xf32>,
        %get3A_1203 = vector.shape_cast %get3A_1202 : vector<1x16xf32> to vector<16xf32>
        %mul3A_1204 = arith.mulf %get3A_1203, %broadcast_in_dim3A_1175 : vector<16xf32>
        %swap3A_1205 = arith.index_cast %add3A_1179 : i32 to index
        %swap3A_1206 = arith.constant 32 : index
        %swap3A_1207 = tpu.vector_load %arg15[%swap3A_1205, %swap3A_1206] {strides = array<i32>} : memref<128x128xf32, #tpu.memory_space<vmem>>, vector<1x16xf32>,
        %swap3A_1208 = vector.shape_cast %swap3A_1207 : vector<1x16xf32> to vector<16xf32>
        %swap3A_1209 = vector.shape_cast %mul3A_1204 : vector<16xf32> to vector<1x16xf32>
        tpu.vector_store %arg15[%swap3A_1205, %swap3A_1206], %swap3A_1209 {strides = array<i32>} : memref<128x128xf32, #tpu.memory_space<vmem>>, vector<1x16xf32>,
        %get3A_1210 = arith.index_cast %add3A_1179 : i32 to index
        %get3A_1211 = arith.constant 48 : index
        %get3A_1212 = tpu.vector_load %arg15[%get3A_1210, %get3A_1211] {strides = array<i32>} : memref<128x128xf32, #tpu.memory_space<vmem>>, vector<1x16xf32>,
        %get3A_1213 = vector.shape_cast %get3A_1212 : vector<1x16xf32> to vector<16xf32>
        %mul3A_1214 = arith.mulf %get3A_1213, %broadcast_in_dim3A_1175 : vector<16xf32>
        %swap3A_1215 = arith.index_cast %add3A_1179 : i32 to index
        %swap3A_1216 = arith.constant 48 : index
        %swap3A_1217 = tpu.vector_load %arg15[%swap3A_1215, %swap3A_1216] {strides = array<i32>} : memref<128x128xf32, #tpu.memory_space<vmem>>, vector<1x16xf32>,
        %swap3A_1218 = vector.shape_cast %swap3A_1217 : vector<1x16xf32> to vector<16xf32>
        %swap3A_1219 = vector.shape_cast %mul3A_1214 : vector<16xf32> to vector<1x16xf32>
        tpu.vector_store %arg15[%swap3A_1215, %swap3A_1216], %swap3A_1219 {strides = array<i32>} : memref<128x128xf32, #tpu.memory_space<vmem>>, vector<1x16xf32>,
        %get3A_1220 = arith.index_cast %add3A_1179 : i32 to index
        %get3A_1221 = arith.constant 64 : index
        %get3A_1222 = tpu.vector_load %arg15[%get3A_1220, %get3A_1221] {strides = array<i32>} : memref<128x128xf32, #tpu.memory_space<vmem>>, vector<1x16xf32>,
        %get3A_1223 = vector.shape_cast %get3A_1222 : vector<1x16xf32> to vector<16xf32>
        %mul3A_1224 = arith.mulf %get3A_1223, %broadcast_in_dim3A_1175 : vector<16xf32>
        %swap3A_1225 = arith.index_cast %add3A_1179 : i32 to index
        %swap3A_1226 = arith.constant 64 : index
        %swap3A_1227 = tpu.vector_load %arg15[%swap3A_1225, %swap3A_1226] {strides = array<i32>} : memref<128x128xf32, #tpu.memory_space<vmem>>, vector<1x16xf32>,
        %swap3A_1228 = vector.shape_cast %swap3A_1227 : vector<1x16xf32> to vector<16xf32>
        %swap3A_1229 = vector.shape_cast %mul3A_1224 : vector<16xf32> to vector<1x16xf32>
        tpu.vector_store %arg15[%swap3A_1225, %swap3A_1226], %swap3A_1229 {strides = array<i32>} : memref<128x128xf32, #tpu.memory_space<vmem>>, vector<1x16xf32>,
        %get3A_1230 = arith.index_cast %add3A_1179 : i32 to index
        %get3A_1231 = arith.constant 80 : index
        %get3A_1232 = tpu.vector_load %arg15[%get3A_1230, %get3A_1231] {strides = array<i32>} : memref<128x128xf32, #tpu.memory_space<vmem>>, vector<1x16xf32>,
        %get3A_1233 = vector.shape_cast %get3A_1232 : vector<1x16xf32> to vector<16xf32>
        %mul3A_1234 = arith.mulf %get3A_1233, %broadcast_in_dim3A_1175 : vector<16xf32>
        %swap3A_1235 = arith.index_cast %add3A_1179 : i32 to index
        %swap3A_1236 = arith.constant 80 : index
        %swap3A_1237 = tpu.vector_load %arg15[%swap3A_1235, %swap3A_1236] {strides = array<i32>} : memref<128x128xf32, #tpu.memory_space<vmem>>, vector<1x16xf32>,
        %swap3A_1238 = vector.shape_cast %swap3A_1237 : vector<1x16xf32> to vector<16xf32>
        %swap3A_1239 = vector.shape_cast %mul3A_1234 : vector<16xf32> to vector<1x16xf32>
        tpu.vector_store %arg15[%swap3A_1235, %swap3A_1236], %swap3A_1239 {strides = array<i32>} : memref<128x128xf32, #tpu.memory_space<vmem>>, vector<1x16xf32>,
        %get3A_1240 = arith.index_cast %add3A_1179 : i32 to index
        %get3A_1241 = arith.constant 96 : index
        %get3A_1242 = tpu.vector_load %arg15[%get3A_1240, %get3A_1241] {strides = array<i32>} : memref<128x128xf32, #tpu.memory_space<vmem>>, vector<1x16xf32>,
        %get3A_1243 = vector.shape_cast %get3A_1242 : vector<1x16xf32> to vector<16xf32>
        %mul3A_1244 = arith.mulf %get3A_1243, %broadcast_in_dim3A_1175 : vector<16xf32>
        %swap3A_1245 = arith.index_cast %add3A_1179 : i32 to index
        %swap3A_1246 = arith.constant 96 : index
        %swap3A_1247 = tpu.vector_load %arg15[%swap3A_1245, %swap3A_1246] {strides = array<i32>} : memref<128x128xf32, #tpu.memory_space<vmem>>, vector<1x16xf32>,
        %swap3A_1248 = vector.shape_cast %swap3A_1247 : vector<1x16xf32> to vector<16xf32>
        %swap3A_1249 = vector.shape_cast %mul3A_1244 : vector<16xf32> to vector<1x16xf32>
        tpu.vector_store %arg15[%swap3A_1245, %swap3A_1246], %swap3A_1249 {strides = array<i32>} : memref<128x128xf32, #tpu.memory_space<vmem>>, vector<1x16xf32>,
        %get3A_1250 = arith.index_cast %add3A_1179 : i32 to index
        %get3A_1251 = arith.constant 112 : index
        %get3A_1252 = tpu.vector_load %arg15[%get3A_1250, %get3A_1251] {strides = array<i32>} : memref<128x128xf32, #tpu.memory_space<vmem>>, vector<1x16xf32>,
        %get3A_1253 = vector.shape_cast %get3A_1252 : vector<1x16xf32> to vector<16xf32>
        %mul3A_1254 = arith.mulf %get3A_1253, %broadcast_in_dim3A_1175 : vector<16xf32>
        %swap3A_1255 = arith.index_cast %add3A_1179 : i32 to index
        %swap3A_1256 = arith.constant 112 : index
        %swap3A_1257 = tpu.vector_load %arg15[%swap3A_1255, %swap3A_1256] {strides = array<i32>} : memref<128x128xf32, #tpu.memory_space<vmem>>, vector<1x16xf32>,
        %swap3A_1258 = vector.shape_cast %swap3A_1257 : vector<1x16xf32> to vector<16xf32>
        %swap3A_1259 = vector.shape_cast %mul3A_1254 : vector<16xf32> to vector<1x16xf32>
        tpu.vector_store %arg15[%swap3A_1255, %swap3A_1256], %swap3A_1259 {strides = array<i32>} : memref<128x128xf32, #tpu.memory_space<vmem>>, vector<1x16xf32>,
        %slice3A_1260 = vector.extract_strided_slice %get3A_45 {offsets = [14], sizes = [1], strides = [1]} : vector<16xf32> to vector<1xf32>
        %squeeze3A_1261 = vector.extract %slice3A_1260[0] : f32 from vector<1xf32>
        %broadcast_in_dim3A_1262 = vector.broadcast %squeeze3A_1261 : f32 to vector<16xf32>
        %mul3A_1263 = arith.constant 16 : i32
        %mul3A_1264 = arith.muli %scan3A_41, %mul3A_1263 : i32
        %add3A_1265 = arith.constant 14 : i32
        %add3A_1266 = arith.addi %mul3A_1264, %add3A_1265 : i32
        %get3A_1267 = arith.index_cast %add3A_1266 : i32 to index
        %get3A_1268 = arith.constant 0 : index
        %get3A_1269 = tpu.vector_load %arg15[%get3A_1267, %get3A_1268] {strides = array<i32>} : memref<128x128xf32, #tpu.memory_space<vmem>>, vector<1x16xf32>,
        %get3A_1270 = vector.shape_cast %get3A_1269 : vector<1x16xf32> to vector<16xf32>
        %mul3A_1271 = arith.mulf %get3A_1270, %broadcast_in_dim3A_1262 : vector<16xf32>
        %swap3A_1272 = arith.index_cast %add3A_1266 : i32 to index
        %swap3A_1273 = arith.constant 0 : index
        %swap3A_1274 = tpu.vector_load %arg15[%swap3A_1272, %swap3A_1273] {strides = array<i32>} : memref<128x128xf32, #tpu.memory_space<vmem>>, vector<1x16xf32>,
        %swap3A_1275 = vector.shape_cast %swap3A_1274 : vector<1x16xf32> to vector<16xf32>
        %swap3A_1276 = vector.shape_cast %mul3A_1271 : vector<16xf32> to vector<1x16xf32>
        tpu.vector_store %arg15[%swap3A_1272, %swap3A_1273], %swap3A_1276 {strides = array<i32>} : memref<128x128xf32, #tpu.memory_space<vmem>>, vector<1x16xf32>,
        %get3A_1277 = arith.index_cast %add3A_1266 : i32 to index
        %get3A_1278 = arith.constant 16 : index
        %get3A_1279 = tpu.vector_load %arg15[%get3A_1277, %get3A_1278] {strides = array<i32>} : memref<128x128xf32, #tpu.memory_space<vmem>>, vector<1x16xf32>,
        %get3A_1280 = vector.shape_cast %get3A_1279 : vector<1x16xf32> to vector<16xf32>
        %mul3A_1281 = arith.mulf %get3A_1280, %broadcast_in_dim3A_1262 : vector<16xf32>
        %swap3A_1282 = arith.index_cast %add3A_1266 : i32 to index
        %swap3A_1283 = arith.constant 16 : index
        %swap3A_1284 = tpu.vector_load %arg15[%swap3A_1282, %swap3A_1283] {strides = array<i32>} : memref<128x128xf32, #tpu.memory_space<vmem>>, vector<1x16xf32>,
        %swap3A_1285 = vector.shape_cast %swap3A_1284 : vector<1x16xf32> to vector<16xf32>
        %swap3A_1286 = vector.shape_cast %mul3A_1281 : vector<16xf32> to vector<1x16xf32>
        tpu.vector_store %arg15[%swap3A_1282, %swap3A_1283], %swap3A_1286 {strides = array<i32>} : memref<128x128xf32, #tpu.memory_space<vmem>>, vector<1x16xf32>,
        %get3A_1287 = arith.index_cast %add3A_1266 : i32 to index
        %get3A_1288 = arith.constant 32 : index
        %get3A_1289 = tpu.vector_load %arg15[%get3A_1287, %get3A_1288] {strides = array<i32>} : memref<128x128xf32, #tpu.memory_space<vmem>>, vector<1x16xf32>,
        %get3A_1290 = vector.shape_cast %get3A_1289 : vector<1x16xf32> to vector<16xf32>
        %mul3A_1291 = arith.mulf %get3A_1290, %broadcast_in_dim3A_1262 : vector<16xf32>
        %swap3A_1292 = arith.index_cast %add3A_1266 : i32 to index
        %swap3A_1293 = arith.constant 32 : index
        %swap3A_1294 = tpu.vector_load %arg15[%swap3A_1292, %swap3A_1293] {strides = array<i32>} : memref<128x128xf32, #tpu.memory_space<vmem>>, vector<1x16xf32>,
        %swap3A_1295 = vector.shape_cast %swap3A_1294 : vector<1x16xf32> to vector<16xf32>
        %swap3A_1296 = vector.shape_cast %mul3A_1291 : vector<16xf32> to vector<1x16xf32>
        tpu.vector_store %arg15[%swap3A_1292, %swap3A_1293], %swap3A_1296 {strides = array<i32>} : memref<128x128xf32, #tpu.memory_space<vmem>>, vector<1x16xf32>,
        %get3A_1297 = arith.index_cast %add3A_1266 : i32 to index
        %get3A_1298 = arith.constant 48 : index
        %get3A_1299 = tpu.vector_load %arg15[%get3A_1297, %get3A_1298] {strides = array<i32>} : memref<128x128xf32, #tpu.memory_space<vmem>>, vector<1x16xf32>,
        %get3A_1300 = vector.shape_cast %get3A_1299 : vector<1x16xf32> to vector<16xf32>
        %mul3A_1301 = arith.mulf %get3A_1300, %broadcast_in_dim3A_1262 : vector<16xf32>
        %swap3A_1302 = arith.index_cast %add3A_1266 : i32 to index
        %swap3A_1303 = arith.constant 48 : index
        %swap3A_1304 = tpu.vector_load %arg15[%swap3A_1302, %swap3A_1303] {strides = array<i32>} : memref<128x128xf32, #tpu.memory_space<vmem>>, vector<1x16xf32>,
        %swap3A_1305 = vector.shape_cast %swap3A_1304 : vector<1x16xf32> to vector<16xf32>
        %swap3A_1306 = vector.shape_cast %mul3A_1301 : vector<16xf32> to vector<1x16xf32>
        tpu.vector_store %arg15[%swap3A_1302, %swap3A_1303], %swap3A_1306 {strides = array<i32>} : memref<128x128xf32, #tpu.memory_space<vmem>>, vector<1x16xf32>,
        %get3A_1307 = arith.index_cast %add3A_1266 : i32 to index
        %get3A_1308 = arith.constant 64 : index
        %get3A_1309 = tpu.vector_load %arg15[%get3A_1307, %get3A_1308] {strides = array<i32>} : memref<128x128xf32, #tpu.memory_space<vmem>>, vector<1x16xf32>,
        %get3A_1310 = vector.shape_cast %get3A_1309 : vector<1x16xf32> to vector<16xf32>
        %mul3A_1311 = arith.mulf %get3A_1310, %broadcast_in_dim3A_1262 : vector<16xf32>
        %swap3A_1312 = arith.index_cast %add3A_1266 : i32 to index
        %swap3A_1313 = arith.constant 64 : index
        %swap3A_1314 = tpu.vector_load %arg15[%swap3A_1312, %swap3A_1313] {strides = array<i32>} : memref<128x128xf32, #tpu.memory_space<vmem>>, vector<1x16xf32>,
        %swap3A_1315 = vector.shape_cast %swap3A_1314 : vector<1x16xf32> to vector<16xf32>
        %swap3A_1316 = vector.shape_cast %mul3A_1311 : vector<16xf32> to vector<1x16xf32>
        tpu.vector_store %arg15[%swap3A_1312, %swap3A_1313], %swap3A_1316 {strides = array<i32>} : memref<128x128xf32, #tpu.memory_space<vmem>>, vector<1x16xf32>,
        %get3A_1317 = arith.index_cast %add3A_1266 : i32 to index
        %get3A_1318 = arith.constant 80 : index
        %get3A_1319 = tpu.vector_load %arg15[%get3A_1317, %get3A_1318] {strides = array<i32>} : memref<128x128xf32, #tpu.memory_space<vmem>>, vector<1x16xf32>,
        %get3A_1320 = vector.shape_cast %get3A_1319 : vector<1x16xf32> to vector<16xf32>
        %mul3A_1321 = arith.mulf %get3A_1320, %broadcast_in_dim3A_1262 : vector<16xf32>
        %swap3A_1322 = arith.index_cast %add3A_1266 : i32 to index
        %swap3A_1323 = arith.constant 80 : index
        %swap3A_1324 = tpu.vector_load %arg15[%swap3A_1322, %swap3A_1323] {strides = array<i32>} : memref<128x128xf32, #tpu.memory_space<vmem>>, vector<1x16xf32>,
        %swap3A_1325 = vector.shape_cast %swap3A_1324 : vector<1x16xf32> to vector<16xf32>
        %swap3A_1326 = vector.shape_cast %mul3A_1321 : vector<16xf32> to vector<1x16xf32>
        tpu.vector_store %arg15[%swap3A_1322, %swap3A_1323], %swap3A_1326 {strides = array<i32>} : memref<128x128xf32, #tpu.memory_space<vmem>>, vector<1x16xf32>,
        %get3A_1327 = arith.index_cast %add3A_1266 : i32 to index
        %get3A_1328 = arith.constant 96 : index
        %get3A_1329 = tpu.vector_load %arg15[%get3A_1327, %get3A_1328] {strides = array<i32>} : memref<128x128xf32, #tpu.memory_space<vmem>>, vector<1x16xf32>,
        %get3A_1330 = vector.shape_cast %get3A_1329 : vector<1x16xf32> to vector<16xf32>
        %mul3A_1331 = arith.mulf %get3A_1330, %broadcast_in_dim3A_1262 : vector<16xf32>
        %swap3A_1332 = arith.index_cast %add3A_1266 : i32 to index
        %swap3A_1333 = arith.constant 96 : index
        %swap3A_1334 = tpu.vector_load %arg15[%swap3A_1332, %swap3A_1333] {strides = array<i32>} : memref<128x128xf32, #tpu.memory_space<vmem>>, vector<1x16xf32>,
        %swap3A_1335 = vector.shape_cast %swap3A_1334 : vector<1x16xf32> to vector<16xf32>
        %swap3A_1336 = vector.shape_cast %mul3A_1331 : vector<16xf32> to vector<1x16xf32>
        tpu.vector_store %arg15[%swap3A_1332, %swap3A_1333], %swap3A_1336 {strides = array<i32>} : memref<128x128xf32, #tpu.memory_space<vmem>>, vector<1x16xf32>,
        %get3A_1337 = arith.index_cast %add3A_1266 : i32 to index
        %get3A_1338 = arith.constant 112 : index
        %get3A_1339 = tpu.vector_load %arg15[%get3A_1337, %get3A_1338] {strides = array<i32>} : memref<128x128xf32, #tpu.memory_space<vmem>>, vector<1x16xf32>,
        %get3A_1340 = vector.shape_cast %get3A_1339 : vector<1x16xf32> to vector<16xf32>
        %mul3A_1341 = arith.mulf %get3A_1340, %broadcast_in_dim3A_1262 : vector<16xf32>
        %swap3A_1342 = arith.index_cast %add3A_1266 : i32 to index
        %swap3A_1343 = arith.constant 112 : index
        %swap3A_1344 = tpu.vector_load %arg15[%swap3A_1342, %swap3A_1343] {strides = array<i32>} : memref<128x128xf32, #tpu.memory_space<vmem>>, vector<1x16xf32>,
        %swap3A_1345 = vector.shape_cast %swap3A_1344 : vector<1x16xf32> to vector<16xf32>
        %swap3A_1346 = vector.shape_cast %mul3A_1341 : vector<16xf32> to vector<1x16xf32>
        tpu.vector_store %arg15[%swap3A_1342, %swap3A_1343], %swap3A_1346 {strides = array<i32>} : memref<128x128xf32, #tpu.memory_space<vmem>>, vector<1x16xf32>,
        %slice3A_1347 = vector.extract_strided_slice %get3A_45 {offsets = [15], sizes = [1], strides = [1]} : vector<16xf32> to vector<1xf32>
        %squeeze3A_1348 = vector.extract %slice3A_1347[0] : f32 from vector<1xf32>
        %broadcast_in_dim3A_1349 = vector.broadcast %squeeze3A_1348 : f32 to vector<16xf32>
        %mul3A_1350 = arith.constant 16 : i32
        %mul3A_1351 = arith.muli %scan3A_41, %mul3A_1350 : i32
        %add3A_1352 = arith.constant 15 : i32
        %add3A_1353 = arith.addi %mul3A_1351, %add3A_1352 : i32
        %get3A_1354 = arith.index_cast %add3A_1353 : i32 to index
        %get3A_1355 = arith.constant 0 : index
        %get3A_1356 = tpu.vector_load %arg15[%get3A_1354, %get3A_1355] {strides = array<i32>} : memref<128x128xf32, #tpu.memory_space<vmem>>, vector<1x16xf32>,
        %get3A_1357 = vector.shape_cast %get3A_1356 : vector<1x16xf32> to vector<16xf32>
        %mul3A_1358 = arith.mulf %get3A_1357, %broadcast_in_dim3A_1349 : vector<16xf32>
        %swap3A_1359 = arith.index_cast %add3A_1353 : i32 to index
        %swap3A_1360 = arith.constant 0 : index
        %swap3A_1361 = tpu.vector_load %arg15[%swap3A_1359, %swap3A_1360] {strides = array<i32>} : memref<128x128xf32, #tpu.memory_space<vmem>>, vector<1x16xf32>,
        %swap3A_1362 = vector.shape_cast %swap3A_1361 : vector<1x16xf32> to vector<16xf32>
        %swap3A_1363 = vector.shape_cast %mul3A_1358 : vector<16xf32> to vector<1x16xf32>
        tpu.vector_store %arg15[%swap3A_1359, %swap3A_1360], %swap3A_1363 {strides = array<i32>} : memref<128x128xf32, #tpu.memory_space<vmem>>, vector<1x16xf32>,
        %get3A_1364 = arith.index_cast %add3A_1353 : i32 to index
        %get3A_1365 = arith.constant 16 : index
        %get3A_1366 = tpu.vector_load %arg15[%get3A_1364, %get3A_1365] {strides = array<i32>} : memref<128x128xf32, #tpu.memory_space<vmem>>, vector<1x16xf32>,
        %get3A_1367 = vector.shape_cast %get3A_1366 : vector<1x16xf32> to vector<16xf32>
        %mul3A_1368 = arith.mulf %get3A_1367, %broadcast_in_dim3A_1349 : vector<16xf32>
        %swap3A_1369 = arith.index_cast %add3A_1353 : i32 to index
        %swap3A_1370 = arith.constant 16 : index
        %swap3A_1371 = tpu.vector_load %arg15[%swap3A_1369, %swap3A_1370] {strides = array<i32>} : memref<128x128xf32, #tpu.memory_space<vmem>>, vector<1x16xf32>,
        %swap3A_1372 = vector.shape_cast %swap3A_1371 : vector<1x16xf32> to vector<16xf32>
        %swap3A_1373 = vector.shape_cast %mul3A_1368 : vector<16xf32> to vector<1x16xf32>
        tpu.vector_store %arg15[%swap3A_1369, %swap3A_1370], %swap3A_1373 {strides = array<i32>} : memref<128x128xf32, #tpu.memory_space<vmem>>, vector<1x16xf32>,
        %get3A_1374 = arith.index_cast %add3A_1353 : i32 to index
        %get3A_1375 = arith.constant 32 : index
        %get3A_1376 = tpu.vector_load %arg15[%get3A_1374, %get3A_1375] {strides = array<i32>} : memref<128x128xf32, #tpu.memory_space<vmem>>, vector<1x16xf32>,
        %get3A_1377 = vector.shape_cast %get3A_1376 : vector<1x16xf32> to vector<16xf32>
        %mul3A_1378 = arith.mulf %get3A_1377, %broadcast_in_dim3A_1349 : vector<16xf32>
        %swap3A_1379 = arith.index_cast %add3A_1353 : i32 to index
        %swap3A_1380 = arith.constant 32 : index
        %swap3A_1381 = tpu.vector_load %arg15[%swap3A_1379, %swap3A_1380] {strides = array<i32>} : memref<128x128xf32, #tpu.memory_space<vmem>>, vector<1x16xf32>,
        %swap3A_1382 = vector.shape_cast %swap3A_1381 : vector<1x16xf32> to vector<16xf32>
        %swap3A_1383 = vector.shape_cast %mul3A_1378 : vector<16xf32> to vector<1x16xf32>
        tpu.vector_store %arg15[%swap3A_1379, %swap3A_1380], %swap3A_1383 {strides = array<i32>} : memref<128x128xf32, #tpu.memory_space<vmem>>, vector<1x16xf32>,
        %get3A_1384 = arith.index_cast %add3A_1353 : i32 to index
        %get3A_1385 = arith.constant 48 : index
        %get3A_1386 = tpu.vector_load %arg15[%get3A_1384, %get3A_1385] {strides = array<i32>} : memref<128x128xf32, #tpu.memory_space<vmem>>, vector<1x16xf32>,
        %get3A_1387 = vector.shape_cast %get3A_1386 : vector<1x16xf32> to vector<16xf32>
        %mul3A_1388 = arith.mulf %get3A_1387, %broadcast_in_dim3A_1349 : vector<16xf32>
        %swap3A_1389 = arith.index_cast %add3A_1353 : i32 to index
        %swap3A_1390 = arith.constant 48 : index
        %swap3A_1391 = tpu.vector_load %arg15[%swap3A_1389, %swap3A_1390] {strides = array<i32>} : memref<128x128xf32, #tpu.memory_space<vmem>>, vector<1x16xf32>,
        %swap3A_1392 = vector.shape_cast %swap3A_1391 : vector<1x16xf32> to vector<16xf32>
        %swap3A_1393 = vector.shape_cast %mul3A_1388 : vector<16xf32> to vector<1x16xf32>
        tpu.vector_store %arg15[%swap3A_1389, %swap3A_1390], %swap3A_1393 {strides = array<i32>} : memref<128x128xf32, #tpu.memory_space<vmem>>, vector<1x16xf32>,
        %get3A_1394 = arith.index_cast %add3A_1353 : i32 to index
        %get3A_1395 = arith.constant 64 : index
        %get3A_1396 = tpu.vector_load %arg15[%get3A_1394, %get3A_1395] {strides = array<i32>} : memref<128x128xf32, #tpu.memory_space<vmem>>, vector<1x16xf32>,
        %get3A_1397 = vector.shape_cast %get3A_1396 : vector<1x16xf32> to vector<16xf32>
        %mul3A_1398 = arith.mulf %get3A_1397, %broadcast_in_dim3A_1349 : vector<16xf32>
        %swap3A_1399 = arith.index_cast %add3A_1353 : i32 to index
        %swap3A_1400 = arith.constant 64 : index
        %swap3A_1401 = tpu.vector_load %arg15[%swap3A_1399, %swap3A_1400] {strides = array<i32>} : memref<128x128xf32, #tpu.memory_space<vmem>>, vector<1x16xf32>,
        %swap3A_1402 = vector.shape_cast %swap3A_1401 : vector<1x16xf32> to vector<16xf32>
        %swap3A_1403 = vector.shape_cast %mul3A_1398 : vector<16xf32> to vector<1x16xf32>
        tpu.vector_store %arg15[%swap3A_1399, %swap3A_1400], %swap3A_1403 {strides = array<i32>} : memref<128x128xf32, #tpu.memory_space<vmem>>, vector<1x16xf32>,
        %get3A_1404 = arith.index_cast %add3A_1353 : i32 to index
        %get3A_1405 = arith.constant 80 : index
        %get3A_1406 = tpu.vector_load %arg15[%get3A_1404, %get3A_1405] {strides = array<i32>} : memref<128x128xf32, #tpu.memory_space<vmem>>, vector<1x16xf32>,
        %get3A_1407 = vector.shape_cast %get3A_1406 : vector<1x16xf32> to vector<16xf32>
        %mul3A_1408 = arith.mulf %get3A_1407, %broadcast_in_dim3A_1349 : vector<16xf32>
        %swap3A_1409 = arith.index_cast %add3A_1353 : i32 to index
        %swap3A_1410 = arith.constant 80 : index
        %swap3A_1411 = tpu.vector_load %arg15[%swap3A_1409, %swap3A_1410] {strides = array<i32>} : memref<128x128xf32, #tpu.memory_space<vmem>>, vector<1x16xf32>,
        %swap3A_1412 = vector.shape_cast %swap3A_1411 : vector<1x16xf32> to vector<16xf32>
        %swap3A_1413 = vector.shape_cast %mul3A_1408 : vector<16xf32> to vector<1x16xf32>
        tpu.vector_store %arg15[%swap3A_1409, %swap3A_1410], %swap3A_1413 {strides = array<i32>} : memref<128x128xf32, #tpu.memory_space<vmem>>, vector<1x16xf32>,
        %get3A_1414 = arith.index_cast %add3A_1353 : i32 to index
        %get3A_1415 = arith.constant 96 : index
        %get3A_1416 = tpu.vector_load %arg15[%get3A_1414, %get3A_1415] {strides = array<i32>} : memref<128x128xf32, #tpu.memory_space<vmem>>, vector<1x16xf32>,
        %get3A_1417 = vector.shape_cast %get3A_1416 : vector<1x16xf32> to vector<16xf32>
        %mul3A_1418 = arith.mulf %get3A_1417, %broadcast_in_dim3A_1349 : vector<16xf32>
        %swap3A_1419 = arith.index_cast %add3A_1353 : i32 to index
        %swap3A_1420 = arith.constant 96 : index
        %swap3A_1421 = tpu.vector_load %arg15[%swap3A_1419, %swap3A_1420] {strides = array<i32>} : memref<128x128xf32, #tpu.memory_space<vmem>>, vector<1x16xf32>,
        %swap3A_1422 = vector.shape_cast %swap3A_1421 : vector<1x16xf32> to vector<16xf32>
        %swap3A_1423 = vector.shape_cast %mul3A_1418 : vector<16xf32> to vector<1x16xf32>
        tpu.vector_store %arg15[%swap3A_1419, %swap3A_1420], %swap3A_1423 {strides = array<i32>} : memref<128x128xf32, #tpu.memory_space<vmem>>, vector<1x16xf32>,
        %get3A_1424 = arith.index_cast %add3A_1353 : i32 to index
        %get3A_1425 = arith.constant 112 : index
        %get3A_1426 = tpu.vector_load %arg15[%get3A_1424, %get3A_1425] {strides = array<i32>} : memref<128x128xf32, #tpu.memory_space<vmem>>, vector<1x16xf32>,
        %get3A_1427 = vector.shape_cast %get3A_1426 : vector<1x16xf32> to vector<16xf32>
        %mul3A_1428 = arith.mulf %get3A_1427, %broadcast_in_dim3A_1349 : vector<16xf32>
        %swap3A_1429 = arith.index_cast %add3A_1353 : i32 to index
        %swap3A_1430 = arith.constant 112 : index
        %swap3A_1431 = tpu.vector_load %arg15[%swap3A_1429, %swap3A_1430] {strides = array<i32>} : memref<128x128xf32, #tpu.memory_space<vmem>>, vector<1x16xf32>,
        %swap3A_1432 = vector.shape_cast %swap3A_1431 : vector<1x16xf32> to vector<16xf32>
        %swap3A_1433 = vector.shape_cast %mul3A_1428 : vector<16xf32> to vector<1x16xf32>
        tpu.vector_store %arg15[%swap3A_1429, %swap3A_1430], %swap3A_1433 {strides = array<i32>} : memref<128x128xf32, #tpu.memory_space<vmem>>, vector<1x16xf32>,
      }
      %scan3A_40 = arith.constant 8 : i32
      "tpu.region"() ({
        %run_scoped3A = tpu.sem_alloc : memref<!tpu.dma_semaphore, #tpu.memory_space<semaphore_mem>>
        %dma_start3A_41 = arith.constant 0 : i32
        %dma_start3A_42 = tpu.memref_slice %arg13[%scan3A_24, %dma_start3A_41] : memref<79x128xi32, #tpu.memory_space<vmem>> -> memref<1x128xi32, #tpu.memory_space<vmem>>
        %dma_start3A_43 = tpu.memref_squeeze %dma_start3A_42 : memref<1x128xi32, #tpu.memory_space<vmem>> -> memref<128xi32, #tpu.memory_space<vmem>>
        %dma_start3A_44 = arith.constant 0 : i32
        %dma_start3A_45 = arith.constant 0 : i32
        %dma_start3A_46 = tpu.memref_slice %arg11[%dma_start3A_44, %dma_start3A_45] : memref<10240x128xf32, #tpu.memory_space<vmem_shared>> -> memref<10240x128xf32, #tpu.memory_space<vmem_shared>>
        tpu.enqueue_indirect_dma source(%arg15 : memref<128x128xf32, #tpu.memory_space<vmem>>) target(%dma_start3A_46 : memref<10240x128xf32, #tpu.memory_space<vmem_shared>>) offsets(%dma_start3A_43 : memref<128xi32, #tpu.memory_space<vmem>>) semaphore(%run_scoped3A : memref<!tpu.dma_semaphore, #tpu.memory_space<semaphore_mem>>) {add = true}
        %dma_wait3A_47 = arith.constant 0 : i32
        %dma_wait3A_48 = tpu.memref_slice %arg13[%scan3A_24, %dma_wait3A_47] : memref<79x128xi32, #tpu.memory_space<vmem>> -> memref<1x128xi32, #tpu.memory_space<vmem>>
        %dma_wait3A_49 = tpu.memref_squeeze %dma_wait3A_48 : memref<1x128xi32, #tpu.memory_space<vmem>> -> memref<128xi32, #tpu.memory_space<vmem>>
        %dma_wait3A_50 = arith.constant 0 : i32
        %dma_wait3A_51 = arith.constant 0 : i32
        %dma_wait3A_52 = tpu.memref_slice %arg11[%dma_wait3A_50, %dma_wait3A_51] : memref<10240x128xf32, #tpu.memory_space<vmem_shared>> -> memref<10240x128xf32, #tpu.memory_space<vmem_shared>>
        tpu.wait_indirect_dma semaphore(%run_scoped3A : memref<!tpu.dma_semaphore, #tpu.memory_space<semaphore_mem>>) src(%arg15 : memref<128x128xf32, #tpu.memory_space<vmem>>) dst(%dma_wait3A_52 : memref<10240x128xf32, #tpu.memory_space<vmem_shared>>)
        tpu.yield
      }) : () -> ()
    }
    %scan3A_16 = arith.constant 79 : i32
    %barrier3A_17 = arith.constant 0 : index
    tpu.barrier barrier_id(%barrier3A_17)
    "tpu.region"() ({
      %run_scoped3A = tpu.sem_alloc : memref<!tpu.dma_semaphore, #tpu.memory_space<semaphore_mem>>
      %dma_start3A = tpu.memref_slice %arg7[%mul3A_2] : memref<10240xf32, #tpu.memory_space<hbm>> -> memref<640xf32, #tpu.memory_space<hbm>>
      %dma_start3A_24 = tpu.memref_slice %arg7[%mul3A_2] : memref<10240xf32, #tpu.memory_space<hbm>> -> memref<640xf32, #tpu.memory_space<hbm>>
      tpu.enqueue_dma source(%dma_start3A_24 : memref<640xf32, #tpu.memory_space<hbm>>) target(%arg16 : memref<640xf32, #tpu.memory_space<vmem>>) target_semaphore(%run_scoped3A : memref<!tpu.dma_semaphore, #tpu.memory_space<semaphore_mem>>)
      %dma_wait3A = tpu.memref_slice %arg7[%mul3A_2] : memref<10240xf32, #tpu.memory_space<hbm>> -> memref<640xf32, #tpu.memory_space<hbm>>
      %dma_wait3A_25 = tpu.memref_slice %arg7[%mul3A_2] : memref<10240xf32, #tpu.memory_space<hbm>> -> memref<640xf32, #tpu.memory_space<hbm>>
      tpu.wait_dma2 semaphore(%run_scoped3A : memref<!tpu.dma_semaphore, #tpu.memory_space<semaphore_mem>>) src(%dma_wait3A_25 : memref<640xf32, #tpu.memory_space<hbm>>) dst(%arg16 : memref<640xf32, #tpu.memory_space<vmem>>)
      tpu.yield
    }) : () -> ()
    %scan3A_18 = arith.constant 0 : i32
    %scan3A_19 = arith.constant 0 : i32
    %scan3A_20 = arith.constant 5 : i32
    %scan3A_21 = arith.addi %scan3A_19, %scan3A_20 : i32
    %scan3A_22 = arith.constant 1 : i32
    scf.for %scan3A_24 = %scan3A_19 to %scan3A_21 step %scan3A_22  : i32 {
      %mul3A_25 = arith.constant 128 : i32
      %mul3A_26 = arith.muli %scan3A_24, %mul3A_25 : i32
      %add3A_27 = arith.addi %mul3A_2, %mul3A_26 : i32
      "tpu.region"() ({
        %run_scoped3A = tpu.sem_alloc : memref<!tpu.dma_semaphore, #tpu.memory_space<semaphore_mem>>
        %dma_start3A = arith.constant 0 : i32
        %dma_start3A_34 = tpu.memref_slice %arg11[%add3A_27, %dma_start3A] : memref<10240x128xf32, #tpu.memory_space<vmem_shared>> -> memref<128x128xf32, #tpu.memory_space<vmem_shared>>
        %dma_start3A_35 = arith.constant 0 : i32
        %dma_start3A_36 = tpu.memref_slice %arg11[%add3A_27, %dma_start3A_35] : memref<10240x128xf32, #tpu.memory_space<vmem_shared>> -> memref<128x128xf32, #tpu.memory_space<vmem_shared>>
        tpu.enqueue_dma source(%dma_start3A_36 : memref<128x128xf32, #tpu.memory_space<vmem_shared>>) target(%arg15 : memref<128x128xf32, #tpu.memory_space<vmem>>) target_semaphore(%run_scoped3A : memref<!tpu.dma_semaphore, #tpu.memory_space<semaphore_mem>>)
        %dma_wait3A = arith.constant 0 : i32
        %dma_wait3A_37 = tpu.memref_slice %arg11[%add3A_27, %dma_wait3A] : memref<10240x128xf32, #tpu.memory_space<vmem_shared>> -> memref<128x128xf32, #tpu.memory_space<vmem_shared>>
        %dma_wait3A_38 = arith.constant 0 : i32
        %dma_wait3A_39 = tpu.memref_slice %arg11[%add3A_27, %dma_wait3A_38] : memref<10240x128xf32, #tpu.memory_space<vmem_shared>> -> memref<128x128xf32, #tpu.memory_space<vmem_shared>>
        tpu.wait_dma2 semaphore(%run_scoped3A : memref<!tpu.dma_semaphore, #tpu.memory_space<semaphore_mem>>) src(%dma_wait3A_39 : memref<128x128xf32, #tpu.memory_space<vmem_shared>>) dst(%arg15 : memref<128x128xf32, #tpu.memory_space<vmem>>)
        tpu.yield
      }) : () -> ()
      %scan3A_28 = arith.constant 0 : i32
      %scan3A_29 = arith.constant 0 : i32
      %scan3A_30 = arith.constant 8 : i32
      %scan3A_31 = arith.addi %scan3A_29, %scan3A_30 : i32
      %scan3A_32 = arith.constant 1 : i32
      scf.for %scan3A_34 = %scan3A_29 to %scan3A_31 step %scan3A_32  : i32 {
        %mul3A_35 = arith.constant 128 : i32
        %mul3A_36 = arith.muli %scan3A_24, %mul3A_35 : i32
        %mul3A_37 = arith.constant 16 : i32
        %mul3A_38 = arith.muli %scan3A_34, %mul3A_37 : i32
        %add3A_39 = arith.addi %mul3A_36, %mul3A_38 : i32
        %get3A = arith.index_cast %add3A_39 : i32 to index
        %get3A_40 = tpu.vector_load %arg16[%get3A] {strides = array<i32>} : memref<640xf32, #tpu.memory_space<vmem>>, vector<16xf32>,
        %get3A_41 = vector.shape_cast %get3A_40 : vector<16xf32> to vector<16xf32>
        %slice3A = vector.extract_strided_slice %get3A_41 {offsets = [0], sizes = [1], strides = [1]} : vector<16xf32> to vector<1xf32>
        %squeeze3A = vector.extract %slice3A[0] : f32 from vector<1xf32>
        %neg3A = arith.constant 0.000000e+00 : f32
        %neg3A_42 = arith.subf %neg3A, %squeeze3A : f32
        %broadcast_in_dim3A = vector.broadcast %neg3A_42 : f32 to vector<16xf32>
        %mul3A_43 = arith.constant 16 : i32
        %mul3A_44 = arith.muli %scan3A_34, %mul3A_43 : i32
        %add3A_45 = arith.constant 0 : i32
        %add3A_46 = arith.addi %mul3A_44, %add3A_45 : i32
        %get3A_47 = arith.index_cast %add3A_46 : i32 to index
        %get3A_48 = arith.constant 0 : index
        %get3A_49 = tpu.vector_load %arg15[%get3A_47, %get3A_48] {strides = array<i32>} : memref<128x128xf32, #tpu.memory_space<vmem>>, vector<1x16xf32>,
        %get3A_50 = vector.shape_cast %get3A_49 : vector<1x16xf32> to vector<16xf32>
        %mul3A_51 = arith.mulf %get3A_50, %broadcast_in_dim3A : vector<16xf32>
        %swap3A = arith.index_cast %add3A_46 : i32 to index
        %swap3A_52 = arith.constant 0 : index
        %swap3A_53 = tpu.vector_load %arg15[%swap3A, %swap3A_52] {strides = array<i32>} : memref<128x128xf32, #tpu.memory_space<vmem>>, vector<1x16xf32>,
        %swap3A_54 = vector.shape_cast %swap3A_53 : vector<1x16xf32> to vector<16xf32>
        %swap3A_55 = vector.shape_cast %mul3A_51 : vector<16xf32> to vector<1x16xf32>
        tpu.vector_store %arg15[%swap3A, %swap3A_52], %swap3A_55 {strides = array<i32>} : memref<128x128xf32, #tpu.memory_space<vmem>>, vector<1x16xf32>,
        %get3A_56 = arith.index_cast %add3A_46 : i32 to index
        %get3A_57 = arith.constant 16 : index
        %get3A_58 = tpu.vector_load %arg15[%get3A_56, %get3A_57] {strides = array<i32>} : memref<128x128xf32, #tpu.memory_space<vmem>>, vector<1x16xf32>,
        %get3A_59 = vector.shape_cast %get3A_58 : vector<1x16xf32> to vector<16xf32>
        %mul3A_60 = arith.mulf %get3A_59, %broadcast_in_dim3A : vector<16xf32>
        %swap3A_61 = arith.index_cast %add3A_46 : i32 to index
        %swap3A_62 = arith.constant 16 : index
        %swap3A_63 = tpu.vector_load %arg15[%swap3A_61, %swap3A_62] {strides = array<i32>} : memref<128x128xf32, #tpu.memory_space<vmem>>, vector<1x16xf32>,
        %swap3A_64 = vector.shape_cast %swap3A_63 : vector<1x16xf32> to vector<16xf32>
        %swap3A_65 = vector.shape_cast %mul3A_60 : vector<16xf32> to vector<1x16xf32>
        tpu.vector_store %arg15[%swap3A_61, %swap3A_62], %swap3A_65 {strides = array<i32>} : memref<128x128xf32, #tpu.memory_space<vmem>>, vector<1x16xf32>,
        %get3A_66 = arith.index_cast %add3A_46 : i32 to index
        %get3A_67 = arith.constant 32 : index
        %get3A_68 = tpu.vector_load %arg15[%get3A_66, %get3A_67] {strides = array<i32>} : memref<128x128xf32, #tpu.memory_space<vmem>>, vector<1x16xf32>,
        %get3A_69 = vector.shape_cast %get3A_68 : vector<1x16xf32> to vector<16xf32>
        %mul3A_70 = arith.mulf %get3A_69, %broadcast_in_dim3A : vector<16xf32>
        %swap3A_71 = arith.index_cast %add3A_46 : i32 to index
        %swap3A_72 = arith.constant 32 : index
        %swap3A_73 = tpu.vector_load %arg15[%swap3A_71, %swap3A_72] {strides = array<i32>} : memref<128x128xf32, #tpu.memory_space<vmem>>, vector<1x16xf32>,
        %swap3A_74 = vector.shape_cast %swap3A_73 : vector<1x16xf32> to vector<16xf32>
        %swap3A_75 = vector.shape_cast %mul3A_70 : vector<16xf32> to vector<1x16xf32>
        tpu.vector_store %arg15[%swap3A_71, %swap3A_72], %swap3A_75 {strides = array<i32>} : memref<128x128xf32, #tpu.memory_space<vmem>>, vector<1x16xf32>,
        %get3A_76 = arith.index_cast %add3A_46 : i32 to index
        %get3A_77 = arith.constant 48 : index
        %get3A_78 = tpu.vector_load %arg15[%get3A_76, %get3A_77] {strides = array<i32>} : memref<128x128xf32, #tpu.memory_space<vmem>>, vector<1x16xf32>,
        %get3A_79 = vector.shape_cast %get3A_78 : vector<1x16xf32> to vector<16xf32>
        %mul3A_80 = arith.mulf %get3A_79, %broadcast_in_dim3A : vector<16xf32>
        %swap3A_81 = arith.index_cast %add3A_46 : i32 to index
        %swap3A_82 = arith.constant 48 : index
        %swap3A_83 = tpu.vector_load %arg15[%swap3A_81, %swap3A_82] {strides = array<i32>} : memref<128x128xf32, #tpu.memory_space<vmem>>, vector<1x16xf32>,
        %swap3A_84 = vector.shape_cast %swap3A_83 : vector<1x16xf32> to vector<16xf32>
        %swap3A_85 = vector.shape_cast %mul3A_80 : vector<16xf32> to vector<1x16xf32>
        tpu.vector_store %arg15[%swap3A_81, %swap3A_82], %swap3A_85 {strides = array<i32>} : memref<128x128xf32, #tpu.memory_space<vmem>>, vector<1x16xf32>,
        %get3A_86 = arith.index_cast %add3A_46 : i32 to index
        %get3A_87 = arith.constant 64 : index
        %get3A_88 = tpu.vector_load %arg15[%get3A_86, %get3A_87] {strides = array<i32>} : memref<128x128xf32, #tpu.memory_space<vmem>>, vector<1x16xf32>,
        %get3A_89 = vector.shape_cast %get3A_88 : vector<1x16xf32> to vector<16xf32>
        %mul3A_90 = arith.mulf %get3A_89, %broadcast_in_dim3A : vector<16xf32>
        %swap3A_91 = arith.index_cast %add3A_46 : i32 to index
        %swap3A_92 = arith.constant 64 : index
        %swap3A_93 = tpu.vector_load %arg15[%swap3A_91, %swap3A_92] {strides = array<i32>} : memref<128x128xf32, #tpu.memory_space<vmem>>, vector<1x16xf32>,
        %swap3A_94 = vector.shape_cast %swap3A_93 : vector<1x16xf32> to vector<16xf32>
        %swap3A_95 = vector.shape_cast %mul3A_90 : vector<16xf32> to vector<1x16xf32>
        tpu.vector_store %arg15[%swap3A_91, %swap3A_92], %swap3A_95 {strides = array<i32>} : memref<128x128xf32, #tpu.memory_space<vmem>>, vector<1x16xf32>,
        %get3A_96 = arith.index_cast %add3A_46 : i32 to index
        %get3A_97 = arith.constant 80 : index
        %get3A_98 = tpu.vector_load %arg15[%get3A_96, %get3A_97] {strides = array<i32>} : memref<128x128xf32, #tpu.memory_space<vmem>>, vector<1x16xf32>,
        %get3A_99 = vector.shape_cast %get3A_98 : vector<1x16xf32> to vector<16xf32>
        %mul3A_100 = arith.mulf %get3A_99, %broadcast_in_dim3A : vector<16xf32>
        %swap3A_101 = arith.index_cast %add3A_46 : i32 to index
        %swap3A_102 = arith.constant 80 : index
        %swap3A_103 = tpu.vector_load %arg15[%swap3A_101, %swap3A_102] {strides = array<i32>} : memref<128x128xf32, #tpu.memory_space<vmem>>, vector<1x16xf32>,
        %swap3A_104 = vector.shape_cast %swap3A_103 : vector<1x16xf32> to vector<16xf32>
        %swap3A_105 = vector.shape_cast %mul3A_100 : vector<16xf32> to vector<1x16xf32>
        tpu.vector_store %arg15[%swap3A_101, %swap3A_102], %swap3A_105 {strides = array<i32>} : memref<128x128xf32, #tpu.memory_space<vmem>>, vector<1x16xf32>,
        %get3A_106 = arith.index_cast %add3A_46 : i32 to index
        %get3A_107 = arith.constant 96 : index
        %get3A_108 = tpu.vector_load %arg15[%get3A_106, %get3A_107] {strides = array<i32>} : memref<128x128xf32, #tpu.memory_space<vmem>>, vector<1x16xf32>,
        %get3A_109 = vector.shape_cast %get3A_108 : vector<1x16xf32> to vector<16xf32>
        %mul3A_110 = arith.mulf %get3A_109, %broadcast_in_dim3A : vector<16xf32>
        %swap3A_111 = arith.index_cast %add3A_46 : i32 to index
        %swap3A_112 = arith.constant 96 : index
        %swap3A_113 = tpu.vector_load %arg15[%swap3A_111, %swap3A_112] {strides = array<i32>} : memref<128x128xf32, #tpu.memory_space<vmem>>, vector<1x16xf32>,
        %swap3A_114 = vector.shape_cast %swap3A_113 : vector<1x16xf32> to vector<16xf32>
        %swap3A_115 = vector.shape_cast %mul3A_110 : vector<16xf32> to vector<1x16xf32>
        tpu.vector_store %arg15[%swap3A_111, %swap3A_112], %swap3A_115 {strides = array<i32>} : memref<128x128xf32, #tpu.memory_space<vmem>>, vector<1x16xf32>,
        %get3A_116 = arith.index_cast %add3A_46 : i32 to index
        %get3A_117 = arith.constant 112 : index
        %get3A_118 = tpu.vector_load %arg15[%get3A_116, %get3A_117] {strides = array<i32>} : memref<128x128xf32, #tpu.memory_space<vmem>>, vector<1x16xf32>,
        %get3A_119 = vector.shape_cast %get3A_118 : vector<1x16xf32> to vector<16xf32>
        %mul3A_120 = arith.mulf %get3A_119, %broadcast_in_dim3A : vector<16xf32>
        %swap3A_121 = arith.index_cast %add3A_46 : i32 to index
        %swap3A_122 = arith.constant 112 : index
        %swap3A_123 = tpu.vector_load %arg15[%swap3A_121, %swap3A_122] {strides = array<i32>} : memref<128x128xf32, #tpu.memory_space<vmem>>, vector<1x16xf32>,
        %swap3A_124 = vector.shape_cast %swap3A_123 : vector<1x16xf32> to vector<16xf32>
        %swap3A_125 = vector.shape_cast %mul3A_120 : vector<16xf32> to vector<1x16xf32>
        tpu.vector_store %arg15[%swap3A_121, %swap3A_122], %swap3A_125 {strides = array<i32>} : memref<128x128xf32, #tpu.memory_space<vmem>>, vector<1x16xf32>,
        %slice3A_126 = vector.extract_strided_slice %get3A_41 {offsets = [1], sizes = [1], strides = [1]} : vector<16xf32> to vector<1xf32>
        %squeeze3A_127 = vector.extract %slice3A_126[0] : f32 from vector<1xf32>
        %neg3A_128 = arith.constant 0.000000e+00 : f32
        %neg3A_129 = arith.subf %neg3A_128, %squeeze3A_127 : f32
        %broadcast_in_dim3A_130 = vector.broadcast %neg3A_129 : f32 to vector<16xf32>
        %mul3A_131 = arith.constant 16 : i32
        %mul3A_132 = arith.muli %scan3A_34, %mul3A_131 : i32
        %add3A_133 = arith.constant 1 : i32
        %add3A_134 = arith.addi %mul3A_132, %add3A_133 : i32
        %get3A_135 = arith.index_cast %add3A_134 : i32 to index
        %get3A_136 = arith.constant 0 : index
        %get3A_137 = tpu.vector_load %arg15[%get3A_135, %get3A_136] {strides = array<i32>} : memref<128x128xf32, #tpu.memory_space<vmem>>, vector<1x16xf32>,
        %get3A_138 = vector.shape_cast %get3A_137 : vector<1x16xf32> to vector<16xf32>
        %mul3A_139 = arith.mulf %get3A_138, %broadcast_in_dim3A_130 : vector<16xf32>
        %swap3A_140 = arith.index_cast %add3A_134 : i32 to index
        %swap3A_141 = arith.constant 0 : index
        %swap3A_142 = tpu.vector_load %arg15[%swap3A_140, %swap3A_141] {strides = array<i32>} : memref<128x128xf32, #tpu.memory_space<vmem>>, vector<1x16xf32>,
        %swap3A_143 = vector.shape_cast %swap3A_142 : vector<1x16xf32> to vector<16xf32>
        %swap3A_144 = vector.shape_cast %mul3A_139 : vector<16xf32> to vector<1x16xf32>
        tpu.vector_store %arg15[%swap3A_140, %swap3A_141], %swap3A_144 {strides = array<i32>} : memref<128x128xf32, #tpu.memory_space<vmem>>, vector<1x16xf32>,
        %get3A_145 = arith.index_cast %add3A_134 : i32 to index
        %get3A_146 = arith.constant 16 : index
        %get3A_147 = tpu.vector_load %arg15[%get3A_145, %get3A_146] {strides = array<i32>} : memref<128x128xf32, #tpu.memory_space<vmem>>, vector<1x16xf32>,
        %get3A_148 = vector.shape_cast %get3A_147 : vector<1x16xf32> to vector<16xf32>
        %mul3A_149 = arith.mulf %get3A_148, %broadcast_in_dim3A_130 : vector<16xf32>
        %swap3A_150 = arith.index_cast %add3A_134 : i32 to index
        %swap3A_151 = arith.constant 16 : index
        %swap3A_152 = tpu.vector_load %arg15[%swap3A_150, %swap3A_151] {strides = array<i32>} : memref<128x128xf32, #tpu.memory_space<vmem>>, vector<1x16xf32>,
        %swap3A_153 = vector.shape_cast %swap3A_152 : vector<1x16xf32> to vector<16xf32>
        %swap3A_154 = vector.shape_cast %mul3A_149 : vector<16xf32> to vector<1x16xf32>
        tpu.vector_store %arg15[%swap3A_150, %swap3A_151], %swap3A_154 {strides = array<i32>} : memref<128x128xf32, #tpu.memory_space<vmem>>, vector<1x16xf32>,
        %get3A_155 = arith.index_cast %add3A_134 : i32 to index
        %get3A_156 = arith.constant 32 : index
        %get3A_157 = tpu.vector_load %arg15[%get3A_155, %get3A_156] {strides = array<i32>} : memref<128x128xf32, #tpu.memory_space<vmem>>, vector<1x16xf32>,
        %get3A_158 = vector.shape_cast %get3A_157 : vector<1x16xf32> to vector<16xf32>
        %mul3A_159 = arith.mulf %get3A_158, %broadcast_in_dim3A_130 : vector<16xf32>
        %swap3A_160 = arith.index_cast %add3A_134 : i32 to index
        %swap3A_161 = arith.constant 32 : index
        %swap3A_162 = tpu.vector_load %arg15[%swap3A_160, %swap3A_161] {strides = array<i32>} : memref<128x128xf32, #tpu.memory_space<vmem>>, vector<1x16xf32>,
        %swap3A_163 = vector.shape_cast %swap3A_162 : vector<1x16xf32> to vector<16xf32>
        %swap3A_164 = vector.shape_cast %mul3A_159 : vector<16xf32> to vector<1x16xf32>
        tpu.vector_store %arg15[%swap3A_160, %swap3A_161], %swap3A_164 {strides = array<i32>} : memref<128x128xf32, #tpu.memory_space<vmem>>, vector<1x16xf32>,
        %get3A_165 = arith.index_cast %add3A_134 : i32 to index
        %get3A_166 = arith.constant 48 : index
        %get3A_167 = tpu.vector_load %arg15[%get3A_165, %get3A_166] {strides = array<i32>} : memref<128x128xf32, #tpu.memory_space<vmem>>, vector<1x16xf32>,
        %get3A_168 = vector.shape_cast %get3A_167 : vector<1x16xf32> to vector<16xf32>
        %mul3A_169 = arith.mulf %get3A_168, %broadcast_in_dim3A_130 : vector<16xf32>
        %swap3A_170 = arith.index_cast %add3A_134 : i32 to index
        %swap3A_171 = arith.constant 48 : index
        %swap3A_172 = tpu.vector_load %arg15[%swap3A_170, %swap3A_171] {strides = array<i32>} : memref<128x128xf32, #tpu.memory_space<vmem>>, vector<1x16xf32>,
        %swap3A_173 = vector.shape_cast %swap3A_172 : vector<1x16xf32> to vector<16xf32>
        %swap3A_174 = vector.shape_cast %mul3A_169 : vector<16xf32> to vector<1x16xf32>
        tpu.vector_store %arg15[%swap3A_170, %swap3A_171], %swap3A_174 {strides = array<i32>} : memref<128x128xf32, #tpu.memory_space<vmem>>, vector<1x16xf32>,
        %get3A_175 = arith.index_cast %add3A_134 : i32 to index
        %get3A_176 = arith.constant 64 : index
        %get3A_177 = tpu.vector_load %arg15[%get3A_175, %get3A_176] {strides = array<i32>} : memref<128x128xf32, #tpu.memory_space<vmem>>, vector<1x16xf32>,
        %get3A_178 = vector.shape_cast %get3A_177 : vector<1x16xf32> to vector<16xf32>
        %mul3A_179 = arith.mulf %get3A_178, %broadcast_in_dim3A_130 : vector<16xf32>
        %swap3A_180 = arith.index_cast %add3A_134 : i32 to index
        %swap3A_181 = arith.constant 64 : index
        %swap3A_182 = tpu.vector_load %arg15[%swap3A_180, %swap3A_181] {strides = array<i32>} : memref<128x128xf32, #tpu.memory_space<vmem>>, vector<1x16xf32>,
        %swap3A_183 = vector.shape_cast %swap3A_182 : vector<1x16xf32> to vector<16xf32>
        %swap3A_184 = vector.shape_cast %mul3A_179 : vector<16xf32> to vector<1x16xf32>
        tpu.vector_store %arg15[%swap3A_180, %swap3A_181], %swap3A_184 {strides = array<i32>} : memref<128x128xf32, #tpu.memory_space<vmem>>, vector<1x16xf32>,
        %get3A_185 = arith.index_cast %add3A_134 : i32 to index
        %get3A_186 = arith.constant 80 : index
        %get3A_187 = tpu.vector_load %arg15[%get3A_185, %get3A_186] {strides = array<i32>} : memref<128x128xf32, #tpu.memory_space<vmem>>, vector<1x16xf32>,
        %get3A_188 = vector.shape_cast %get3A_187 : vector<1x16xf32> to vector<16xf32>
        %mul3A_189 = arith.mulf %get3A_188, %broadcast_in_dim3A_130 : vector<16xf32>
        %swap3A_190 = arith.index_cast %add3A_134 : i32 to index
        %swap3A_191 = arith.constant 80 : index
        %swap3A_192 = tpu.vector_load %arg15[%swap3A_190, %swap3A_191] {strides = array<i32>} : memref<128x128xf32, #tpu.memory_space<vmem>>, vector<1x16xf32>,
        %swap3A_193 = vector.shape_cast %swap3A_192 : vector<1x16xf32> to vector<16xf32>
        %swap3A_194 = vector.shape_cast %mul3A_189 : vector<16xf32> to vector<1x16xf32>
        tpu.vector_store %arg15[%swap3A_190, %swap3A_191], %swap3A_194 {strides = array<i32>} : memref<128x128xf32, #tpu.memory_space<vmem>>, vector<1x16xf32>,
        %get3A_195 = arith.index_cast %add3A_134 : i32 to index
        %get3A_196 = arith.constant 96 : index
        %get3A_197 = tpu.vector_load %arg15[%get3A_195, %get3A_196] {strides = array<i32>} : memref<128x128xf32, #tpu.memory_space<vmem>>, vector<1x16xf32>,
        %get3A_198 = vector.shape_cast %get3A_197 : vector<1x16xf32> to vector<16xf32>
        %mul3A_199 = arith.mulf %get3A_198, %broadcast_in_dim3A_130 : vector<16xf32>
        %swap3A_200 = arith.index_cast %add3A_134 : i32 to index
        %swap3A_201 = arith.constant 96 : index
        %swap3A_202 = tpu.vector_load %arg15[%swap3A_200, %swap3A_201] {strides = array<i32>} : memref<128x128xf32, #tpu.memory_space<vmem>>, vector<1x16xf32>,
        %swap3A_203 = vector.shape_cast %swap3A_202 : vector<1x16xf32> to vector<16xf32>
        %swap3A_204 = vector.shape_cast %mul3A_199 : vector<16xf32> to vector<1x16xf32>
        tpu.vector_store %arg15[%swap3A_200, %swap3A_201], %swap3A_204 {strides = array<i32>} : memref<128x128xf32, #tpu.memory_space<vmem>>, vector<1x16xf32>,
        %get3A_205 = arith.index_cast %add3A_134 : i32 to index
        %get3A_206 = arith.constant 112 : index
        %get3A_207 = tpu.vector_load %arg15[%get3A_205, %get3A_206] {strides = array<i32>} : memref<128x128xf32, #tpu.memory_space<vmem>>, vector<1x16xf32>,
        %get3A_208 = vector.shape_cast %get3A_207 : vector<1x16xf32> to vector<16xf32>
        %mul3A_209 = arith.mulf %get3A_208, %broadcast_in_dim3A_130 : vector<16xf32>
        %swap3A_210 = arith.index_cast %add3A_134 : i32 to index
        %swap3A_211 = arith.constant 112 : index
        %swap3A_212 = tpu.vector_load %arg15[%swap3A_210, %swap3A_211] {strides = array<i32>} : memref<128x128xf32, #tpu.memory_space<vmem>>, vector<1x16xf32>,
        %swap3A_213 = vector.shape_cast %swap3A_212 : vector<1x16xf32> to vector<16xf32>
        %swap3A_214 = vector.shape_cast %mul3A_209 : vector<16xf32> to vector<1x16xf32>
        tpu.vector_store %arg15[%swap3A_210, %swap3A_211], %swap3A_214 {strides = array<i32>} : memref<128x128xf32, #tpu.memory_space<vmem>>, vector<1x16xf32>,
        %slice3A_215 = vector.extract_strided_slice %get3A_41 {offsets = [2], sizes = [1], strides = [1]} : vector<16xf32> to vector<1xf32>
        %squeeze3A_216 = vector.extract %slice3A_215[0] : f32 from vector<1xf32>
        %neg3A_217 = arith.constant 0.000000e+00 : f32
        %neg3A_218 = arith.subf %neg3A_217, %squeeze3A_216 : f32
        %broadcast_in_dim3A_219 = vector.broadcast %neg3A_218 : f32 to vector<16xf32>
        %mul3A_220 = arith.constant 16 : i32
        %mul3A_221 = arith.muli %scan3A_34, %mul3A_220 : i32
        %add3A_222 = arith.constant 2 : i32
        %add3A_223 = arith.addi %mul3A_221, %add3A_222 : i32
        %get3A_224 = arith.index_cast %add3A_223 : i32 to index
        %get3A_225 = arith.constant 0 : index
        %get3A_226 = tpu.vector_load %arg15[%get3A_224, %get3A_225] {strides = array<i32>} : memref<128x128xf32, #tpu.memory_space<vmem>>, vector<1x16xf32>,
        %get3A_227 = vector.shape_cast %get3A_226 : vector<1x16xf32> to vector<16xf32>
        %mul3A_228 = arith.mulf %get3A_227, %broadcast_in_dim3A_219 : vector<16xf32>
        %swap3A_229 = arith.index_cast %add3A_223 : i32 to index
        %swap3A_230 = arith.constant 0 : index
        %swap3A_231 = tpu.vector_load %arg15[%swap3A_229, %swap3A_230] {strides = array<i32>} : memref<128x128xf32, #tpu.memory_space<vmem>>, vector<1x16xf32>,
        %swap3A_232 = vector.shape_cast %swap3A_231 : vector<1x16xf32> to vector<16xf32>
        %swap3A_233 = vector.shape_cast %mul3A_228 : vector<16xf32> to vector<1x16xf32>
        tpu.vector_store %arg15[%swap3A_229, %swap3A_230], %swap3A_233 {strides = array<i32>} : memref<128x128xf32, #tpu.memory_space<vmem>>, vector<1x16xf32>,
        %get3A_234 = arith.index_cast %add3A_223 : i32 to index
        %get3A_235 = arith.constant 16 : index
        %get3A_236 = tpu.vector_load %arg15[%get3A_234, %get3A_235] {strides = array<i32>} : memref<128x128xf32, #tpu.memory_space<vmem>>, vector<1x16xf32>,
        %get3A_237 = vector.shape_cast %get3A_236 : vector<1x16xf32> to vector<16xf32>
        %mul3A_238 = arith.mulf %get3A_237, %broadcast_in_dim3A_219 : vector<16xf32>
        %swap3A_239 = arith.index_cast %add3A_223 : i32 to index
        %swap3A_240 = arith.constant 16 : index
        %swap3A_241 = tpu.vector_load %arg15[%swap3A_239, %swap3A_240] {strides = array<i32>} : memref<128x128xf32, #tpu.memory_space<vmem>>, vector<1x16xf32>,
        %swap3A_242 = vector.shape_cast %swap3A_241 : vector<1x16xf32> to vector<16xf32>
        %swap3A_243 = vector.shape_cast %mul3A_238 : vector<16xf32> to vector<1x16xf32>
        tpu.vector_store %arg15[%swap3A_239, %swap3A_240], %swap3A_243 {strides = array<i32>} : memref<128x128xf32, #tpu.memory_space<vmem>>, vector<1x16xf32>,
        %get3A_244 = arith.index_cast %add3A_223 : i32 to index
        %get3A_245 = arith.constant 32 : index
        %get3A_246 = tpu.vector_load %arg15[%get3A_244, %get3A_245] {strides = array<i32>} : memref<128x128xf32, #tpu.memory_space<vmem>>, vector<1x16xf32>,
        %get3A_247 = vector.shape_cast %get3A_246 : vector<1x16xf32> to vector<16xf32>
        %mul3A_248 = arith.mulf %get3A_247, %broadcast_in_dim3A_219 : vector<16xf32>
        %swap3A_249 = arith.index_cast %add3A_223 : i32 to index
        %swap3A_250 = arith.constant 32 : index
        %swap3A_251 = tpu.vector_load %arg15[%swap3A_249, %swap3A_250] {strides = array<i32>} : memref<128x128xf32, #tpu.memory_space<vmem>>, vector<1x16xf32>,
        %swap3A_252 = vector.shape_cast %swap3A_251 : vector<1x16xf32> to vector<16xf32>
        %swap3A_253 = vector.shape_cast %mul3A_248 : vector<16xf32> to vector<1x16xf32>
        tpu.vector_store %arg15[%swap3A_249, %swap3A_250], %swap3A_253 {strides = array<i32>} : memref<128x128xf32, #tpu.memory_space<vmem>>, vector<1x16xf32>,
        %get3A_254 = arith.index_cast %add3A_223 : i32 to index
        %get3A_255 = arith.constant 48 : index
        %get3A_256 = tpu.vector_load %arg15[%get3A_254, %get3A_255] {strides = array<i32>} : memref<128x128xf32, #tpu.memory_space<vmem>>, vector<1x16xf32>,
        %get3A_257 = vector.shape_cast %get3A_256 : vector<1x16xf32> to vector<16xf32>
        %mul3A_258 = arith.mulf %get3A_257, %broadcast_in_dim3A_219 : vector<16xf32>
        %swap3A_259 = arith.index_cast %add3A_223 : i32 to index
        %swap3A_260 = arith.constant 48 : index
        %swap3A_261 = tpu.vector_load %arg15[%swap3A_259, %swap3A_260] {strides = array<i32>} : memref<128x128xf32, #tpu.memory_space<vmem>>, vector<1x16xf32>,
        %swap3A_262 = vector.shape_cast %swap3A_261 : vector<1x16xf32> to vector<16xf32>
        %swap3A_263 = vector.shape_cast %mul3A_258 : vector<16xf32> to vector<1x16xf32>
        tpu.vector_store %arg15[%swap3A_259, %swap3A_260], %swap3A_263 {strides = array<i32>} : memref<128x128xf32, #tpu.memory_space<vmem>>, vector<1x16xf32>,
        %get3A_264 = arith.index_cast %add3A_223 : i32 to index
        %get3A_265 = arith.constant 64 : index
        %get3A_266 = tpu.vector_load %arg15[%get3A_264, %get3A_265] {strides = array<i32>} : memref<128x128xf32, #tpu.memory_space<vmem>>, vector<1x16xf32>,
        %get3A_267 = vector.shape_cast %get3A_266 : vector<1x16xf32> to vector<16xf32>
        %mul3A_268 = arith.mulf %get3A_267, %broadcast_in_dim3A_219 : vector<16xf32>
        %swap3A_269 = arith.index_cast %add3A_223 : i32 to index
        %swap3A_270 = arith.constant 64 : index
        %swap3A_271 = tpu.vector_load %arg15[%swap3A_269, %swap3A_270] {strides = array<i32>} : memref<128x128xf32, #tpu.memory_space<vmem>>, vector<1x16xf32>,
        %swap3A_272 = vector.shape_cast %swap3A_271 : vector<1x16xf32> to vector<16xf32>
        %swap3A_273 = vector.shape_cast %mul3A_268 : vector<16xf32> to vector<1x16xf32>
        tpu.vector_store %arg15[%swap3A_269, %swap3A_270], %swap3A_273 {strides = array<i32>} : memref<128x128xf32, #tpu.memory_space<vmem>>, vector<1x16xf32>,
        %get3A_274 = arith.index_cast %add3A_223 : i32 to index
        %get3A_275 = arith.constant 80 : index
        %get3A_276 = tpu.vector_load %arg15[%get3A_274, %get3A_275] {strides = array<i32>} : memref<128x128xf32, #tpu.memory_space<vmem>>, vector<1x16xf32>,
        %get3A_277 = vector.shape_cast %get3A_276 : vector<1x16xf32> to vector<16xf32>
        %mul3A_278 = arith.mulf %get3A_277, %broadcast_in_dim3A_219 : vector<16xf32>
        %swap3A_279 = arith.index_cast %add3A_223 : i32 to index
        %swap3A_280 = arith.constant 80 : index
        %swap3A_281 = tpu.vector_load %arg15[%swap3A_279, %swap3A_280] {strides = array<i32>} : memref<128x128xf32, #tpu.memory_space<vmem>>, vector<1x16xf32>,
        %swap3A_282 = vector.shape_cast %swap3A_281 : vector<1x16xf32> to vector<16xf32>
        %swap3A_283 = vector.shape_cast %mul3A_278 : vector<16xf32> to vector<1x16xf32>
        tpu.vector_store %arg15[%swap3A_279, %swap3A_280], %swap3A_283 {strides = array<i32>} : memref<128x128xf32, #tpu.memory_space<vmem>>, vector<1x16xf32>,
        %get3A_284 = arith.index_cast %add3A_223 : i32 to index
        %get3A_285 = arith.constant 96 : index
        %get3A_286 = tpu.vector_load %arg15[%get3A_284, %get3A_285] {strides = array<i32>} : memref<128x128xf32, #tpu.memory_space<vmem>>, vector<1x16xf32>,
        %get3A_287 = vector.shape_cast %get3A_286 : vector<1x16xf32> to vector<16xf32>
        %mul3A_288 = arith.mulf %get3A_287, %broadcast_in_dim3A_219 : vector<16xf32>
        %swap3A_289 = arith.index_cast %add3A_223 : i32 to index
        %swap3A_290 = arith.constant 96 : index
        %swap3A_291 = tpu.vector_load %arg15[%swap3A_289, %swap3A_290] {strides = array<i32>} : memref<128x128xf32, #tpu.memory_space<vmem>>, vector<1x16xf32>,
        %swap3A_292 = vector.shape_cast %swap3A_291 : vector<1x16xf32> to vector<16xf32>
        %swap3A_293 = vector.shape_cast %mul3A_288 : vector<16xf32> to vector<1x16xf32>
        tpu.vector_store %arg15[%swap3A_289, %swap3A_290], %swap3A_293 {strides = array<i32>} : memref<128x128xf32, #tpu.memory_space<vmem>>, vector<1x16xf32>,
        %get3A_294 = arith.index_cast %add3A_223 : i32 to index
        %get3A_295 = arith.constant 112 : index
        %get3A_296 = tpu.vector_load %arg15[%get3A_294, %get3A_295] {strides = array<i32>} : memref<128x128xf32, #tpu.memory_space<vmem>>, vector<1x16xf32>,
        %get3A_297 = vector.shape_cast %get3A_296 : vector<1x16xf32> to vector<16xf32>
        %mul3A_298 = arith.mulf %get3A_297, %broadcast_in_dim3A_219 : vector<16xf32>
        %swap3A_299 = arith.index_cast %add3A_223 : i32 to index
        %swap3A_300 = arith.constant 112 : index
        %swap3A_301 = tpu.vector_load %arg15[%swap3A_299, %swap3A_300] {strides = array<i32>} : memref<128x128xf32, #tpu.memory_space<vmem>>, vector<1x16xf32>,
        %swap3A_302 = vector.shape_cast %swap3A_301 : vector<1x16xf32> to vector<16xf32>
        %swap3A_303 = vector.shape_cast %mul3A_298 : vector<16xf32> to vector<1x16xf32>
        tpu.vector_store %arg15[%swap3A_299, %swap3A_300], %swap3A_303 {strides = array<i32>} : memref<128x128xf32, #tpu.memory_space<vmem>>, vector<1x16xf32>,
        %slice3A_304 = vector.extract_strided_slice %get3A_41 {offsets = [3], sizes = [1], strides = [1]} : vector<16xf32> to vector<1xf32>
        %squeeze3A_305 = vector.extract %slice3A_304[0] : f32 from vector<1xf32>
        %neg3A_306 = arith.constant 0.000000e+00 : f32
        %neg3A_307 = arith.subf %neg3A_306, %squeeze3A_305 : f32
        %broadcast_in_dim3A_308 = vector.broadcast %neg3A_307 : f32 to vector<16xf32>
        %mul3A_309 = arith.constant 16 : i32
        %mul3A_310 = arith.muli %scan3A_34, %mul3A_309 : i32
        %add3A_311 = arith.constant 3 : i32
        %add3A_312 = arith.addi %mul3A_310, %add3A_311 : i32
        %get3A_313 = arith.index_cast %add3A_312 : i32 to index
        %get3A_314 = arith.constant 0 : index
        %get3A_315 = tpu.vector_load %arg15[%get3A_313, %get3A_314] {strides = array<i32>} : memref<128x128xf32, #tpu.memory_space<vmem>>, vector<1x16xf32>,
        %get3A_316 = vector.shape_cast %get3A_315 : vector<1x16xf32> to vector<16xf32>
        %mul3A_317 = arith.mulf %get3A_316, %broadcast_in_dim3A_308 : vector<16xf32>
        %swap3A_318 = arith.index_cast %add3A_312 : i32 to index
        %swap3A_319 = arith.constant 0 : index
        %swap3A_320 = tpu.vector_load %arg15[%swap3A_318, %swap3A_319] {strides = array<i32>} : memref<128x128xf32, #tpu.memory_space<vmem>>, vector<1x16xf32>,
        %swap3A_321 = vector.shape_cast %swap3A_320 : vector<1x16xf32> to vector<16xf32>
        %swap3A_322 = vector.shape_cast %mul3A_317 : vector<16xf32> to vector<1x16xf32>
        tpu.vector_store %arg15[%swap3A_318, %swap3A_319], %swap3A_322 {strides = array<i32>} : memref<128x128xf32, #tpu.memory_space<vmem>>, vector<1x16xf32>,
        %get3A_323 = arith.index_cast %add3A_312 : i32 to index
        %get3A_324 = arith.constant 16 : index
        %get3A_325 = tpu.vector_load %arg15[%get3A_323, %get3A_324] {strides = array<i32>} : memref<128x128xf32, #tpu.memory_space<vmem>>, vector<1x16xf32>,
        %get3A_326 = vector.shape_cast %get3A_325 : vector<1x16xf32> to vector<16xf32>
        %mul3A_327 = arith.mulf %get3A_326, %broadcast_in_dim3A_308 : vector<16xf32>
        %swap3A_328 = arith.index_cast %add3A_312 : i32 to index
        %swap3A_329 = arith.constant 16 : index
        %swap3A_330 = tpu.vector_load %arg15[%swap3A_328, %swap3A_329] {strides = array<i32>} : memref<128x128xf32, #tpu.memory_space<vmem>>, vector<1x16xf32>,
        %swap3A_331 = vector.shape_cast %swap3A_330 : vector<1x16xf32> to vector<16xf32>
        %swap3A_332 = vector.shape_cast %mul3A_327 : vector<16xf32> to vector<1x16xf32>
        tpu.vector_store %arg15[%swap3A_328, %swap3A_329], %swap3A_332 {strides = array<i32>} : memref<128x128xf32, #tpu.memory_space<vmem>>, vector<1x16xf32>,
        %get3A_333 = arith.index_cast %add3A_312 : i32 to index
        %get3A_334 = arith.constant 32 : index
        %get3A_335 = tpu.vector_load %arg15[%get3A_333, %get3A_334] {strides = array<i32>} : memref<128x128xf32, #tpu.memory_space<vmem>>, vector<1x16xf32>,
        %get3A_336 = vector.shape_cast %get3A_335 : vector<1x16xf32> to vector<16xf32>
        %mul3A_337 = arith.mulf %get3A_336, %broadcast_in_dim3A_308 : vector<16xf32>
        %swap3A_338 = arith.index_cast %add3A_312 : i32 to index
        %swap3A_339 = arith.constant 32 : index
        %swap3A_340 = tpu.vector_load %arg15[%swap3A_338, %swap3A_339] {strides = array<i32>} : memref<128x128xf32, #tpu.memory_space<vmem>>, vector<1x16xf32>,
        %swap3A_341 = vector.shape_cast %swap3A_340 : vector<1x16xf32> to vector<16xf32>
        %swap3A_342 = vector.shape_cast %mul3A_337 : vector<16xf32> to vector<1x16xf32>
        tpu.vector_store %arg15[%swap3A_338, %swap3A_339], %swap3A_342 {strides = array<i32>} : memref<128x128xf32, #tpu.memory_space<vmem>>, vector<1x16xf32>,
        %get3A_343 = arith.index_cast %add3A_312 : i32 to index
        %get3A_344 = arith.constant 48 : index
        %get3A_345 = tpu.vector_load %arg15[%get3A_343, %get3A_344] {strides = array<i32>} : memref<128x128xf32, #tpu.memory_space<vmem>>, vector<1x16xf32>,
        %get3A_346 = vector.shape_cast %get3A_345 : vector<1x16xf32> to vector<16xf32>
        %mul3A_347 = arith.mulf %get3A_346, %broadcast_in_dim3A_308 : vector<16xf32>
        %swap3A_348 = arith.index_cast %add3A_312 : i32 to index
        %swap3A_349 = arith.constant 48 : index
        %swap3A_350 = tpu.vector_load %arg15[%swap3A_348, %swap3A_349] {strides = array<i32>} : memref<128x128xf32, #tpu.memory_space<vmem>>, vector<1x16xf32>,
        %swap3A_351 = vector.shape_cast %swap3A_350 : vector<1x16xf32> to vector<16xf32>
        %swap3A_352 = vector.shape_cast %mul3A_347 : vector<16xf32> to vector<1x16xf32>
        tpu.vector_store %arg15[%swap3A_348, %swap3A_349], %swap3A_352 {strides = array<i32>} : memref<128x128xf32, #tpu.memory_space<vmem>>, vector<1x16xf32>,
        %get3A_353 = arith.index_cast %add3A_312 : i32 to index
        %get3A_354 = arith.constant 64 : index
        %get3A_355 = tpu.vector_load %arg15[%get3A_353, %get3A_354] {strides = array<i32>} : memref<128x128xf32, #tpu.memory_space<vmem>>, vector<1x16xf32>,
        %get3A_356 = vector.shape_cast %get3A_355 : vector<1x16xf32> to vector<16xf32>
        %mul3A_357 = arith.mulf %get3A_356, %broadcast_in_dim3A_308 : vector<16xf32>
        %swap3A_358 = arith.index_cast %add3A_312 : i32 to index
        %swap3A_359 = arith.constant 64 : index
        %swap3A_360 = tpu.vector_load %arg15[%swap3A_358, %swap3A_359] {strides = array<i32>} : memref<128x128xf32, #tpu.memory_space<vmem>>, vector<1x16xf32>,
        %swap3A_361 = vector.shape_cast %swap3A_360 : vector<1x16xf32> to vector<16xf32>
        %swap3A_362 = vector.shape_cast %mul3A_357 : vector<16xf32> to vector<1x16xf32>
        tpu.vector_store %arg15[%swap3A_358, %swap3A_359], %swap3A_362 {strides = array<i32>} : memref<128x128xf32, #tpu.memory_space<vmem>>, vector<1x16xf32>,
        %get3A_363 = arith.index_cast %add3A_312 : i32 to index
        %get3A_364 = arith.constant 80 : index
        %get3A_365 = tpu.vector_load %arg15[%get3A_363, %get3A_364] {strides = array<i32>} : memref<128x128xf32, #tpu.memory_space<vmem>>, vector<1x16xf32>,
        %get3A_366 = vector.shape_cast %get3A_365 : vector<1x16xf32> to vector<16xf32>
        %mul3A_367 = arith.mulf %get3A_366, %broadcast_in_dim3A_308 : vector<16xf32>
        %swap3A_368 = arith.index_cast %add3A_312 : i32 to index
        %swap3A_369 = arith.constant 80 : index
        %swap3A_370 = tpu.vector_load %arg15[%swap3A_368, %swap3A_369] {strides = array<i32>} : memref<128x128xf32, #tpu.memory_space<vmem>>, vector<1x16xf32>,
        %swap3A_371 = vector.shape_cast %swap3A_370 : vector<1x16xf32> to vector<16xf32>
        %swap3A_372 = vector.shape_cast %mul3A_367 : vector<16xf32> to vector<1x16xf32>
        tpu.vector_store %arg15[%swap3A_368, %swap3A_369], %swap3A_372 {strides = array<i32>} : memref<128x128xf32, #tpu.memory_space<vmem>>, vector<1x16xf32>,
        %get3A_373 = arith.index_cast %add3A_312 : i32 to index
        %get3A_374 = arith.constant 96 : index
        %get3A_375 = tpu.vector_load %arg15[%get3A_373, %get3A_374] {strides = array<i32>} : memref<128x128xf32, #tpu.memory_space<vmem>>, vector<1x16xf32>,
        %get3A_376 = vector.shape_cast %get3A_375 : vector<1x16xf32> to vector<16xf32>
        %mul3A_377 = arith.mulf %get3A_376, %broadcast_in_dim3A_308 : vector<16xf32>
        %swap3A_378 = arith.index_cast %add3A_312 : i32 to index
        %swap3A_379 = arith.constant 96 : index
        %swap3A_380 = tpu.vector_load %arg15[%swap3A_378, %swap3A_379] {strides = array<i32>} : memref<128x128xf32, #tpu.memory_space<vmem>>, vector<1x16xf32>,
        %swap3A_381 = vector.shape_cast %swap3A_380 : vector<1x16xf32> to vector<16xf32>
        %swap3A_382 = vector.shape_cast %mul3A_377 : vector<16xf32> to vector<1x16xf32>
        tpu.vector_store %arg15[%swap3A_378, %swap3A_379], %swap3A_382 {strides = array<i32>} : memref<128x128xf32, #tpu.memory_space<vmem>>, vector<1x16xf32>,
        %get3A_383 = arith.index_cast %add3A_312 : i32 to index
        %get3A_384 = arith.constant 112 : index
        %get3A_385 = tpu.vector_load %arg15[%get3A_383, %get3A_384] {strides = array<i32>} : memref<128x128xf32, #tpu.memory_space<vmem>>, vector<1x16xf32>,
        %get3A_386 = vector.shape_cast %get3A_385 : vector<1x16xf32> to vector<16xf32>
        %mul3A_387 = arith.mulf %get3A_386, %broadcast_in_dim3A_308 : vector<16xf32>
        %swap3A_388 = arith.index_cast %add3A_312 : i32 to index
        %swap3A_389 = arith.constant 112 : index
        %swap3A_390 = tpu.vector_load %arg15[%swap3A_388, %swap3A_389] {strides = array<i32>} : memref<128x128xf32, #tpu.memory_space<vmem>>, vector<1x16xf32>,
        %swap3A_391 = vector.shape_cast %swap3A_390 : vector<1x16xf32> to vector<16xf32>
        %swap3A_392 = vector.shape_cast %mul3A_387 : vector<16xf32> to vector<1x16xf32>
        tpu.vector_store %arg15[%swap3A_388, %swap3A_389], %swap3A_392 {strides = array<i32>} : memref<128x128xf32, #tpu.memory_space<vmem>>, vector<1x16xf32>,
        %slice3A_393 = vector.extract_strided_slice %get3A_41 {offsets = [4], sizes = [1], strides = [1]} : vector<16xf32> to vector<1xf32>
        %squeeze3A_394 = vector.extract %slice3A_393[0] : f32 from vector<1xf32>
        %neg3A_395 = arith.constant 0.000000e+00 : f32
        %neg3A_396 = arith.subf %neg3A_395, %squeeze3A_394 : f32
        %broadcast_in_dim3A_397 = vector.broadcast %neg3A_396 : f32 to vector<16xf32>
        %mul3A_398 = arith.constant 16 : i32
        %mul3A_399 = arith.muli %scan3A_34, %mul3A_398 : i32
        %add3A_400 = arith.constant 4 : i32
        %add3A_401 = arith.addi %mul3A_399, %add3A_400 : i32
        %get3A_402 = arith.index_cast %add3A_401 : i32 to index
        %get3A_403 = arith.constant 0 : index
        %get3A_404 = tpu.vector_load %arg15[%get3A_402, %get3A_403] {strides = array<i32>} : memref<128x128xf32, #tpu.memory_space<vmem>>, vector<1x16xf32>,
        %get3A_405 = vector.shape_cast %get3A_404 : vector<1x16xf32> to vector<16xf32>
        %mul3A_406 = arith.mulf %get3A_405, %broadcast_in_dim3A_397 : vector<16xf32>
        %swap3A_407 = arith.index_cast %add3A_401 : i32 to index
        %swap3A_408 = arith.constant 0 : index
        %swap3A_409 = tpu.vector_load %arg15[%swap3A_407, %swap3A_408] {strides = array<i32>} : memref<128x128xf32, #tpu.memory_space<vmem>>, vector<1x16xf32>,
        %swap3A_410 = vector.shape_cast %swap3A_409 : vector<1x16xf32> to vector<16xf32>
        %swap3A_411 = vector.shape_cast %mul3A_406 : vector<16xf32> to vector<1x16xf32>
        tpu.vector_store %arg15[%swap3A_407, %swap3A_408], %swap3A_411 {strides = array<i32>} : memref<128x128xf32, #tpu.memory_space<vmem>>, vector<1x16xf32>,
        %get3A_412 = arith.index_cast %add3A_401 : i32 to index
        %get3A_413 = arith.constant 16 : index
        %get3A_414 = tpu.vector_load %arg15[%get3A_412, %get3A_413] {strides = array<i32>} : memref<128x128xf32, #tpu.memory_space<vmem>>, vector<1x16xf32>,
        %get3A_415 = vector.shape_cast %get3A_414 : vector<1x16xf32> to vector<16xf32>
        %mul3A_416 = arith.mulf %get3A_415, %broadcast_in_dim3A_397 : vector<16xf32>
        %swap3A_417 = arith.index_cast %add3A_401 : i32 to index
        %swap3A_418 = arith.constant 16 : index
        %swap3A_419 = tpu.vector_load %arg15[%swap3A_417, %swap3A_418] {strides = array<i32>} : memref<128x128xf32, #tpu.memory_space<vmem>>, vector<1x16xf32>,
        %swap3A_420 = vector.shape_cast %swap3A_419 : vector<1x16xf32> to vector<16xf32>
        %swap3A_421 = vector.shape_cast %mul3A_416 : vector<16xf32> to vector<1x16xf32>
        tpu.vector_store %arg15[%swap3A_417, %swap3A_418], %swap3A_421 {strides = array<i32>} : memref<128x128xf32, #tpu.memory_space<vmem>>, vector<1x16xf32>,
        %get3A_422 = arith.index_cast %add3A_401 : i32 to index
        %get3A_423 = arith.constant 32 : index
        %get3A_424 = tpu.vector_load %arg15[%get3A_422, %get3A_423] {strides = array<i32>} : memref<128x128xf32, #tpu.memory_space<vmem>>, vector<1x16xf32>,
        %get3A_425 = vector.shape_cast %get3A_424 : vector<1x16xf32> to vector<16xf32>
        %mul3A_426 = arith.mulf %get3A_425, %broadcast_in_dim3A_397 : vector<16xf32>
        %swap3A_427 = arith.index_cast %add3A_401 : i32 to index
        %swap3A_428 = arith.constant 32 : index
        %swap3A_429 = tpu.vector_load %arg15[%swap3A_427, %swap3A_428] {strides = array<i32>} : memref<128x128xf32, #tpu.memory_space<vmem>>, vector<1x16xf32>,
        %swap3A_430 = vector.shape_cast %swap3A_429 : vector<1x16xf32> to vector<16xf32>
        %swap3A_431 = vector.shape_cast %mul3A_426 : vector<16xf32> to vector<1x16xf32>
        tpu.vector_store %arg15[%swap3A_427, %swap3A_428], %swap3A_431 {strides = array<i32>} : memref<128x128xf32, #tpu.memory_space<vmem>>, vector<1x16xf32>,
        %get3A_432 = arith.index_cast %add3A_401 : i32 to index
        %get3A_433 = arith.constant 48 : index
        %get3A_434 = tpu.vector_load %arg15[%get3A_432, %get3A_433] {strides = array<i32>} : memref<128x128xf32, #tpu.memory_space<vmem>>, vector<1x16xf32>,
        %get3A_435 = vector.shape_cast %get3A_434 : vector<1x16xf32> to vector<16xf32>
        %mul3A_436 = arith.mulf %get3A_435, %broadcast_in_dim3A_397 : vector<16xf32>
        %swap3A_437 = arith.index_cast %add3A_401 : i32 to index
        %swap3A_438 = arith.constant 48 : index
        %swap3A_439 = tpu.vector_load %arg15[%swap3A_437, %swap3A_438] {strides = array<i32>} : memref<128x128xf32, #tpu.memory_space<vmem>>, vector<1x16xf32>,
        %swap3A_440 = vector.shape_cast %swap3A_439 : vector<1x16xf32> to vector<16xf32>
        %swap3A_441 = vector.shape_cast %mul3A_436 : vector<16xf32> to vector<1x16xf32>
        tpu.vector_store %arg15[%swap3A_437, %swap3A_438], %swap3A_441 {strides = array<i32>} : memref<128x128xf32, #tpu.memory_space<vmem>>, vector<1x16xf32>,
        %get3A_442 = arith.index_cast %add3A_401 : i32 to index
        %get3A_443 = arith.constant 64 : index
        %get3A_444 = tpu.vector_load %arg15[%get3A_442, %get3A_443] {strides = array<i32>} : memref<128x128xf32, #tpu.memory_space<vmem>>, vector<1x16xf32>,
        %get3A_445 = vector.shape_cast %get3A_444 : vector<1x16xf32> to vector<16xf32>
        %mul3A_446 = arith.mulf %get3A_445, %broadcast_in_dim3A_397 : vector<16xf32>
        %swap3A_447 = arith.index_cast %add3A_401 : i32 to index
        %swap3A_448 = arith.constant 64 : index
        %swap3A_449 = tpu.vector_load %arg15[%swap3A_447, %swap3A_448] {strides = array<i32>} : memref<128x128xf32, #tpu.memory_space<vmem>>, vector<1x16xf32>,
        %swap3A_450 = vector.shape_cast %swap3A_449 : vector<1x16xf32> to vector<16xf32>
        %swap3A_451 = vector.shape_cast %mul3A_446 : vector<16xf32> to vector<1x16xf32>
        tpu.vector_store %arg15[%swap3A_447, %swap3A_448], %swap3A_451 {strides = array<i32>} : memref<128x128xf32, #tpu.memory_space<vmem>>, vector<1x16xf32>,
        %get3A_452 = arith.index_cast %add3A_401 : i32 to index
        %get3A_453 = arith.constant 80 : index
        %get3A_454 = tpu.vector_load %arg15[%get3A_452, %get3A_453] {strides = array<i32>} : memref<128x128xf32, #tpu.memory_space<vmem>>, vector<1x16xf32>,
        %get3A_455 = vector.shape_cast %get3A_454 : vector<1x16xf32> to vector<16xf32>
        %mul3A_456 = arith.mulf %get3A_455, %broadcast_in_dim3A_397 : vector<16xf32>
        %swap3A_457 = arith.index_cast %add3A_401 : i32 to index
        %swap3A_458 = arith.constant 80 : index
        %swap3A_459 = tpu.vector_load %arg15[%swap3A_457, %swap3A_458] {strides = array<i32>} : memref<128x128xf32, #tpu.memory_space<vmem>>, vector<1x16xf32>,
        %swap3A_460 = vector.shape_cast %swap3A_459 : vector<1x16xf32> to vector<16xf32>
        %swap3A_461 = vector.shape_cast %mul3A_456 : vector<16xf32> to vector<1x16xf32>
        tpu.vector_store %arg15[%swap3A_457, %swap3A_458], %swap3A_461 {strides = array<i32>} : memref<128x128xf32, #tpu.memory_space<vmem>>, vector<1x16xf32>,
        %get3A_462 = arith.index_cast %add3A_401 : i32 to index
        %get3A_463 = arith.constant 96 : index
        %get3A_464 = tpu.vector_load %arg15[%get3A_462, %get3A_463] {strides = array<i32>} : memref<128x128xf32, #tpu.memory_space<vmem>>, vector<1x16xf32>,
        %get3A_465 = vector.shape_cast %get3A_464 : vector<1x16xf32> to vector<16xf32>
        %mul3A_466 = arith.mulf %get3A_465, %broadcast_in_dim3A_397 : vector<16xf32>
        %swap3A_467 = arith.index_cast %add3A_401 : i32 to index
        %swap3A_468 = arith.constant 96 : index
        %swap3A_469 = tpu.vector_load %arg15[%swap3A_467, %swap3A_468] {strides = array<i32>} : memref<128x128xf32, #tpu.memory_space<vmem>>, vector<1x16xf32>,
        %swap3A_470 = vector.shape_cast %swap3A_469 : vector<1x16xf32> to vector<16xf32>
        %swap3A_471 = vector.shape_cast %mul3A_466 : vector<16xf32> to vector<1x16xf32>
        tpu.vector_store %arg15[%swap3A_467, %swap3A_468], %swap3A_471 {strides = array<i32>} : memref<128x128xf32, #tpu.memory_space<vmem>>, vector<1x16xf32>,
        %get3A_472 = arith.index_cast %add3A_401 : i32 to index
        %get3A_473 = arith.constant 112 : index
        %get3A_474 = tpu.vector_load %arg15[%get3A_472, %get3A_473] {strides = array<i32>} : memref<128x128xf32, #tpu.memory_space<vmem>>, vector<1x16xf32>,
        %get3A_475 = vector.shape_cast %get3A_474 : vector<1x16xf32> to vector<16xf32>
        %mul3A_476 = arith.mulf %get3A_475, %broadcast_in_dim3A_397 : vector<16xf32>
        %swap3A_477 = arith.index_cast %add3A_401 : i32 to index
        %swap3A_478 = arith.constant 112 : index
        %swap3A_479 = tpu.vector_load %arg15[%swap3A_477, %swap3A_478] {strides = array<i32>} : memref<128x128xf32, #tpu.memory_space<vmem>>, vector<1x16xf32>,
        %swap3A_480 = vector.shape_cast %swap3A_479 : vector<1x16xf32> to vector<16xf32>
        %swap3A_481 = vector.shape_cast %mul3A_476 : vector<16xf32> to vector<1x16xf32>
        tpu.vector_store %arg15[%swap3A_477, %swap3A_478], %swap3A_481 {strides = array<i32>} : memref<128x128xf32, #tpu.memory_space<vmem>>, vector<1x16xf32>,
        %slice3A_482 = vector.extract_strided_slice %get3A_41 {offsets = [5], sizes = [1], strides = [1]} : vector<16xf32> to vector<1xf32>
        %squeeze3A_483 = vector.extract %slice3A_482[0] : f32 from vector<1xf32>
        %neg3A_484 = arith.constant 0.000000e+00 : f32
        %neg3A_485 = arith.subf %neg3A_484, %squeeze3A_483 : f32
        %broadcast_in_dim3A_486 = vector.broadcast %neg3A_485 : f32 to vector<16xf32>
        %mul3A_487 = arith.constant 16 : i32
        %mul3A_488 = arith.muli %scan3A_34, %mul3A_487 : i32
        %add3A_489 = arith.constant 5 : i32
        %add3A_490 = arith.addi %mul3A_488, %add3A_489 : i32
        %get3A_491 = arith.index_cast %add3A_490 : i32 to index
        %get3A_492 = arith.constant 0 : index
        %get3A_493 = tpu.vector_load %arg15[%get3A_491, %get3A_492] {strides = array<i32>} : memref<128x128xf32, #tpu.memory_space<vmem>>, vector<1x16xf32>,
        %get3A_494 = vector.shape_cast %get3A_493 : vector<1x16xf32> to vector<16xf32>
        %mul3A_495 = arith.mulf %get3A_494, %broadcast_in_dim3A_486 : vector<16xf32>
        %swap3A_496 = arith.index_cast %add3A_490 : i32 to index
        %swap3A_497 = arith.constant 0 : index
        %swap3A_498 = tpu.vector_load %arg15[%swap3A_496, %swap3A_497] {strides = array<i32>} : memref<128x128xf32, #tpu.memory_space<vmem>>, vector<1x16xf32>,
        %swap3A_499 = vector.shape_cast %swap3A_498 : vector<1x16xf32> to vector<16xf32>
        %swap3A_500 = vector.shape_cast %mul3A_495 : vector<16xf32> to vector<1x16xf32>
        tpu.vector_store %arg15[%swap3A_496, %swap3A_497], %swap3A_500 {strides = array<i32>} : memref<128x128xf32, #tpu.memory_space<vmem>>, vector<1x16xf32>,
        %get3A_501 = arith.index_cast %add3A_490 : i32 to index
        %get3A_502 = arith.constant 16 : index
        %get3A_503 = tpu.vector_load %arg15[%get3A_501, %get3A_502] {strides = array<i32>} : memref<128x128xf32, #tpu.memory_space<vmem>>, vector<1x16xf32>,
        %get3A_504 = vector.shape_cast %get3A_503 : vector<1x16xf32> to vector<16xf32>
        %mul3A_505 = arith.mulf %get3A_504, %broadcast_in_dim3A_486 : vector<16xf32>
        %swap3A_506 = arith.index_cast %add3A_490 : i32 to index
        %swap3A_507 = arith.constant 16 : index
        %swap3A_508 = tpu.vector_load %arg15[%swap3A_506, %swap3A_507] {strides = array<i32>} : memref<128x128xf32, #tpu.memory_space<vmem>>, vector<1x16xf32>,
        %swap3A_509 = vector.shape_cast %swap3A_508 : vector<1x16xf32> to vector<16xf32>
        %swap3A_510 = vector.shape_cast %mul3A_505 : vector<16xf32> to vector<1x16xf32>
        tpu.vector_store %arg15[%swap3A_506, %swap3A_507], %swap3A_510 {strides = array<i32>} : memref<128x128xf32, #tpu.memory_space<vmem>>, vector<1x16xf32>,
        %get3A_511 = arith.index_cast %add3A_490 : i32 to index
        %get3A_512 = arith.constant 32 : index
        %get3A_513 = tpu.vector_load %arg15[%get3A_511, %get3A_512] {strides = array<i32>} : memref<128x128xf32, #tpu.memory_space<vmem>>, vector<1x16xf32>,
        %get3A_514 = vector.shape_cast %get3A_513 : vector<1x16xf32> to vector<16xf32>
        %mul3A_515 = arith.mulf %get3A_514, %broadcast_in_dim3A_486 : vector<16xf32>
        %swap3A_516 = arith.index_cast %add3A_490 : i32 to index
        %swap3A_517 = arith.constant 32 : index
        %swap3A_518 = tpu.vector_load %arg15[%swap3A_516, %swap3A_517] {strides = array<i32>} : memref<128x128xf32, #tpu.memory_space<vmem>>, vector<1x16xf32>,
        %swap3A_519 = vector.shape_cast %swap3A_518 : vector<1x16xf32> to vector<16xf32>
        %swap3A_520 = vector.shape_cast %mul3A_515 : vector<16xf32> to vector<1x16xf32>
        tpu.vector_store %arg15[%swap3A_516, %swap3A_517], %swap3A_520 {strides = array<i32>} : memref<128x128xf32, #tpu.memory_space<vmem>>, vector<1x16xf32>,
        %get3A_521 = arith.index_cast %add3A_490 : i32 to index
        %get3A_522 = arith.constant 48 : index
        %get3A_523 = tpu.vector_load %arg15[%get3A_521, %get3A_522] {strides = array<i32>} : memref<128x128xf32, #tpu.memory_space<vmem>>, vector<1x16xf32>,
        %get3A_524 = vector.shape_cast %get3A_523 : vector<1x16xf32> to vector<16xf32>
        %mul3A_525 = arith.mulf %get3A_524, %broadcast_in_dim3A_486 : vector<16xf32>
        %swap3A_526 = arith.index_cast %add3A_490 : i32 to index
        %swap3A_527 = arith.constant 48 : index
        %swap3A_528 = tpu.vector_load %arg15[%swap3A_526, %swap3A_527] {strides = array<i32>} : memref<128x128xf32, #tpu.memory_space<vmem>>, vector<1x16xf32>,
        %swap3A_529 = vector.shape_cast %swap3A_528 : vector<1x16xf32> to vector<16xf32>
        %swap3A_530 = vector.shape_cast %mul3A_525 : vector<16xf32> to vector<1x16xf32>
        tpu.vector_store %arg15[%swap3A_526, %swap3A_527], %swap3A_530 {strides = array<i32>} : memref<128x128xf32, #tpu.memory_space<vmem>>, vector<1x16xf32>,
        %get3A_531 = arith.index_cast %add3A_490 : i32 to index
        %get3A_532 = arith.constant 64 : index
        %get3A_533 = tpu.vector_load %arg15[%get3A_531, %get3A_532] {strides = array<i32>} : memref<128x128xf32, #tpu.memory_space<vmem>>, vector<1x16xf32>,
        %get3A_534 = vector.shape_cast %get3A_533 : vector<1x16xf32> to vector<16xf32>
        %mul3A_535 = arith.mulf %get3A_534, %broadcast_in_dim3A_486 : vector<16xf32>
        %swap3A_536 = arith.index_cast %add3A_490 : i32 to index
        %swap3A_537 = arith.constant 64 : index
        %swap3A_538 = tpu.vector_load %arg15[%swap3A_536, %swap3A_537] {strides = array<i32>} : memref<128x128xf32, #tpu.memory_space<vmem>>, vector<1x16xf32>,
        %swap3A_539 = vector.shape_cast %swap3A_538 : vector<1x16xf32> to vector<16xf32>
        %swap3A_540 = vector.shape_cast %mul3A_535 : vector<16xf32> to vector<1x16xf32>
        tpu.vector_store %arg15[%swap3A_536, %swap3A_537], %swap3A_540 {strides = array<i32>} : memref<128x128xf32, #tpu.memory_space<vmem>>, vector<1x16xf32>,
        %get3A_541 = arith.index_cast %add3A_490 : i32 to index
        %get3A_542 = arith.constant 80 : index
        %get3A_543 = tpu.vector_load %arg15[%get3A_541, %get3A_542] {strides = array<i32>} : memref<128x128xf32, #tpu.memory_space<vmem>>, vector<1x16xf32>,
        %get3A_544 = vector.shape_cast %get3A_543 : vector<1x16xf32> to vector<16xf32>
        %mul3A_545 = arith.mulf %get3A_544, %broadcast_in_dim3A_486 : vector<16xf32>
        %swap3A_546 = arith.index_cast %add3A_490 : i32 to index
        %swap3A_547 = arith.constant 80 : index
        %swap3A_548 = tpu.vector_load %arg15[%swap3A_546, %swap3A_547] {strides = array<i32>} : memref<128x128xf32, #tpu.memory_space<vmem>>, vector<1x16xf32>,
        %swap3A_549 = vector.shape_cast %swap3A_548 : vector<1x16xf32> to vector<16xf32>
        %swap3A_550 = vector.shape_cast %mul3A_545 : vector<16xf32> to vector<1x16xf32>
        tpu.vector_store %arg15[%swap3A_546, %swap3A_547], %swap3A_550 {strides = array<i32>} : memref<128x128xf32, #tpu.memory_space<vmem>>, vector<1x16xf32>,
        %get3A_551 = arith.index_cast %add3A_490 : i32 to index
        %get3A_552 = arith.constant 96 : index
        %get3A_553 = tpu.vector_load %arg15[%get3A_551, %get3A_552] {strides = array<i32>} : memref<128x128xf32, #tpu.memory_space<vmem>>, vector<1x16xf32>,
        %get3A_554 = vector.shape_cast %get3A_553 : vector<1x16xf32> to vector<16xf32>
        %mul3A_555 = arith.mulf %get3A_554, %broadcast_in_dim3A_486 : vector<16xf32>
        %swap3A_556 = arith.index_cast %add3A_490 : i32 to index
        %swap3A_557 = arith.constant 96 : index
        %swap3A_558 = tpu.vector_load %arg15[%swap3A_556, %swap3A_557] {strides = array<i32>} : memref<128x128xf32, #tpu.memory_space<vmem>>, vector<1x16xf32>,
        %swap3A_559 = vector.shape_cast %swap3A_558 : vector<1x16xf32> to vector<16xf32>
        %swap3A_560 = vector.shape_cast %mul3A_555 : vector<16xf32> to vector<1x16xf32>
        tpu.vector_store %arg15[%swap3A_556, %swap3A_557], %swap3A_560 {strides = array<i32>} : memref<128x128xf32, #tpu.memory_space<vmem>>, vector<1x16xf32>,
        %get3A_561 = arith.index_cast %add3A_490 : i32 to index
        %get3A_562 = arith.constant 112 : index
        %get3A_563 = tpu.vector_load %arg15[%get3A_561, %get3A_562] {strides = array<i32>} : memref<128x128xf32, #tpu.memory_space<vmem>>, vector<1x16xf32>,
        %get3A_564 = vector.shape_cast %get3A_563 : vector<1x16xf32> to vector<16xf32>
        %mul3A_565 = arith.mulf %get3A_564, %broadcast_in_dim3A_486 : vector<16xf32>
        %swap3A_566 = arith.index_cast %add3A_490 : i32 to index
        %swap3A_567 = arith.constant 112 : index
        %swap3A_568 = tpu.vector_load %arg15[%swap3A_566, %swap3A_567] {strides = array<i32>} : memref<128x128xf32, #tpu.memory_space<vmem>>, vector<1x16xf32>,
        %swap3A_569 = vector.shape_cast %swap3A_568 : vector<1x16xf32> to vector<16xf32>
        %swap3A_570 = vector.shape_cast %mul3A_565 : vector<16xf32> to vector<1x16xf32>
        tpu.vector_store %arg15[%swap3A_566, %swap3A_567], %swap3A_570 {strides = array<i32>} : memref<128x128xf32, #tpu.memory_space<vmem>>, vector<1x16xf32>,
        %slice3A_571 = vector.extract_strided_slice %get3A_41 {offsets = [6], sizes = [1], strides = [1]} : vector<16xf32> to vector<1xf32>
        %squeeze3A_572 = vector.extract %slice3A_571[0] : f32 from vector<1xf32>
        %neg3A_573 = arith.constant 0.000000e+00 : f32
        %neg3A_574 = arith.subf %neg3A_573, %squeeze3A_572 : f32
        %broadcast_in_dim3A_575 = vector.broadcast %neg3A_574 : f32 to vector<16xf32>
        %mul3A_576 = arith.constant 16 : i32
        %mul3A_577 = arith.muli %scan3A_34, %mul3A_576 : i32
        %add3A_578 = arith.constant 6 : i32
        %add3A_579 = arith.addi %mul3A_577, %add3A_578 : i32
        %get3A_580 = arith.index_cast %add3A_579 : i32 to index
        %get3A_581 = arith.constant 0 : index
        %get3A_582 = tpu.vector_load %arg15[%get3A_580, %get3A_581] {strides = array<i32>} : memref<128x128xf32, #tpu.memory_space<vmem>>, vector<1x16xf32>,
        %get3A_583 = vector.shape_cast %get3A_582 : vector<1x16xf32> to vector<16xf32>
        %mul3A_584 = arith.mulf %get3A_583, %broadcast_in_dim3A_575 : vector<16xf32>
        %swap3A_585 = arith.index_cast %add3A_579 : i32 to index
        %swap3A_586 = arith.constant 0 : index
        %swap3A_587 = tpu.vector_load %arg15[%swap3A_585, %swap3A_586] {strides = array<i32>} : memref<128x128xf32, #tpu.memory_space<vmem>>, vector<1x16xf32>,
        %swap3A_588 = vector.shape_cast %swap3A_587 : vector<1x16xf32> to vector<16xf32>
        %swap3A_589 = vector.shape_cast %mul3A_584 : vector<16xf32> to vector<1x16xf32>
        tpu.vector_store %arg15[%swap3A_585, %swap3A_586], %swap3A_589 {strides = array<i32>} : memref<128x128xf32, #tpu.memory_space<vmem>>, vector<1x16xf32>,
        %get3A_590 = arith.index_cast %add3A_579 : i32 to index
        %get3A_591 = arith.constant 16 : index
        %get3A_592 = tpu.vector_load %arg15[%get3A_590, %get3A_591] {strides = array<i32>} : memref<128x128xf32, #tpu.memory_space<vmem>>, vector<1x16xf32>,
        %get3A_593 = vector.shape_cast %get3A_592 : vector<1x16xf32> to vector<16xf32>
        %mul3A_594 = arith.mulf %get3A_593, %broadcast_in_dim3A_575 : vector<16xf32>
        %swap3A_595 = arith.index_cast %add3A_579 : i32 to index
        %swap3A_596 = arith.constant 16 : index
        %swap3A_597 = tpu.vector_load %arg15[%swap3A_595, %swap3A_596] {strides = array<i32>} : memref<128x128xf32, #tpu.memory_space<vmem>>, vector<1x16xf32>,
        %swap3A_598 = vector.shape_cast %swap3A_597 : vector<1x16xf32> to vector<16xf32>
        %swap3A_599 = vector.shape_cast %mul3A_594 : vector<16xf32> to vector<1x16xf32>
        tpu.vector_store %arg15[%swap3A_595, %swap3A_596], %swap3A_599 {strides = array<i32>} : memref<128x128xf32, #tpu.memory_space<vmem>>, vector<1x16xf32>,
        %get3A_600 = arith.index_cast %add3A_579 : i32 to index
        %get3A_601 = arith.constant 32 : index
        %get3A_602 = tpu.vector_load %arg15[%get3A_600, %get3A_601] {strides = array<i32>} : memref<128x128xf32, #tpu.memory_space<vmem>>, vector<1x16xf32>,
        %get3A_603 = vector.shape_cast %get3A_602 : vector<1x16xf32> to vector<16xf32>
        %mul3A_604 = arith.mulf %get3A_603, %broadcast_in_dim3A_575 : vector<16xf32>
        %swap3A_605 = arith.index_cast %add3A_579 : i32 to index
        %swap3A_606 = arith.constant 32 : index
        %swap3A_607 = tpu.vector_load %arg15[%swap3A_605, %swap3A_606] {strides = array<i32>} : memref<128x128xf32, #tpu.memory_space<vmem>>, vector<1x16xf32>,
        %swap3A_608 = vector.shape_cast %swap3A_607 : vector<1x16xf32> to vector<16xf32>
        %swap3A_609 = vector.shape_cast %mul3A_604 : vector<16xf32> to vector<1x16xf32>
        tpu.vector_store %arg15[%swap3A_605, %swap3A_606], %swap3A_609 {strides = array<i32>} : memref<128x128xf32, #tpu.memory_space<vmem>>, vector<1x16xf32>,
        %get3A_610 = arith.index_cast %add3A_579 : i32 to index
        %get3A_611 = arith.constant 48 : index
        %get3A_612 = tpu.vector_load %arg15[%get3A_610, %get3A_611] {strides = array<i32>} : memref<128x128xf32, #tpu.memory_space<vmem>>, vector<1x16xf32>,
        %get3A_613 = vector.shape_cast %get3A_612 : vector<1x16xf32> to vector<16xf32>
        %mul3A_614 = arith.mulf %get3A_613, %broadcast_in_dim3A_575 : vector<16xf32>
        %swap3A_615 = arith.index_cast %add3A_579 : i32 to index
        %swap3A_616 = arith.constant 48 : index
        %swap3A_617 = tpu.vector_load %arg15[%swap3A_615, %swap3A_616] {strides = array<i32>} : memref<128x128xf32, #tpu.memory_space<vmem>>, vector<1x16xf32>,
        %swap3A_618 = vector.shape_cast %swap3A_617 : vector<1x16xf32> to vector<16xf32>
        %swap3A_619 = vector.shape_cast %mul3A_614 : vector<16xf32> to vector<1x16xf32>
        tpu.vector_store %arg15[%swap3A_615, %swap3A_616], %swap3A_619 {strides = array<i32>} : memref<128x128xf32, #tpu.memory_space<vmem>>, vector<1x16xf32>,
        %get3A_620 = arith.index_cast %add3A_579 : i32 to index
        %get3A_621 = arith.constant 64 : index
        %get3A_622 = tpu.vector_load %arg15[%get3A_620, %get3A_621] {strides = array<i32>} : memref<128x128xf32, #tpu.memory_space<vmem>>, vector<1x16xf32>,
        %get3A_623 = vector.shape_cast %get3A_622 : vector<1x16xf32> to vector<16xf32>
        %mul3A_624 = arith.mulf %get3A_623, %broadcast_in_dim3A_575 : vector<16xf32>
        %swap3A_625 = arith.index_cast %add3A_579 : i32 to index
        %swap3A_626 = arith.constant 64 : index
        %swap3A_627 = tpu.vector_load %arg15[%swap3A_625, %swap3A_626] {strides = array<i32>} : memref<128x128xf32, #tpu.memory_space<vmem>>, vector<1x16xf32>,
        %swap3A_628 = vector.shape_cast %swap3A_627 : vector<1x16xf32> to vector<16xf32>
        %swap3A_629 = vector.shape_cast %mul3A_624 : vector<16xf32> to vector<1x16xf32>
        tpu.vector_store %arg15[%swap3A_625, %swap3A_626], %swap3A_629 {strides = array<i32>} : memref<128x128xf32, #tpu.memory_space<vmem>>, vector<1x16xf32>,
        %get3A_630 = arith.index_cast %add3A_579 : i32 to index
        %get3A_631 = arith.constant 80 : index
        %get3A_632 = tpu.vector_load %arg15[%get3A_630, %get3A_631] {strides = array<i32>} : memref<128x128xf32, #tpu.memory_space<vmem>>, vector<1x16xf32>,
        %get3A_633 = vector.shape_cast %get3A_632 : vector<1x16xf32> to vector<16xf32>
        %mul3A_634 = arith.mulf %get3A_633, %broadcast_in_dim3A_575 : vector<16xf32>
        %swap3A_635 = arith.index_cast %add3A_579 : i32 to index
        %swap3A_636 = arith.constant 80 : index
        %swap3A_637 = tpu.vector_load %arg15[%swap3A_635, %swap3A_636] {strides = array<i32>} : memref<128x128xf32, #tpu.memory_space<vmem>>, vector<1x16xf32>,
        %swap3A_638 = vector.shape_cast %swap3A_637 : vector<1x16xf32> to vector<16xf32>
        %swap3A_639 = vector.shape_cast %mul3A_634 : vector<16xf32> to vector<1x16xf32>
        tpu.vector_store %arg15[%swap3A_635, %swap3A_636], %swap3A_639 {strides = array<i32>} : memref<128x128xf32, #tpu.memory_space<vmem>>, vector<1x16xf32>,
        %get3A_640 = arith.index_cast %add3A_579 : i32 to index
        %get3A_641 = arith.constant 96 : index
        %get3A_642 = tpu.vector_load %arg15[%get3A_640, %get3A_641] {strides = array<i32>} : memref<128x128xf32, #tpu.memory_space<vmem>>, vector<1x16xf32>,
        %get3A_643 = vector.shape_cast %get3A_642 : vector<1x16xf32> to vector<16xf32>
        %mul3A_644 = arith.mulf %get3A_643, %broadcast_in_dim3A_575 : vector<16xf32>
        %swap3A_645 = arith.index_cast %add3A_579 : i32 to index
        %swap3A_646 = arith.constant 96 : index
        %swap3A_647 = tpu.vector_load %arg15[%swap3A_645, %swap3A_646] {strides = array<i32>} : memref<128x128xf32, #tpu.memory_space<vmem>>, vector<1x16xf32>,
        %swap3A_648 = vector.shape_cast %swap3A_647 : vector<1x16xf32> to vector<16xf32>
        %swap3A_649 = vector.shape_cast %mul3A_644 : vector<16xf32> to vector<1x16xf32>
        tpu.vector_store %arg15[%swap3A_645, %swap3A_646], %swap3A_649 {strides = array<i32>} : memref<128x128xf32, #tpu.memory_space<vmem>>, vector<1x16xf32>,
        %get3A_650 = arith.index_cast %add3A_579 : i32 to index
        %get3A_651 = arith.constant 112 : index
        %get3A_652 = tpu.vector_load %arg15[%get3A_650, %get3A_651] {strides = array<i32>} : memref<128x128xf32, #tpu.memory_space<vmem>>, vector<1x16xf32>,
        %get3A_653 = vector.shape_cast %get3A_652 : vector<1x16xf32> to vector<16xf32>
        %mul3A_654 = arith.mulf %get3A_653, %broadcast_in_dim3A_575 : vector<16xf32>
        %swap3A_655 = arith.index_cast %add3A_579 : i32 to index
        %swap3A_656 = arith.constant 112 : index
        %swap3A_657 = tpu.vector_load %arg15[%swap3A_655, %swap3A_656] {strides = array<i32>} : memref<128x128xf32, #tpu.memory_space<vmem>>, vector<1x16xf32>,
        %swap3A_658 = vector.shape_cast %swap3A_657 : vector<1x16xf32> to vector<16xf32>
        %swap3A_659 = vector.shape_cast %mul3A_654 : vector<16xf32> to vector<1x16xf32>
        tpu.vector_store %arg15[%swap3A_655, %swap3A_656], %swap3A_659 {strides = array<i32>} : memref<128x128xf32, #tpu.memory_space<vmem>>, vector<1x16xf32>,
        %slice3A_660 = vector.extract_strided_slice %get3A_41 {offsets = [7], sizes = [1], strides = [1]} : vector<16xf32> to vector<1xf32>
        %squeeze3A_661 = vector.extract %slice3A_660[0] : f32 from vector<1xf32>
        %neg3A_662 = arith.constant 0.000000e+00 : f32
        %neg3A_663 = arith.subf %neg3A_662, %squeeze3A_661 : f32
        %broadcast_in_dim3A_664 = vector.broadcast %neg3A_663 : f32 to vector<16xf32>
        %mul3A_665 = arith.constant 16 : i32
        %mul3A_666 = arith.muli %scan3A_34, %mul3A_665 : i32
        %add3A_667 = arith.constant 7 : i32
        %add3A_668 = arith.addi %mul3A_666, %add3A_667 : i32
        %get3A_669 = arith.index_cast %add3A_668 : i32 to index
        %get3A_670 = arith.constant 0 : index
        %get3A_671 = tpu.vector_load %arg15[%get3A_669, %get3A_670] {strides = array<i32>} : memref<128x128xf32, #tpu.memory_space<vmem>>, vector<1x16xf32>,
        %get3A_672 = vector.shape_cast %get3A_671 : vector<1x16xf32> to vector<16xf32>
        %mul3A_673 = arith.mulf %get3A_672, %broadcast_in_dim3A_664 : vector<16xf32>
        %swap3A_674 = arith.index_cast %add3A_668 : i32 to index
        %swap3A_675 = arith.constant 0 : index
        %swap3A_676 = tpu.vector_load %arg15[%swap3A_674, %swap3A_675] {strides = array<i32>} : memref<128x128xf32, #tpu.memory_space<vmem>>, vector<1x16xf32>,
        %swap3A_677 = vector.shape_cast %swap3A_676 : vector<1x16xf32> to vector<16xf32>
        %swap3A_678 = vector.shape_cast %mul3A_673 : vector<16xf32> to vector<1x16xf32>
        tpu.vector_store %arg15[%swap3A_674, %swap3A_675], %swap3A_678 {strides = array<i32>} : memref<128x128xf32, #tpu.memory_space<vmem>>, vector<1x16xf32>,
        %get3A_679 = arith.index_cast %add3A_668 : i32 to index
        %get3A_680 = arith.constant 16 : index
        %get3A_681 = tpu.vector_load %arg15[%get3A_679, %get3A_680] {strides = array<i32>} : memref<128x128xf32, #tpu.memory_space<vmem>>, vector<1x16xf32>,
        %get3A_682 = vector.shape_cast %get3A_681 : vector<1x16xf32> to vector<16xf32>
        %mul3A_683 = arith.mulf %get3A_682, %broadcast_in_dim3A_664 : vector<16xf32>
        %swap3A_684 = arith.index_cast %add3A_668 : i32 to index
        %swap3A_685 = arith.constant 16 : index
        %swap3A_686 = tpu.vector_load %arg15[%swap3A_684, %swap3A_685] {strides = array<i32>} : memref<128x128xf32, #tpu.memory_space<vmem>>, vector<1x16xf32>,
        %swap3A_687 = vector.shape_cast %swap3A_686 : vector<1x16xf32> to vector<16xf32>
        %swap3A_688 = vector.shape_cast %mul3A_683 : vector<16xf32> to vector<1x16xf32>
        tpu.vector_store %arg15[%swap3A_684, %swap3A_685], %swap3A_688 {strides = array<i32>} : memref<128x128xf32, #tpu.memory_space<vmem>>, vector<1x16xf32>,
        %get3A_689 = arith.index_cast %add3A_668 : i32 to index
        %get3A_690 = arith.constant 32 : index
        %get3A_691 = tpu.vector_load %arg15[%get3A_689, %get3A_690] {strides = array<i32>} : memref<128x128xf32, #tpu.memory_space<vmem>>, vector<1x16xf32>,
        %get3A_692 = vector.shape_cast %get3A_691 : vector<1x16xf32> to vector<16xf32>
        %mul3A_693 = arith.mulf %get3A_692, %broadcast_in_dim3A_664 : vector<16xf32>
        %swap3A_694 = arith.index_cast %add3A_668 : i32 to index
        %swap3A_695 = arith.constant 32 : index
        %swap3A_696 = tpu.vector_load %arg15[%swap3A_694, %swap3A_695] {strides = array<i32>} : memref<128x128xf32, #tpu.memory_space<vmem>>, vector<1x16xf32>,
        %swap3A_697 = vector.shape_cast %swap3A_696 : vector<1x16xf32> to vector<16xf32>
        %swap3A_698 = vector.shape_cast %mul3A_693 : vector<16xf32> to vector<1x16xf32>
        tpu.vector_store %arg15[%swap3A_694, %swap3A_695], %swap3A_698 {strides = array<i32>} : memref<128x128xf32, #tpu.memory_space<vmem>>, vector<1x16xf32>,
        %get3A_699 = arith.index_cast %add3A_668 : i32 to index
        %get3A_700 = arith.constant 48 : index
        %get3A_701 = tpu.vector_load %arg15[%get3A_699, %get3A_700] {strides = array<i32>} : memref<128x128xf32, #tpu.memory_space<vmem>>, vector<1x16xf32>,
        %get3A_702 = vector.shape_cast %get3A_701 : vector<1x16xf32> to vector<16xf32>
        %mul3A_703 = arith.mulf %get3A_702, %broadcast_in_dim3A_664 : vector<16xf32>
        %swap3A_704 = arith.index_cast %add3A_668 : i32 to index
        %swap3A_705 = arith.constant 48 : index
        %swap3A_706 = tpu.vector_load %arg15[%swap3A_704, %swap3A_705] {strides = array<i32>} : memref<128x128xf32, #tpu.memory_space<vmem>>, vector<1x16xf32>,
        %swap3A_707 = vector.shape_cast %swap3A_706 : vector<1x16xf32> to vector<16xf32>
        %swap3A_708 = vector.shape_cast %mul3A_703 : vector<16xf32> to vector<1x16xf32>
        tpu.vector_store %arg15[%swap3A_704, %swap3A_705], %swap3A_708 {strides = array<i32>} : memref<128x128xf32, #tpu.memory_space<vmem>>, vector<1x16xf32>,
        %get3A_709 = arith.index_cast %add3A_668 : i32 to index
        %get3A_710 = arith.constant 64 : index
        %get3A_711 = tpu.vector_load %arg15[%get3A_709, %get3A_710] {strides = array<i32>} : memref<128x128xf32, #tpu.memory_space<vmem>>, vector<1x16xf32>,
        %get3A_712 = vector.shape_cast %get3A_711 : vector<1x16xf32> to vector<16xf32>
        %mul3A_713 = arith.mulf %get3A_712, %broadcast_in_dim3A_664 : vector<16xf32>
        %swap3A_714 = arith.index_cast %add3A_668 : i32 to index
        %swap3A_715 = arith.constant 64 : index
        %swap3A_716 = tpu.vector_load %arg15[%swap3A_714, %swap3A_715] {strides = array<i32>} : memref<128x128xf32, #tpu.memory_space<vmem>>, vector<1x16xf32>,
        %swap3A_717 = vector.shape_cast %swap3A_716 : vector<1x16xf32> to vector<16xf32>
        %swap3A_718 = vector.shape_cast %mul3A_713 : vector<16xf32> to vector<1x16xf32>
        tpu.vector_store %arg15[%swap3A_714, %swap3A_715], %swap3A_718 {strides = array<i32>} : memref<128x128xf32, #tpu.memory_space<vmem>>, vector<1x16xf32>,
        %get3A_719 = arith.index_cast %add3A_668 : i32 to index
        %get3A_720 = arith.constant 80 : index
        %get3A_721 = tpu.vector_load %arg15[%get3A_719, %get3A_720] {strides = array<i32>} : memref<128x128xf32, #tpu.memory_space<vmem>>, vector<1x16xf32>,
        %get3A_722 = vector.shape_cast %get3A_721 : vector<1x16xf32> to vector<16xf32>
        %mul3A_723 = arith.mulf %get3A_722, %broadcast_in_dim3A_664 : vector<16xf32>
        %swap3A_724 = arith.index_cast %add3A_668 : i32 to index
        %swap3A_725 = arith.constant 80 : index
        %swap3A_726 = tpu.vector_load %arg15[%swap3A_724, %swap3A_725] {strides = array<i32>} : memref<128x128xf32, #tpu.memory_space<vmem>>, vector<1x16xf32>,
        %swap3A_727 = vector.shape_cast %swap3A_726 : vector<1x16xf32> to vector<16xf32>
        %swap3A_728 = vector.shape_cast %mul3A_723 : vector<16xf32> to vector<1x16xf32>
        tpu.vector_store %arg15[%swap3A_724, %swap3A_725], %swap3A_728 {strides = array<i32>} : memref<128x128xf32, #tpu.memory_space<vmem>>, vector<1x16xf32>,
        %get3A_729 = arith.index_cast %add3A_668 : i32 to index
        %get3A_730 = arith.constant 96 : index
        %get3A_731 = tpu.vector_load %arg15[%get3A_729, %get3A_730] {strides = array<i32>} : memref<128x128xf32, #tpu.memory_space<vmem>>, vector<1x16xf32>,
        %get3A_732 = vector.shape_cast %get3A_731 : vector<1x16xf32> to vector<16xf32>
        %mul3A_733 = arith.mulf %get3A_732, %broadcast_in_dim3A_664 : vector<16xf32>
        %swap3A_734 = arith.index_cast %add3A_668 : i32 to index
        %swap3A_735 = arith.constant 96 : index
        %swap3A_736 = tpu.vector_load %arg15[%swap3A_734, %swap3A_735] {strides = array<i32>} : memref<128x128xf32, #tpu.memory_space<vmem>>, vector<1x16xf32>,
        %swap3A_737 = vector.shape_cast %swap3A_736 : vector<1x16xf32> to vector<16xf32>
        %swap3A_738 = vector.shape_cast %mul3A_733 : vector<16xf32> to vector<1x16xf32>
        tpu.vector_store %arg15[%swap3A_734, %swap3A_735], %swap3A_738 {strides = array<i32>} : memref<128x128xf32, #tpu.memory_space<vmem>>, vector<1x16xf32>,
        %get3A_739 = arith.index_cast %add3A_668 : i32 to index
        %get3A_740 = arith.constant 112 : index
        %get3A_741 = tpu.vector_load %arg15[%get3A_739, %get3A_740] {strides = array<i32>} : memref<128x128xf32, #tpu.memory_space<vmem>>, vector<1x16xf32>,
        %get3A_742 = vector.shape_cast %get3A_741 : vector<1x16xf32> to vector<16xf32>
        %mul3A_743 = arith.mulf %get3A_742, %broadcast_in_dim3A_664 : vector<16xf32>
        %swap3A_744 = arith.index_cast %add3A_668 : i32 to index
        %swap3A_745 = arith.constant 112 : index
        %swap3A_746 = tpu.vector_load %arg15[%swap3A_744, %swap3A_745] {strides = array<i32>} : memref<128x128xf32, #tpu.memory_space<vmem>>, vector<1x16xf32>,
        %swap3A_747 = vector.shape_cast %swap3A_746 : vector<1x16xf32> to vector<16xf32>
        %swap3A_748 = vector.shape_cast %mul3A_743 : vector<16xf32> to vector<1x16xf32>
        tpu.vector_store %arg15[%swap3A_744, %swap3A_745], %swap3A_748 {strides = array<i32>} : memref<128x128xf32, #tpu.memory_space<vmem>>, vector<1x16xf32>,
        %slice3A_749 = vector.extract_strided_slice %get3A_41 {offsets = [8], sizes = [1], strides = [1]} : vector<16xf32> to vector<1xf32>
        %squeeze3A_750 = vector.extract %slice3A_749[0] : f32 from vector<1xf32>
        %neg3A_751 = arith.constant 0.000000e+00 : f32
        %neg3A_752 = arith.subf %neg3A_751, %squeeze3A_750 : f32
        %broadcast_in_dim3A_753 = vector.broadcast %neg3A_752 : f32 to vector<16xf32>
        %mul3A_754 = arith.constant 16 : i32
        %mul3A_755 = arith.muli %scan3A_34, %mul3A_754 : i32
        %add3A_756 = arith.constant 8 : i32
        %add3A_757 = arith.addi %mul3A_755, %add3A_756 : i32
        %get3A_758 = arith.index_cast %add3A_757 : i32 to index
        %get3A_759 = arith.constant 0 : index
        %get3A_760 = tpu.vector_load %arg15[%get3A_758, %get3A_759] {strides = array<i32>} : memref<128x128xf32, #tpu.memory_space<vmem>>, vector<1x16xf32>,
        %get3A_761 = vector.shape_cast %get3A_760 : vector<1x16xf32> to vector<16xf32>
        %mul3A_762 = arith.mulf %get3A_761, %broadcast_in_dim3A_753 : vector<16xf32>
        %swap3A_763 = arith.index_cast %add3A_757 : i32 to index
        %swap3A_764 = arith.constant 0 : index
        %swap3A_765 = tpu.vector_load %arg15[%swap3A_763, %swap3A_764] {strides = array<i32>} : memref<128x128xf32, #tpu.memory_space<vmem>>, vector<1x16xf32>,
        %swap3A_766 = vector.shape_cast %swap3A_765 : vector<1x16xf32> to vector<16xf32>
        %swap3A_767 = vector.shape_cast %mul3A_762 : vector<16xf32> to vector<1x16xf32>
        tpu.vector_store %arg15[%swap3A_763, %swap3A_764], %swap3A_767 {strides = array<i32>} : memref<128x128xf32, #tpu.memory_space<vmem>>, vector<1x16xf32>,
        %get3A_768 = arith.index_cast %add3A_757 : i32 to index
        %get3A_769 = arith.constant 16 : index
        %get3A_770 = tpu.vector_load %arg15[%get3A_768, %get3A_769] {strides = array<i32>} : memref<128x128xf32, #tpu.memory_space<vmem>>, vector<1x16xf32>,
        %get3A_771 = vector.shape_cast %get3A_770 : vector<1x16xf32> to vector<16xf32>
        %mul3A_772 = arith.mulf %get3A_771, %broadcast_in_dim3A_753 : vector<16xf32>
        %swap3A_773 = arith.index_cast %add3A_757 : i32 to index
        %swap3A_774 = arith.constant 16 : index
        %swap3A_775 = tpu.vector_load %arg15[%swap3A_773, %swap3A_774] {strides = array<i32>} : memref<128x128xf32, #tpu.memory_space<vmem>>, vector<1x16xf32>,
        %swap3A_776 = vector.shape_cast %swap3A_775 : vector<1x16xf32> to vector<16xf32>
        %swap3A_777 = vector.shape_cast %mul3A_772 : vector<16xf32> to vector<1x16xf32>
        tpu.vector_store %arg15[%swap3A_773, %swap3A_774], %swap3A_777 {strides = array<i32>} : memref<128x128xf32, #tpu.memory_space<vmem>>, vector<1x16xf32>,
        %get3A_778 = arith.index_cast %add3A_757 : i32 to index
        %get3A_779 = arith.constant 32 : index
        %get3A_780 = tpu.vector_load %arg15[%get3A_778, %get3A_779] {strides = array<i32>} : memref<128x128xf32, #tpu.memory_space<vmem>>, vector<1x16xf32>,
        %get3A_781 = vector.shape_cast %get3A_780 : vector<1x16xf32> to vector<16xf32>
        %mul3A_782 = arith.mulf %get3A_781, %broadcast_in_dim3A_753 : vector<16xf32>
        %swap3A_783 = arith.index_cast %add3A_757 : i32 to index
        %swap3A_784 = arith.constant 32 : index
        %swap3A_785 = tpu.vector_load %arg15[%swap3A_783, %swap3A_784] {strides = array<i32>} : memref<128x128xf32, #tpu.memory_space<vmem>>, vector<1x16xf32>,
        %swap3A_786 = vector.shape_cast %swap3A_785 : vector<1x16xf32> to vector<16xf32>
        %swap3A_787 = vector.shape_cast %mul3A_782 : vector<16xf32> to vector<1x16xf32>
        tpu.vector_store %arg15[%swap3A_783, %swap3A_784], %swap3A_787 {strides = array<i32>} : memref<128x128xf32, #tpu.memory_space<vmem>>, vector<1x16xf32>,
        %get3A_788 = arith.index_cast %add3A_757 : i32 to index
        %get3A_789 = arith.constant 48 : index
        %get3A_790 = tpu.vector_load %arg15[%get3A_788, %get3A_789] {strides = array<i32>} : memref<128x128xf32, #tpu.memory_space<vmem>>, vector<1x16xf32>,
        %get3A_791 = vector.shape_cast %get3A_790 : vector<1x16xf32> to vector<16xf32>
        %mul3A_792 = arith.mulf %get3A_791, %broadcast_in_dim3A_753 : vector<16xf32>
        %swap3A_793 = arith.index_cast %add3A_757 : i32 to index
        %swap3A_794 = arith.constant 48 : index
        %swap3A_795 = tpu.vector_load %arg15[%swap3A_793, %swap3A_794] {strides = array<i32>} : memref<128x128xf32, #tpu.memory_space<vmem>>, vector<1x16xf32>,
        %swap3A_796 = vector.shape_cast %swap3A_795 : vector<1x16xf32> to vector<16xf32>
        %swap3A_797 = vector.shape_cast %mul3A_792 : vector<16xf32> to vector<1x16xf32>
        tpu.vector_store %arg15[%swap3A_793, %swap3A_794], %swap3A_797 {strides = array<i32>} : memref<128x128xf32, #tpu.memory_space<vmem>>, vector<1x16xf32>,
        %get3A_798 = arith.index_cast %add3A_757 : i32 to index
        %get3A_799 = arith.constant 64 : index
        %get3A_800 = tpu.vector_load %arg15[%get3A_798, %get3A_799] {strides = array<i32>} : memref<128x128xf32, #tpu.memory_space<vmem>>, vector<1x16xf32>,
        %get3A_801 = vector.shape_cast %get3A_800 : vector<1x16xf32> to vector<16xf32>
        %mul3A_802 = arith.mulf %get3A_801, %broadcast_in_dim3A_753 : vector<16xf32>
        %swap3A_803 = arith.index_cast %add3A_757 : i32 to index
        %swap3A_804 = arith.constant 64 : index
        %swap3A_805 = tpu.vector_load %arg15[%swap3A_803, %swap3A_804] {strides = array<i32>} : memref<128x128xf32, #tpu.memory_space<vmem>>, vector<1x16xf32>,
        %swap3A_806 = vector.shape_cast %swap3A_805 : vector<1x16xf32> to vector<16xf32>
        %swap3A_807 = vector.shape_cast %mul3A_802 : vector<16xf32> to vector<1x16xf32>
        tpu.vector_store %arg15[%swap3A_803, %swap3A_804], %swap3A_807 {strides = array<i32>} : memref<128x128xf32, #tpu.memory_space<vmem>>, vector<1x16xf32>,
        %get3A_808 = arith.index_cast %add3A_757 : i32 to index
        %get3A_809 = arith.constant 80 : index
        %get3A_810 = tpu.vector_load %arg15[%get3A_808, %get3A_809] {strides = array<i32>} : memref<128x128xf32, #tpu.memory_space<vmem>>, vector<1x16xf32>,
        %get3A_811 = vector.shape_cast %get3A_810 : vector<1x16xf32> to vector<16xf32>
        %mul3A_812 = arith.mulf %get3A_811, %broadcast_in_dim3A_753 : vector<16xf32>
        %swap3A_813 = arith.index_cast %add3A_757 : i32 to index
        %swap3A_814 = arith.constant 80 : index
        %swap3A_815 = tpu.vector_load %arg15[%swap3A_813, %swap3A_814] {strides = array<i32>} : memref<128x128xf32, #tpu.memory_space<vmem>>, vector<1x16xf32>,
        %swap3A_816 = vector.shape_cast %swap3A_815 : vector<1x16xf32> to vector<16xf32>
        %swap3A_817 = vector.shape_cast %mul3A_812 : vector<16xf32> to vector<1x16xf32>
        tpu.vector_store %arg15[%swap3A_813, %swap3A_814], %swap3A_817 {strides = array<i32>} : memref<128x128xf32, #tpu.memory_space<vmem>>, vector<1x16xf32>,
        %get3A_818 = arith.index_cast %add3A_757 : i32 to index
        %get3A_819 = arith.constant 96 : index
        %get3A_820 = tpu.vector_load %arg15[%get3A_818, %get3A_819] {strides = array<i32>} : memref<128x128xf32, #tpu.memory_space<vmem>>, vector<1x16xf32>,
        %get3A_821 = vector.shape_cast %get3A_820 : vector<1x16xf32> to vector<16xf32>
        %mul3A_822 = arith.mulf %get3A_821, %broadcast_in_dim3A_753 : vector<16xf32>
        %swap3A_823 = arith.index_cast %add3A_757 : i32 to index
        %swap3A_824 = arith.constant 96 : index
        %swap3A_825 = tpu.vector_load %arg15[%swap3A_823, %swap3A_824] {strides = array<i32>} : memref<128x128xf32, #tpu.memory_space<vmem>>, vector<1x16xf32>,
        %swap3A_826 = vector.shape_cast %swap3A_825 : vector<1x16xf32> to vector<16xf32>
        %swap3A_827 = vector.shape_cast %mul3A_822 : vector<16xf32> to vector<1x16xf32>
        tpu.vector_store %arg15[%swap3A_823, %swap3A_824], %swap3A_827 {strides = array<i32>} : memref<128x128xf32, #tpu.memory_space<vmem>>, vector<1x16xf32>,
        %get3A_828 = arith.index_cast %add3A_757 : i32 to index
        %get3A_829 = arith.constant 112 : index
        %get3A_830 = tpu.vector_load %arg15[%get3A_828, %get3A_829] {strides = array<i32>} : memref<128x128xf32, #tpu.memory_space<vmem>>, vector<1x16xf32>,
        %get3A_831 = vector.shape_cast %get3A_830 : vector<1x16xf32> to vector<16xf32>
        %mul3A_832 = arith.mulf %get3A_831, %broadcast_in_dim3A_753 : vector<16xf32>
        %swap3A_833 = arith.index_cast %add3A_757 : i32 to index
        %swap3A_834 = arith.constant 112 : index
        %swap3A_835 = tpu.vector_load %arg15[%swap3A_833, %swap3A_834] {strides = array<i32>} : memref<128x128xf32, #tpu.memory_space<vmem>>, vector<1x16xf32>,
        %swap3A_836 = vector.shape_cast %swap3A_835 : vector<1x16xf32> to vector<16xf32>
        %swap3A_837 = vector.shape_cast %mul3A_832 : vector<16xf32> to vector<1x16xf32>
        tpu.vector_store %arg15[%swap3A_833, %swap3A_834], %swap3A_837 {strides = array<i32>} : memref<128x128xf32, #tpu.memory_space<vmem>>, vector<1x16xf32>,
        %slice3A_838 = vector.extract_strided_slice %get3A_41 {offsets = [9], sizes = [1], strides = [1]} : vector<16xf32> to vector<1xf32>
        %squeeze3A_839 = vector.extract %slice3A_838[0] : f32 from vector<1xf32>
        %neg3A_840 = arith.constant 0.000000e+00 : f32
        %neg3A_841 = arith.subf %neg3A_840, %squeeze3A_839 : f32
        %broadcast_in_dim3A_842 = vector.broadcast %neg3A_841 : f32 to vector<16xf32>
        %mul3A_843 = arith.constant 16 : i32
        %mul3A_844 = arith.muli %scan3A_34, %mul3A_843 : i32
        %add3A_845 = arith.constant 9 : i32
        %add3A_846 = arith.addi %mul3A_844, %add3A_845 : i32
        %get3A_847 = arith.index_cast %add3A_846 : i32 to index
        %get3A_848 = arith.constant 0 : index
        %get3A_849 = tpu.vector_load %arg15[%get3A_847, %get3A_848] {strides = array<i32>} : memref<128x128xf32, #tpu.memory_space<vmem>>, vector<1x16xf32>,
        %get3A_850 = vector.shape_cast %get3A_849 : vector<1x16xf32> to vector<16xf32>
        %mul3A_851 = arith.mulf %get3A_850, %broadcast_in_dim3A_842 : vector<16xf32>
        %swap3A_852 = arith.index_cast %add3A_846 : i32 to index
        %swap3A_853 = arith.constant 0 : index
        %swap3A_854 = tpu.vector_load %arg15[%swap3A_852, %swap3A_853] {strides = array<i32>} : memref<128x128xf32, #tpu.memory_space<vmem>>, vector<1x16xf32>,
        %swap3A_855 = vector.shape_cast %swap3A_854 : vector<1x16xf32> to vector<16xf32>
        %swap3A_856 = vector.shape_cast %mul3A_851 : vector<16xf32> to vector<1x16xf32>
        tpu.vector_store %arg15[%swap3A_852, %swap3A_853], %swap3A_856 {strides = array<i32>} : memref<128x128xf32, #tpu.memory_space<vmem>>, vector<1x16xf32>,
        %get3A_857 = arith.index_cast %add3A_846 : i32 to index
        %get3A_858 = arith.constant 16 : index
        %get3A_859 = tpu.vector_load %arg15[%get3A_857, %get3A_858] {strides = array<i32>} : memref<128x128xf32, #tpu.memory_space<vmem>>, vector<1x16xf32>,
        %get3A_860 = vector.shape_cast %get3A_859 : vector<1x16xf32> to vector<16xf32>
        %mul3A_861 = arith.mulf %get3A_860, %broadcast_in_dim3A_842 : vector<16xf32>
        %swap3A_862 = arith.index_cast %add3A_846 : i32 to index
        %swap3A_863 = arith.constant 16 : index
        %swap3A_864 = tpu.vector_load %arg15[%swap3A_862, %swap3A_863] {strides = array<i32>} : memref<128x128xf32, #tpu.memory_space<vmem>>, vector<1x16xf32>,
        %swap3A_865 = vector.shape_cast %swap3A_864 : vector<1x16xf32> to vector<16xf32>
        %swap3A_866 = vector.shape_cast %mul3A_861 : vector<16xf32> to vector<1x16xf32>
        tpu.vector_store %arg15[%swap3A_862, %swap3A_863], %swap3A_866 {strides = array<i32>} : memref<128x128xf32, #tpu.memory_space<vmem>>, vector<1x16xf32>,
        %get3A_867 = arith.index_cast %add3A_846 : i32 to index
        %get3A_868 = arith.constant 32 : index
        %get3A_869 = tpu.vector_load %arg15[%get3A_867, %get3A_868] {strides = array<i32>} : memref<128x128xf32, #tpu.memory_space<vmem>>, vector<1x16xf32>,
        %get3A_870 = vector.shape_cast %get3A_869 : vector<1x16xf32> to vector<16xf32>
        %mul3A_871 = arith.mulf %get3A_870, %broadcast_in_dim3A_842 : vector<16xf32>
        %swap3A_872 = arith.index_cast %add3A_846 : i32 to index
        %swap3A_873 = arith.constant 32 : index
        %swap3A_874 = tpu.vector_load %arg15[%swap3A_872, %swap3A_873] {strides = array<i32>} : memref<128x128xf32, #tpu.memory_space<vmem>>, vector<1x16xf32>,
        %swap3A_875 = vector.shape_cast %swap3A_874 : vector<1x16xf32> to vector<16xf32>
        %swap3A_876 = vector.shape_cast %mul3A_871 : vector<16xf32> to vector<1x16xf32>
        tpu.vector_store %arg15[%swap3A_872, %swap3A_873], %swap3A_876 {strides = array<i32>} : memref<128x128xf32, #tpu.memory_space<vmem>>, vector<1x16xf32>,
        %get3A_877 = arith.index_cast %add3A_846 : i32 to index
        %get3A_878 = arith.constant 48 : index
        %get3A_879 = tpu.vector_load %arg15[%get3A_877, %get3A_878] {strides = array<i32>} : memref<128x128xf32, #tpu.memory_space<vmem>>, vector<1x16xf32>,
        %get3A_880 = vector.shape_cast %get3A_879 : vector<1x16xf32> to vector<16xf32>
        %mul3A_881 = arith.mulf %get3A_880, %broadcast_in_dim3A_842 : vector<16xf32>
        %swap3A_882 = arith.index_cast %add3A_846 : i32 to index
        %swap3A_883 = arith.constant 48 : index
        %swap3A_884 = tpu.vector_load %arg15[%swap3A_882, %swap3A_883] {strides = array<i32>} : memref<128x128xf32, #tpu.memory_space<vmem>>, vector<1x16xf32>,
        %swap3A_885 = vector.shape_cast %swap3A_884 : vector<1x16xf32> to vector<16xf32>
        %swap3A_886 = vector.shape_cast %mul3A_881 : vector<16xf32> to vector<1x16xf32>
        tpu.vector_store %arg15[%swap3A_882, %swap3A_883], %swap3A_886 {strides = array<i32>} : memref<128x128xf32, #tpu.memory_space<vmem>>, vector<1x16xf32>,
        %get3A_887 = arith.index_cast %add3A_846 : i32 to index
        %get3A_888 = arith.constant 64 : index
        %get3A_889 = tpu.vector_load %arg15[%get3A_887, %get3A_888] {strides = array<i32>} : memref<128x128xf32, #tpu.memory_space<vmem>>, vector<1x16xf32>,
        %get3A_890 = vector.shape_cast %get3A_889 : vector<1x16xf32> to vector<16xf32>
        %mul3A_891 = arith.mulf %get3A_890, %broadcast_in_dim3A_842 : vector<16xf32>
        %swap3A_892 = arith.index_cast %add3A_846 : i32 to index
        %swap3A_893 = arith.constant 64 : index
        %swap3A_894 = tpu.vector_load %arg15[%swap3A_892, %swap3A_893] {strides = array<i32>} : memref<128x128xf32, #tpu.memory_space<vmem>>, vector<1x16xf32>,
        %swap3A_895 = vector.shape_cast %swap3A_894 : vector<1x16xf32> to vector<16xf32>
        %swap3A_896 = vector.shape_cast %mul3A_891 : vector<16xf32> to vector<1x16xf32>
        tpu.vector_store %arg15[%swap3A_892, %swap3A_893], %swap3A_896 {strides = array<i32>} : memref<128x128xf32, #tpu.memory_space<vmem>>, vector<1x16xf32>,
        %get3A_897 = arith.index_cast %add3A_846 : i32 to index
        %get3A_898 = arith.constant 80 : index
        %get3A_899 = tpu.vector_load %arg15[%get3A_897, %get3A_898] {strides = array<i32>} : memref<128x128xf32, #tpu.memory_space<vmem>>, vector<1x16xf32>,
        %get3A_900 = vector.shape_cast %get3A_899 : vector<1x16xf32> to vector<16xf32>
        %mul3A_901 = arith.mulf %get3A_900, %broadcast_in_dim3A_842 : vector<16xf32>
        %swap3A_902 = arith.index_cast %add3A_846 : i32 to index
        %swap3A_903 = arith.constant 80 : index
        %swap3A_904 = tpu.vector_load %arg15[%swap3A_902, %swap3A_903] {strides = array<i32>} : memref<128x128xf32, #tpu.memory_space<vmem>>, vector<1x16xf32>,
        %swap3A_905 = vector.shape_cast %swap3A_904 : vector<1x16xf32> to vector<16xf32>
        %swap3A_906 = vector.shape_cast %mul3A_901 : vector<16xf32> to vector<1x16xf32>
        tpu.vector_store %arg15[%swap3A_902, %swap3A_903], %swap3A_906 {strides = array<i32>} : memref<128x128xf32, #tpu.memory_space<vmem>>, vector<1x16xf32>,
        %get3A_907 = arith.index_cast %add3A_846 : i32 to index
        %get3A_908 = arith.constant 96 : index
        %get3A_909 = tpu.vector_load %arg15[%get3A_907, %get3A_908] {strides = array<i32>} : memref<128x128xf32, #tpu.memory_space<vmem>>, vector<1x16xf32>,
        %get3A_910 = vector.shape_cast %get3A_909 : vector<1x16xf32> to vector<16xf32>
        %mul3A_911 = arith.mulf %get3A_910, %broadcast_in_dim3A_842 : vector<16xf32>
        %swap3A_912 = arith.index_cast %add3A_846 : i32 to index
        %swap3A_913 = arith.constant 96 : index
        %swap3A_914 = tpu.vector_load %arg15[%swap3A_912, %swap3A_913] {strides = array<i32>} : memref<128x128xf32, #tpu.memory_space<vmem>>, vector<1x16xf32>,
        %swap3A_915 = vector.shape_cast %swap3A_914 : vector<1x16xf32> to vector<16xf32>
        %swap3A_916 = vector.shape_cast %mul3A_911 : vector<16xf32> to vector<1x16xf32>
        tpu.vector_store %arg15[%swap3A_912, %swap3A_913], %swap3A_916 {strides = array<i32>} : memref<128x128xf32, #tpu.memory_space<vmem>>, vector<1x16xf32>,
        %get3A_917 = arith.index_cast %add3A_846 : i32 to index
        %get3A_918 = arith.constant 112 : index
        %get3A_919 = tpu.vector_load %arg15[%get3A_917, %get3A_918] {strides = array<i32>} : memref<128x128xf32, #tpu.memory_space<vmem>>, vector<1x16xf32>,
        %get3A_920 = vector.shape_cast %get3A_919 : vector<1x16xf32> to vector<16xf32>
        %mul3A_921 = arith.mulf %get3A_920, %broadcast_in_dim3A_842 : vector<16xf32>
        %swap3A_922 = arith.index_cast %add3A_846 : i32 to index
        %swap3A_923 = arith.constant 112 : index
        %swap3A_924 = tpu.vector_load %arg15[%swap3A_922, %swap3A_923] {strides = array<i32>} : memref<128x128xf32, #tpu.memory_space<vmem>>, vector<1x16xf32>,
        %swap3A_925 = vector.shape_cast %swap3A_924 : vector<1x16xf32> to vector<16xf32>
        %swap3A_926 = vector.shape_cast %mul3A_921 : vector<16xf32> to vector<1x16xf32>
        tpu.vector_store %arg15[%swap3A_922, %swap3A_923], %swap3A_926 {strides = array<i32>} : memref<128x128xf32, #tpu.memory_space<vmem>>, vector<1x16xf32>,
        %slice3A_927 = vector.extract_strided_slice %get3A_41 {offsets = [10], sizes = [1], strides = [1]} : vector<16xf32> to vector<1xf32>
        %squeeze3A_928 = vector.extract %slice3A_927[0] : f32 from vector<1xf32>
        %neg3A_929 = arith.constant 0.000000e+00 : f32
        %neg3A_930 = arith.subf %neg3A_929, %squeeze3A_928 : f32
        %broadcast_in_dim3A_931 = vector.broadcast %neg3A_930 : f32 to vector<16xf32>
        %mul3A_932 = arith.constant 16 : i32
        %mul3A_933 = arith.muli %scan3A_34, %mul3A_932 : i32
        %add3A_934 = arith.constant 10 : i32
        %add3A_935 = arith.addi %mul3A_933, %add3A_934 : i32
        %get3A_936 = arith.index_cast %add3A_935 : i32 to index
        %get3A_937 = arith.constant 0 : index
        %get3A_938 = tpu.vector_load %arg15[%get3A_936, %get3A_937] {strides = array<i32>} : memref<128x128xf32, #tpu.memory_space<vmem>>, vector<1x16xf32>,
        %get3A_939 = vector.shape_cast %get3A_938 : vector<1x16xf32> to vector<16xf32>
        %mul3A_940 = arith.mulf %get3A_939, %broadcast_in_dim3A_931 : vector<16xf32>
        %swap3A_941 = arith.index_cast %add3A_935 : i32 to index
        %swap3A_942 = arith.constant 0 : index
        %swap3A_943 = tpu.vector_load %arg15[%swap3A_941, %swap3A_942] {strides = array<i32>} : memref<128x128xf32, #tpu.memory_space<vmem>>, vector<1x16xf32>,
        %swap3A_944 = vector.shape_cast %swap3A_943 : vector<1x16xf32> to vector<16xf32>
        %swap3A_945 = vector.shape_cast %mul3A_940 : vector<16xf32> to vector<1x16xf32>
        tpu.vector_store %arg15[%swap3A_941, %swap3A_942], %swap3A_945 {strides = array<i32>} : memref<128x128xf32, #tpu.memory_space<vmem>>, vector<1x16xf32>,
        %get3A_946 = arith.index_cast %add3A_935 : i32 to index
        %get3A_947 = arith.constant 16 : index
        %get3A_948 = tpu.vector_load %arg15[%get3A_946, %get3A_947] {strides = array<i32>} : memref<128x128xf32, #tpu.memory_space<vmem>>, vector<1x16xf32>,
        %get3A_949 = vector.shape_cast %get3A_948 : vector<1x16xf32> to vector<16xf32>
        %mul3A_950 = arith.mulf %get3A_949, %broadcast_in_dim3A_931 : vector<16xf32>
        %swap3A_951 = arith.index_cast %add3A_935 : i32 to index
        %swap3A_952 = arith.constant 16 : index
        %swap3A_953 = tpu.vector_load %arg15[%swap3A_951, %swap3A_952] {strides = array<i32>} : memref<128x128xf32, #tpu.memory_space<vmem>>, vector<1x16xf32>,
        %swap3A_954 = vector.shape_cast %swap3A_953 : vector<1x16xf32> to vector<16xf32>
        %swap3A_955 = vector.shape_cast %mul3A_950 : vector<16xf32> to vector<1x16xf32>
        tpu.vector_store %arg15[%swap3A_951, %swap3A_952], %swap3A_955 {strides = array<i32>} : memref<128x128xf32, #tpu.memory_space<vmem>>, vector<1x16xf32>,
        %get3A_956 = arith.index_cast %add3A_935 : i32 to index
        %get3A_957 = arith.constant 32 : index
        %get3A_958 = tpu.vector_load %arg15[%get3A_956, %get3A_957] {strides = array<i32>} : memref<128x128xf32, #tpu.memory_space<vmem>>, vector<1x16xf32>,
        %get3A_959 = vector.shape_cast %get3A_958 : vector<1x16xf32> to vector<16xf32>
        %mul3A_960 = arith.mulf %get3A_959, %broadcast_in_dim3A_931 : vector<16xf32>
        %swap3A_961 = arith.index_cast %add3A_935 : i32 to index
        %swap3A_962 = arith.constant 32 : index
        %swap3A_963 = tpu.vector_load %arg15[%swap3A_961, %swap3A_962] {strides = array<i32>} : memref<128x128xf32, #tpu.memory_space<vmem>>, vector<1x16xf32>,
        %swap3A_964 = vector.shape_cast %swap3A_963 : vector<1x16xf32> to vector<16xf32>
        %swap3A_965 = vector.shape_cast %mul3A_960 : vector<16xf32> to vector<1x16xf32>
        tpu.vector_store %arg15[%swap3A_961, %swap3A_962], %swap3A_965 {strides = array<i32>} : memref<128x128xf32, #tpu.memory_space<vmem>>, vector<1x16xf32>,
        %get3A_966 = arith.index_cast %add3A_935 : i32 to index
        %get3A_967 = arith.constant 48 : index
        %get3A_968 = tpu.vector_load %arg15[%get3A_966, %get3A_967] {strides = array<i32>} : memref<128x128xf32, #tpu.memory_space<vmem>>, vector<1x16xf32>,
        %get3A_969 = vector.shape_cast %get3A_968 : vector<1x16xf32> to vector<16xf32>
        %mul3A_970 = arith.mulf %get3A_969, %broadcast_in_dim3A_931 : vector<16xf32>
        %swap3A_971 = arith.index_cast %add3A_935 : i32 to index
        %swap3A_972 = arith.constant 48 : index
        %swap3A_973 = tpu.vector_load %arg15[%swap3A_971, %swap3A_972] {strides = array<i32>} : memref<128x128xf32, #tpu.memory_space<vmem>>, vector<1x16xf32>,
        %swap3A_974 = vector.shape_cast %swap3A_973 : vector<1x16xf32> to vector<16xf32>
        %swap3A_975 = vector.shape_cast %mul3A_970 : vector<16xf32> to vector<1x16xf32>
        tpu.vector_store %arg15[%swap3A_971, %swap3A_972], %swap3A_975 {strides = array<i32>} : memref<128x128xf32, #tpu.memory_space<vmem>>, vector<1x16xf32>,
        %get3A_976 = arith.index_cast %add3A_935 : i32 to index
        %get3A_977 = arith.constant 64 : index
        %get3A_978 = tpu.vector_load %arg15[%get3A_976, %get3A_977] {strides = array<i32>} : memref<128x128xf32, #tpu.memory_space<vmem>>, vector<1x16xf32>,
        %get3A_979 = vector.shape_cast %get3A_978 : vector<1x16xf32> to vector<16xf32>
        %mul3A_980 = arith.mulf %get3A_979, %broadcast_in_dim3A_931 : vector<16xf32>
        %swap3A_981 = arith.index_cast %add3A_935 : i32 to index
        %swap3A_982 = arith.constant 64 : index
        %swap3A_983 = tpu.vector_load %arg15[%swap3A_981, %swap3A_982] {strides = array<i32>} : memref<128x128xf32, #tpu.memory_space<vmem>>, vector<1x16xf32>,
        %swap3A_984 = vector.shape_cast %swap3A_983 : vector<1x16xf32> to vector<16xf32>
        %swap3A_985 = vector.shape_cast %mul3A_980 : vector<16xf32> to vector<1x16xf32>
        tpu.vector_store %arg15[%swap3A_981, %swap3A_982], %swap3A_985 {strides = array<i32>} : memref<128x128xf32, #tpu.memory_space<vmem>>, vector<1x16xf32>,
        %get3A_986 = arith.index_cast %add3A_935 : i32 to index
        %get3A_987 = arith.constant 80 : index
        %get3A_988 = tpu.vector_load %arg15[%get3A_986, %get3A_987] {strides = array<i32>} : memref<128x128xf32, #tpu.memory_space<vmem>>, vector<1x16xf32>,
        %get3A_989 = vector.shape_cast %get3A_988 : vector<1x16xf32> to vector<16xf32>
        %mul3A_990 = arith.mulf %get3A_989, %broadcast_in_dim3A_931 : vector<16xf32>
        %swap3A_991 = arith.index_cast %add3A_935 : i32 to index
        %swap3A_992 = arith.constant 80 : index
        %swap3A_993 = tpu.vector_load %arg15[%swap3A_991, %swap3A_992] {strides = array<i32>} : memref<128x128xf32, #tpu.memory_space<vmem>>, vector<1x16xf32>,
        %swap3A_994 = vector.shape_cast %swap3A_993 : vector<1x16xf32> to vector<16xf32>
        %swap3A_995 = vector.shape_cast %mul3A_990 : vector<16xf32> to vector<1x16xf32>
        tpu.vector_store %arg15[%swap3A_991, %swap3A_992], %swap3A_995 {strides = array<i32>} : memref<128x128xf32, #tpu.memory_space<vmem>>, vector<1x16xf32>,
        %get3A_996 = arith.index_cast %add3A_935 : i32 to index
        %get3A_997 = arith.constant 96 : index
        %get3A_998 = tpu.vector_load %arg15[%get3A_996, %get3A_997] {strides = array<i32>} : memref<128x128xf32, #tpu.memory_space<vmem>>, vector<1x16xf32>,
        %get3A_999 = vector.shape_cast %get3A_998 : vector<1x16xf32> to vector<16xf32>
        %mul3A_1000 = arith.mulf %get3A_999, %broadcast_in_dim3A_931 : vector<16xf32>
        %swap3A_1001 = arith.index_cast %add3A_935 : i32 to index
        %swap3A_1002 = arith.constant 96 : index
        %swap3A_1003 = tpu.vector_load %arg15[%swap3A_1001, %swap3A_1002] {strides = array<i32>} : memref<128x128xf32, #tpu.memory_space<vmem>>, vector<1x16xf32>,
        %swap3A_1004 = vector.shape_cast %swap3A_1003 : vector<1x16xf32> to vector<16xf32>
        %swap3A_1005 = vector.shape_cast %mul3A_1000 : vector<16xf32> to vector<1x16xf32>
        tpu.vector_store %arg15[%swap3A_1001, %swap3A_1002], %swap3A_1005 {strides = array<i32>} : memref<128x128xf32, #tpu.memory_space<vmem>>, vector<1x16xf32>,
        %get3A_1006 = arith.index_cast %add3A_935 : i32 to index
        %get3A_1007 = arith.constant 112 : index
        %get3A_1008 = tpu.vector_load %arg15[%get3A_1006, %get3A_1007] {strides = array<i32>} : memref<128x128xf32, #tpu.memory_space<vmem>>, vector<1x16xf32>,
        %get3A_1009 = vector.shape_cast %get3A_1008 : vector<1x16xf32> to vector<16xf32>
        %mul3A_1010 = arith.mulf %get3A_1009, %broadcast_in_dim3A_931 : vector<16xf32>
        %swap3A_1011 = arith.index_cast %add3A_935 : i32 to index
        %swap3A_1012 = arith.constant 112 : index
        %swap3A_1013 = tpu.vector_load %arg15[%swap3A_1011, %swap3A_1012] {strides = array<i32>} : memref<128x128xf32, #tpu.memory_space<vmem>>, vector<1x16xf32>,
        %swap3A_1014 = vector.shape_cast %swap3A_1013 : vector<1x16xf32> to vector<16xf32>
        %swap3A_1015 = vector.shape_cast %mul3A_1010 : vector<16xf32> to vector<1x16xf32>
        tpu.vector_store %arg15[%swap3A_1011, %swap3A_1012], %swap3A_1015 {strides = array<i32>} : memref<128x128xf32, #tpu.memory_space<vmem>>, vector<1x16xf32>,
        %slice3A_1016 = vector.extract_strided_slice %get3A_41 {offsets = [11], sizes = [1], strides = [1]} : vector<16xf32> to vector<1xf32>
        %squeeze3A_1017 = vector.extract %slice3A_1016[0] : f32 from vector<1xf32>
        %neg3A_1018 = arith.constant 0.000000e+00 : f32
        %neg3A_1019 = arith.subf %neg3A_1018, %squeeze3A_1017 : f32
        %broadcast_in_dim3A_1020 = vector.broadcast %neg3A_1019 : f32 to vector<16xf32>
        %mul3A_1021 = arith.constant 16 : i32
        %mul3A_1022 = arith.muli %scan3A_34, %mul3A_1021 : i32
        %add3A_1023 = arith.constant 11 : i32
        %add3A_1024 = arith.addi %mul3A_1022, %add3A_1023 : i32
        %get3A_1025 = arith.index_cast %add3A_1024 : i32 to index
        %get3A_1026 = arith.constant 0 : index
        %get3A_1027 = tpu.vector_load %arg15[%get3A_1025, %get3A_1026] {strides = array<i32>} : memref<128x128xf32, #tpu.memory_space<vmem>>, vector<1x16xf32>,
        %get3A_1028 = vector.shape_cast %get3A_1027 : vector<1x16xf32> to vector<16xf32>
        %mul3A_1029 = arith.mulf %get3A_1028, %broadcast_in_dim3A_1020 : vector<16xf32>
        %swap3A_1030 = arith.index_cast %add3A_1024 : i32 to index
        %swap3A_1031 = arith.constant 0 : index
        %swap3A_1032 = tpu.vector_load %arg15[%swap3A_1030, %swap3A_1031] {strides = array<i32>} : memref<128x128xf32, #tpu.memory_space<vmem>>, vector<1x16xf32>,
        %swap3A_1033 = vector.shape_cast %swap3A_1032 : vector<1x16xf32> to vector<16xf32>
        %swap3A_1034 = vector.shape_cast %mul3A_1029 : vector<16xf32> to vector<1x16xf32>
        tpu.vector_store %arg15[%swap3A_1030, %swap3A_1031], %swap3A_1034 {strides = array<i32>} : memref<128x128xf32, #tpu.memory_space<vmem>>, vector<1x16xf32>,
        %get3A_1035 = arith.index_cast %add3A_1024 : i32 to index
        %get3A_1036 = arith.constant 16 : index
        %get3A_1037 = tpu.vector_load %arg15[%get3A_1035, %get3A_1036] {strides = array<i32>} : memref<128x128xf32, #tpu.memory_space<vmem>>, vector<1x16xf32>,
        %get3A_1038 = vector.shape_cast %get3A_1037 : vector<1x16xf32> to vector<16xf32>
        %mul3A_1039 = arith.mulf %get3A_1038, %broadcast_in_dim3A_1020 : vector<16xf32>
        %swap3A_1040 = arith.index_cast %add3A_1024 : i32 to index
        %swap3A_1041 = arith.constant 16 : index
        %swap3A_1042 = tpu.vector_load %arg15[%swap3A_1040, %swap3A_1041] {strides = array<i32>} : memref<128x128xf32, #tpu.memory_space<vmem>>, vector<1x16xf32>,
        %swap3A_1043 = vector.shape_cast %swap3A_1042 : vector<1x16xf32> to vector<16xf32>
        %swap3A_1044 = vector.shape_cast %mul3A_1039 : vector<16xf32> to vector<1x16xf32>
        tpu.vector_store %arg15[%swap3A_1040, %swap3A_1041], %swap3A_1044 {strides = array<i32>} : memref<128x128xf32, #tpu.memory_space<vmem>>, vector<1x16xf32>,
        %get3A_1045 = arith.index_cast %add3A_1024 : i32 to index
        %get3A_1046 = arith.constant 32 : index
        %get3A_1047 = tpu.vector_load %arg15[%get3A_1045, %get3A_1046] {strides = array<i32>} : memref<128x128xf32, #tpu.memory_space<vmem>>, vector<1x16xf32>,
        %get3A_1048 = vector.shape_cast %get3A_1047 : vector<1x16xf32> to vector<16xf32>
        %mul3A_1049 = arith.mulf %get3A_1048, %broadcast_in_dim3A_1020 : vector<16xf32>
        %swap3A_1050 = arith.index_cast %add3A_1024 : i32 to index
        %swap3A_1051 = arith.constant 32 : index
        %swap3A_1052 = tpu.vector_load %arg15[%swap3A_1050, %swap3A_1051] {strides = array<i32>} : memref<128x128xf32, #tpu.memory_space<vmem>>, vector<1x16xf32>,
        %swap3A_1053 = vector.shape_cast %swap3A_1052 : vector<1x16xf32> to vector<16xf32>
        %swap3A_1054 = vector.shape_cast %mul3A_1049 : vector<16xf32> to vector<1x16xf32>
        tpu.vector_store %arg15[%swap3A_1050, %swap3A_1051], %swap3A_1054 {strides = array<i32>} : memref<128x128xf32, #tpu.memory_space<vmem>>, vector<1x16xf32>,
        %get3A_1055 = arith.index_cast %add3A_1024 : i32 to index
        %get3A_1056 = arith.constant 48 : index
        %get3A_1057 = tpu.vector_load %arg15[%get3A_1055, %get3A_1056] {strides = array<i32>} : memref<128x128xf32, #tpu.memory_space<vmem>>, vector<1x16xf32>,
        %get3A_1058 = vector.shape_cast %get3A_1057 : vector<1x16xf32> to vector<16xf32>
        %mul3A_1059 = arith.mulf %get3A_1058, %broadcast_in_dim3A_1020 : vector<16xf32>
        %swap3A_1060 = arith.index_cast %add3A_1024 : i32 to index
        %swap3A_1061 = arith.constant 48 : index
        %swap3A_1062 = tpu.vector_load %arg15[%swap3A_1060, %swap3A_1061] {strides = array<i32>} : memref<128x128xf32, #tpu.memory_space<vmem>>, vector<1x16xf32>,
        %swap3A_1063 = vector.shape_cast %swap3A_1062 : vector<1x16xf32> to vector<16xf32>
        %swap3A_1064 = vector.shape_cast %mul3A_1059 : vector<16xf32> to vector<1x16xf32>
        tpu.vector_store %arg15[%swap3A_1060, %swap3A_1061], %swap3A_1064 {strides = array<i32>} : memref<128x128xf32, #tpu.memory_space<vmem>>, vector<1x16xf32>,
        %get3A_1065 = arith.index_cast %add3A_1024 : i32 to index
        %get3A_1066 = arith.constant 64 : index
        %get3A_1067 = tpu.vector_load %arg15[%get3A_1065, %get3A_1066] {strides = array<i32>} : memref<128x128xf32, #tpu.memory_space<vmem>>, vector<1x16xf32>,
        %get3A_1068 = vector.shape_cast %get3A_1067 : vector<1x16xf32> to vector<16xf32>
        %mul3A_1069 = arith.mulf %get3A_1068, %broadcast_in_dim3A_1020 : vector<16xf32>
        %swap3A_1070 = arith.index_cast %add3A_1024 : i32 to index
        %swap3A_1071 = arith.constant 64 : index
        %swap3A_1072 = tpu.vector_load %arg15[%swap3A_1070, %swap3A_1071] {strides = array<i32>} : memref<128x128xf32, #tpu.memory_space<vmem>>, vector<1x16xf32>,
        %swap3A_1073 = vector.shape_cast %swap3A_1072 : vector<1x16xf32> to vector<16xf32>
        %swap3A_1074 = vector.shape_cast %mul3A_1069 : vector<16xf32> to vector<1x16xf32>
        tpu.vector_store %arg15[%swap3A_1070, %swap3A_1071], %swap3A_1074 {strides = array<i32>} : memref<128x128xf32, #tpu.memory_space<vmem>>, vector<1x16xf32>,
        %get3A_1075 = arith.index_cast %add3A_1024 : i32 to index
        %get3A_1076 = arith.constant 80 : index
        %get3A_1077 = tpu.vector_load %arg15[%get3A_1075, %get3A_1076] {strides = array<i32>} : memref<128x128xf32, #tpu.memory_space<vmem>>, vector<1x16xf32>,
        %get3A_1078 = vector.shape_cast %get3A_1077 : vector<1x16xf32> to vector<16xf32>
        %mul3A_1079 = arith.mulf %get3A_1078, %broadcast_in_dim3A_1020 : vector<16xf32>
        %swap3A_1080 = arith.index_cast %add3A_1024 : i32 to index
        %swap3A_1081 = arith.constant 80 : index
        %swap3A_1082 = tpu.vector_load %arg15[%swap3A_1080, %swap3A_1081] {strides = array<i32>} : memref<128x128xf32, #tpu.memory_space<vmem>>, vector<1x16xf32>,
        %swap3A_1083 = vector.shape_cast %swap3A_1082 : vector<1x16xf32> to vector<16xf32>
        %swap3A_1084 = vector.shape_cast %mul3A_1079 : vector<16xf32> to vector<1x16xf32>
        tpu.vector_store %arg15[%swap3A_1080, %swap3A_1081], %swap3A_1084 {strides = array<i32>} : memref<128x128xf32, #tpu.memory_space<vmem>>, vector<1x16xf32>,
        %get3A_1085 = arith.index_cast %add3A_1024 : i32 to index
        %get3A_1086 = arith.constant 96 : index
        %get3A_1087 = tpu.vector_load %arg15[%get3A_1085, %get3A_1086] {strides = array<i32>} : memref<128x128xf32, #tpu.memory_space<vmem>>, vector<1x16xf32>,
        %get3A_1088 = vector.shape_cast %get3A_1087 : vector<1x16xf32> to vector<16xf32>
        %mul3A_1089 = arith.mulf %get3A_1088, %broadcast_in_dim3A_1020 : vector<16xf32>
        %swap3A_1090 = arith.index_cast %add3A_1024 : i32 to index
        %swap3A_1091 = arith.constant 96 : index
        %swap3A_1092 = tpu.vector_load %arg15[%swap3A_1090, %swap3A_1091] {strides = array<i32>} : memref<128x128xf32, #tpu.memory_space<vmem>>, vector<1x16xf32>,
        %swap3A_1093 = vector.shape_cast %swap3A_1092 : vector<1x16xf32> to vector<16xf32>
        %swap3A_1094 = vector.shape_cast %mul3A_1089 : vector<16xf32> to vector<1x16xf32>
        tpu.vector_store %arg15[%swap3A_1090, %swap3A_1091], %swap3A_1094 {strides = array<i32>} : memref<128x128xf32, #tpu.memory_space<vmem>>, vector<1x16xf32>,
        %get3A_1095 = arith.index_cast %add3A_1024 : i32 to index
        %get3A_1096 = arith.constant 112 : index
        %get3A_1097 = tpu.vector_load %arg15[%get3A_1095, %get3A_1096] {strides = array<i32>} : memref<128x128xf32, #tpu.memory_space<vmem>>, vector<1x16xf32>,
        %get3A_1098 = vector.shape_cast %get3A_1097 : vector<1x16xf32> to vector<16xf32>
        %mul3A_1099 = arith.mulf %get3A_1098, %broadcast_in_dim3A_1020 : vector<16xf32>
        %swap3A_1100 = arith.index_cast %add3A_1024 : i32 to index
        %swap3A_1101 = arith.constant 112 : index
        %swap3A_1102 = tpu.vector_load %arg15[%swap3A_1100, %swap3A_1101] {strides = array<i32>} : memref<128x128xf32, #tpu.memory_space<vmem>>, vector<1x16xf32>,
        %swap3A_1103 = vector.shape_cast %swap3A_1102 : vector<1x16xf32> to vector<16xf32>
        %swap3A_1104 = vector.shape_cast %mul3A_1099 : vector<16xf32> to vector<1x16xf32>
        tpu.vector_store %arg15[%swap3A_1100, %swap3A_1101], %swap3A_1104 {strides = array<i32>} : memref<128x128xf32, #tpu.memory_space<vmem>>, vector<1x16xf32>,
        %slice3A_1105 = vector.extract_strided_slice %get3A_41 {offsets = [12], sizes = [1], strides = [1]} : vector<16xf32> to vector<1xf32>
        %squeeze3A_1106 = vector.extract %slice3A_1105[0] : f32 from vector<1xf32>
        %neg3A_1107 = arith.constant 0.000000e+00 : f32
        %neg3A_1108 = arith.subf %neg3A_1107, %squeeze3A_1106 : f32
        %broadcast_in_dim3A_1109 = vector.broadcast %neg3A_1108 : f32 to vector<16xf32>
        %mul3A_1110 = arith.constant 16 : i32
        %mul3A_1111 = arith.muli %scan3A_34, %mul3A_1110 : i32
        %add3A_1112 = arith.constant 12 : i32
        %add3A_1113 = arith.addi %mul3A_1111, %add3A_1112 : i32
        %get3A_1114 = arith.index_cast %add3A_1113 : i32 to index
        %get3A_1115 = arith.constant 0 : index
        %get3A_1116 = tpu.vector_load %arg15[%get3A_1114, %get3A_1115] {strides = array<i32>} : memref<128x128xf32, #tpu.memory_space<vmem>>, vector<1x16xf32>,
        %get3A_1117 = vector.shape_cast %get3A_1116 : vector<1x16xf32> to vector<16xf32>
        %mul3A_1118 = arith.mulf %get3A_1117, %broadcast_in_dim3A_1109 : vector<16xf32>
        %swap3A_1119 = arith.index_cast %add3A_1113 : i32 to index
        %swap3A_1120 = arith.constant 0 : index
        %swap3A_1121 = tpu.vector_load %arg15[%swap3A_1119, %swap3A_1120] {strides = array<i32>} : memref<128x128xf32, #tpu.memory_space<vmem>>, vector<1x16xf32>,
        %swap3A_1122 = vector.shape_cast %swap3A_1121 : vector<1x16xf32> to vector<16xf32>
        %swap3A_1123 = vector.shape_cast %mul3A_1118 : vector<16xf32> to vector<1x16xf32>
        tpu.vector_store %arg15[%swap3A_1119, %swap3A_1120], %swap3A_1123 {strides = array<i32>} : memref<128x128xf32, #tpu.memory_space<vmem>>, vector<1x16xf32>,
        %get3A_1124 = arith.index_cast %add3A_1113 : i32 to index
        %get3A_1125 = arith.constant 16 : index
        %get3A_1126 = tpu.vector_load %arg15[%get3A_1124, %get3A_1125] {strides = array<i32>} : memref<128x128xf32, #tpu.memory_space<vmem>>, vector<1x16xf32>,
        %get3A_1127 = vector.shape_cast %get3A_1126 : vector<1x16xf32> to vector<16xf32>
        %mul3A_1128 = arith.mulf %get3A_1127, %broadcast_in_dim3A_1109 : vector<16xf32>
        %swap3A_1129 = arith.index_cast %add3A_1113 : i32 to index
        %swap3A_1130 = arith.constant 16 : index
        %swap3A_1131 = tpu.vector_load %arg15[%swap3A_1129, %swap3A_1130] {strides = array<i32>} : memref<128x128xf32, #tpu.memory_space<vmem>>, vector<1x16xf32>,
        %swap3A_1132 = vector.shape_cast %swap3A_1131 : vector<1x16xf32> to vector<16xf32>
        %swap3A_1133 = vector.shape_cast %mul3A_1128 : vector<16xf32> to vector<1x16xf32>
        tpu.vector_store %arg15[%swap3A_1129, %swap3A_1130], %swap3A_1133 {strides = array<i32>} : memref<128x128xf32, #tpu.memory_space<vmem>>, vector<1x16xf32>,
        %get3A_1134 = arith.index_cast %add3A_1113 : i32 to index
        %get3A_1135 = arith.constant 32 : index
        %get3A_1136 = tpu.vector_load %arg15[%get3A_1134, %get3A_1135] {strides = array<i32>} : memref<128x128xf32, #tpu.memory_space<vmem>>, vector<1x16xf32>,
        %get3A_1137 = vector.shape_cast %get3A_1136 : vector<1x16xf32> to vector<16xf32>
        %mul3A_1138 = arith.mulf %get3A_1137, %broadcast_in_dim3A_1109 : vector<16xf32>
        %swap3A_1139 = arith.index_cast %add3A_1113 : i32 to index
        %swap3A_1140 = arith.constant 32 : index
        %swap3A_1141 = tpu.vector_load %arg15[%swap3A_1139, %swap3A_1140] {strides = array<i32>} : memref<128x128xf32, #tpu.memory_space<vmem>>, vector<1x16xf32>,
        %swap3A_1142 = vector.shape_cast %swap3A_1141 : vector<1x16xf32> to vector<16xf32>
        %swap3A_1143 = vector.shape_cast %mul3A_1138 : vector<16xf32> to vector<1x16xf32>
        tpu.vector_store %arg15[%swap3A_1139, %swap3A_1140], %swap3A_1143 {strides = array<i32>} : memref<128x128xf32, #tpu.memory_space<vmem>>, vector<1x16xf32>,
        %get3A_1144 = arith.index_cast %add3A_1113 : i32 to index
        %get3A_1145 = arith.constant 48 : index
        %get3A_1146 = tpu.vector_load %arg15[%get3A_1144, %get3A_1145] {strides = array<i32>} : memref<128x128xf32, #tpu.memory_space<vmem>>, vector<1x16xf32>,
        %get3A_1147 = vector.shape_cast %get3A_1146 : vector<1x16xf32> to vector<16xf32>
        %mul3A_1148 = arith.mulf %get3A_1147, %broadcast_in_dim3A_1109 : vector<16xf32>
        %swap3A_1149 = arith.index_cast %add3A_1113 : i32 to index
        %swap3A_1150 = arith.constant 48 : index
        %swap3A_1151 = tpu.vector_load %arg15[%swap3A_1149, %swap3A_1150] {strides = array<i32>} : memref<128x128xf32, #tpu.memory_space<vmem>>, vector<1x16xf32>,
        %swap3A_1152 = vector.shape_cast %swap3A_1151 : vector<1x16xf32> to vector<16xf32>
        %swap3A_1153 = vector.shape_cast %mul3A_1148 : vector<16xf32> to vector<1x16xf32>
        tpu.vector_store %arg15[%swap3A_1149, %swap3A_1150], %swap3A_1153 {strides = array<i32>} : memref<128x128xf32, #tpu.memory_space<vmem>>, vector<1x16xf32>,
        %get3A_1154 = arith.index_cast %add3A_1113 : i32 to index
        %get3A_1155 = arith.constant 64 : index
        %get3A_1156 = tpu.vector_load %arg15[%get3A_1154, %get3A_1155] {strides = array<i32>} : memref<128x128xf32, #tpu.memory_space<vmem>>, vector<1x16xf32>,
        %get3A_1157 = vector.shape_cast %get3A_1156 : vector<1x16xf32> to vector<16xf32>
        %mul3A_1158 = arith.mulf %get3A_1157, %broadcast_in_dim3A_1109 : vector<16xf32>
        %swap3A_1159 = arith.index_cast %add3A_1113 : i32 to index
        %swap3A_1160 = arith.constant 64 : index
        %swap3A_1161 = tpu.vector_load %arg15[%swap3A_1159, %swap3A_1160] {strides = array<i32>} : memref<128x128xf32, #tpu.memory_space<vmem>>, vector<1x16xf32>,
        %swap3A_1162 = vector.shape_cast %swap3A_1161 : vector<1x16xf32> to vector<16xf32>
        %swap3A_1163 = vector.shape_cast %mul3A_1158 : vector<16xf32> to vector<1x16xf32>
        tpu.vector_store %arg15[%swap3A_1159, %swap3A_1160], %swap3A_1163 {strides = array<i32>} : memref<128x128xf32, #tpu.memory_space<vmem>>, vector<1x16xf32>,
        %get3A_1164 = arith.index_cast %add3A_1113 : i32 to index
        %get3A_1165 = arith.constant 80 : index
        %get3A_1166 = tpu.vector_load %arg15[%get3A_1164, %get3A_1165] {strides = array<i32>} : memref<128x128xf32, #tpu.memory_space<vmem>>, vector<1x16xf32>,
        %get3A_1167 = vector.shape_cast %get3A_1166 : vector<1x16xf32> to vector<16xf32>
        %mul3A_1168 = arith.mulf %get3A_1167, %broadcast_in_dim3A_1109 : vector<16xf32>
        %swap3A_1169 = arith.index_cast %add3A_1113 : i32 to index
        %swap3A_1170 = arith.constant 80 : index
        %swap3A_1171 = tpu.vector_load %arg15[%swap3A_1169, %swap3A_1170] {strides = array<i32>} : memref<128x128xf32, #tpu.memory_space<vmem>>, vector<1x16xf32>,
        %swap3A_1172 = vector.shape_cast %swap3A_1171 : vector<1x16xf32> to vector<16xf32>
        %swap3A_1173 = vector.shape_cast %mul3A_1168 : vector<16xf32> to vector<1x16xf32>
        tpu.vector_store %arg15[%swap3A_1169, %swap3A_1170], %swap3A_1173 {strides = array<i32>} : memref<128x128xf32, #tpu.memory_space<vmem>>, vector<1x16xf32>,
        %get3A_1174 = arith.index_cast %add3A_1113 : i32 to index
        %get3A_1175 = arith.constant 96 : index
        %get3A_1176 = tpu.vector_load %arg15[%get3A_1174, %get3A_1175] {strides = array<i32>} : memref<128x128xf32, #tpu.memory_space<vmem>>, vector<1x16xf32>,
        %get3A_1177 = vector.shape_cast %get3A_1176 : vector<1x16xf32> to vector<16xf32>
        %mul3A_1178 = arith.mulf %get3A_1177, %broadcast_in_dim3A_1109 : vector<16xf32>
        %swap3A_1179 = arith.index_cast %add3A_1113 : i32 to index
        %swap3A_1180 = arith.constant 96 : index
        %swap3A_1181 = tpu.vector_load %arg15[%swap3A_1179, %swap3A_1180] {strides = array<i32>} : memref<128x128xf32, #tpu.memory_space<vmem>>, vector<1x16xf32>,
        %swap3A_1182 = vector.shape_cast %swap3A_1181 : vector<1x16xf32> to vector<16xf32>
        %swap3A_1183 = vector.shape_cast %mul3A_1178 : vector<16xf32> to vector<1x16xf32>
        tpu.vector_store %arg15[%swap3A_1179, %swap3A_1180], %swap3A_1183 {strides = array<i32>} : memref<128x128xf32, #tpu.memory_space<vmem>>, vector<1x16xf32>,
        %get3A_1184 = arith.index_cast %add3A_1113 : i32 to index
        %get3A_1185 = arith.constant 112 : index
        %get3A_1186 = tpu.vector_load %arg15[%get3A_1184, %get3A_1185] {strides = array<i32>} : memref<128x128xf32, #tpu.memory_space<vmem>>, vector<1x16xf32>,
        %get3A_1187 = vector.shape_cast %get3A_1186 : vector<1x16xf32> to vector<16xf32>
        %mul3A_1188 = arith.mulf %get3A_1187, %broadcast_in_dim3A_1109 : vector<16xf32>
        %swap3A_1189 = arith.index_cast %add3A_1113 : i32 to index
        %swap3A_1190 = arith.constant 112 : index
        %swap3A_1191 = tpu.vector_load %arg15[%swap3A_1189, %swap3A_1190] {strides = array<i32>} : memref<128x128xf32, #tpu.memory_space<vmem>>, vector<1x16xf32>,
        %swap3A_1192 = vector.shape_cast %swap3A_1191 : vector<1x16xf32> to vector<16xf32>
        %swap3A_1193 = vector.shape_cast %mul3A_1188 : vector<16xf32> to vector<1x16xf32>
        tpu.vector_store %arg15[%swap3A_1189, %swap3A_1190], %swap3A_1193 {strides = array<i32>} : memref<128x128xf32, #tpu.memory_space<vmem>>, vector<1x16xf32>,
        %slice3A_1194 = vector.extract_strided_slice %get3A_41 {offsets = [13], sizes = [1], strides = [1]} : vector<16xf32> to vector<1xf32>
        %squeeze3A_1195 = vector.extract %slice3A_1194[0] : f32 from vector<1xf32>
        %neg3A_1196 = arith.constant 0.000000e+00 : f32
        %neg3A_1197 = arith.subf %neg3A_1196, %squeeze3A_1195 : f32
        %broadcast_in_dim3A_1198 = vector.broadcast %neg3A_1197 : f32 to vector<16xf32>
        %mul3A_1199 = arith.constant 16 : i32
        %mul3A_1200 = arith.muli %scan3A_34, %mul3A_1199 : i32
        %add3A_1201 = arith.constant 13 : i32
        %add3A_1202 = arith.addi %mul3A_1200, %add3A_1201 : i32
        %get3A_1203 = arith.index_cast %add3A_1202 : i32 to index
        %get3A_1204 = arith.constant 0 : index
        %get3A_1205 = tpu.vector_load %arg15[%get3A_1203, %get3A_1204] {strides = array<i32>} : memref<128x128xf32, #tpu.memory_space<vmem>>, vector<1x16xf32>,
        %get3A_1206 = vector.shape_cast %get3A_1205 : vector<1x16xf32> to vector<16xf32>
        %mul3A_1207 = arith.mulf %get3A_1206, %broadcast_in_dim3A_1198 : vector<16xf32>
        %swap3A_1208 = arith.index_cast %add3A_1202 : i32 to index
        %swap3A_1209 = arith.constant 0 : index
        %swap3A_1210 = tpu.vector_load %arg15[%swap3A_1208, %swap3A_1209] {strides = array<i32>} : memref<128x128xf32, #tpu.memory_space<vmem>>, vector<1x16xf32>,
        %swap3A_1211 = vector.shape_cast %swap3A_1210 : vector<1x16xf32> to vector<16xf32>
        %swap3A_1212 = vector.shape_cast %mul3A_1207 : vector<16xf32> to vector<1x16xf32>
        tpu.vector_store %arg15[%swap3A_1208, %swap3A_1209], %swap3A_1212 {strides = array<i32>} : memref<128x128xf32, #tpu.memory_space<vmem>>, vector<1x16xf32>,
        %get3A_1213 = arith.index_cast %add3A_1202 : i32 to index
        %get3A_1214 = arith.constant 16 : index
        %get3A_1215 = tpu.vector_load %arg15[%get3A_1213, %get3A_1214] {strides = array<i32>} : memref<128x128xf32, #tpu.memory_space<vmem>>, vector<1x16xf32>,
        %get3A_1216 = vector.shape_cast %get3A_1215 : vector<1x16xf32> to vector<16xf32>
        %mul3A_1217 = arith.mulf %get3A_1216, %broadcast_in_dim3A_1198 : vector<16xf32>
        %swap3A_1218 = arith.index_cast %add3A_1202 : i32 to index
        %swap3A_1219 = arith.constant 16 : index
        %swap3A_1220 = tpu.vector_load %arg15[%swap3A_1218, %swap3A_1219] {strides = array<i32>} : memref<128x128xf32, #tpu.memory_space<vmem>>, vector<1x16xf32>,
        %swap3A_1221 = vector.shape_cast %swap3A_1220 : vector<1x16xf32> to vector<16xf32>
        %swap3A_1222 = vector.shape_cast %mul3A_1217 : vector<16xf32> to vector<1x16xf32>
        tpu.vector_store %arg15[%swap3A_1218, %swap3A_1219], %swap3A_1222 {strides = array<i32>} : memref<128x128xf32, #tpu.memory_space<vmem>>, vector<1x16xf32>,
        %get3A_1223 = arith.index_cast %add3A_1202 : i32 to index
        %get3A_1224 = arith.constant 32 : index
        %get3A_1225 = tpu.vector_load %arg15[%get3A_1223, %get3A_1224] {strides = array<i32>} : memref<128x128xf32, #tpu.memory_space<vmem>>, vector<1x16xf32>,
        %get3A_1226 = vector.shape_cast %get3A_1225 : vector<1x16xf32> to vector<16xf32>
        %mul3A_1227 = arith.mulf %get3A_1226, %broadcast_in_dim3A_1198 : vector<16xf32>
        %swap3A_1228 = arith.index_cast %add3A_1202 : i32 to index
        %swap3A_1229 = arith.constant 32 : index
        %swap3A_1230 = tpu.vector_load %arg15[%swap3A_1228, %swap3A_1229] {strides = array<i32>} : memref<128x128xf32, #tpu.memory_space<vmem>>, vector<1x16xf32>,
        %swap3A_1231 = vector.shape_cast %swap3A_1230 : vector<1x16xf32> to vector<16xf32>
        %swap3A_1232 = vector.shape_cast %mul3A_1227 : vector<16xf32> to vector<1x16xf32>
        tpu.vector_store %arg15[%swap3A_1228, %swap3A_1229], %swap3A_1232 {strides = array<i32>} : memref<128x128xf32, #tpu.memory_space<vmem>>, vector<1x16xf32>,
        %get3A_1233 = arith.index_cast %add3A_1202 : i32 to index
        %get3A_1234 = arith.constant 48 : index
        %get3A_1235 = tpu.vector_load %arg15[%get3A_1233, %get3A_1234] {strides = array<i32>} : memref<128x128xf32, #tpu.memory_space<vmem>>, vector<1x16xf32>,
        %get3A_1236 = vector.shape_cast %get3A_1235 : vector<1x16xf32> to vector<16xf32>
        %mul3A_1237 = arith.mulf %get3A_1236, %broadcast_in_dim3A_1198 : vector<16xf32>
        %swap3A_1238 = arith.index_cast %add3A_1202 : i32 to index
        %swap3A_1239 = arith.constant 48 : index
        %swap3A_1240 = tpu.vector_load %arg15[%swap3A_1238, %swap3A_1239] {strides = array<i32>} : memref<128x128xf32, #tpu.memory_space<vmem>>, vector<1x16xf32>,
        %swap3A_1241 = vector.shape_cast %swap3A_1240 : vector<1x16xf32> to vector<16xf32>
        %swap3A_1242 = vector.shape_cast %mul3A_1237 : vector<16xf32> to vector<1x16xf32>
        tpu.vector_store %arg15[%swap3A_1238, %swap3A_1239], %swap3A_1242 {strides = array<i32>} : memref<128x128xf32, #tpu.memory_space<vmem>>, vector<1x16xf32>,
        %get3A_1243 = arith.index_cast %add3A_1202 : i32 to index
        %get3A_1244 = arith.constant 64 : index
        %get3A_1245 = tpu.vector_load %arg15[%get3A_1243, %get3A_1244] {strides = array<i32>} : memref<128x128xf32, #tpu.memory_space<vmem>>, vector<1x16xf32>,
        %get3A_1246 = vector.shape_cast %get3A_1245 : vector<1x16xf32> to vector<16xf32>
        %mul3A_1247 = arith.mulf %get3A_1246, %broadcast_in_dim3A_1198 : vector<16xf32>
        %swap3A_1248 = arith.index_cast %add3A_1202 : i32 to index
        %swap3A_1249 = arith.constant 64 : index
        %swap3A_1250 = tpu.vector_load %arg15[%swap3A_1248, %swap3A_1249] {strides = array<i32>} : memref<128x128xf32, #tpu.memory_space<vmem>>, vector<1x16xf32>,
        %swap3A_1251 = vector.shape_cast %swap3A_1250 : vector<1x16xf32> to vector<16xf32>
        %swap3A_1252 = vector.shape_cast %mul3A_1247 : vector<16xf32> to vector<1x16xf32>
        tpu.vector_store %arg15[%swap3A_1248, %swap3A_1249], %swap3A_1252 {strides = array<i32>} : memref<128x128xf32, #tpu.memory_space<vmem>>, vector<1x16xf32>,
        %get3A_1253 = arith.index_cast %add3A_1202 : i32 to index
        %get3A_1254 = arith.constant 80 : index
        %get3A_1255 = tpu.vector_load %arg15[%get3A_1253, %get3A_1254] {strides = array<i32>} : memref<128x128xf32, #tpu.memory_space<vmem>>, vector<1x16xf32>,
        %get3A_1256 = vector.shape_cast %get3A_1255 : vector<1x16xf32> to vector<16xf32>
        %mul3A_1257 = arith.mulf %get3A_1256, %broadcast_in_dim3A_1198 : vector<16xf32>
        %swap3A_1258 = arith.index_cast %add3A_1202 : i32 to index
        %swap3A_1259 = arith.constant 80 : index
        %swap3A_1260 = tpu.vector_load %arg15[%swap3A_1258, %swap3A_1259] {strides = array<i32>} : memref<128x128xf32, #tpu.memory_space<vmem>>, vector<1x16xf32>,
        %swap3A_1261 = vector.shape_cast %swap3A_1260 : vector<1x16xf32> to vector<16xf32>
        %swap3A_1262 = vector.shape_cast %mul3A_1257 : vector<16xf32> to vector<1x16xf32>
        tpu.vector_store %arg15[%swap3A_1258, %swap3A_1259], %swap3A_1262 {strides = array<i32>} : memref<128x128xf32, #tpu.memory_space<vmem>>, vector<1x16xf32>,
        %get3A_1263 = arith.index_cast %add3A_1202 : i32 to index
        %get3A_1264 = arith.constant 96 : index
        %get3A_1265 = tpu.vector_load %arg15[%get3A_1263, %get3A_1264] {strides = array<i32>} : memref<128x128xf32, #tpu.memory_space<vmem>>, vector<1x16xf32>,
        %get3A_1266 = vector.shape_cast %get3A_1265 : vector<1x16xf32> to vector<16xf32>
        %mul3A_1267 = arith.mulf %get3A_1266, %broadcast_in_dim3A_1198 : vector<16xf32>
        %swap3A_1268 = arith.index_cast %add3A_1202 : i32 to index
        %swap3A_1269 = arith.constant 96 : index
        %swap3A_1270 = tpu.vector_load %arg15[%swap3A_1268, %swap3A_1269] {strides = array<i32>} : memref<128x128xf32, #tpu.memory_space<vmem>>, vector<1x16xf32>,
        %swap3A_1271 = vector.shape_cast %swap3A_1270 : vector<1x16xf32> to vector<16xf32>
        %swap3A_1272 = vector.shape_cast %mul3A_1267 : vector<16xf32> to vector<1x16xf32>
        tpu.vector_store %arg15[%swap3A_1268, %swap3A_1269], %swap3A_1272 {strides = array<i32>} : memref<128x128xf32, #tpu.memory_space<vmem>>, vector<1x16xf32>,
        %get3A_1273 = arith.index_cast %add3A_1202 : i32 to index
        %get3A_1274 = arith.constant 112 : index
        %get3A_1275 = tpu.vector_load %arg15[%get3A_1273, %get3A_1274] {strides = array<i32>} : memref<128x128xf32, #tpu.memory_space<vmem>>, vector<1x16xf32>,
        %get3A_1276 = vector.shape_cast %get3A_1275 : vector<1x16xf32> to vector<16xf32>
        %mul3A_1277 = arith.mulf %get3A_1276, %broadcast_in_dim3A_1198 : vector<16xf32>
        %swap3A_1278 = arith.index_cast %add3A_1202 : i32 to index
        %swap3A_1279 = arith.constant 112 : index
        %swap3A_1280 = tpu.vector_load %arg15[%swap3A_1278, %swap3A_1279] {strides = array<i32>} : memref<128x128xf32, #tpu.memory_space<vmem>>, vector<1x16xf32>,
        %swap3A_1281 = vector.shape_cast %swap3A_1280 : vector<1x16xf32> to vector<16xf32>
        %swap3A_1282 = vector.shape_cast %mul3A_1277 : vector<16xf32> to vector<1x16xf32>
        tpu.vector_store %arg15[%swap3A_1278, %swap3A_1279], %swap3A_1282 {strides = array<i32>} : memref<128x128xf32, #tpu.memory_space<vmem>>, vector<1x16xf32>,
        %slice3A_1283 = vector.extract_strided_slice %get3A_41 {offsets = [14], sizes = [1], strides = [1]} : vector<16xf32> to vector<1xf32>
        %squeeze3A_1284 = vector.extract %slice3A_1283[0] : f32 from vector<1xf32>
        %neg3A_1285 = arith.constant 0.000000e+00 : f32
        %neg3A_1286 = arith.subf %neg3A_1285, %squeeze3A_1284 : f32
        %broadcast_in_dim3A_1287 = vector.broadcast %neg3A_1286 : f32 to vector<16xf32>
        %mul3A_1288 = arith.constant 16 : i32
        %mul3A_1289 = arith.muli %scan3A_34, %mul3A_1288 : i32
        %add3A_1290 = arith.constant 14 : i32
        %add3A_1291 = arith.addi %mul3A_1289, %add3A_1290 : i32
        %get3A_1292 = arith.index_cast %add3A_1291 : i32 to index
        %get3A_1293 = arith.constant 0 : index
        %get3A_1294 = tpu.vector_load %arg15[%get3A_1292, %get3A_1293] {strides = array<i32>} : memref<128x128xf32, #tpu.memory_space<vmem>>, vector<1x16xf32>,
        %get3A_1295 = vector.shape_cast %get3A_1294 : vector<1x16xf32> to vector<16xf32>
        %mul3A_1296 = arith.mulf %get3A_1295, %broadcast_in_dim3A_1287 : vector<16xf32>
        %swap3A_1297 = arith.index_cast %add3A_1291 : i32 to index
        %swap3A_1298 = arith.constant 0 : index
        %swap3A_1299 = tpu.vector_load %arg15[%swap3A_1297, %swap3A_1298] {strides = array<i32>} : memref<128x128xf32, #tpu.memory_space<vmem>>, vector<1x16xf32>,
        %swap3A_1300 = vector.shape_cast %swap3A_1299 : vector<1x16xf32> to vector<16xf32>
        %swap3A_1301 = vector.shape_cast %mul3A_1296 : vector<16xf32> to vector<1x16xf32>
        tpu.vector_store %arg15[%swap3A_1297, %swap3A_1298], %swap3A_1301 {strides = array<i32>} : memref<128x128xf32, #tpu.memory_space<vmem>>, vector<1x16xf32>,
        %get3A_1302 = arith.index_cast %add3A_1291 : i32 to index
        %get3A_1303 = arith.constant 16 : index
        %get3A_1304 = tpu.vector_load %arg15[%get3A_1302, %get3A_1303] {strides = array<i32>} : memref<128x128xf32, #tpu.memory_space<vmem>>, vector<1x16xf32>,
        %get3A_1305 = vector.shape_cast %get3A_1304 : vector<1x16xf32> to vector<16xf32>
        %mul3A_1306 = arith.mulf %get3A_1305, %broadcast_in_dim3A_1287 : vector<16xf32>
        %swap3A_1307 = arith.index_cast %add3A_1291 : i32 to index
        %swap3A_1308 = arith.constant 16 : index
        %swap3A_1309 = tpu.vector_load %arg15[%swap3A_1307, %swap3A_1308] {strides = array<i32>} : memref<128x128xf32, #tpu.memory_space<vmem>>, vector<1x16xf32>,
        %swap3A_1310 = vector.shape_cast %swap3A_1309 : vector<1x16xf32> to vector<16xf32>
        %swap3A_1311 = vector.shape_cast %mul3A_1306 : vector<16xf32> to vector<1x16xf32>
        tpu.vector_store %arg15[%swap3A_1307, %swap3A_1308], %swap3A_1311 {strides = array<i32>} : memref<128x128xf32, #tpu.memory_space<vmem>>, vector<1x16xf32>,
        %get3A_1312 = arith.index_cast %add3A_1291 : i32 to index
        %get3A_1313 = arith.constant 32 : index
        %get3A_1314 = tpu.vector_load %arg15[%get3A_1312, %get3A_1313] {strides = array<i32>} : memref<128x128xf32, #tpu.memory_space<vmem>>, vector<1x16xf32>,
        %get3A_1315 = vector.shape_cast %get3A_1314 : vector<1x16xf32> to vector<16xf32>
        %mul3A_1316 = arith.mulf %get3A_1315, %broadcast_in_dim3A_1287 : vector<16xf32>
        %swap3A_1317 = arith.index_cast %add3A_1291 : i32 to index
        %swap3A_1318 = arith.constant 32 : index
        %swap3A_1319 = tpu.vector_load %arg15[%swap3A_1317, %swap3A_1318] {strides = array<i32>} : memref<128x128xf32, #tpu.memory_space<vmem>>, vector<1x16xf32>,
        %swap3A_1320 = vector.shape_cast %swap3A_1319 : vector<1x16xf32> to vector<16xf32>
        %swap3A_1321 = vector.shape_cast %mul3A_1316 : vector<16xf32> to vector<1x16xf32>
        tpu.vector_store %arg15[%swap3A_1317, %swap3A_1318], %swap3A_1321 {strides = array<i32>} : memref<128x128xf32, #tpu.memory_space<vmem>>, vector<1x16xf32>,
        %get3A_1322 = arith.index_cast %add3A_1291 : i32 to index
        %get3A_1323 = arith.constant 48 : index
        %get3A_1324 = tpu.vector_load %arg15[%get3A_1322, %get3A_1323] {strides = array<i32>} : memref<128x128xf32, #tpu.memory_space<vmem>>, vector<1x16xf32>,
        %get3A_1325 = vector.shape_cast %get3A_1324 : vector<1x16xf32> to vector<16xf32>
        %mul3A_1326 = arith.mulf %get3A_1325, %broadcast_in_dim3A_1287 : vector<16xf32>
        %swap3A_1327 = arith.index_cast %add3A_1291 : i32 to index
        %swap3A_1328 = arith.constant 48 : index
        %swap3A_1329 = tpu.vector_load %arg15[%swap3A_1327, %swap3A_1328] {strides = array<i32>} : memref<128x128xf32, #tpu.memory_space<vmem>>, vector<1x16xf32>,
        %swap3A_1330 = vector.shape_cast %swap3A_1329 : vector<1x16xf32> to vector<16xf32>
        %swap3A_1331 = vector.shape_cast %mul3A_1326 : vector<16xf32> to vector<1x16xf32>
        tpu.vector_store %arg15[%swap3A_1327, %swap3A_1328], %swap3A_1331 {strides = array<i32>} : memref<128x128xf32, #tpu.memory_space<vmem>>, vector<1x16xf32>,
        %get3A_1332 = arith.index_cast %add3A_1291 : i32 to index
        %get3A_1333 = arith.constant 64 : index
        %get3A_1334 = tpu.vector_load %arg15[%get3A_1332, %get3A_1333] {strides = array<i32>} : memref<128x128xf32, #tpu.memory_space<vmem>>, vector<1x16xf32>,
        %get3A_1335 = vector.shape_cast %get3A_1334 : vector<1x16xf32> to vector<16xf32>
        %mul3A_1336 = arith.mulf %get3A_1335, %broadcast_in_dim3A_1287 : vector<16xf32>
        %swap3A_1337 = arith.index_cast %add3A_1291 : i32 to index
        %swap3A_1338 = arith.constant 64 : index
        %swap3A_1339 = tpu.vector_load %arg15[%swap3A_1337, %swap3A_1338] {strides = array<i32>} : memref<128x128xf32, #tpu.memory_space<vmem>>, vector<1x16xf32>,
        %swap3A_1340 = vector.shape_cast %swap3A_1339 : vector<1x16xf32> to vector<16xf32>
        %swap3A_1341 = vector.shape_cast %mul3A_1336 : vector<16xf32> to vector<1x16xf32>
        tpu.vector_store %arg15[%swap3A_1337, %swap3A_1338], %swap3A_1341 {strides = array<i32>} : memref<128x128xf32, #tpu.memory_space<vmem>>, vector<1x16xf32>,
        %get3A_1342 = arith.index_cast %add3A_1291 : i32 to index
        %get3A_1343 = arith.constant 80 : index
        %get3A_1344 = tpu.vector_load %arg15[%get3A_1342, %get3A_1343] {strides = array<i32>} : memref<128x128xf32, #tpu.memory_space<vmem>>, vector<1x16xf32>,
        %get3A_1345 = vector.shape_cast %get3A_1344 : vector<1x16xf32> to vector<16xf32>
        %mul3A_1346 = arith.mulf %get3A_1345, %broadcast_in_dim3A_1287 : vector<16xf32>
        %swap3A_1347 = arith.index_cast %add3A_1291 : i32 to index
        %swap3A_1348 = arith.constant 80 : index
        %swap3A_1349 = tpu.vector_load %arg15[%swap3A_1347, %swap3A_1348] {strides = array<i32>} : memref<128x128xf32, #tpu.memory_space<vmem>>, vector<1x16xf32>,
        %swap3A_1350 = vector.shape_cast %swap3A_1349 : vector<1x16xf32> to vector<16xf32>
        %swap3A_1351 = vector.shape_cast %mul3A_1346 : vector<16xf32> to vector<1x16xf32>
        tpu.vector_store %arg15[%swap3A_1347, %swap3A_1348], %swap3A_1351 {strides = array<i32>} : memref<128x128xf32, #tpu.memory_space<vmem>>, vector<1x16xf32>,
        %get3A_1352 = arith.index_cast %add3A_1291 : i32 to index
        %get3A_1353 = arith.constant 96 : index
        %get3A_1354 = tpu.vector_load %arg15[%get3A_1352, %get3A_1353] {strides = array<i32>} : memref<128x128xf32, #tpu.memory_space<vmem>>, vector<1x16xf32>,
        %get3A_1355 = vector.shape_cast %get3A_1354 : vector<1x16xf32> to vector<16xf32>
        %mul3A_1356 = arith.mulf %get3A_1355, %broadcast_in_dim3A_1287 : vector<16xf32>
        %swap3A_1357 = arith.index_cast %add3A_1291 : i32 to index
        %swap3A_1358 = arith.constant 96 : index
        %swap3A_1359 = tpu.vector_load %arg15[%swap3A_1357, %swap3A_1358] {strides = array<i32>} : memref<128x128xf32, #tpu.memory_space<vmem>>, vector<1x16xf32>,
        %swap3A_1360 = vector.shape_cast %swap3A_1359 : vector<1x16xf32> to vector<16xf32>
        %swap3A_1361 = vector.shape_cast %mul3A_1356 : vector<16xf32> to vector<1x16xf32>
        tpu.vector_store %arg15[%swap3A_1357, %swap3A_1358], %swap3A_1361 {strides = array<i32>} : memref<128x128xf32, #tpu.memory_space<vmem>>, vector<1x16xf32>,
        %get3A_1362 = arith.index_cast %add3A_1291 : i32 to index
        %get3A_1363 = arith.constant 112 : index
        %get3A_1364 = tpu.vector_load %arg15[%get3A_1362, %get3A_1363] {strides = array<i32>} : memref<128x128xf32, #tpu.memory_space<vmem>>, vector<1x16xf32>,
        %get3A_1365 = vector.shape_cast %get3A_1364 : vector<1x16xf32> to vector<16xf32>
        %mul3A_1366 = arith.mulf %get3A_1365, %broadcast_in_dim3A_1287 : vector<16xf32>
        %swap3A_1367 = arith.index_cast %add3A_1291 : i32 to index
        %swap3A_1368 = arith.constant 112 : index
        %swap3A_1369 = tpu.vector_load %arg15[%swap3A_1367, %swap3A_1368] {strides = array<i32>} : memref<128x128xf32, #tpu.memory_space<vmem>>, vector<1x16xf32>,
        %swap3A_1370 = vector.shape_cast %swap3A_1369 : vector<1x16xf32> to vector<16xf32>
        %swap3A_1371 = vector.shape_cast %mul3A_1366 : vector<16xf32> to vector<1x16xf32>
        tpu.vector_store %arg15[%swap3A_1367, %swap3A_1368], %swap3A_1371 {strides = array<i32>} : memref<128x128xf32, #tpu.memory_space<vmem>>, vector<1x16xf32>,
        %slice3A_1372 = vector.extract_strided_slice %get3A_41 {offsets = [15], sizes = [1], strides = [1]} : vector<16xf32> to vector<1xf32>
        %squeeze3A_1373 = vector.extract %slice3A_1372[0] : f32 from vector<1xf32>
        %neg3A_1374 = arith.constant 0.000000e+00 : f32
        %neg3A_1375 = arith.subf %neg3A_1374, %squeeze3A_1373 : f32
        %broadcast_in_dim3A_1376 = vector.broadcast %neg3A_1375 : f32 to vector<16xf32>
        %mul3A_1377 = arith.constant 16 : i32
        %mul3A_1378 = arith.muli %scan3A_34, %mul3A_1377 : i32
        %add3A_1379 = arith.constant 15 : i32
        %add3A_1380 = arith.addi %mul3A_1378, %add3A_1379 : i32
        %get3A_1381 = arith.index_cast %add3A_1380 : i32 to index
        %get3A_1382 = arith.constant 0 : index
        %get3A_1383 = tpu.vector_load %arg15[%get3A_1381, %get3A_1382] {strides = array<i32>} : memref<128x128xf32, #tpu.memory_space<vmem>>, vector<1x16xf32>,
        %get3A_1384 = vector.shape_cast %get3A_1383 : vector<1x16xf32> to vector<16xf32>
        %mul3A_1385 = arith.mulf %get3A_1384, %broadcast_in_dim3A_1376 : vector<16xf32>
        %swap3A_1386 = arith.index_cast %add3A_1380 : i32 to index
        %swap3A_1387 = arith.constant 0 : index
        %swap3A_1388 = tpu.vector_load %arg15[%swap3A_1386, %swap3A_1387] {strides = array<i32>} : memref<128x128xf32, #tpu.memory_space<vmem>>, vector<1x16xf32>,
        %swap3A_1389 = vector.shape_cast %swap3A_1388 : vector<1x16xf32> to vector<16xf32>
        %swap3A_1390 = vector.shape_cast %mul3A_1385 : vector<16xf32> to vector<1x16xf32>
        tpu.vector_store %arg15[%swap3A_1386, %swap3A_1387], %swap3A_1390 {strides = array<i32>} : memref<128x128xf32, #tpu.memory_space<vmem>>, vector<1x16xf32>,
        %get3A_1391 = arith.index_cast %add3A_1380 : i32 to index
        %get3A_1392 = arith.constant 16 : index
        %get3A_1393 = tpu.vector_load %arg15[%get3A_1391, %get3A_1392] {strides = array<i32>} : memref<128x128xf32, #tpu.memory_space<vmem>>, vector<1x16xf32>,
        %get3A_1394 = vector.shape_cast %get3A_1393 : vector<1x16xf32> to vector<16xf32>
        %mul3A_1395 = arith.mulf %get3A_1394, %broadcast_in_dim3A_1376 : vector<16xf32>
        %swap3A_1396 = arith.index_cast %add3A_1380 : i32 to index
        %swap3A_1397 = arith.constant 16 : index
        %swap3A_1398 = tpu.vector_load %arg15[%swap3A_1396, %swap3A_1397] {strides = array<i32>} : memref<128x128xf32, #tpu.memory_space<vmem>>, vector<1x16xf32>,
        %swap3A_1399 = vector.shape_cast %swap3A_1398 : vector<1x16xf32> to vector<16xf32>
        %swap3A_1400 = vector.shape_cast %mul3A_1395 : vector<16xf32> to vector<1x16xf32>
        tpu.vector_store %arg15[%swap3A_1396, %swap3A_1397], %swap3A_1400 {strides = array<i32>} : memref<128x128xf32, #tpu.memory_space<vmem>>, vector<1x16xf32>,
        %get3A_1401 = arith.index_cast %add3A_1380 : i32 to index
        %get3A_1402 = arith.constant 32 : index
        %get3A_1403 = tpu.vector_load %arg15[%get3A_1401, %get3A_1402] {strides = array<i32>} : memref<128x128xf32, #tpu.memory_space<vmem>>, vector<1x16xf32>,
        %get3A_1404 = vector.shape_cast %get3A_1403 : vector<1x16xf32> to vector<16xf32>
        %mul3A_1405 = arith.mulf %get3A_1404, %broadcast_in_dim3A_1376 : vector<16xf32>
        %swap3A_1406 = arith.index_cast %add3A_1380 : i32 to index
        %swap3A_1407 = arith.constant 32 : index
        %swap3A_1408 = tpu.vector_load %arg15[%swap3A_1406, %swap3A_1407] {strides = array<i32>} : memref<128x128xf32, #tpu.memory_space<vmem>>, vector<1x16xf32>,
        %swap3A_1409 = vector.shape_cast %swap3A_1408 : vector<1x16xf32> to vector<16xf32>
        %swap3A_1410 = vector.shape_cast %mul3A_1405 : vector<16xf32> to vector<1x16xf32>
        tpu.vector_store %arg15[%swap3A_1406, %swap3A_1407], %swap3A_1410 {strides = array<i32>} : memref<128x128xf32, #tpu.memory_space<vmem>>, vector<1x16xf32>,
        %get3A_1411 = arith.index_cast %add3A_1380 : i32 to index
        %get3A_1412 = arith.constant 48 : index
        %get3A_1413 = tpu.vector_load %arg15[%get3A_1411, %get3A_1412] {strides = array<i32>} : memref<128x128xf32, #tpu.memory_space<vmem>>, vector<1x16xf32>,
        %get3A_1414 = vector.shape_cast %get3A_1413 : vector<1x16xf32> to vector<16xf32>
        %mul3A_1415 = arith.mulf %get3A_1414, %broadcast_in_dim3A_1376 : vector<16xf32>
        %swap3A_1416 = arith.index_cast %add3A_1380 : i32 to index
        %swap3A_1417 = arith.constant 48 : index
        %swap3A_1418 = tpu.vector_load %arg15[%swap3A_1416, %swap3A_1417] {strides = array<i32>} : memref<128x128xf32, #tpu.memory_space<vmem>>, vector<1x16xf32>,
        %swap3A_1419 = vector.shape_cast %swap3A_1418 : vector<1x16xf32> to vector<16xf32>
        %swap3A_1420 = vector.shape_cast %mul3A_1415 : vector<16xf32> to vector<1x16xf32>
        tpu.vector_store %arg15[%swap3A_1416, %swap3A_1417], %swap3A_1420 {strides = array<i32>} : memref<128x128xf32, #tpu.memory_space<vmem>>, vector<1x16xf32>,
        %get3A_1421 = arith.index_cast %add3A_1380 : i32 to index
        %get3A_1422 = arith.constant 64 : index
        %get3A_1423 = tpu.vector_load %arg15[%get3A_1421, %get3A_1422] {strides = array<i32>} : memref<128x128xf32, #tpu.memory_space<vmem>>, vector<1x16xf32>,
        %get3A_1424 = vector.shape_cast %get3A_1423 : vector<1x16xf32> to vector<16xf32>
        %mul3A_1425 = arith.mulf %get3A_1424, %broadcast_in_dim3A_1376 : vector<16xf32>
        %swap3A_1426 = arith.index_cast %add3A_1380 : i32 to index
        %swap3A_1427 = arith.constant 64 : index
        %swap3A_1428 = tpu.vector_load %arg15[%swap3A_1426, %swap3A_1427] {strides = array<i32>} : memref<128x128xf32, #tpu.memory_space<vmem>>, vector<1x16xf32>,
        %swap3A_1429 = vector.shape_cast %swap3A_1428 : vector<1x16xf32> to vector<16xf32>
        %swap3A_1430 = vector.shape_cast %mul3A_1425 : vector<16xf32> to vector<1x16xf32>
        tpu.vector_store %arg15[%swap3A_1426, %swap3A_1427], %swap3A_1430 {strides = array<i32>} : memref<128x128xf32, #tpu.memory_space<vmem>>, vector<1x16xf32>,
        %get3A_1431 = arith.index_cast %add3A_1380 : i32 to index
        %get3A_1432 = arith.constant 80 : index
        %get3A_1433 = tpu.vector_load %arg15[%get3A_1431, %get3A_1432] {strides = array<i32>} : memref<128x128xf32, #tpu.memory_space<vmem>>, vector<1x16xf32>,
        %get3A_1434 = vector.shape_cast %get3A_1433 : vector<1x16xf32> to vector<16xf32>
        %mul3A_1435 = arith.mulf %get3A_1434, %broadcast_in_dim3A_1376 : vector<16xf32>
        %swap3A_1436 = arith.index_cast %add3A_1380 : i32 to index
        %swap3A_1437 = arith.constant 80 : index
        %swap3A_1438 = tpu.vector_load %arg15[%swap3A_1436, %swap3A_1437] {strides = array<i32>} : memref<128x128xf32, #tpu.memory_space<vmem>>, vector<1x16xf32>,
        %swap3A_1439 = vector.shape_cast %swap3A_1438 : vector<1x16xf32> to vector<16xf32>
        %swap3A_1440 = vector.shape_cast %mul3A_1435 : vector<16xf32> to vector<1x16xf32>
        tpu.vector_store %arg15[%swap3A_1436, %swap3A_1437], %swap3A_1440 {strides = array<i32>} : memref<128x128xf32, #tpu.memory_space<vmem>>, vector<1x16xf32>,
        %get3A_1441 = arith.index_cast %add3A_1380 : i32 to index
        %get3A_1442 = arith.constant 96 : index
        %get3A_1443 = tpu.vector_load %arg15[%get3A_1441, %get3A_1442] {strides = array<i32>} : memref<128x128xf32, #tpu.memory_space<vmem>>, vector<1x16xf32>,
        %get3A_1444 = vector.shape_cast %get3A_1443 : vector<1x16xf32> to vector<16xf32>
        %mul3A_1445 = arith.mulf %get3A_1444, %broadcast_in_dim3A_1376 : vector<16xf32>
        %swap3A_1446 = arith.index_cast %add3A_1380 : i32 to index
        %swap3A_1447 = arith.constant 96 : index
        %swap3A_1448 = tpu.vector_load %arg15[%swap3A_1446, %swap3A_1447] {strides = array<i32>} : memref<128x128xf32, #tpu.memory_space<vmem>>, vector<1x16xf32>,
        %swap3A_1449 = vector.shape_cast %swap3A_1448 : vector<1x16xf32> to vector<16xf32>
        %swap3A_1450 = vector.shape_cast %mul3A_1445 : vector<16xf32> to vector<1x16xf32>
        tpu.vector_store %arg15[%swap3A_1446, %swap3A_1447], %swap3A_1450 {strides = array<i32>} : memref<128x128xf32, #tpu.memory_space<vmem>>, vector<1x16xf32>,
        %get3A_1451 = arith.index_cast %add3A_1380 : i32 to index
        %get3A_1452 = arith.constant 112 : index
        %get3A_1453 = tpu.vector_load %arg15[%get3A_1451, %get3A_1452] {strides = array<i32>} : memref<128x128xf32, #tpu.memory_space<vmem>>, vector<1x16xf32>,
        %get3A_1454 = vector.shape_cast %get3A_1453 : vector<1x16xf32> to vector<16xf32>
        %mul3A_1455 = arith.mulf %get3A_1454, %broadcast_in_dim3A_1376 : vector<16xf32>
        %swap3A_1456 = arith.index_cast %add3A_1380 : i32 to index
        %swap3A_1457 = arith.constant 112 : index
        %swap3A_1458 = tpu.vector_load %arg15[%swap3A_1456, %swap3A_1457] {strides = array<i32>} : memref<128x128xf32, #tpu.memory_space<vmem>>, vector<1x16xf32>,
        %swap3A_1459 = vector.shape_cast %swap3A_1458 : vector<1x16xf32> to vector<16xf32>
        %swap3A_1460 = vector.shape_cast %mul3A_1455 : vector<16xf32> to vector<1x16xf32>
        tpu.vector_store %arg15[%swap3A_1456, %swap3A_1457], %swap3A_1460 {strides = array<i32>} : memref<128x128xf32, #tpu.memory_space<vmem>>, vector<1x16xf32>,
      }
      %scan3A_33 = arith.constant 8 : i32
      "tpu.region"() ({
        %run_scoped3A = tpu.sem_alloc : memref<!tpu.dma_semaphore, #tpu.memory_space<semaphore_mem>>
        %dma_start3A = arith.constant 0 : i32
        %dma_start3A_34 = tpu.memref_slice %arg10[%arg0, %add3A_27, %dma_start3A] : memref<2x10240x128xf32, #tpu.memory_space<hbm>> -> memref<1x128x128xf32, #tpu.memory_space<hbm>>
        %dma_start3A_35 = tpu.memref_squeeze %dma_start3A_34 : memref<1x128x128xf32, #tpu.memory_space<hbm>> -> memref<128x128xf32, #tpu.memory_space<hbm>>
        %dma_start3A_36 = arith.constant 0 : i32
        %dma_start3A_37 = tpu.memref_slice %arg10[%arg0, %add3A_27, %dma_start3A_36] : memref<2x10240x128xf32, #tpu.memory_space<hbm>> -> memref<1x128x128xf32, #tpu.memory_space<hbm>>
        %dma_start3A_38 = tpu.memref_squeeze %dma_start3A_37 : memref<1x128x128xf32, #tpu.memory_space<hbm>> -> memref<128x128xf32, #tpu.memory_space<hbm>>
        tpu.enqueue_dma source(%arg15 : memref<128x128xf32, #tpu.memory_space<vmem>>) target(%dma_start3A_38 : memref<128x128xf32, #tpu.memory_space<hbm>>) target_semaphore(%run_scoped3A : memref<!tpu.dma_semaphore, #tpu.memory_space<semaphore_mem>>)
        %dma_wait3A = arith.constant 0 : i32
        %dma_wait3A_39 = tpu.memref_slice %arg10[%arg0, %add3A_27, %dma_wait3A] : memref<2x10240x128xf32, #tpu.memory_space<hbm>> -> memref<1x128x128xf32, #tpu.memory_space<hbm>>
        %dma_wait3A_40 = tpu.memref_squeeze %dma_wait3A_39 : memref<1x128x128xf32, #tpu.memory_space<hbm>> -> memref<128x128xf32, #tpu.memory_space<hbm>>
        %dma_wait3A_41 = arith.constant 0 : i32
        %dma_wait3A_42 = tpu.memref_slice %arg10[%arg0, %add3A_27, %dma_wait3A_41] : memref<2x10240x128xf32, #tpu.memory_space<hbm>> -> memref<1x128x128xf32, #tpu.memory_space<hbm>>
        %dma_wait3A_43 = tpu.memref_squeeze %dma_wait3A_42 : memref<1x128x128xf32, #tpu.memory_space<hbm>> -> memref<128x128xf32, #tpu.memory_space<hbm>>
        tpu.wait_dma2 semaphore(%run_scoped3A : memref<!tpu.dma_semaphore, #tpu.memory_space<semaphore_mem>>) src(%arg15 : memref<128x128xf32, #tpu.memory_space<vmem>>) dst(%dma_wait3A_43 : memref<128x128xf32, #tpu.memory_space<hbm>>)
        tpu.yield
      }) : () -> ()
    }
    %scan3A_23 = arith.constant 5 : i32
    return
  }
}

module attributes {stable_mosaic.version = 14 : i64} {
  func.func @_tc_body(%arg0: i32, %arg1: memref<1000x128xf32, #tpu.memory_space<vmem>>, %arg2: memref<1000x128xf32, #tpu.memory_space<vmem>>, %arg3: memref<1000x128xf32, #tpu.memory_space<vmem>>, %arg4: memref<2x1000x128xf32, #tpu.memory_space<vmem>>, %arg5: memref<2x1000x128xf32, #tpu.memory_space<vmem>>, %arg6: memref<128x512xf32, #tpu.memory_space<vmem>>, %arg7: memref<128x512xf32, #tpu.memory_space<vmem>>, %arg8: memref<128x512xf32, #tpu.memory_space<vmem>>, %arg9: memref<1x512xf32, #tpu.memory_space<vmem>>, %arg10: memref<128x128xf32, #tpu.memory_space<vmem>>, %arg11: memref<1x128xf32, #tpu.memory_space<vmem>>, %arg12: memref<1000x128xf32, #tpu.memory_space<vmem>>, %arg13: memref<1000x128xf32, #tpu.memory_space<vmem>>, %arg14: memref<1000x128xf32, #tpu.memory_space<vmem>>) attributes {dimension_semantics = [#tpu.dimension_semantics<arbitrary>], iteration_bounds = array<i64: 10>, scalar_prefetch = 0 : i64, scratch_operands = 0 : i64, tpu.core_type = #tpu.core_type<tc>, window_params = [{transform_indices = @transform_0, window_bounds = array<i64: 1000, 128>}, {transform_indices = @transform_1, window_bounds = array<i64: 1000, 128>}, {transform_indices = @transform_2, window_bounds = array<i64: 1000, 128>}, {transform_indices = @transform_3, window_bounds = array<i64: 2, 1000, 128>}, {transform_indices = @transform_4, window_bounds = array<i64: 2, 1000, 128>}, {pipeline_mode = #tpu.pipeline_mode<synchronous>, transform_indices = @transform_5, window_bounds = array<i64: 128, 512>}, {pipeline_mode = #tpu.pipeline_mode<synchronous>, transform_indices = @transform_6, window_bounds = array<i64: 128, 512>}, {pipeline_mode = #tpu.pipeline_mode<synchronous>, transform_indices = @transform_7, window_bounds = array<i64: 128, 512>}, {pipeline_mode = #tpu.pipeline_mode<synchronous>, transform_indices = @transform_8, window_bounds = array<i64: 1, 512>}, {pipeline_mode = #tpu.pipeline_mode<synchronous>, transform_indices = @transform_9, window_bounds = array<i64: 128, 128>}, {pipeline_mode = #tpu.pipeline_mode<synchronous>, transform_indices = @transform_10, window_bounds = array<i64: 1, 128>}, {transform_indices = @transform_11, window_bounds = array<i64: 1000, 128>}, {transform_indices = @transform_12, window_bounds = array<i64: 1000, 128>}, {transform_indices = @transform_13, window_bounds = array<i64: 1000, 128>}]} {
    %get3A = arith.constant 0 : index
    %get3A_0 = arith.constant 0 : index
    %get3A_1 = vector.load %arg1[%get3A, %get3A_0] : memref<1000x128xf32, #tpu.memory_space<vmem>>, vector<1000x128xf32>
    %get3A_2 = arith.constant 0 : index
    %get3A_3 = arith.constant 0 : index
    %get3A_4 = arith.constant 0 : index
    %get3A_5 = vector.load %arg4[%get3A_2, %get3A_3, %get3A_4] : memref<2x1000x128xf32, #tpu.memory_space<vmem>>, vector<1x1000x128xf32>
    %get3A_6 = vector.shape_cast %get3A_5 : vector<1x1000x128xf32> to vector<1000x128xf32>
    %add3A = arith.addf %get3A_1, %get3A_6 : vector<1000x128xf32>
    %get3A_7 = arith.constant 1 : index
    %get3A_8 = arith.constant 0 : index
    %get3A_9 = arith.constant 0 : index
    %get3A_10 = vector.load %arg4[%get3A_7, %get3A_8, %get3A_9] : memref<2x1000x128xf32, #tpu.memory_space<vmem>>, vector<1x1000x128xf32>
    %get3A_11 = vector.shape_cast %get3A_10 : vector<1x1000x128xf32> to vector<1000x128xf32>
    %add3A_12 = arith.addf %add3A, %get3A_11 : vector<1000x128xf32>
    %get3A_13 = arith.constant 0 : index
    %get3A_14 = arith.constant 0 : index
    %get3A_15 = arith.constant 0 : index
    %get3A_16 = vector.load %arg5[%get3A_13, %get3A_14, %get3A_15] : memref<2x1000x128xf32, #tpu.memory_space<vmem>>, vector<1x1000x128xf32>
    %get3A_17 = vector.shape_cast %get3A_16 : vector<1x1000x128xf32> to vector<1000x128xf32>
    %get3A_18 = arith.constant 1 : index
    %get3A_19 = arith.constant 0 : index
    %get3A_20 = arith.constant 0 : index
    %get3A_21 = vector.load %arg5[%get3A_18, %get3A_19, %get3A_20] : memref<2x1000x128xf32, #tpu.memory_space<vmem>>, vector<1x1000x128xf32>
    %get3A_22 = vector.shape_cast %get3A_21 : vector<1x1000x128xf32> to vector<1000x128xf32>
    %add3A_23 = arith.addf %get3A_17, %get3A_22 : vector<1000x128xf32>
    %get3A_24 = arith.constant 0 : index
    %get3A_25 = arith.constant 0 : index
    %get3A_26 = vector.load %arg2[%get3A_24, %get3A_25] : memref<1000x128xf32, #tpu.memory_space<vmem>>, vector<1000x128xf32>
    %get3A_27 = arith.constant 0 : index
    %get3A_28 = arith.constant 0 : index
    %get3A_29 = vector.load %arg6[%get3A_27, %get3A_28] : memref<128x512xf32, #tpu.memory_space<vmem>>, vector<128x512xf32>
    %dot_general3A = arith.constant dense<0.000000e+00> : vector<1000x512xf32>
    %dot_general3A_30 = tpu.matmul %add3A_12, %get3A_29, %dot_general3A {dimension_numbers = #tpu.dot_dimension_numbers<[1], [0], [0], [1], [0, 0, 1, 1], [], []>, precision = #tpu.contract_precision<fp32>, transpose_lhs_hint = false} : vector<1000x128xf32>, vector<128x512xf32>, vector<1000x512xf32> -> vector<1000x512xf32>
    %get3A_31 = arith.constant 0 : index
    %get3A_32 = arith.constant 0 : index
    %get3A_33 = vector.load %arg7[%get3A_31, %get3A_32] : memref<128x512xf32, #tpu.memory_space<vmem>>, vector<128x512xf32>
    %dot_general3A_34 = arith.constant dense<0.000000e+00> : vector<1000x512xf32>
    %dot_general3A_35 = tpu.matmul %get3A_26, %get3A_33, %dot_general3A_34 {dimension_numbers = #tpu.dot_dimension_numbers<[1], [0], [0], [1], [0, 0, 1, 1], [], []>, precision = #tpu.contract_precision<fp32>, transpose_lhs_hint = false} : vector<1000x128xf32>, vector<128x512xf32>, vector<1000x512xf32> -> vector<1000x512xf32>
    %add3A_36 = arith.addf %dot_general3A_30, %dot_general3A_35 : vector<1000x512xf32>
    %get3A_37 = arith.constant 0 : index
    %get3A_38 = arith.constant 0 : index
    %get3A_39 = vector.load %arg8[%get3A_37, %get3A_38] : memref<128x512xf32, #tpu.memory_space<vmem>>, vector<128x512xf32>
    %dot_general3A_40 = arith.constant dense<0.000000e+00> : vector<1000x512xf32>
    %dot_general3A_41 = tpu.matmul %add3A_23, %get3A_39, %dot_general3A_40 {dimension_numbers = #tpu.dot_dimension_numbers<[1], [0], [0], [1], [0, 0, 1, 1], [], []>, precision = #tpu.contract_precision<fp32>, transpose_lhs_hint = false} : vector<1000x128xf32>, vector<128x512xf32>, vector<1000x512xf32> -> vector<1000x512xf32>
    %add3A_42 = arith.addf %add3A_36, %dot_general3A_41 : vector<1000x512xf32>
    %get3A_43 = arith.constant 0 : index
    %get3A_44 = arith.constant 0 : index
    %get3A_45 = vector.load %arg9[%get3A_43, %get3A_44] : memref<1x512xf32, #tpu.memory_space<vmem>>, vector<1x512xf32>
    %add3A_46 = vector.broadcast %get3A_45 : vector<1x512xf32> to vector<1000x512xf32>
    %add3A_47 = arith.addf %add3A_42, %add3A_46 : vector<1000x512xf32>
    %slice3A = vector.extract_strided_slice %add3A_47 {offsets = [0, 0], sizes = [1000, 128], strides = [1, 1]} : vector<1000x512xf32> to vector<1000x128xf32>
    %logistic3A = arith.negf %slice3A : vector<1000x128xf32>
    %logistic3A_48 = math.exp %logistic3A : vector<1000x128xf32>
    %logistic3A_49 = arith.constant 1.000000e+00 : f32
    %logistic3A_50 = vector.broadcast %logistic3A_49 : f32 to vector<1000x128xf32>
    %logistic3A_51 = arith.addf %logistic3A_50, %logistic3A_48 : vector<1000x128xf32>
    %logistic3A_52 = arith.divf %logistic3A_50, %logistic3A_51 : vector<1000x128xf32>
    %slice3A_53 = vector.extract_strided_slice %add3A_47 {offsets = [0, 128], sizes = [1000, 128], strides = [1, 1]} : vector<1000x512xf32> to vector<1000x128xf32>
    %logistic3A_54 = arith.negf %slice3A_53 : vector<1000x128xf32>
    %logistic3A_55 = math.exp %logistic3A_54 : vector<1000x128xf32>
    %logistic3A_56 = arith.constant 1.000000e+00 : f32
    %logistic3A_57 = vector.broadcast %logistic3A_56 : f32 to vector<1000x128xf32>
    %logistic3A_58 = arith.addf %logistic3A_57, %logistic3A_55 : vector<1000x128xf32>
    %logistic3A_59 = arith.divf %logistic3A_57, %logistic3A_58 : vector<1000x128xf32>
    %slice3A_60 = vector.extract_strided_slice %add3A_47 {offsets = [0, 256], sizes = [1000, 128], strides = [1, 1]} : vector<1000x512xf32> to vector<1000x128xf32>
    %tanh3A = math.tanh %slice3A_60 : vector<1000x128xf32>
    %slice3A_61 = vector.extract_strided_slice %add3A_47 {offsets = [0, 384], sizes = [1000, 128], strides = [1, 1]} : vector<1000x512xf32> to vector<1000x128xf32>
    %logistic3A_62 = arith.negf %slice3A_61 : vector<1000x128xf32>
    %logistic3A_63 = math.exp %logistic3A_62 : vector<1000x128xf32>
    %logistic3A_64 = arith.constant 1.000000e+00 : f32
    %logistic3A_65 = vector.broadcast %logistic3A_64 : f32 to vector<1000x128xf32>
    %logistic3A_66 = arith.addf %logistic3A_65, %logistic3A_63 : vector<1000x128xf32>
    %logistic3A_67 = arith.divf %logistic3A_65, %logistic3A_66 : vector<1000x128xf32>
    %get3A_68 = arith.constant 0 : index
    %get3A_69 = arith.constant 0 : index
    %get3A_70 = vector.load %arg3[%get3A_68, %get3A_69] : memref<1000x128xf32, #tpu.memory_space<vmem>>, vector<1000x128xf32>
    %mul3A = arith.mulf %logistic3A_59, %get3A_70 : vector<1000x128xf32>
    %mul3A_71 = arith.mulf %logistic3A_52, %tanh3A : vector<1000x128xf32>
    %add3A_72 = arith.addf %mul3A, %mul3A_71 : vector<1000x128xf32>
    %tanh3A_73 = math.tanh %add3A_72 : vector<1000x128xf32>
    %mul3A_74 = arith.mulf %logistic3A_67, %tanh3A_73 : vector<1000x128xf32>
    %max3A = arith.constant 0.000000e+00 : f32
    %max3A_75 = vector.broadcast %max3A : f32 to vector<1000x128xf32>
    %max3A_76 = arith.maximumf %mul3A_74, %max3A_75 : vector<1000x128xf32>
    %get3A_77 = arith.constant 0 : index
    %get3A_78 = arith.constant 0 : index
    %get3A_79 = vector.load %arg10[%get3A_77, %get3A_78] : memref<128x128xf32, #tpu.memory_space<vmem>>, vector<128x128xf32>
    %dot_general3A_80 = arith.constant dense<0.000000e+00> : vector<1000x128xf32>
    %dot_general3A_81 = tpu.matmul %max3A_76, %get3A_79, %dot_general3A_80 {dimension_numbers = #tpu.dot_dimension_numbers<[1], [0], [0], [1], [0, 0, 1, 1], [], []>, precision = #tpu.contract_precision<fp32>, transpose_lhs_hint = false} : vector<1000x128xf32>, vector<128x128xf32>, vector<1000x128xf32> -> vector<1000x128xf32>
    %get3A_82 = arith.constant 0 : index
    %get3A_83 = arith.constant 0 : index
    %get3A_84 = vector.load %arg11[%get3A_82, %get3A_83] : memref<1x128xf32, #tpu.memory_space<vmem>>, vector<1x128xf32>
    %add3A_85 = vector.broadcast %get3A_84 : vector<1x128xf32> to vector<1000x128xf32>
    %add3A_86 = arith.addf %dot_general3A_81, %add3A_85 : vector<1000x128xf32>
    %swap3A = arith.constant 0 : index
    %swap3A_87 = arith.constant 0 : index
    %swap3A_88 = vector.load %arg12[%swap3A, %swap3A_87] : memref<1000x128xf32, #tpu.memory_space<vmem>>, vector<1000x128xf32>
    tpu.vector_store %arg12[%swap3A, %swap3A_87], %add3A_86 {strides = array<i32>} : memref<1000x128xf32, #tpu.memory_space<vmem>>, vector<1000x128xf32>,
    %swap3A_89 = arith.constant 0 : index
    %swap3A_90 = arith.constant 0 : index
    %swap3A_91 = vector.load %arg13[%swap3A_89, %swap3A_90] : memref<1000x128xf32, #tpu.memory_space<vmem>>, vector<1000x128xf32>
    tpu.vector_store %arg13[%swap3A_89, %swap3A_90], %mul3A_74 {strides = array<i32>} : memref<1000x128xf32, #tpu.memory_space<vmem>>, vector<1000x128xf32>,
    %swap3A_92 = arith.constant 0 : index
    %swap3A_93 = arith.constant 0 : index
    %swap3A_94 = vector.load %arg14[%swap3A_92, %swap3A_93] : memref<1000x128xf32, #tpu.memory_space<vmem>>, vector<1000x128xf32>
    tpu.vector_store %arg14[%swap3A_92, %swap3A_93], %add3A_72 {strides = array<i32>} : memref<1000x128xf32, #tpu.memory_space<vmem>>, vector<1000x128xf32>,
    return
  }
  func.func @transform_0(%arg0: i32) -> (i32, i32) {
    %c0_i32 = arith.constant 0 : i32
    %c0_i32_0 = arith.constant 0 : i32
    return %arg0, %c0_i32 : i32, i32
  }
  func.func @transform_1(%arg0: i32) -> (i32, i32) {
    %c0_i32 = arith.constant 0 : i32
    %c0_i32_0 = arith.constant 0 : i32
    return %arg0, %c0_i32 : i32, i32
  }
  func.func @transform_2(%arg0: i32) -> (i32, i32) {
    %c0_i32 = arith.constant 0 : i32
    %c0_i32_0 = arith.constant 0 : i32
    return %arg0, %c0_i32 : i32, i32
  }
  func.func @transform_3(%arg0: i32) -> (i32, i32, i32) {
    %c0_i32 = arith.constant 0 : i32
    %c0_i32_0 = arith.constant 0 : i32
    %c0_i32_1 = arith.constant 0 : i32
    return %c0_i32, %arg0, %c0_i32_0 : i32, i32, i32
  }
  func.func @transform_4(%arg0: i32) -> (i32, i32, i32) {
    %c0_i32 = arith.constant 0 : i32
    %c0_i32_0 = arith.constant 0 : i32
    %c0_i32_1 = arith.constant 0 : i32
    return %c0_i32, %arg0, %c0_i32_0 : i32, i32, i32
  }
  func.func @transform_5(%arg0: i32) -> (i32, i32) {
    %c0_i32 = arith.constant 0 : i32
    %c0_i32_0 = arith.constant 0 : i32
    %c0_i32_1 = arith.constant 0 : i32
    return %c0_i32, %c0_i32_0 : i32, i32
  }
  func.func @transform_6(%arg0: i32) -> (i32, i32) {
    %c0_i32 = arith.constant 0 : i32
    %c0_i32_0 = arith.constant 0 : i32
    %c0_i32_1 = arith.constant 0 : i32
    return %c0_i32, %c0_i32_0 : i32, i32
  }
  func.func @transform_7(%arg0: i32) -> (i32, i32) {
    %c0_i32 = arith.constant 0 : i32
    %c0_i32_0 = arith.constant 0 : i32
    %c0_i32_1 = arith.constant 0 : i32
    return %c0_i32, %c0_i32_0 : i32, i32
  }
  func.func @transform_8(%arg0: i32) -> (i32, i32) {
    %c0_i32 = arith.constant 0 : i32
    %c0_i32_0 = arith.constant 0 : i32
    %c0_i32_1 = arith.constant 0 : i32
    return %c0_i32, %c0_i32_0 : i32, i32
  }
  func.func @transform_9(%arg0: i32) -> (i32, i32) {
    %c0_i32 = arith.constant 0 : i32
    %c0_i32_0 = arith.constant 0 : i32
    %c0_i32_1 = arith.constant 0 : i32
    return %c0_i32, %c0_i32_0 : i32, i32
  }
  func.func @transform_10(%arg0: i32) -> (i32, i32) {
    %c0_i32 = arith.constant 0 : i32
    %c0_i32_0 = arith.constant 0 : i32
    %c0_i32_1 = arith.constant 0 : i32
    return %c0_i32, %c0_i32_0 : i32, i32
  }
  func.func @transform_11(%arg0: i32) -> (i32, i32) {
    %c0_i32 = arith.constant 0 : i32
    %c0_i32_0 = arith.constant 0 : i32
    return %arg0, %c0_i32 : i32, i32
  }
  func.func @transform_12(%arg0: i32) -> (i32, i32) {
    %c0_i32 = arith.constant 0 : i32
    %c0_i32_0 = arith.constant 0 : i32
    return %arg0, %c0_i32 : i32, i32
  }
  func.func @transform_13(%arg0: i32) -> (i32, i32) {
    %c0_i32 = arith.constant 0 : i32
    %c0_i32_0 = arith.constant 0 : i32
    return %arg0, %c0_i32 : i32, i32
  }
}

</mosaic_0001>

<sc_bundles>
// kernel: kernel.5.cloned.1.call-start
scs
__scs_entry_jumppad:
0x0: {  	(pc) =	sbr.rel $0x88, $3  }
0x1: {  	(tag) =	ssettag $0x0;
	lr =	simm.s32 $0x1  }
0x2: {  	[smem:$0x3F86] =	sst lr;
	_ =	strace $0xD0000000  }
0x3: {  	_ = 	snop  }
0x4: {  	_ = 	snop  }
0x5: {  	_ = 	snop  }
0x6: {  	_ = 	snop  }
0x7: {  	_ = 	snop  }
__scs_overlays_trampoline_lowered:
0x8: {  	[smem:$0x3F95] =	sst s0  }
0x9: {  	[smem:$0x3F96] =	sst s1  }
0xa: {  	[smem:$0x3F97] =	sst s2  }
0xb: {  	[smem:$0x3F98] =	sst s3  }
0xc: {  	[smem:$0x3F99] =	sst s4  }
0xd: {  	[smem:$0x3F9A] =	sst s5  }
0xe: {  	[smem:$0x3F9B] =	sst s6  }
0xf: {  	[smem:$0x3F9C] =	sst s7  }
0x10: {  	[smem:$0x3F9D] =	sst s8  }
0x11: {  	[smem:$0x3F9E] =	sst s9;
	s0 =	simm.s32 @!p0 $0x0  }
0x12: {  	s1 =	sld [smem:$0x3F84];
	s0 =	simm.s32 @p0 $0x1  }
0x13: {  	[smem:$0x3F9F] =	sst s0;
	s0 =	simm.s32 @!p1 $0x0  }
0x14: {  	s2 =	sld [smem:$0x3F83];
	s0 =	simm.s32 @p1 $0x1  }
0x15: {  	[smem:$0x3FA0] =	sst s0;
	s0 =	simm.s32 @!p2 $0x0  }
0x16: {  	s3 =	sld [smem:$0x3FDB];
	s0 =	simm.s32 @p2 $0x1  }
0x17: {  	s4 =	simm.s32 $0x1BF5;
	[smem:$0x3FA2] =	sst s0  }
0x18: {  	s0 =	sld [smem:$0x3F85];
	_ =	swait.ge [sflag:s4], $0x0  }
0x19: {  	s7 =	sld [smem:$0x3F86]  }
0x1a: {  	s8 =	sadd.s32 $0xFFFFE003, lr  }
0x1b: {  	s9 =	sadd.s32 $0xFFFFFEF7, lr;
	s5 =	simm.s32 $0xFFFFFFFF;
	p2 =	slt.u32 s8, $0xFFFFF086  }
0x1c: {  	p1 =	slt.u32 s9, $0xF7A;
	s5 =	simm.s32 @!p2 $0x0  }
0x1d: {  	s5 =	simm.s32 @p1 $0x1;
	p0 =	seq.s32 s7, s2  }
0x1e: {  	s7 =	smul.u32 @!p0 $0xF7A, s2;
	p2 =	seq.s32 @!p0 s5, $0x0  }
0x1f: {  	s9 =	smul.u32 $0xF7A, s1;
	s8 =	simm.s32 @!p0 $0x1BF5;
	p2 =	por !p2, p0  }
0x20: {  	[sflag:s8] =	ssyncset.s32 @!p0 $0xFFFFF086;
	s6 =	sadd.s32 @!p0 s3, s7;
	s7 =	simm.s32 @!p0 $0x108  }
0x21: {  	s3 =	sadd.s32 s3, s9;
	s6 =	sadd.s32 @!p0 $0x88, s6;
	s7 =	simm.s32 @p2 $0x1082  }
0x22: {  	[simem:s7], [sflag:s8] =	dma.local @!p0 [hbm:s6], $0xF7A  }
0x23: {  	s9 =	sor.u32 $0xD0000000, s2;
	s6 =	simm.s32 $0x108;
	_ =	swait.ge @!p0 [sflag:s8], $0x0  }
0x24: {  	s3 =	sadd.s32 $0x88, s3;
	s6 =	simm.s32 @!p1 $0x1082;
	[sflag:s4] =	ssyncset.s32 $0xFFFFF086  }
0x25: {  	[simem:s6], [sflag:s4] =	dma.local [hbm:s3], $0xF7A  }
0x26: {  	[smem:$0x3F86] =	sst s1;
	(tag) =	ssettag s2;
	_ =	strace s9  }
0x27: {  	s1 =	sld [smem:$0x3F96]  }
0x28: {  	s2 =	sld [smem:$0x3F97]  }
0x29: {  	s4 =	sld [smem:$0x3F99]  }
0x2a: {  	p0 =	seq.s32 s5, $0x0;
	s5 =	sld [smem:$0x3F9A]  }
0x2b: {  	s6 =	sld [smem:$0x3F9B]  }
0x2c: {  	s7 =	sld [smem:$0x3F9C]  }
0x2d: {  	s3 =	simm.s32 $0x108;
	s8 =	sld [smem:$0x3F9D]  }
0x2e: {  	s3 =	simm.s32 @!p0 $0x1082;
	s9 =	sld [smem:$0x3F9E]  }
0x2f: {  	lr =	sadd.s32 s0, s3;
	s0 =	sld [smem:$0x3F95]  }
0x30: {  	s3 =	sld [smem:$0x3F98]  }
0x31: {  	[smem:$0x3FA1] =	sst s10  }
0x32: {  	s10 =	sld [smem:$0x3F9F];
	_ =	sdelay $0x3  }
0x33: {  	p0 =	seq.s32 s10, $0x1;
	s10 =	sld [smem:$0x3FA1];
	_ =	sdelay $0x3  }
0x34: {  	[smem:$0x3FA1] =	sst s10  }
0x35: {  	s10 =	sld [smem:$0x3FA0];
	_ =	sdelay $0x3  }
0x36: {  	p1 =	seq.s32 s10, $0x1;
	s10 =	sld [smem:$0x3FA1];
	_ =	sdelay $0x3  }
0x37: {  	[smem:$0x3FA1] =	sst s10  }
0x38: {  	s10 =	sld [smem:$0x3FA2]  }
0x39: {  	_ = 	snop;
	(pc) =	sbr.ind lr, $3  }
0x3a: {  	_ = 	snop  }
0x3b: {  	_ = 	snop  }
0x3c: {  	p2 =	seq.s32 s10, $0x1;
	s10 =	sld [smem:$0x3FA1]  }
0x3d: {  	_ =	shalt  }
0x3e: {  	_ =	shalt  }
0x3f: {  	_ =	shalt  }
0x40: {  	_ =	shalt  }
0x41: {  	_ =	shalt  }
0x42: {  	_ =	shalt  }
0x43: {  	_ =	shalt  }
0x44: {  	_ =	shalt  }
0x45: {  	_ =	shalt  }
0x46: {  	_ =	shalt  }
0x47: {  	_ =	shalt  }
0x48: {  	_ =	shalt  }
0x49: {  	_ =	shalt  }
0x4a: {  	_ =	shalt  }
0x4b: {  	_ =	shalt  }
0x4c: {  	_ =	shalt  }
0x4d: {  	_ =	shalt  }
0x4e: {  	_ =	shalt  }
0x4f: {  	_ =	shalt  }
0x50: {  	_ =	shalt  }
0x51: {  	_ =	shalt  }
0x52: {  	_ =	shalt  }
0x53: {  	_ =	shalt  }
0x54: {  	_ =	shalt  }
0x55: {  	_ =	shalt  }
0x56: {  	_ =	shalt  }
0x57: {  	_ =	shalt  }
0x58: {  	_ =	shalt  }
0x59: {  	_ =	shalt  }
0x5a: {  	_ =	shalt  }
0x5b: {  	_ =	shalt  }
0x5c: {  	_ =	shalt  }
0x5d: {  	_ =	shalt  }
0x5e: {  	_ =	shalt  }
0x5f: {  	_ =	shalt  }
0x60: {  	_ =	shalt  }
0x61: {  	_ =	shalt  }
0x62: {  	_ =	shalt  }
0x63: {  	_ =	shalt  }
0x64: {  	_ =	shalt  }
0x65: {  	_ =	shalt  }
0x66: {  	_ =	shalt  }
0x67: {  	_ =	shalt  }
0x68: {  	_ =	shalt  }
0x69: {  	_ =	shalt  }
0x6a: {  	_ =	shalt  }
0x6b: {  	_ =	shalt  }
0x6c: {  	_ =	shalt  }
0x6d: {  	_ =	shalt  }
0x6e: {  	_ =	shalt  }
0x6f: {  	_ =	shalt  }
0x70: {  	_ =	shalt  }
0x71: {  	_ =	shalt  }
0x72: {  	_ =	shalt  }
0x73: {  	_ =	shalt  }
0x74: {  	_ =	shalt  }
0x75: {  	_ =	shalt  }
0x76: {  	_ =	shalt  }
0x77: {  	_ =	shalt  }
0x78: {  	_ =	shalt  }
0x79: {  	_ =	shalt  }
0x7a: {  	_ =	shalt  }
0x7b: {  	_ =	shalt  }
0x7c: {  	_ =	shalt  }
0x7d: {  	_ =	shalt  }
0x7e: {  	_ =	shalt  }
0x7f: {  	_ =	shalt  }
0x80: {  	_ =	shalt  }
0x81: {  	_ =	shalt  }
0x82: {  	_ =	shalt  }
0x83: {  	_ =	shalt  }
0x84: {  	_ =	shalt  }
0x85: {  	_ =	shalt  }
0x86: {  	_ =	shalt  }
0x87: {  	_ =	shalt  }
.Lfunc_end0:
.L_simem_size_0:
called_computation_lowered:
.L_overlay_start_0:
0x88: {  	s2 =	sld [smem:$0x3FD9]  }
0x89: {  	s3 =	sld [smem:$0x3FFE];
	_ =	sdelay $0x1  }
0x8a: {  	s1 =	srdreg.scid  }
0x8b: {  	s0 =	sand.u32 $0x1, s1  }
0x8c: {  	s14 =	sshll.u32 s0, $0xA;
	s2 =	sadd.s32 s3, s2  }
0x8d: {  	s2 =	sadd.s32 s2, s14  }
0x8e: {  	[smem:$0x3FAD] =	sst s2  }
0x8f: {  	_ = 	snop  }
0x90: {  	s2 =	sld [smem:$0x3FD0];
	_ =	sdelay $0x2  }
0x91: {  	s15 =	simm.s32 $0xA;
	s4 =	simm.s32 $0x10  }
0x92: {  	[smem:s4], [sflag:s15] =	dma.local [hbm:s2], $0x1  }
0x93: {  	_ =	swait.eq [sflag:s15], $0x1  }
0x94: {  	[sflag:s15] =	ssyncset.done $0x0  }
0x95: {  	s16 =	sld [smem:$0x10];
	[sflag:s15] =	ssyncadd.s32 $0xFFFFFFFF  }
0x96: {  	s17 =	sld [smem:$0x12];
	(tm) =	ssettm $0x1  }
0x97: {  	s18 =	sld [smem:$0x3FFB];
	_ =	sdelay $0x3  }
0x98: {  	_ =	strace s18  }
0x99: {  	s4 =	sld [smem:$0x3FFC];
	_ =	sdelay $0x3  }
0x9a: {  	_ =	strace s4  }
0x9b: {  	s4 =	sld [smem:$0x3FFD];
	_ =	sdelay $0x3  }
0x9c: {  	_ =	strace s4  }
0x9d: {  	_ =	strace $0x8FFFFFFF  }
0x9e: {  	s19 =	sld [smem:$0x3FDB];
	_ =	sdelay $0x1  }
0x9f: {  	s5 =	simm.s32 $_scs_section_size  }
0xa0: {  	s6 =	simm.s32 $_size__tile_overlayer_lowered;
	s7 =	simm.s32 $_tile_overlayer_lowered  }
0xa1: {  	s22 =	simm.s32 $0x1BFF;
	s21 =	sshll.u32 s7, $0x1;
	s4 =	sadd.s32 s5, s19  }
0xa2: {  	s8 =	simm.s32 $0x0;
	s20 =	sshll.u32 s6, $0x1;
	s6 =	sadd.s32 s21, s4  }
0xa3: {  	[timem:s8], [sflag:s22] =	dma.local [hbm:s6], s20  }
0xa4: {  	_ =	swait.ge [sflag:s22], s20  }
0xa5: {  	s5 =	ssub.s32 $0x0, s20;
	[sflag:s22] =	ssyncset.done $0x0  }
0xa6: {  	[sflag:s22] =	ssyncadd.s32 s5;
	_ =	sdelay $0x1  }
0xa7: {  	s23 =	simm.s32 $0x1B8B  }
0xa8: {  	_ =	swait.ge [sflag:s23], $0x1  }
0xa9: {  	[sflag:s23] =	ssyncset.done $0x0  }
0xaa: {  	s25 =	simm.s32 $0x1B8E;
	s24 =	sld [smem:$0x3FFE];
	[sflag:s23] =	ssyncadd.s32 $0xFFFFFFFF  }
0xab: {  	s26 =	simm.s32 $execute0_lowered;
	[smem:$0x3FD2] =	sst s25  }
0xac: {  	s6 =	sshll.u32 s26, $0x1;
	_ =	strace $0x80000046;
	[dreg:$0x1] =	wrdreg $0xFFFFFFFF  }
0xad: {  	s28 =	simm.s32 $_size_execute0_lowered;
	s4 =	sadd.s32 s4, s6;
	[dreg:$0x0] =	wrdreg $0x0  }
0xae: {  	s6 =	sshll.u32 s28, $0x1;
	[dreg:$0x2] =	wrdreg s4  }
0xaf: {  	[dreg:$0x3] =	wrdreg s6  }
0xb0: {  	[dreg:$0x4] =	wrdreg $0xC0  }
0xb1: {  	_ =	task [dreg:s8], $0x5FFFF  }
0xb2: {  	[dreg:$0x1] =	wrdreg $0xFFFFFFFF  }
0xb3: {  	[dreg:$0x0] =	wrdreg $0x60  }
0xb4: {  	[dreg:$0x2] =	wrdreg s16  }
0xb5: {  	[dreg:$0x3] =	wrdreg s24  }
0xb6: {  	[dreg:$0x4] =	wrdreg s17  }
0xb7: {  	[dreg:$0x5] =	wrdreg $0x0  }
0xb8: {  	[dreg:$0x6] =	wrdreg $0x9  }
0xb9: {  	_ =	task.clear_ibuf [dreg:s8], $0x7FFFF;
	_ =	strace $0x90000046  }
0xba: {  	s29 =	simm.s32 $0x9;
	_ =	strace $0x80000048  }
0xbb: {  	_ =	swait.ge [sflag:s29], $0x1  }
0xbc: {  	[sflag:s29] =	ssyncadd.s32 $0xFFFFFFFF  }
0xbd: {  	_ =	strace $0x90000048  }
0xbe: {  	_ =	sfence  }
0xbf: {  	s30 =	sld [smem:$0x0];
	_ =	sdelay $0x2  }
0xc0: {  	s31 =	sshll.u32 s1, $0xD;
	s1 =	sshrl.u32 s1, $0x2  }
0xc1: {  	s3 =	sand.u32 $0x4000, s31;
	s1 =	sadd.s32 s1, s30  }
0xc2: {  	s0 =	sor.u32 s3, s0;
	s1 =	sshll.u32 s1, $0x11  }
0xc3: {  	s0 =	sor.u32 s1, s0  }
0xc4: {  	s0 =	sadd.s32 $0x8F2B, s0  }
0xc5: {  	[sflag:s0] =	ssyncadd.remote.s32 $0x1  }
0xc6: {  	_ =	sfence.sel $0xFFFF  }
0xc7: {  	[dreg:$0x0] =	wrdreg $0xFFFFFFFF;
	(pc) =	sbr.abs _section_cstart, $3  }
0xc8: {  	[dreg:$0x1] =	wrdreg $0xFFFFFFFF  }
0xc9: {  	_ =	task.clear_ibuf [dreg:s8], $0x2FFFF;
	_ =	strace $0x9FFFFFFF  }
0xca: {  	(tm) =	ssettm $0x7FFFFFFF  }
0xcb: {  	_ =	shalt  }
tec
execute0_lowered:
.L_overlay_start_1:
0x0: {  	(tag) =	ssettag $0x1  }
0x1: {  	s4 =	rddreg [dreg:$0x0]  }
0x2: {  	s5 =	rddreg [dreg:$0x1]  }
0x3: {  	s8 =	rddreg [dreg:$0x2]  }
0x4: {  	s1 =	rddreg [dreg:$0x3]  }
0x5: {  	s0 =	rddreg [dreg:$0x4]  }
0x6: {  	s2 =	simm.s32 $0x0;
	s11 =	stileid.u32;
	s3 =	srdreg.scid  }
0x7: {  	s15 =	simm.s32 $0x5280;
	s16 =	simm.s32 $0x80;
	s17 =	simm.s32 $0xF300  }
0x8: {  	s19 =	simm.s32 $0xCA80;
	s20 =	simm.s32 $0xF280;
	s21 =	simm.s32 $0x0  }
0x9: {  	s6 =	smul.u32 $0xA00, s11;
	s18 =	sand.u32 $0x1, s3;
	s30 =	sshll.u32 s11, $0x1  }
0xa: {  	[smem:$0x7FF] =	sst s2;
	s7 =	smul.u32 $0x280, s11;
	p0 =	sne.s32 s11, $0x0  }
0xb: {  	s3 =	sor.u32 s18, s30;
	_ =	strace $0x80000047;
	s13 =	ssub.s32 $0x2, s18  }
0xc: {  	p1 =	sne.s32 s18, $0x0;
	s18 =	simm.s32 $0xA280;
	s9 =	sadd.s32 s6, s5  }
0xd: {  	s10 =	smul.u32 $0x500, s3;
	s3 =	sadd.s32 $0x19400, s5;
	s12 =	sshrl.u32 s7, $0x3  }
0xe: {  	s31 =	sshrl.u32 s13, $0x1;
	s4 =	sadd.s32 s4, s6;
	s6 =	sadd.s32 s7, s1  }
0xf: {  	s12 =	sadd.s32 s12, s5;
	s13 =	ssub.s32 s13, s31;
	s14 =	sadd.s32 s10, s5  }
0x10: {  	s5 =	sadd.s32 $0xF400, s9;
	s7 =	sadd.s32 $0x19A00, s12;
	s8 =	sadd.s32 s8, s10  }
0x11: {  	s11 =	smax.u32 s13, $0x1;
	s12 =	sshrl.u32 @!p0 s1, $0x3;
	s13 =	simm.s32 $0x280  }
0x12: {  	s9 =	sadd.s32 $0x5400, s14;
	s10 =	sadd.s32 $0x1A000, s14;
	s14 =	simm.s32 $0x1  }
.LBB2_1:
0x13: {  	s22 =	simm.s32 @!p0 $0x1C01  }
0x14: {  	[spmem:s12], [sflag:s22] =	dma.local @!p0 [hbm:s3], $0x500  }
0x15: {  	s22 =	simm.s32 @!p0 $0x1  }
0x16: {  	_ =	swait.ge @!p0 [sflag:s22], $0x500  }
0x17: {  	[sflag:s22] =	ssyncset.done @!p0 $0x0  }
0x18: {  	[sflag:s22] =	ssyncadd.s32 @!p0 $0xFFFFFB00  }
0x19: {  	[tilespmem:s13], [sflag:$0x1] =	stream.linear.gather [hbm4b:s4+s2], $0x4F00, $0x38;
	[tilespmem:$0xF580] =	vst v63  }
0x1a: {  	_ =	swait.ge [sflag:s14], $0x4F00  }
0x1b: {  	[sflag:s14] =	ssyncset.done $0x0  }
0x1c: {  	[sflag:s14] =	ssyncadd.s32 $0xFFFFB100  }
0x1d: {  	[tilespmem:s15], [sflag:$0x1] =	stream.linear.gather [hbm4b:s5+s2], $0x4F00, $0x38;
	[tilespmem:$0xF580] =	vst v63  }
0x1e: {  	_ =	swait.ge [sflag:s14], $0x4F00  }
0x1f: {  	[sflag:s14] =	ssyncset.done $0x0  }
0x20: {  	[sflag:s14] =	ssyncadd.s32 $0xFFFFB100  }
0x21: {  	s31 =	simm.s32 $0x5280;
	s23 =	simm.s32 $0x280;
	[bflag:$0x0] =	sbarrier.arrive $0xFFFF  }
0x22: {  	[spmem:s1] =	stream.indirect.scatter.add.f32 [tilespmem:s31], [sflag:$0x1], $0x1, s23, s16, $0xb8;
	[tilespmem:$0xF580] =	vst v63  }
0x23: {  	s22 =	simm.s32 $0x200;
	_ =	swait.ge [sflag:s14], $0x80  }
.LBB2_2:
0x24: {  	s23 =	sshra.s32 s22, $0x2  }
0x25: {  	[sflag:s14] =	ssyncset.done $0x0;
	p2 =	sne.s32 s22, $0x13A00;
	s24 =	sadd.s32 $0x5280, s23  }
.Ltmp0:
0x26: {  	s23 =	sadd.s32 $0x280, s23;
	[sflag:s14] =	ssyncadd.s32 $0xFFFFFF80;
	(pc) =	sbr.rel @p2 .LBB2_2-.Ltmp0, $3  }
0x27: {  	[spmem:s1] =	stream.indirect.scatter.add.f32 [tilespmem:s24], [sflag:$0x1], $0x1, s23, s16, $0xb8;
	[tilespmem:$0xF580] =	vst v63  }
0x28: {  	s22 =	sadd.s32 $0x200, s22;
	_ =	sdelay $0x1  }
0x29: {  	_ =	swait.ge [sflag:s14], $0x80  }
0x2a: {  	[sflag:s14] =	ssyncset.done $0x0  }
0x2b: {  	[sflag:s14] =	ssyncadd.s32 $0xFFFFFF80  }
0x2c: {  	[bflag:$0x0] =	sbarrier.arrive $0xFFFF  }
0x2d: {  	[tilespmem:s17], [sflag:$0x1] =	stream.linear.gather [spmem:s6], $0x280, $0x38;
	[tilespmem:$0xF580] =	vst v63  }
0x2e: {  	_ =	swait.ge [sflag:s14], $0x280  }
0x2f: {  	[sflag:s14] =	ssyncset.done $0x0  }
0x30: {  	s22 =	simm.s32 $0x0;
	s23 =	simm.s32 $0x40;
	[sflag:s14] =	ssyncadd.s32 $0xFFFFFD80  }
.LBB2_4:
0x31: {  	p2 =	sne.s32 s23, $0x9C0;
	v0 =	vld [tilespmem:s22+$0xF300];
	_ =	sdelay $0x4  }
0x32: {  	v1 =	vshra.s32 v0, $0x1;
	v2 =	vmul.f32 $5.000000000e-01, v0  }
0x33: {  	v1 =	vsub.s32 $0x5F3759DF, v1  }
0x34: {  	v3 =	vmul.f32 v1, v2;
	_ =	sdelay $0x1  }
0x35: {  	v3 =	vmul.f32 v1, v3;
	_ =	sdelay $0x1  }
0x36: {  	v3 =	vsub.f32 $1.500000000e+00, v3;
	_ =	sdelay $0x1  }
0x37: {  	v1 =	vmul.f32 v1, v3;
	_ =	sdelay $0x1  }
0x38: {  	v3 =	vmul.f32 v1, v2;
	_ =	sdelay $0x1  }
0x39: {  	v3 =	vmul.f32 v3, v1;
	_ =	sdelay $0x1  }
0x3a: {  	v3 =	vsub.f32 $1.500000000e+00, v3;
	_ =	sdelay $0x1  }
0x3b: {  	v1 =	vmul.f32 v3, v1;
	_ =	sdelay $0x1  }
0x3c: {  	v3 =	vmul.f32 v1, v2;
	_ =	sdelay $0x1  }
0x3d: {  	v3 =	vmul.f32 v3, v1;
	_ =	sdelay $0x1  }
0x3e: {  	v3 =	vsub.f32 $1.500000000e+00, v3;
	_ =	sdelay $0x1  }
0x3f: {  	v1 =	vmul.f32 v3, v1;
	_ =	sdelay $0x1  }
0x40: {  	v2 =	vmul.f32 v1, v2;
	_ =	sdelay $0x1  }
0x41: {  	v2 =	vmul.f32 v2, v1;
	_ =	sdelay $0x1  }
0x42: {  	v2 =	vsub.f32 $1.500000000e+00, v2  }
.Ltmp1:
0x43: {  	(pc) =	sbr.rel @p2 .LBB2_4-.Ltmp1, $4  }
0x44: {  	v1 =	vmul.f32 v2, v1  }
0x45: {  	vm0 =	vgt.f32 v0, $0.0e+00  }
0x46: {  	v0 =	vnsel vm0, $0x0, v1  }
0x47: {  	[tilespmem:s22+$0xF300] =	vst v0;
	s22 =	sshra.s32 s23, $0x2;
	s23 =	sadd.s32 $0x40, s23  }
0x48: {  	v0 =	vld [tilespmem:s22+$0xF300];
	_ =	sdelay $0x4  }
0x49: {  	v1 =	vshra.s32 v0, $0x1;
	v2 =	vmul.f32 $5.000000000e-01, v0  }
0x4a: {  	v1 =	vsub.s32 $0x5F3759DF, v1  }
0x4b: {  	v3 =	vmul.f32 v1, v2;
	_ =	sdelay $0x1  }
0x4c: {  	v3 =	vmul.f32 v1, v3;
	_ =	sdelay $0x1  }
0x4d: {  	v3 =	vsub.f32 $1.500000000e+00, v3;
	_ =	sdelay $0x1  }
0x4e: {  	v1 =	vmul.f32 v1, v3;
	_ =	sdelay $0x1  }
0x4f: {  	v3 =	vmul.f32 v1, v2;
	_ =	sdelay $0x1  }
0x50: {  	v3 =	vmul.f32 v3, v1;
	_ =	sdelay $0x1  }
0x51: {  	v3 =	vsub.f32 $1.500000000e+00, v3;
	_ =	sdelay $0x1  }
0x52: {  	v1 =	vmul.f32 v3, v1;
	_ =	sdelay $0x1  }
0x53: {  	v3 =	vmul.f32 v1, v2;
	_ =	sdelay $0x1  }
0x54: {  	v3 =	vmul.f32 v3, v1;
	_ =	sdelay $0x1  }
0x55: {  	v3 =	vsub.f32 $1.500000000e+00, v3;
	_ =	sdelay $0x1  }
0x56: {  	v1 =	vmul.f32 v3, v1;
	_ =	sdelay $0x1  }
0x57: {  	v2 =	vmul.f32 v1, v2;
	_ =	sdelay $0x1  }
0x58: {  	v2 =	vmul.f32 v2, v1;
	_ =	sdelay $0x1  }
0x59: {  	v2 =	vsub.f32 $1.500000000e+00, v2;
	_ =	sdelay $0x1  }
0x5a: {  	v1 =	vmul.f32 v2, v1  }
0x5b: {  	vm0 =	vgt.f32 v0, $0.0e+00  }
0x5c: {  	v0 =	vnsel vm0, $0x0, v1  }
0x5d: {  	[tilespmem:s22+$0xF300] =	vst v0  }
0x5e: {  	[spmem:s6] =	stream.linear.scatter [tilespmem:s17], [sflag:$0x1], $0x280, $0x38;
	[tilespmem:$0xF580] =	vst v63  }
0x5f: {  	_ =	swait.ge [sflag:s14], $0x280  }
0x60: {  	[sflag:s14] =	ssyncset.done $0x0  }
0x61: {  	s23 =	simm.s32 @!p1 $0xF300;
	s22 =	simm.s32 @!p1 $0x0;
	[sflag:s14] =	ssyncadd.s32 $0xFFFFFD80  }
0x62: {  	[hbm4b:s7+s22] =	stream.linear.scatter @!p1 [tilespmem:s23], [sflag:$0x1], $0x280, $0x38;
	[tilespmem:$0xF580] =	vst v63  }
0x63: {  	s22 =	simm.s32 @!p1 $0x1  }
0x64: {  	_ =	swait.ge @!p1 [sflag:s22], $0x280  }
0x65: {  	[sflag:s22] =	ssyncset.done @!p1 $0x0  }
0x66: {  	[sflag:s22] =	ssyncadd.s32 @!p1 $0xFFFFFD80  }
0x67: {  	s30 =	simm.s32 $0x0;
	[bflag:$0x0] =	sbarrier.arrive $0xFFFF  }
0x68: {  	[tilespmem:s18], [sflag:$0x1] =	stream.linear.gather [hbm4b:s8+s30], $0x2780, $0x38;
	[tilespmem:$0xF580] =	vst v63  }
0x69: {  	_ =	swait.ge [sflag:s14], $0x2780  }
0x6a: {  	[sflag:s14] =	ssyncset.done $0x0  }
0x6b: {  	[sflag:s14] =	ssyncadd.s32 $0xFFFFD880  }
0x6c: {  	[tilespmem:s19], [sflag:$0x1] =	stream.linear.gather [hbm4b:s9+s30], $0x2780, $0x38;
	[tilespmem:$0xF580] =	vst v63  }
0x6d: {  	_ =	swait.ge [sflag:s14], $0x2780  }
0x6e: {  	[sflag:s14] =	ssyncset.done $0x0  }
0x6f: {  	s31 =	simm.s32 $0xA280;
	[sflag:s14] =	ssyncadd.s32 $0xFFFFD880  }
0x70: {  	[tilespmem:s20], [sflag:$0x1] =	stream.indirect.gather [spmem:s1], $0x1, s31, s16, $0xb8;
	[tilespmem:$0xF580] =	vst v63  }
0x71: {  	_ =	swait.ge [sflag:s14], $0x80  }
0x72: {  	[sflag:s14] =	ssyncset.done $0x0  }
0x73: {  	s22 =	simm.s32 $0x0;
	[sflag:s14] =	ssyncadd.s32 $0xFFFFFF80  }
0x74: {  	v0 =	vld [tilespmem:s22+$0xCA80]  }
0x75: {  	v1 =	vld [tilespmem:$0xF280];
	_ =	sdelay $0x4  }
0x76: {  	v0 =	vmul.f32 v1, v0;
	_ =	sdelay $0x1  }
0x77: {  	v2 =	vld [tilespmem:s22+$0xCA90];
	[tilespmem:s22+$0xCA80] =	vst v0  }
0x78: {  	v0 =	vld [tilespmem:$0xF290];
	_ =	sdelay $0x4  }
0x79: {  	v0 =	vmul.f32 v0, v2;
	_ =	sdelay $0x1  }
0x7a: {  	v3 =	vld [tilespmem:s22+$0xCAA0];
	[tilespmem:s22+$0xCA90] =	vst v0  }
0x7b: {  	v0 =	vld [tilespmem:$0xF2A0];
	_ =	sdelay $0x4  }
0x7c: {  	v0 =	vmul.f32 v0, v3;
	_ =	sdelay $0x1  }
0x7d: {  	v4 =	vld [tilespmem:s22+$0xCAB0];
	[tilespmem:s22+$0xCAA0] =	vst v0  }
0x7e: {  	v0 =	vld [tilespmem:$0xF2B0];
	_ =	sdelay $0x4  }
0x7f: {  	v0 =	vmul.f32 v0, v4;
	_ =	sdelay $0x1  }
0x80: {  	v5 =	vld [tilespmem:s22+$0xCAC0];
	[tilespmem:s22+$0xCAB0] =	vst v0  }
0x81: {  	v0 =	vld [tilespmem:$0xF2C0];
	_ =	sdelay $0x4  }
0x82: {  	v0 =	vmul.f32 v0, v5;
	_ =	sdelay $0x1  }
0x83: {  	v1 =	vld [tilespmem:s22+$0xCAD0];
	[tilespmem:s22+$0xCAC0] =	vst v0  }
0x84: {  	v0 =	vld [tilespmem:$0xF2D0];
	_ =	sdelay $0x4  }
0x85: {  	v0 =	vmul.f32 v0, v1;
	_ =	sdelay $0x1  }
0x86: {  	v6 =	vld [tilespmem:s22+$0xCAE0];
	[tilespmem:s22+$0xCAD0] =	vst v0  }
0x87: {  	v0 =	vld [tilespmem:$0xF2E0];
	_ =	sdelay $0x4  }
0x88: {  	v0 =	vmul.f32 v0, v6;
	_ =	sdelay $0x1  }
0x89: {  	v2 =	vld [tilespmem:s22+$0xCAF0];
	[tilespmem:s22+$0xCAE0] =	vst v0  }
0x8a: {  	v0 =	vld [tilespmem:$0xF2F0];
	_ =	sdelay $0x4  }
0x8b: {  	s24 =	simm.s32 $0x400;
	s23 =	simm.s32 $0x200;
	v0 =	vmul.f32 v0, v2  }
.LBB2_6:
0x8c: {  	p2 =	sne.s32 s24, $0x9C00  }
0x8d: {  	s25 =	sshra.s32 s23, $0x2;
	s23 =	smov.u32 s24;
	s24 =	sadd.s32 $0x200, s24  }
0x8e: {  	s26 =	sadd.s32 $0xA280, s25;
	[tilespmem:s22+$0xCAF0] =	vst v0;
	s22 =	smov.u32 s25  }
0x8f: {  	[tilespmem:s20], [sflag:$0x1] =	stream.indirect.gather [spmem:s1], $0x1, s26, s16, $0xb8;
	[tilespmem:$0xF580] =	vst v63  }
0x90: {  	_ =	swait.ge [sflag:s14], $0x80  }
0x91: {  	[sflag:s14] =	ssyncset.done $0x0  }
0x92: {  	[sflag:s14] =	ssyncadd.s32 $0xFFFFFF80  }
0x93: {  	v0 =	vld [tilespmem:s22+$0xCA80]  }
0x94: {  	v1 =	vld [tilespmem:$0xF280]  }
0x95: {  	v2 =	vld [tilespmem:s22+$0xCA90]  }
0x96: {  	v3 =	vld [tilespmem:s22+$0xCAA0]  }
0x97: {  	v4 =	vld [tilespmem:s22+$0xCAB0]  }
0x98: {  	v5 =	vld [tilespmem:s22+$0xCAC0]  }
0x99: {  	v0 =	vmul.f32 v1, v0;
	v1 =	vld [tilespmem:s22+$0xCAD0]  }
0x9a: {  	v6 =	vld [tilespmem:s22+$0xCAE0]  }
0x9b: {  	[tilespmem:s22+$0xCA80] =	vst v0;
	v0 =	vld [tilespmem:s22+$0xCAF0]  }
0x9c: {  	v7 =	vld [tilespmem:$0xF290];
	_ =	sdelay $0x4  }
0x9d: {  	v2 =	vmul.f32 v7, v2;
	_ =	sdelay $0x1  }
0x9e: {  	[tilespmem:s22+$0xCA90] =	vst v2  }
0x9f: {  	v2 =	vld [tilespmem:$0xF2A0];
	_ =	sdelay $0x4  }
0xa0: {  	v2 =	vmul.f32 v2, v3;
	_ =	sdelay $0x1  }
0xa1: {  	[tilespmem:s22+$0xCAA0] =	vst v2  }
0xa2: {  	v2 =	vld [tilespmem:$0xF2B0];
	_ =	sdelay $0x4  }
0xa3: {  	v2 =	vmul.f32 v2, v4;
	_ =	sdelay $0x1  }
0xa4: {  	[tilespmem:s22+$0xCAB0] =	vst v2  }
0xa5: {  	v2 =	vld [tilespmem:$0xF2C0];
	_ =	sdelay $0x4  }
0xa6: {  	v2 =	vmul.f32 v2, v5;
	_ =	sdelay $0x1  }
0xa7: {  	[tilespmem:s22+$0xCAC0] =	vst v2  }
0xa8: {  	v2 =	vld [tilespmem:$0xF2D0];
	_ =	sdelay $0x4  }
0xa9: {  	v1 =	vmul.f32 v2, v1;
	_ =	sdelay $0x1  }
0xaa: {  	[tilespmem:s22+$0xCAD0] =	vst v1  }
0xab: {  	v1 =	vld [tilespmem:$0xF2E0];
	_ =	sdelay $0x4  }
0xac: {  	v1 =	vmul.f32 v1, v6;
	_ =	sdelay $0x1  }
0xad: {  	[tilespmem:s22+$0xCAE0] =	vst v1  }
0xae: {  	v1 =	vld [tilespmem:$0xF2F0]  }
.Ltmp2:
0xaf: {  	(pc) =	sbr.rel @p2 .LBB2_6-.Ltmp2, $2  }
0xb0: {  	_ =	sdelay $0x2  }
0xb1: {  	v0 =	vmul.f32 v1, v0  }
0xb2: {  	s23 =	sshra.s32 s23, $0x2  }
0xb3: {  	s24 =	sadd.s32 $0xA280, s23;
	[tilespmem:s22+$0xCAF0] =	vst v0  }
0xb4: {  	[tilespmem:s20], [sflag:$0x1] =	stream.indirect.gather [spmem:s1], $0x1, s24, s16, $0xb8;
	[tilespmem:$0xF580] =	vst v63  }
0xb5: {  	_ =	swait.ge [sflag:s14], $0x80  }
0xb6: {  	[sflag:s14] =	ssyncset.done $0x0  }
0xb7: {  	[sflag:s14] =	ssyncadd.s32 $0xFFFFFF80  }
0xb8: {  	v56 =	vld [tilespmem:s23+$0xCA80]  }
0xb9: {  	v1 =	vld [tilespmem:$0xF280];
	_ =	sdelay $0x4  }
0xba: {  	v0 =	vmul.f32 v1, v56;
	_ =	sdelay $0x1  }
0xbb: {  	v57 =	vld [tilespmem:s23+$0xCA90];
	[tilespmem:s23+$0xCA80] =	vst v0  }
0xbc: {  	v0 =	vld [tilespmem:$0xF290];
	_ =	sdelay $0x4  }
0xbd: {  	v0 =	vmul.f32 v0, v57;
	_ =	sdelay $0x1  }
0xbe: {  	v58 =	vld [tilespmem:s23+$0xCAA0];
	[tilespmem:s23+$0xCA90] =	vst v0  }
0xbf: {  	v0 =	vld [tilespmem:$0xF2A0];
	_ =	sdelay $0x4  }
0xc0: {  	v0 =	vmul.f32 v0, v58;
	_ =	sdelay $0x1  }
0xc1: {  	v59 =	vld [tilespmem:s23+$0xCAB0];
	[tilespmem:s23+$0xCAA0] =	vst v0  }
0xc2: {  	v0 =	vld [tilespmem:$0xF2B0];
	_ =	sdelay $0x4  }
0xc3: {  	v0 =	vmul.f32 v0, v59;
	_ =	sdelay $0x1  }
0xc4: {  	v60 =	vld [tilespmem:s23+$0xCAC0];
	[tilespmem:s23+$0xCAB0] =	vst v0  }
0xc5: {  	v0 =	vld [tilespmem:$0xF2C0];
	_ =	sdelay $0x4  }
0xc6: {  	v0 =	vmul.f32 v0, v60;
	_ =	sdelay $0x1  }
0xc7: {  	v61 =	vld [tilespmem:s23+$0xCAD0];
	[tilespmem:s23+$0xCAC0] =	vst v0  }
0xc8: {  	v0 =	vld [tilespmem:$0xF2D0];
	_ =	sdelay $0x4  }
0xc9: {  	v0 =	vmul.f32 v0, v61;
	_ =	sdelay $0x1  }
0xca: {  	v62 =	vld [tilespmem:s23+$0xCAE0];
	[tilespmem:s23+$0xCAD0] =	vst v0  }
0xcb: {  	v0 =	vld [tilespmem:$0xF2E0];
	_ =	sdelay $0x4  }
0xcc: {  	v0 =	vmul.f32 v0, v62;
	_ =	sdelay $0x1  }
0xcd: {  	v63 =	vld [tilespmem:s23+$0xCAF0];
	[tilespmem:s23+$0xCAE0] =	vst v0  }
0xce: {  	v0 =	vld [tilespmem:$0xF2F0];
	_ =	sdelay $0x4  }
0xcf: {  	s21 =	sadd.s32 $0x1, s21;
	v0 =	vmul.f32 v0, v63  }
0xd0: {  	p2 =	sne.s32 s21, s11  }
.Ltmp3:
0xd1: {  	[tilespmem:s23+$0xCAF0] =	vst v0;
	(pc) =	sbr.rel @p2 .LBB2_1-.Ltmp3, $4  }
0xd2: {  	[hbm4b:s10+s2] =	stream.linear.scatter [tilespmem:s19], [sflag:$0x1], $0x2780, $0x38;
	[tilespmem:$0xF580] =	vst v63  }
0xd3: {  	_ =	swait.ge [sflag:s14], $0x2780  }
0xd4: {  	[sflag:s14] =	ssyncset.done $0x0  }
0xd5: {  	[sflag:s14] =	ssyncadd.s32 $0xFFFFD880  }
0xd6: {  	_ =	sfence.sel $0x180000  }
0xd7: {  	[bflag:$0x0] =	sbarrier.arrive $0xFFFF  }
0xd8: {  	_ =	strace $0x90000047  }
0xd9: {  	s0 =	sadd.s32 @!p0 $0x100000, s0;
	[bflag:$0x2] =	sbarrier.arrive $0xFFFF  }
0xda: {  	[sflag:s0] =	ssyncadd.tile.s32 @!p0 $0x1;
	_ =	shalt  }
.Lfunc_end2:
_tile_overlayer_lowered:
.L_overlay_start_2:
0xdb: {  	(tag) =	ssettag $0x2  }
0xdc: {  	s0 =	rddreg [dreg:$0x0];
	s2 =	stileid.u32  }
0xdd: {  	s1 =	rddreg [dreg:$0x1];
	p0 =	sne.s32 s2, $0x0  }
0xde: {  	s3 =	rddreg [dreg:$0x2];
	[bflag:$0x3] =	sbarrier.arrive $0xFFFF;
	s2 =	simm.s32 @!p0 $0x1C01  }
0xdf: {  	[timem:s3], [sflag:s2] =	dma.local @!p0 [hbm:s0], s1  }
0xe0: {  	s0 =	simm.s32 @!p0 $0x1  }
0xe1: {  	_ =	swait.ge @!p0 [sflag:s0], s1  }
0xe2: {  	s1 =	ssub.s32 @!p0 $0x0, s1;
	[sflag:s0] =	ssyncset.done @!p0 $0x0  }
0xe3: {  	[sflag:s0] =	ssyncadd.s32 @!p0 s1  }
0xe4: {  	[bflag:$0x3] =	sbarrier.arrive $0xFFFF  }
0xe5: {  	_ =	shalt  }

// kernel: kernel.8.cloned.1.call-start
scs
__scs_entry_jumppad:
0x0: {  	(pc) =	sbr.rel $0x88, $3  }
0x1: {  	(tag) =	ssettag $0x0;
	lr =	simm.s32 $0x1  }
0x2: {  	[smem:$0x3F86] =	sst lr;
	_ =	strace $0xD0000000  }
0x3: {  	_ = 	snop  }
0x4: {  	_ = 	snop  }
0x5: {  	_ = 	snop  }
0x6: {  	_ = 	snop  }
0x7: {  	_ = 	snop  }
__scs_overlays_trampoline_lowered:
0x8: {  	[smem:$0x3F95] =	sst s0  }
0x9: {  	[smem:$0x3F96] =	sst s1  }
0xa: {  	[smem:$0x3F97] =	sst s2  }
0xb: {  	[smem:$0x3F98] =	sst s3  }
0xc: {  	[smem:$0x3F99] =	sst s4  }
0xd: {  	[smem:$0x3F9A] =	sst s5  }
0xe: {  	[smem:$0x3F9B] =	sst s6  }
0xf: {  	[smem:$0x3F9C] =	sst s7  }
0x10: {  	[smem:$0x3F9D] =	sst s8  }
0x11: {  	[smem:$0x3F9E] =	sst s9;
	s0 =	simm.s32 @!p0 $0x0  }
0x12: {  	s1 =	sld [smem:$0x3F84];
	s0 =	simm.s32 @p0 $0x1  }
0x13: {  	[smem:$0x3F9F] =	sst s0;
	s0 =	simm.s32 @!p1 $0x0  }
0x14: {  	s2 =	sld [smem:$0x3F83];
	s0 =	simm.s32 @p1 $0x1  }
0x15: {  	[smem:$0x3FA0] =	sst s0;
	s0 =	simm.s32 @!p2 $0x0  }
0x16: {  	s3 =	sld [smem:$0x3FDB];
	s0 =	simm.s32 @p2 $0x1  }
0x17: {  	s4 =	simm.s32 $0x1BF5;
	[smem:$0x3FA2] =	sst s0  }
0x18: {  	s0 =	sld [smem:$0x3F85];
	_ =	swait.ge [sflag:s4], $0x0  }
0x19: {  	s7 =	sld [smem:$0x3F86]  }
0x1a: {  	s8 =	sadd.s32 $0xFFFFE003, lr  }
0x1b: {  	s9 =	sadd.s32 $0xFFFFFEF7, lr;
	s5 =	simm.s32 $0xFFFFFFFF;
	p2 =	slt.u32 s8, $0xFFFFF086  }
0x1c: {  	p1 =	slt.u32 s9, $0xF7A;
	s5 =	simm.s32 @!p2 $0x0  }
0x1d: {  	s5 =	simm.s32 @p1 $0x1;
	p0 =	seq.s32 s7, s2  }
0x1e: {  	s7 =	smul.u32 @!p0 $0xF7A, s2;
	p2 =	seq.s32 @!p0 s5, $0x0  }
0x1f: {  	s9 =	smul.u32 $0xF7A, s1;
	s8 =	simm.s32 @!p0 $0x1BF5;
	p2 =	por !p2, p0  }
0x20: {  	[sflag:s8] =	ssyncset.s32 @!p0 $0xFFFFF086;
	s6 =	sadd.s32 @!p0 s3, s7;
	s7 =	simm.s32 @!p0 $0x108  }
0x21: {  	s3 =	sadd.s32 s3, s9;
	s6 =	sadd.s32 @!p0 $0x88, s6;
	s7 =	simm.s32 @p2 $0x1082  }
0x22: {  	[simem:s7], [sflag:s8] =	dma.local @!p0 [hbm:s6], $0xF7A  }
0x23: {  	s9 =	sor.u32 $0xD0000000, s2;
	s6 =	simm.s32 $0x108;
	_ =	swait.ge @!p0 [sflag:s8], $0x0  }
0x24: {  	s3 =	sadd.s32 $0x88, s3;
	s6 =	simm.s32 @!p1 $0x1082;
	[sflag:s4] =	ssyncset.s32 $0xFFFFF086  }
0x25: {  	[simem:s6], [sflag:s4] =	dma.local [hbm:s3], $0xF7A  }
0x26: {  	[smem:$0x3F86] =	sst s1;
	(tag) =	ssettag s2;
	_ =	strace s9  }
0x27: {  	s1 =	sld [smem:$0x3F96]  }
0x28: {  	s2 =	sld [smem:$0x3F97]  }
0x29: {  	s4 =	sld [smem:$0x3F99]  }
0x2a: {  	p0 =	seq.s32 s5, $0x0;
	s5 =	sld [smem:$0x3F9A]  }
0x2b: {  	s6 =	sld [smem:$0x3F9B]  }
0x2c: {  	s7 =	sld [smem:$0x3F9C]  }
0x2d: {  	s3 =	simm.s32 $0x108;
	s8 =	sld [smem:$0x3F9D]  }
0x2e: {  	s3 =	simm.s32 @!p0 $0x1082;
	s9 =	sld [smem:$0x3F9E]  }
0x2f: {  	lr =	sadd.s32 s0, s3;
	s0 =	sld [smem:$0x3F95]  }
0x30: {  	s3 =	sld [smem:$0x3F98]  }
0x31: {  	[smem:$0x3FA1] =	sst s10  }
0x32: {  	s10 =	sld [smem:$0x3F9F];
	_ =	sdelay $0x3  }
0x33: {  	p0 =	seq.s32 s10, $0x1;
	s10 =	sld [smem:$0x3FA1];
	_ =	sdelay $0x3  }
0x34: {  	[smem:$0x3FA1] =	sst s10  }
0x35: {  	s10 =	sld [smem:$0x3FA0];
	_ =	sdelay $0x3  }
0x36: {  	p1 =	seq.s32 s10, $0x1;
	s10 =	sld [smem:$0x3FA1];
	_ =	sdelay $0x3  }
0x37: {  	[smem:$0x3FA1] =	sst s10  }
0x38: {  	s10 =	sld [smem:$0x3FA2]  }
0x39: {  	_ = 	snop;
	(pc) =	sbr.ind lr, $3  }
0x3a: {  	_ = 	snop  }
0x3b: {  	_ = 	snop  }
0x3c: {  	p2 =	seq.s32 s10, $0x1;
	s10 =	sld [smem:$0x3FA1]  }
0x3d: {  	_ =	shalt  }
0x3e: {  	_ =	shalt  }
0x3f: {  	_ =	shalt  }
0x40: {  	_ =	shalt  }
0x41: {  	_ =	shalt  }
0x42: {  	_ =	shalt  }
0x43: {  	_ =	shalt  }
0x44: {  	_ =	shalt  }
0x45: {  	_ =	shalt  }
0x46: {  	_ =	shalt  }
0x47: {  	_ =	shalt  }
0x48: {  	_ =	shalt  }
0x49: {  	_ =	shalt  }
0x4a: {  	_ =	shalt  }
0x4b: {  	_ =	shalt  }
0x4c: {  	_ =	shalt  }
0x4d: {  	_ =	shalt  }
0x4e: {  	_ =	shalt  }
0x4f: {  	_ =	shalt  }
0x50: {  	_ =	shalt  }
0x51: {  	_ =	shalt  }
0x52: {  	_ =	shalt  }
0x53: {  	_ =	shalt  }
0x54: {  	_ =	shalt  }
0x55: {  	_ =	shalt  }
0x56: {  	_ =	shalt  }
0x57: {  	_ =	shalt  }
0x58: {  	_ =	shalt  }
0x59: {  	_ =	shalt  }
0x5a: {  	_ =	shalt  }
0x5b: {  	_ =	shalt  }
0x5c: {  	_ =	shalt  }
0x5d: {  	_ =	shalt  }
0x5e: {  	_ =	shalt  }
0x5f: {  	_ =	shalt  }
0x60: {  	_ =	shalt  }
0x61: {  	_ =	shalt  }
0x62: {  	_ =	shalt  }
0x63: {  	_ =	shalt  }
0x64: {  	_ =	shalt  }
0x65: {  	_ =	shalt  }
0x66: {  	_ =	shalt  }
0x67: {  	_ =	shalt  }
0x68: {  	_ =	shalt  }
0x69: {  	_ =	shalt  }
0x6a: {  	_ =	shalt  }
0x6b: {  	_ =	shalt  }
0x6c: {  	_ =	shalt  }
0x6d: {  	_ =	shalt  }
0x6e: {  	_ =	shalt  }
0x6f: {  	_ =	shalt  }
0x70: {  	_ =	shalt  }
0x71: {  	_ =	shalt  }
0x72: {  	_ =	shalt  }
0x73: {  	_ =	shalt  }
0x74: {  	_ =	shalt  }
0x75: {  	_ =	shalt  }
0x76: {  	_ =	shalt  }
0x77: {  	_ =	shalt  }
0x78: {  	_ =	shalt  }
0x79: {  	_ =	shalt  }
0x7a: {  	_ =	shalt  }
0x7b: {  	_ =	shalt  }
0x7c: {  	_ =	shalt  }
0x7d: {  	_ =	shalt  }
0x7e: {  	_ =	shalt  }
0x7f: {  	_ =	shalt  }
0x80: {  	_ =	shalt  }
0x81: {  	_ =	shalt  }
0x82: {  	_ =	shalt  }
0x83: {  	_ =	shalt  }
0x84: {  	_ =	shalt  }
0x85: {  	_ =	shalt  }
0x86: {  	_ =	shalt  }
0x87: {  	_ =	shalt  }
.Lfunc_end0:
.L_simem_size_0:
called_computation.1_lowered:
.L_overlay_start_0:
0x88: {  	s2 =	sld [smem:$0x3FD9]  }
0x89: {  	s3 =	sld [smem:$0x3FFE];
	_ =	sdelay $0x1  }
0x8a: {  	s1 =	srdreg.scid  }
0x8b: {  	s0 =	sand.u32 $0x1, s1  }
0x8c: {  	s14 =	sshll.u32 s0, $0xA;
	s2 =	sadd.s32 s3, s2  }
0x8d: {  	s2 =	sadd.s32 s2, s14  }
0x8e: {  	[smem:$0x3FAD] =	sst s2  }
0x8f: {  	_ = 	snop  }
0x90: {  	s2 =	sld [smem:$0x3FD0];
	_ =	sdelay $0x2  }
0x91: {  	s15 =	simm.s32 $0xA;
	s4 =	simm.s32 $0x10  }
0x92: {  	[smem:s4], [sflag:s15] =	dma.local [hbm:s2], $0x1  }
0x93: {  	_ =	swait.eq [sflag:s15], $0x1  }
0x94: {  	[sflag:s15] =	ssyncset.done $0x0  }
0x95: {  	s16 =	sld [smem:$0x11];
	[sflag:s15] =	ssyncadd.s32 $0xFFFFFFFF  }
0x96: {  	s17 =	sld [smem:$0x12];
	(tm) =	ssettm $0x1  }
0x97: {  	s18 =	sld [smem:$0x3FFB];
	_ =	sdelay $0x3  }
0x98: {  	_ =	strace s18  }
0x99: {  	s4 =	sld [smem:$0x3FFC];
	_ =	sdelay $0x3  }
0x9a: {  	_ =	strace s4  }
0x9b: {  	s4 =	sld [smem:$0x3FFD];
	_ =	sdelay $0x3  }
0x9c: {  	_ =	strace s4  }
0x9d: {  	_ =	strace $0x8FFFFFFF  }
0x9e: {  	s19 =	sld [smem:$0x3FDB];
	_ =	sdelay $0x1  }
0x9f: {  	s5 =	simm.s32 $_scs_section_size  }
0xa0: {  	s6 =	simm.s32 $_size__tile_overlayer_lowered;
	s7 =	simm.s32 $_tile_overlayer_lowered  }
0xa1: {  	s22 =	simm.s32 $0x1BFF;
	s21 =	sshll.u32 s7, $0x1;
	s4 =	sadd.s32 s5, s19  }
0xa2: {  	s8 =	simm.s32 $0x0;
	s20 =	sshll.u32 s6, $0x1;
	s6 =	sadd.s32 s21, s4  }
0xa3: {  	[timem:s8], [sflag:s22] =	dma.local [hbm:s6], s20  }
0xa4: {  	_ =	swait.ge [sflag:s22], s20  }
0xa5: {  	s5 =	ssub.s32 $0x0, s20;
	[sflag:s22] =	ssyncset.done $0x0  }
0xa6: {  	[sflag:s22] =	ssyncadd.s32 s5;
	_ =	sdelay $0x1  }
0xa7: {  	s23 =	simm.s32 $0x1B8B  }
0xa8: {  	_ =	swait.ge [sflag:s23], $0x1  }
0xa9: {  	[sflag:s23] =	ssyncset.done $0x0  }
0xaa: {  	s25 =	simm.s32 $0x1B8E;
	s24 =	sld [smem:$0x3FFE];
	[sflag:s23] =	ssyncadd.s32 $0xFFFFFFFF  }
0xab: {  	s26 =	simm.s32 $execute0_lowered;
	[smem:$0x3FD2] =	sst s25  }
0xac: {  	s6 =	sshll.u32 s26, $0x1;
	_ =	strace $0x80000049;
	[dreg:$0x1] =	wrdreg $0xFFFFFFFF  }
0xad: {  	s28 =	simm.s32 $_size_execute0_lowered;
	s4 =	sadd.s32 s4, s6;
	[dreg:$0x0] =	wrdreg $0x0  }
0xae: {  	s6 =	sshll.u32 s28, $0x1;
	[dreg:$0x2] =	wrdreg s4  }
0xaf: {  	[dreg:$0x3] =	wrdreg s6  }
0xb0: {  	[dreg:$0x4] =	wrdreg $0xC0  }
0xb1: {  	_ =	task [dreg:s8], $0x5FFFF  }
0xb2: {  	[dreg:$0x1] =	wrdreg $0xFFFFFFFF  }
0xb3: {  	[dreg:$0x0] =	wrdreg $0x60  }
0xb4: {  	[dreg:$0x2] =	wrdreg s24  }
0xb5: {  	[dreg:$0x3] =	wrdreg s17  }
0xb6: {  	[dreg:$0x4] =	wrdreg s16  }
0xb7: {  	[dreg:$0x5] =	wrdreg $0x0  }
0xb8: {  	[dreg:$0x6] =	wrdreg $0x9  }
0xb9: {  	_ =	task.clear_ibuf [dreg:s8], $0x7FFFF;
	_ =	strace $0x90000049  }
0xba: {  	s29 =	simm.s32 $0x9;
	_ =	strace $0x8000004B  }
0xbb: {  	_ =	swait.ge [sflag:s29], $0x1  }
0xbc: {  	[sflag:s29] =	ssyncadd.s32 $0xFFFFFFFF  }
0xbd: {  	_ =	strace $0x9000004B  }
0xbe: {  	_ =	sfence  }
0xbf: {  	s30 =	sld [smem:$0x0];
	_ =	sdelay $0x2  }
0xc0: {  	s31 =	sshll.u32 s1, $0xD;
	s1 =	sshrl.u32 s1, $0x2  }
0xc1: {  	s3 =	sand.u32 $0x4000, s31;
	s1 =	sadd.s32 s1, s30  }
0xc2: {  	s0 =	sor.u32 s3, s0;
	s1 =	sshll.u32 s1, $0x11  }
0xc3: {  	s0 =	sor.u32 s1, s0  }
0xc4: {  	s0 =	sadd.s32 $0x8F2B, s0  }
0xc5: {  	[sflag:s0] =	ssyncadd.remote.s32 $0x1  }
0xc6: {  	_ =	sfence.sel $0xFFFF  }
0xc7: {  	[dreg:$0x0] =	wrdreg $0xFFFFFFFF;
	(pc) =	sbr.abs _section_cstart, $3  }
0xc8: {  	[dreg:$0x1] =	wrdreg $0xFFFFFFFF  }
0xc9: {  	_ =	task.clear_ibuf [dreg:s8], $0x2FFFF;
	_ =	strace $0x9FFFFFFF  }
0xca: {  	(tm) =	ssettm $0x7FFFFFFF  }
0xcb: {  	_ =	shalt  }
tec
execute0_lowered:
.L_overlay_start_1:
0x0: {  	(tag) =	ssettag $0x1  }
0x1: {  	s0 =	rddreg [dreg:$0x0];
	s1 =	srdreg.scid  }
0x2: {  	s19 =	stileid.u32;
	s9 =	rddreg [dreg:$0x1]  }
0x3: {  	s10 =	rddreg [dreg:$0x2];
	s18 =	simm.s32 $0x16800;
	s21 =	simm.s32 $0x80  }
0x4: {  	s22 =	simm.s32 $0x19080;
	s23 =	simm.s32 $0x1;
	s24 =	simm.s32 $0x2  }
0x5: {  	s25 =	simm.s32 $0x19000;
	s28 =	simm.s32 $0x0;
	s4 =	smul.u32 $0x280, s19  }
0x6: {  	s1 =	sand.u32 $0x1, s1;
	s2 =	sshll.u32 s19, $0x1;
	s8 =	smul.u32 $0x14000, s19  }
0x7: {  	s5 =	sadd.s32 $0x24000, s0;
	s7 =	sadd.s32 $0x4C000, s0;
	s15 =	smul.u32 $0x50000, s19  }
0x8: {  	s31 =	sshll.u32 s19, $0x6;
	s3 =	sor.u32 s1, s2;
	s2 =	rddreg [dreg:$0x3]  }
0x9: {  	s6 =	smul.u32 $0x140000, s1;
	s1 =	ssub.s32 $0x2, s1;
	s19 =	sor.u32 $0x1C03, s31  }
0xa: {  	s11 =	smul.u32 $0x500, s3;
	s3 =	simm.s32 $0x0;
	s12 =	sshrl.u32 s4, $0x3  }
0xb: {  	s26 =	sshrl.u32 s8, $0x3;
	s17 =	sshrl.u32 s1, $0x1;
	s30 =	sshrl.u32 s15, $0x2  }
0xc: {  	[smem:$0x7FF] =	sst s3;
	s14 =	sadd.s32 s12, s0;
	s8 =	sadd.s32 s8, s6  }
0xd: {  	s12 =	sadd.s32 s26, s0;
	s29 =	ssub.s32 s1, s17;
	s1 =	sadd.s32 s30, s2  }
0xe: {  	s17 =	simm.s32 $0x3;
	s26 =	simm.s32 $0x1D080;
	_ =	strace $0x8000004A  }
0xf: {  	s13 =	sadd.s32 s11, s0;
	s8 =	sshrl.u32 s8, $0x3;
	s9 =	sadd.s32 s9, s11  }
0x10: {  	s10 =	sadd.s32 s10, s11;
	s11 =	sadd.s32 $0x74000, s12;
	s14 =	sadd.s32 $0x19A00, s14  }
0x11: {  	s15 =	smax.u32 s29, $0x1;
	s20 =	sshrl.u32 s1, $0x3;
	s16 =	sadd.s32 s8, s0  }
0x12: {  	s8 =	sadd.s32 $0xEC000, s0;
	s13 =	sadd.s32 $0x1A000, s13;
	s12 =	sadd.s32 $0x9C000, s16  }
.LBB2_1:
0x13: {  	s0 =	simm.s32 $0x14000  }
0x14: {  	[tilespmem:s0], [sflag:$0x3] =	stream.linear.gather [hbm4b:s9+s3], $0x2780, $0x38;
	[tilespmem:$0x1D300] =	vst v63  }
0x15: {  	_ =	swait.ge [sflag:s17], $0x2780  }
0x16: {  	[sflag:s17] =	ssyncset.done $0x0  }
0x17: {  	[sflag:s17] =	ssyncadd.s32 $0xFFFFD880  }
0x18: {  	[tilespmem:s18], [sflag:$0x3] =	stream.linear.gather [hbm4b:s10+s3], $0x2780, $0x38;
	[tilespmem:$0x1D300] =	vst v63  }
0x19: {  	_ =	swait.ge [sflag:s17], $0x2780  }
0x1a: {  	[sflag:s17] =	ssyncset.done $0x0  }
0x1b: {  	[sflag:s17] =	ssyncadd.s32 $0xFFFFD880  }
0x1c: {  	[spmem:s20], [sflag:s19] =	dma.local [hbm:s11], $0x2800  }
0x1d: {  	_ =	swait.ge [sflag:s17], $0x2800  }
0x1e: {  	[sflag:s17] =	ssyncset.done $0x0  }
0x1f: {  	[sflag:s17] =	ssyncadd.s32 $0xFFFFD800  }
0x20: {  	s31 =	simm.s32 $0x16800;
	[bflag:$0x0] =	sbarrier.arrive $0xFFFF  }
0x21: {  	[tilespmem:s22], [sflag:$0x1] =	stream.indirect.gather [hbm4b:s5+s21], $0x80, s31, s21, $0xb8;
	[tilespmem:$0x1D300] =	vst v63  }
0x22: {  	_ =	swait.ge [sflag:s23], $0x4000  }
0x23: {  	[sflag:s23] =	ssyncset.done $0x0  }
0x24: {  	s1 =	simm.s32 $0x14000;
	[sflag:s23] =	ssyncadd.s32 $0xFFFFC000  }
0x25: {  	[spmem:s2] =	stream.indirect.scatter.add.f32 [tilespmem:s22], [sflag:$0x3], $0x80, s1, s21, $0xb8;
	[tilespmem:$0x1D300] =	vst v63  }
0x26: {  	_ =	swait.ge [sflag:s17], $0x4000  }
0x27: {  	[sflag:s17] =	ssyncset.done $0x0  }
0x28: {  	[sflag:s17] =	ssyncadd.s32 $0xFFFFC000  }
0x29: {  	[tilespmem:s22], [sflag:$0x2] =	stream.indirect.gather [hbm4b:s5+s21], $0x80, s1, s21, $0xb8;
	[tilespmem:$0x1D300] =	vst v63  }
0x2a: {  	_ =	swait.ge [sflag:s24], $0x4000  }
0x2b: {  	[sflag:s24] =	ssyncset.done $0x0  }
0x2c: {  	[sflag:s24] =	ssyncadd.s32 $0xFFFFC000  }
0x2d: {  	[spmem:s2] =	stream.indirect.scatter.add.f32 [tilespmem:s22], [sflag:$0x3], $0x80, s31, s21, $0xb8;
	[tilespmem:$0x1D300] =	vst v63  }
0x2e: {  	_ =	swait.ge [sflag:s17], $0x4000  }
0x2f: {  	s0 =	simm.s32 $0x80;
	s1 =	simm.s32 $0x400;
	[sflag:s17] =	ssyncset.done $0x0  }
.LBB2_2:
0x30: {  	s29 =	sadd.s32 $0x16800, s0  }
0x31: {  	[sflag:s17] =	ssyncadd.s32 $0xFFFFC000;
	s30 =	smov.u32 s1;
	s31 =	sadd.s32 $0x200, s1  }
0x32: {  	[tilespmem:s22], [sflag:$0x1] =	stream.indirect.gather [hbm4b:s5+s21], $0x80, s29, s21, $0xb8;
	[tilespmem:$0x1D300] =	vst v63  }
0x33: {  	p0 =	sne.s32 s1, $0x9C00;
	_ =	swait.ge [sflag:s23], $0x4000  }
0x34: {  	[sflag:s23] =	ssyncset.done $0x0  }
0x35: {  	s0 =	sadd.s32 $0x14000, s0;
	[sflag:s23] =	ssyncadd.s32 $0xFFFFC000  }
0x36: {  	[spmem:s2] =	stream.indirect.scatter.add.f32 [tilespmem:s22], [sflag:$0x3], $0x80, s0, s21, $0xb8;
	[tilespmem:$0x1D300] =	vst v63  }
0x37: {  	_ =	swait.ge [sflag:s17], $0x4000  }
0x38: {  	[sflag:s17] =	ssyncset.done $0x0  }
0x39: {  	[sflag:s17] =	ssyncadd.s32 $0xFFFFC000  }
0x3a: {  	[tilespmem:s22], [sflag:$0x2] =	stream.indirect.gather [hbm4b:s5+s21], $0x80, s0, s21, $0xb8;
	[tilespmem:$0x1D300] =	vst v63  }
0x3b: {  	_ =	swait.ge [sflag:s24], $0x4000  }
.Ltmp0:
0x3c: {  	[sflag:s24] =	ssyncset.done $0x0;
	(pc) =	sbr.rel @p0 .LBB2_2-.Ltmp0, $4  }
0x3d: {  	[sflag:s24] =	ssyncadd.s32 $0xFFFFC000  }
0x3e: {  	[spmem:s2] =	stream.indirect.scatter.add.f32 [tilespmem:s22], [sflag:$0x3], $0x80, s29, s21, $0xb8;
	[tilespmem:$0x1D300] =	vst v63  }
0x3f: {  	_ =	swait.ge [sflag:s17], $0x4000  }
0x40: {  	s1 =	smov.u32 s31;
	s0 =	sshra.s32 s30, $0x2;
	[sflag:s17] =	ssyncset.done $0x0  }
0x41: {  	s1 =	sadd.s32 $0x16800, s0;
	[sflag:s17] =	ssyncadd.s32 $0xFFFFC000  }
0x42: {  	[tilespmem:s22], [sflag:$0x1] =	stream.indirect.gather [hbm4b:s5+s21], $0x80, s1, s21, $0xb8;
	[tilespmem:$0x1D300] =	vst v63  }
0x43: {  	_ =	swait.ge [sflag:s23], $0x4000  }
0x44: {  	[sflag:s23] =	ssyncset.done $0x0  }
0x45: {  	s31 =	sadd.s32 $0x14000, s0;
	[sflag:s23] =	ssyncadd.s32 $0xFFFFC000  }
0x46: {  	[spmem:s2] =	stream.indirect.scatter.add.f32 [tilespmem:s22], [sflag:$0x3], $0x80, s31, s21, $0xb8;
	[tilespmem:$0x1D300] =	vst v63  }
0x47: {  	_ =	swait.ge [sflag:s17], $0x4000  }
0x48: {  	[sflag:s17] =	ssyncset.done $0x0  }
0x49: {  	[sflag:s17] =	ssyncadd.s32 $0xFFFFC000  }
0x4a: {  	[tilespmem:s22], [sflag:$0x2] =	stream.indirect.gather [hbm4b:s5+s21], $0x80, s31, s21, $0xb8;
	[tilespmem:$0x1D300] =	vst v63  }
0x4b: {  	_ =	swait.ge [sflag:s24], $0x4000  }
0x4c: {  	[sflag:s24] =	ssyncset.done $0x0  }
0x4d: {  	[sflag:s24] =	ssyncadd.s32 $0xFFFFC000  }
0x4e: {  	[spmem:s2] =	stream.indirect.scatter.add.f32 [tilespmem:s22], [sflag:$0x3], $0x80, s1, s21, $0xb8;
	[tilespmem:$0x1D300] =	vst v63  }
0x4f: {  	_ =	swait.ge [sflag:s17], $0x4000  }
0x50: {  	[sflag:s17] =	ssyncset.done $0x0  }
0x51: {  	[sflag:s17] =	ssyncadd.s32 $0xFFFFC000  }
0x52: {  	[bflag:$0x0] =	sbarrier.arrive $0xFFFF  }
0x53: {  	[hbm:s12], [sflag:s19] =	dma.local [spmem:s20], $0x2800  }
0x54: {  	_ =	swait.ge [sflag:s17], $0x2800  }
0x55: {  	[sflag:s17] =	ssyncset.done $0x0  }
0x56: {  	[sflag:s17] =	ssyncadd.s32 $0xFFFFD800  }
0x57: {  	[bflag:$0x0] =	sbarrier.arrive $0xFFFF  }
0x58: {  	[spmem:s20], [sflag:s19] =	dma.local [hbm:s11], $0x2800  }
0x59: {  	_ =	swait.ge [sflag:s17], $0x2800  }
0x5a: {  	[sflag:s17] =	ssyncset.done $0x0  }
0x5b: {  	[sflag:s17] =	ssyncadd.s32 $0xFFFFD800  }
0x5c: {  	s29 =	simm.s32 $0x0;
	s30 =	simm.s32 $0x0;
	[bflag:$0x0] =	sbarrier.arrive $0xFFFF  }
.LBB2_4:
0x5d: {  	s0 =	sshll.u32 s30, $0x4  }
0x5e: {  	s0 =	sadd.s32 s0, s13  }
0x5f: {  	[tilespmem:s25], [sflag:$0x3] =	stream.linear.gather [hbm4b:s0+s29], $0x80, $0x38;
	[tilespmem:$0x1D300] =	vst v63  }
0x60: {  	_ =	swait.ge [sflag:s17], $0x80  }
0x61: {  	s1 =	sshll.u32 s30, $0x7;
	[sflag:s17] =	ssyncset.done $0x0  }
0x62: {  	s16 =	sadd.s32 $0x14000, s1;
	[sflag:s17] =	ssyncadd.s32 $0xFFFFFF80  }
0x63: {  	[tilespmem:s22], [sflag:$0x1] =	stream.indirect.gather [hbm4b:s7+s21], $0x80, s16, s21, $0xb8;
	[tilespmem:$0x1D300] =	vst v63  }
0x64: {  	_ =	swait.ge [sflag:s23], $0x4000  }
0x65: {  	[sflag:s23] =	ssyncset.done $0x0  }
0x66: {  	s31 =	simm.s32 $0x0;
	[sflag:s23] =	ssyncadd.s32 $0xFFFFC000  }
.LBB2_5:
0x67: {  	s0 =	sshll.u32 s31, $0x4  }
0x68: {  	s0 =	sand.u32 $0x3FFFFFF0, s0  }
0x69: {  	s16 =	sshll.u32 s31, $0xB;
	v0 =	vld [tilespmem:s0+$0x19000]  }
0x6a: {  	s0 =	sand.u32 $0x3FFFF800, s16  }
0x6b: {  	v1 =	vld [tilespmem:s0+$0x19080]  }
0x6c: {  	v2 =	vld [tilespmem:s0+$0x19090]  }
0x6d: {  	v3 =	vld [tilespmem:s0+$0x190A0]  }
0x6e: {  	v5 =	vld [tilespmem:s0+$0x190B0];
	v4 =	vbroadcast v0, $0x0  }
0x6f: {  	v6 =	vld [tilespmem:s0+$0x190C0]  }
0x70: {  	v7 =	vld [tilespmem:s0+$0x190D0];
	v1 =	vmul.f32 v4, v1  }
0x71: {  	v8 =	vld [tilespmem:s0+$0x190E0];
	v2 =	vmul.f32 v2, v4  }
0x72: {  	v14 =	vld [tilespmem:s0+$0x190F0];
	v13 =	vmul.f32 v3, v4;
	[tilespmem:s0+$0x19080] =	vst v1  }
0x73: {  	v16 =	vld [tilespmem:s0+$0x19100];
	v15 =	vmul.f32 v5, v4;
	[tilespmem:s0+$0x19090] =	vst v2  }
0x74: {  	v18 =	vld [tilespmem:s0+$0x19110];
	v17 =	vmul.f32 v6, v4;
	[tilespmem:s0+$0x190A0] =	vst v13  }
0x75: {  	v20 =	vld [tilespmem:s0+$0x19120];
	v19 =	vmul.f32 v7, v4;
	[tilespmem:s0+$0x190B0] =	vst v15  }
0x76: {  	v9 =	vld [tilespmem:s0+$0x19130];
	v22 =	vbroadcast v0, $0x1;
	v21 =	vmul.f32 v8, v4;
	[tilespmem:s0+$0x190C0] =	vst v17  }
0x77: {  	v24 =	vld [tilespmem:s0+$0x19140];
	v23 =	vmul.f32 v14, v4;
	[tilespmem:s0+$0x190D0] =	vst v19  }
0x78: {  	v26 =	vld [tilespmem:s0+$0x19150];
	v25 =	vmul.f32 v16, v22;
	[tilespmem:s0+$0x190E0] =	vst v21  }
0x79: {  	v28 =	vld [tilespmem:s0+$0x19160];
	v27 =	vmul.f32 v18, v22;
	[tilespmem:s0+$0x190F0] =	vst v23  }
0x7a: {  	v30 =	vld [tilespmem:s0+$0x19170];
	v29 =	vmul.f32 v20, v22;
	[tilespmem:s0+$0x19100] =	vst v25  }
0x7b: {  	v32 =	vld [tilespmem:s0+$0x19180];
	v31 =	vmul.f32 v9, v22;
	[tilespmem:s0+$0x19110] =	vst v27  }
0x7c: {  	v34 =	vld [tilespmem:s0+$0x19190];
	v33 =	vmul.f32 v24, v22;
	[tilespmem:s0+$0x19120] =	vst v29  }
0x7d: {  	v36 =	vld [tilespmem:s0+$0x191A0];
	v35 =	vmul.f32 v26, v22;
	[tilespmem:s0+$0x19130] =	vst v31  }
0x7e: {  	v39 =	vld [tilespmem:s0+$0x191B0];
	v38 =	vbroadcast v0, $0x2;
	v37 =	vmul.f32 v28, v22;
	[tilespmem:s0+$0x19140] =	vst v33  }
0x7f: {  	v41 =	vld [tilespmem:s0+$0x191C0];
	v40 =	vmul.f32 v30, v22;
	[tilespmem:s0+$0x19150] =	vst v35  }
0x80: {  	v43 =	vld [tilespmem:s0+$0x191D0];
	v42 =	vmul.f32 v32, v38;
	[tilespmem:s0+$0x19160] =	vst v37  }
0x81: {  	v45 =	vld [tilespmem:s0+$0x191E0];
	v44 =	vmul.f32 v34, v38;
	[tilespmem:s0+$0x19170] =	vst v40  }
0x82: {  	v47 =	vld [tilespmem:s0+$0x191F0];
	v46 =	vmul.f32 v36, v38;
	[tilespmem:s0+$0x19180] =	vst v42  }
0x83: {  	v49 =	vld [tilespmem:s0+$0x19200];
	v48 =	vmul.f32 v39, v38;
	[tilespmem:s0+$0x19190] =	vst v44  }
0x84: {  	v51 =	vld [tilespmem:s0+$0x19210];
	v50 =	vmul.f32 v41, v38;
	[tilespmem:s0+$0x191A0] =	vst v46  }
0x85: {  	v53 =	vld [tilespmem:s0+$0x19220];
	v52 =	vmul.f32 v43, v38;
	[tilespmem:s0+$0x191B0] =	vst v48  }
0x86: {  	v12 =	vld [tilespmem:s0+$0x19270];
	v55 =	vbroadcast v0, $0x3;
	v54 =	vmul.f32 v45, v38;
	[tilespmem:s0+$0x191C0] =	vst v50  }
0x87: {  	v56 =	vld [tilespmem:s0+$0x19230];
	v57 =	vmul.f32 v47, v38;
	[tilespmem:s0+$0x191D0] =	vst v52  }
0x88: {  	v58 =	vld [tilespmem:s0+$0x19240];
	v59 =	vmul.f32 v49, v55;
	[tilespmem:s0+$0x191E0] =	vst v54  }
0x89: {  	v60 =	vld [tilespmem:s0+$0x19250];
	v61 =	vmul.f32 v51, v55;
	[tilespmem:s0+$0x191F0] =	vst v57  }
0x8a: {  	v62 =	vld [tilespmem:s0+$0x19260];
	v63 =	vmul.f32 v53, v55;
	[tilespmem:s0+$0x19200] =	vst v59  }
0x8b: {  	v14 =	vld [tilespmem:s0+$0x19280];
	v22 =	vmul.f32 v12, v55;
	[tilespmem:s0+$0x19210] =	vst v61  }
0x8c: {  	v16 =	vld [tilespmem:s0+$0x19290];
	v13 =	vmul.f32 v56, v55;
	[tilespmem:s0+$0x19220] =	vst v63  }
0x8d: {  	v18 =	vld [tilespmem:s0+$0x192A0];
	v15 =	vmul.f32 v58, v55;
	[tilespmem:s0+$0x19270] =	vst v22  }
0x8e: {  	v20 =	vbroadcast v0, $0x4;
	v38 =	vld [tilespmem:s0+$0x19330];
	v17 =	vmul.f32 v60, v55;
	[tilespmem:s0+$0x19230] =	vst v13  }
0x8f: {  	v19 =	vmul.f32 v62, v55;
	v21 =	vld [tilespmem:s0+$0x192B0];
	[tilespmem:s0+$0x19240] =	vst v15  }
0x90: {  	v23 =	vld [tilespmem:s0+$0x192C0];
	[tilespmem:s0+$0x19250] =	vst v17;
	v24 =	vmul.f32 v14, v20  }
0x91: {  	v25 =	vld [tilespmem:s0+$0x192D0];
	v37 =	vbroadcast v0, $0x5;
	[tilespmem:s0+$0x19260] =	vst v19;
	v26 =	vmul.f32 v16, v20  }
0x92: {  	v27 =	vld [tilespmem:s0+$0x192E0];
	v28 =	vmul.f32 v18, v20;
	[tilespmem:s0+$0x19280] =	vst v24  }
0x93: {  	v29 =	vld [tilespmem:s0+$0x192F0];
	v47 =	vmul.f32 v38, v37;
	[tilespmem:s0+$0x19290] =	vst v26  }
0x94: {  	v31 =	vld [tilespmem:s0+$0x19300];
	v30 =	vmul.f32 v21, v20;
	[tilespmem:s0+$0x192A0] =	vst v28  }
0x95: {  	v33 =	vld [tilespmem:s0+$0x19310];
	v32 =	vmul.f32 v23, v20;
	[tilespmem:s0+$0x19330] =	vst v47  }
0x96: {  	v35 =	vld [tilespmem:s0+$0x19320];
	v34 =	vmul.f32 v25, v20;
	[tilespmem:s0+$0x192B0] =	vst v30  }
0x97: {  	v40 =	vld [tilespmem:s0+$0x19340];
	v36 =	vmul.f32 v27, v20;
	[tilespmem:s0+$0x192C0] =	vst v32  }
0x98: {  	v42 =	vld [tilespmem:s0+$0x19350];
	v39 =	vmul.f32 v29, v20;
	[tilespmem:s0+$0x192D0] =	vst v34  }
0x99: {  	v44 =	vld [tilespmem:s0+$0x19360];
	v41 =	vmul.f32 v31, v37;
	[tilespmem:s0+$0x192E0] =	vst v36  }
0x9a: {  	v46 =	vld [tilespmem:s0+$0x19370];
	v43 =	vmul.f32 v33, v37;
	[tilespmem:s0+$0x192F0] =	vst v39  }
0x9b: {  	v48 =	vld [tilespmem:s0+$0x19380];
	v45 =	vmul.f32 v35, v37;
	[tilespmem:s0+$0x19300] =	vst v41  }
0x9c: {  	v50 =	vld [tilespmem:s0+$0x19390];
	v49 =	vmul.f32 v40, v37;
	[tilespmem:s0+$0x19310] =	vst v43  }
0x9d: {  	v52 =	vld [tilespmem:s0+$0x193A0];
	v51 =	vmul.f32 v42, v37;
	[tilespmem:s0+$0x19320] =	vst v45  }
0x9e: {  	v54 =	vbroadcast v0, $0x6;
	v55 =	vld [tilespmem:s0+$0x193B0];
	v53 =	vmul.f32 v44, v37;
	[tilespmem:s0+$0x19340] =	vst v49  }
0x9f: {  	v57 =	vld [tilespmem:s0+$0x193C0];
	v56 =	vmul.f32 v46, v37;
	[tilespmem:s0+$0x19350] =	vst v51  }
0xa0: {  	v59 =	vld [tilespmem:s0+$0x193D0];
	v58 =	vmul.f32 v48, v54;
	[tilespmem:s0+$0x19360] =	vst v53  }
0xa1: {  	v61 =	vld [tilespmem:s0+$0x193E0];
	v60 =	vmul.f32 v50, v54;
	[tilespmem:s0+$0x19370] =	vst v56  }
0xa2: {  	v63 =	vld [tilespmem:s0+$0x193F0];
	v62 =	vmul.f32 v52, v54;
	[tilespmem:s0+$0x19380] =	vst v58  }
0xa3: {  	v22 =	vld [tilespmem:s0+$0x19440];
	v12 =	vmul.f32 v55, v54;
	[tilespmem:s0+$0x19390] =	vst v60  }
0xa4: {  	v13 =	vld [tilespmem:s0+$0x19400];
	v14 =	vmul.f32 v57, v54;
	[tilespmem:s0+$0x193A0] =	vst v62  }
0xa5: {  	v15 =	vld [tilespmem:s0+$0x19410];
	v16 =	vmul.f32 v59, v54;
	[tilespmem:s0+$0x193B0] =	vst v12  }
0xa6: {  	v17 =	vld [tilespmem:s0+$0x19420];
	v19 =	vbroadcast v0, $0x7;
	v18 =	vmul.f32 v61, v54;
	[tilespmem:s0+$0x193C0] =	vst v14  }
0xa7: {  	v20 =	vld [tilespmem:s0+$0x19430];
	v21 =	vmul.f32 v63, v54;
	[tilespmem:s0+$0x193D0] =	vst v16  }
0xa8: {  	v24 =	vld [tilespmem:s0+$0x19450];
	v31 =	vmul.f32 v22, v19;
	[tilespmem:s0+$0x193E0] =	vst v18  }
0xa9: {  	v26 =	vld [tilespmem:s0+$0x19460];
	v23 =	vmul.f32 v13, v19;
	[tilespmem:s0+$0x193F0] =	vst v21  }
0xaa: {  	v28 =	vld [tilespmem:s0+$0x19470];
	v25 =	vmul.f32 v15, v19;
	[tilespmem:s0+$0x19440] =	vst v31  }
0xab: {  	v37 =	vld [tilespmem:s0+$0x194B0];
	v27 =	vmul.f32 v17, v19;
	[tilespmem:s0+$0x19400] =	vst v23  }
0xac: {  	v47 =	vld [tilespmem:s0+$0x19500];
	[tilespmem:s0+$0x19410] =	vst v25;
	v29 =	vmul.f32 v20, v19  }
0xad: {  	v54 =	vld [tilespmem:s0+$0x19530];
	[tilespmem:s0+$0x19420] =	vst v27;
	v33 =	vmul.f32 v24, v19  }
0xae: {  	v30 =	vld [tilespmem:s0+$0x19480];
	v36 =	vbroadcast v0, $0x8;
	v35 =	vmul.f32 v26, v19;
	[tilespmem:s0+$0x19430] =	vst v29  }
0xaf: {  	v32 =	vld [tilespmem:s0+$0x19490];
	v53 =	vbroadcast v0, $0x9;
	v38 =	vmul.f32 v28, v19;
	[tilespmem:s0+$0x19450] =	vst v33  }
0xb0: {  	v34 =	vld [tilespmem:s0+$0x194A0];
	v46 =	vmul.f32 v37, v36;
	[tilespmem:s0+$0x19460] =	vst v35  }
0xb1: {  	v39 =	vld [tilespmem:s0+$0x194C0];
	v57 =	vmul.f32 v47, v53;
	[tilespmem:s0+$0x19470] =	vst v38  }
0xb2: {  	v41 =	vld [tilespmem:s0+$0x194D0];
	v63 =	vmul.f32 v54, v53;
	[tilespmem:s0+$0x194B0] =	vst v46  }
0xb3: {  	v43 =	vld [tilespmem:s0+$0x194E0];
	v40 =	vmul.f32 v30, v36;
	[tilespmem:s0+$0x19500] =	vst v57  }
0xb4: {  	v45 =	vld [tilespmem:s0+$0x194F0];
	v42 =	vmul.f32 v32, v36;
	[tilespmem:s0+$0x19530] =	vst v63  }
0xb5: {  	v49 =	vld [tilespmem:s0+$0x19510];
	v44 =	vmul.f32 v34, v36;
	[tilespmem:s0+$0x19480] =	vst v40  }
0xb6: {  	v51 =	vld [tilespmem:s0+$0x19520];
	v48 =	vmul.f32 v39, v36;
	[tilespmem:s0+$0x19490] =	vst v42  }
0xb7: {  	v56 =	vld [tilespmem:s0+$0x19540];
	v50 =	vmul.f32 v41, v36;
	[tilespmem:s0+$0x194A0] =	vst v44  }
0xb8: {  	v58 =	vld [tilespmem:s0+$0x19550];
	v52 =	vmul.f32 v43, v36;
	[tilespmem:s0+$0x194C0] =	vst v48  }
0xb9: {  	v60 =	vld [tilespmem:s0+$0x19560];
	v55 =	vmul.f32 v45, v36;
	[tilespmem:s0+$0x194D0] =	vst v50  }
0xba: {  	v62 =	vld [tilespmem:s0+$0x19570];
	v59 =	vmul.f32 v49, v53;
	[tilespmem:s0+$0x194E0] =	vst v52  }
0xbb: {  	v12 =	vld [tilespmem:s0+$0x19580];
	v61 =	vmul.f32 v51, v53;
	[tilespmem:s0+$0x194F0] =	vst v55  }
0xbc: {  	v14 =	vld [tilespmem:s0+$0x19590];
	v13 =	vmul.f32 v56, v53;
	[tilespmem:s0+$0x19510] =	vst v59  }
0xbd: {  	v16 =	vld [tilespmem:s0+$0x195A0];
	v15 =	vmul.f32 v58, v53;
	[tilespmem:s0+$0x19520] =	vst v61  }
0xbe: {  	v18 =	vbroadcast v0, $0xA;
	v21 =	vld [tilespmem:s0+$0x195C0];
	v17 =	vmul.f32 v60, v53;
	[tilespmem:s0+$0x19540] =	vst v13  }
0xbf: {  	v23 =	vld [tilespmem:s0+$0x195D0];
	v20 =	vmul.f32 v62, v53;
	[tilespmem:s0+$0x19550] =	vst v15  }
0xc0: {  	v25 =	vld [tilespmem:s0+$0x195E0];
	v22 =	vmul.f32 v12, v18;
	[tilespmem:s0+$0x19560] =	vst v17  }
0xc1: {  	v27 =	vld [tilespmem:s0+$0x195F0];
	v24 =	vmul.f32 v14, v18;
	[tilespmem:s0+$0x19570] =	vst v20  }
0xc2: {  	v31 =	vld [tilespmem:s0+$0x19610];
	v26 =	vmul.f32 v16, v18;
	[tilespmem:s0+$0x19580] =	vst v22  }
0xc3: {  	v19 =	vld [tilespmem:s0+$0x195B0];
	v30 =	vmul.f32 v21, v18;
	[tilespmem:s0+$0x19590] =	vst v24  }
0xc4: {  	v29 =	vld [tilespmem:s0+$0x19600];
	[tilespmem:s0+$0x195A0] =	vst v26;
	v32 =	vmul.f32 v23, v18  }
0xc5: {  	v33 =	vld [tilespmem:s0+$0x19620];
	v35 =	vbroadcast v0, $0xB;
	[tilespmem:s0+$0x195C0] =	vst v30;
	v34 =	vmul.f32 v25, v18  }
0xc6: {  	v36 =	vld [tilespmem:s0+$0x19630];
	v37 =	vmul.f32 v27, v18;
	[tilespmem:s0+$0x195D0] =	vst v32  }
0xc7: {  	v38 =	vld [tilespmem:s0+$0x19640];
	v41 =	vmul.f32 v31, v35;
	[tilespmem:s0+$0x195E0] =	vst v34  }
0xc8: {  	v46 =	vld [tilespmem:s0+$0x19680];
	v28 =	vmul.f32 v19, v18;
	[tilespmem:s0+$0x195F0] =	vst v37  }
0xc9: {  	v53 =	vld [tilespmem:s0+$0x196B0];
	[tilespmem:s0+$0x19610] =	vst v41;
	v39 =	vmul.f32 v29, v35  }
0xca: {  	v57 =	vld [tilespmem:s0+$0x196D0];
	[tilespmem:s0+$0x195B0] =	vst v28;
	v43 =	vmul.f32 v33, v35  }
0xcb: {  	v63 =	vld [tilespmem:s0+$0x19700];
	v52 =	vbroadcast v0, $0xC;
	v45 =	vmul.f32 v36, v35;
	[tilespmem:s0+$0x19600] =	vst v39  }
0xcc: {  	v40 =	vld [tilespmem:s0+$0x19650];
	v47 =	vmul.f32 v38, v35;
	[tilespmem:s0+$0x19620] =	vst v43  }
0xcd: {  	v42 =	vld [tilespmem:s0+$0x19660];
	v56 =	vmul.f32 v46, v52;
	[tilespmem:s0+$0x19630] =	vst v45  }
0xce: {  	v44 =	vld [tilespmem:s0+$0x19670];
	v17 =	vbroadcast v0, $0xD;
	v62 =	vmul.f32 v53, v52;
	[tilespmem:s0+$0x19640] =	vst v47  }
0xcf: {  	v48 =	vld [tilespmem:s0+$0x19690];
	v14 =	vmul.f32 v57, v52;
	[tilespmem:s0+$0x19680] =	vst v56  }
0xd0: {  	v50 =	vld [tilespmem:s0+$0x196A0];
	v21 =	vmul.f32 v63, v17;
	[tilespmem:s0+$0x196B0] =	vst v62  }
0xd1: {  	v55 =	vld [tilespmem:s0+$0x196C0];
	v49 =	vmul.f32 v40, v35;
	[tilespmem:s0+$0x196D0] =	vst v14  }
0xd2: {  	v59 =	vld [tilespmem:s0+$0x196E0];
	v51 =	vmul.f32 v42, v35;
	[tilespmem:s0+$0x19700] =	vst v21  }
0xd3: {  	v61 =	vld [tilespmem:s0+$0x196F0];
	v54 =	vmul.f32 v44, v35;
	[tilespmem:s0+$0x19650] =	vst v49  }
0xd4: {  	v13 =	vld [tilespmem:s0+$0x19710];
	v58 =	vmul.f32 v48, v52;
	[tilespmem:s0+$0x19660] =	vst v51  }
0xd5: {  	v15 =	vld [tilespmem:s0+$0x19720];
	v60 =	vmul.f32 v50, v52;
	[tilespmem:s0+$0x19670] =	vst v54  }
0xd6: {  	v20 =	vld [tilespmem:s0+$0x19740];
	v12 =	vmul.f32 v55, v52;
	[tilespmem:s0+$0x19690] =	vst v58  }
0xd7: {  	v22 =	vld [tilespmem:s0+$0x19750];
	v16 =	vmul.f32 v59, v52;
	[tilespmem:s0+$0x196A0] =	vst v60  }
0xd8: {  	v24 =	vld [tilespmem:s0+$0x19760];
	v19 =	vmul.f32 v61, v52;
	[tilespmem:s0+$0x196C0] =	vst v12  }
0xd9: {  	v26 =	vld [tilespmem:s0+$0x19770];
	v23 =	vmul.f32 v13, v17;
	[tilespmem:s0+$0x196E0] =	vst v16  }
0xda: {  	v30 =	vld [tilespmem:s0+$0x19790];
	v25 =	vmul.f32 v15, v17;
	[tilespmem:s0+$0x196F0] =	vst v19  }
0xdb: {  	v18 =	vld [tilespmem:s0+$0x19730];
	v29 =	vmul.f32 v20, v17;
	[tilespmem:s0+$0x19710] =	vst v23  }
0xdc: {  	v32 =	vld [tilespmem:s0+$0x197A0];
	v31 =	vmul.f32 v22, v17;
	[tilespmem:s0+$0x19720] =	vst v25  }
0xdd: {  	v34 =	vbroadcast v0, $0xE;
	v37 =	vld [tilespmem:s0+$0x197C0];
	v33 =	vmul.f32 v24, v17;
	[tilespmem:s0+$0x19740] =	vst v29  }
0xde: {  	v41 =	vld [tilespmem:s0+$0x197E0];
	v36 =	vmul.f32 v26, v17;
	[tilespmem:s0+$0x19750] =	vst v31  }
0xdf: {  	v28 =	vld [tilespmem:s0+$0x19780];
	v40 =	vmul.f32 v30, v34;
	[tilespmem:s0+$0x19760] =	vst v33  }
0xe0: {  	v53 =	vld [tilespmem:s0+$0x19840];
	v27 =	vmul.f32 v18, v17;
	[tilespmem:s0+$0x19770] =	vst v36  }
0xe1: {  	v57 =	vld [tilespmem:s0+$0x19860];
	v42 =	vmul.f32 v32, v34;
	[tilespmem:s0+$0x19790] =	vst v40  }
0xe2: {  	v35 =	vld [tilespmem:s0+$0x197B0];
	v46 =	vmul.f32 v37, v34;
	[tilespmem:s0+$0x19730] =	vst v27  }
0xe3: {  	v0 =	vbroadcast v0, $0xF;
	v39 =	vld [tilespmem:s0+$0x197D0];
	v50 =	vmul.f32 v41, v34;
	[tilespmem:s0+$0x197A0] =	vst v42  }
0xe4: {  	v43 =	vld [tilespmem:s0+$0x197F0];
	v38 =	vmul.f32 v28, v34;
	[tilespmem:s0+$0x197C0] =	vst v46  }
0xe5: {  	v45 =	vld [tilespmem:s0+$0x19800];
	v61 =	vmul.f32 v53, v0;
	[tilespmem:s0+$0x197E0] =	vst v50  }
0xe6: {  	v47 =	vld [tilespmem:s0+$0x19810];
	v63 =	vmul.f32 v57, v0;
	[tilespmem:s0+$0x19780] =	vst v38  }
0xe7: {  	v55 =	vld [tilespmem:s0+$0x19850];
	v44 =	vmul.f32 v35, v34;
	[tilespmem:s0+$0x19840] =	vst v61  }
0xe8: {  	v49 =	vld [tilespmem:s0+$0x19820];
	v48 =	vmul.f32 v39, v34;
	[tilespmem:s0+$0x19860] =	vst v63  }
0xe9: {  	v51 =	vld [tilespmem:s0+$0x19830];
	v52 =	vmul.f32 v43, v34;
	[tilespmem:s0+$0x197B0] =	vst v44  }
0xea: {  	v59 =	vld [tilespmem:s0+$0x19870];
	v54 =	vmul.f32 v45, v0;
	[tilespmem:s0+$0x197D0] =	vst v48  }
0xeb: {  	v56 =	vmul.f32 v47, v0;
	[tilespmem:s0+$0x197F0] =	vst v52  }
0xec: {  	p0 =	sne.s32 s31, $0x7;
	v62 =	vmul.f32 v55, v0;
	[tilespmem:s0+$0x19800] =	vst v54  }
.Ltmp1:
0xed: {  	v58 =	vmul.f32 v49, v0;
	[tilespmem:s0+$0x19810] =	vst v56;
	(pc) =	sbr.rel @p0 .LBB2_5-.Ltmp1, $4  }
0xee: {  	v60 =	vmul.f32 v51, v0;
	[tilespmem:s0+$0x19850] =	vst v62  }
0xef: {  	v0 =	vmul.f32 v59, v0;
	[tilespmem:s0+$0x19820] =	vst v58  }
0xf0: {  	[tilespmem:s0+$0x19830] =	vst v60  }
0xf1: {  	s31 =	sadd.s32 $0x1, s31;
	[tilespmem:s0+$0x19870] =	vst v0  }
0xf2: {  	s30 =	sadd.s32 $0x1, s30  }
0xf3: {  	p0 =	sne.s32 s30, $0x4F  }
.Ltmp2:
0xf4: {  	s0 =	sadd.s32 $0x16800, s1;
	(pc) =	sbr.rel @p0 .LBB2_4-.Ltmp2, $4  }
0xf5: {  	[spmem:s2] =	stream.indirect.scatter.add.f32 [tilespmem:s22], [sflag:$0x3], $0x80, s0, s21, $0xb8;
	[tilespmem:$0x1D300] =	vst v63  }
0xf6: {  	_ =	swait.ge [sflag:s17], $0x4000  }
0xf7: {  	[sflag:s17] =	ssyncset.done $0x0  }
0xf8: {  	[sflag:s17] =	ssyncadd.s32 $0xFFFFC000  }
0xf9: {  	[bflag:$0x0] =	sbarrier.arrive $0xFFFF;
	s29 =	simm.s32 $0x0  }
0xfa: {  	[tilespmem:s26], [sflag:$0x3] =	stream.linear.gather [hbm4b:s14+s29], $0x280, $0x38;
	[tilespmem:$0x1D300] =	vst v63  }
0xfb: {  	_ =	swait.ge [sflag:s17], $0x280  }
0xfc: {  	[sflag:s17] =	ssyncset.done $0x0  }
0xfd: {  	[sflag:s17] =	ssyncadd.s32 $0xFFFFFD80  }
.LBB2_8:
0xfe: {  	s0 =	sshll.u32 s29, $0x7  }
0xff: {  	s1 =	sadd.s32 s4, s0  }
0x100: {  	s30 =	sshll.u32 s1, $0x7  }
0x101: {  	s1 =	sand.u32 $0x3FFFFF80, s30  }
0x102: {  	s0 =	sadd.s32 $0x1D080, s0;
	s1 =	sadd.s32 s1, s2  }
0x103: {  	[tilespmem:s22], [sflag:$0x3] =	stream.linear.gather [spmem:s1], $0x4000, $0x38;
	[tilespmem:$0x1D300] =	vst v63  }
0x104: {  	v0 =	vmov s0;
	_ =	swait.ge [sflag:s17], $0x4000  }
0x105: {  	[sflag:s17] =	ssyncset.done $0x0  }
0x106: {  	s31 =	simm.s32 $0x0;
	[sflag:s17] =	ssyncadd.s32 $0xFFFFC000  }
.LBB2_9:
0x107: {  	s0 =	sshll.u32 s31, $0x4  }
0x108: {  	s0 =	sand.u32 $0x3FFFFFF0, s0  }
0x109: {  	v1 =	vld.idx.msk [tilespmem:v0+s0+$0x0 ss:$0x1], $0xffff;
	_ =	sdelay $0x4  }
0x10a: {  	(v2sf) =	vpush v1, $0x0;
	_ =	sdelay $0x7  }
0x10b: {  	(v2sf) =	vpush v1, $0x1;
	_ =	sdelay $0x1  }
0x10c: {  	s1 =	sshll.u32 s31, $0xB  }
0x10d: {  	s1 =	sand.u32 $0x3FFFF800, s1  }
0x10e: {  	v2 =	vld [tilespmem:s1+$0x19080]  }
0x10f: {  	v3 =	vld [tilespmem:s1+$0x19090]  }
0x110: {  	v4 =	vld [tilespmem:s1+$0x190A0]  }
0x111: {  	v5 =	vld [tilespmem:s1+$0x190B0];
	s16 =	spop (v2sf)  }
0x112: {  	v6 =	vld [tilespmem:s1+$0x190C0];
	(v2sf) =	vpush v1, $0x2;
	s0 =	ssub.f32 $0.0e+00, s16  }
0x113: {  	v7 =	vld [tilespmem:s1+$0x190D0]  }
0x114: {  	v8 =	vld [tilespmem:s1+$0x190E0];
	v2 =	vmul.f32 s0, v2  }
0x115: {  	v52 =	vld [tilespmem:s1+$0x190F0];
	v3 =	vmul.f32 s0, v3  }
0x116: {  	v53 =	vld [tilespmem:s1+$0x19100];
	[tilespmem:s1+$0x19080] =	vst v2;
	v2 =	vmul.f32 s0, v4  }
0x117: {  	v54 =	vld [tilespmem:s1+$0x19110];
	[tilespmem:s1+$0x19090] =	vst v3;
	v3 =	vmul.f32 s0, v5  }
0x118: {  	v55 =	vld [tilespmem:s1+$0x19120];
	[tilespmem:s1+$0x190A0] =	vst v2;
	v2 =	vmul.f32 s0, v6  }
0x119: {  	v56 =	vld [tilespmem:s1+$0x19130];
	s16 =	spop (v2sf);
	[tilespmem:s1+$0x190B0] =	vst v3;
	v3 =	vmul.f32 s0, v7  }
0x11a: {  	v57 =	vld [tilespmem:s1+$0x19140];
	(v2sf) =	vpush v1, $0x3;
	s16 =	ssub.f32 $0.0e+00, s16;
	[tilespmem:s1+$0x190C0] =	vst v2;
	v2 =	vmul.f32 s0, v8  }
0x11b: {  	v58 =	vld [tilespmem:s1+$0x19150];
	[tilespmem:s1+$0x190D0] =	vst v3;
	v3 =	vmul.f32 s0, v52  }
0x11c: {  	v59 =	vld [tilespmem:s1+$0x19160];
	[tilespmem:s1+$0x190E0] =	vst v2;
	v2 =	vmul.f32 s16, v53  }
0x11d: {  	v60 =	vld [tilespmem:s1+$0x19170];
	[tilespmem:s1+$0x190F0] =	vst v3;
	v3 =	vmul.f32 s16, v54  }
0x11e: {  	v61 =	vld [tilespmem:s1+$0x19180];
	[tilespmem:s1+$0x19100] =	vst v2;
	v2 =	vmul.f32 s16, v55  }
0x11f: {  	v62 =	vld [tilespmem:s1+$0x19190];
	[tilespmem:s1+$0x19110] =	vst v3;
	v3 =	vmul.f32 s16, v56  }
0x120: {  	v63 =	vld [tilespmem:s1+$0x191A0];
	[tilespmem:s1+$0x19120] =	vst v2;
	v2 =	vmul.f32 s16, v57  }
0x121: {  	v12 =	vld [tilespmem:s1+$0x191B0];
	[tilespmem:s1+$0x19130] =	vst v3;
	v3 =	vmul.f32 s16, v58;
	s0 =	spop (v2sf)  }
0x122: {  	v13 =	vld [tilespmem:s1+$0x191C0];
	(v2sf) =	vpush v1, $0x4;
	s0 =	ssub.f32 $0.0e+00, s0;
	[tilespmem:s1+$0x19140] =	vst v2;
	v2 =	vmul.f32 s16, v59  }
0x123: {  	v14 =	vld [tilespmem:s1+$0x191D0];
	[tilespmem:s1+$0x19150] =	vst v3;
	v3 =	vmul.f32 s16, v60  }
0x124: {  	v15 =	vld [tilespmem:s1+$0x191E0];
	[tilespmem:s1+$0x19160] =	vst v2;
	v2 =	vmul.f32 s0, v61  }
0x125: {  	v16 =	vld [tilespmem:s1+$0x191F0];
	[tilespmem:s1+$0x19170] =	vst v3;
	v3 =	vmul.f32 s0, v62  }
0x126: {  	v17 =	vld [tilespmem:s1+$0x19200];
	[tilespmem:s1+$0x19180] =	vst v2;
	v2 =	vmul.f32 s0, v63  }
0x127: {  	v18 =	vld [tilespmem:s1+$0x19210];
	[tilespmem:s1+$0x19190] =	vst v3;
	v3 =	vmul.f32 s0, v12  }
0x128: {  	v19 =	vld [tilespmem:s1+$0x19220];
	[tilespmem:s1+$0x191A0] =	vst v2;
	v2 =	vmul.f32 s0, v13  }
0x129: {  	v20 =	vld [tilespmem:s1+$0x19230];
	s16 =	spop (v2sf);
	[tilespmem:s1+$0x191B0] =	vst v3;
	v3 =	vmul.f32 s0, v14  }
0x12a: {  	v21 =	vld [tilespmem:s1+$0x19240];
	(v2sf) =	vpush v1, $0x5;
	s16 =	ssub.f32 $0.0e+00, s16;
	[tilespmem:s1+$0x191C0] =	vst v2;
	v2 =	vmul.f32 s0, v15  }
0x12b: {  	v22 =	vld [tilespmem:s1+$0x19250];
	[tilespmem:s1+$0x191D0] =	vst v3;
	v3 =	vmul.f32 s0, v16  }
0x12c: {  	v23 =	vld [tilespmem:s1+$0x19260];
	[tilespmem:s1+$0x191E0] =	vst v2;
	v2 =	vmul.f32 s16, v17  }
0x12d: {  	v24 =	vld [tilespmem:s1+$0x19270];
	[tilespmem:s1+$0x191F0] =	vst v3;
	v3 =	vmul.f32 s16, v18  }
0x12e: {  	v25 =	vld [tilespmem:s1+$0x19280];
	[tilespmem:s1+$0x19200] =	vst v2;
	v2 =	vmul.f32 s16, v19  }
0x12f: {  	v26 =	vld [tilespmem:s1+$0x19290];
	[tilespmem:s1+$0x19210] =	vst v3;
	v3 =	vmul.f32 s16, v20  }
0x130: {  	v27 =	vld [tilespmem:s1+$0x192A0];
	[tilespmem:s1+$0x19220] =	vst v2;
	v2 =	vmul.f32 s16, v21  }
0x131: {  	v28 =	vld [tilespmem:s1+$0x192B0];
	s0 =	spop (v2sf);
	[tilespmem:s1+$0x19230] =	vst v3;
	v3 =	vmul.f32 s16, v22  }
0x132: {  	v29 =	vld [tilespmem:s1+$0x192C0];
	(v2sf) =	vpush v1, $0x6;
	s0 =	ssub.f32 $0.0e+00, s0;
	[tilespmem:s1+$0x19240] =	vst v2;
	v2 =	vmul.f32 s16, v23  }
0x133: {  	v30 =	vld [tilespmem:s1+$0x192D0];
	[tilespmem:s1+$0x19250] =	vst v3;
	v3 =	vmul.f32 s16, v24  }
0x134: {  	v31 =	vld [tilespmem:s1+$0x192E0];
	[tilespmem:s1+$0x19260] =	vst v2;
	v2 =	vmul.f32 s0, v25  }
0x135: {  	v32 =	vld [tilespmem:s1+$0x192F0];
	[tilespmem:s1+$0x19270] =	vst v3;
	v3 =	vmul.f32 s0, v26  }
0x136: {  	v33 =	vld [tilespmem:s1+$0x19300];
	[tilespmem:s1+$0x19280] =	vst v2;
	v2 =	vmul.f32 s0, v27  }
0x137: {  	v34 =	vld [tilespmem:s1+$0x19310];
	[tilespmem:s1+$0x19290] =	vst v3;
	v3 =	vmul.f32 s0, v28  }
0x138: {  	v35 =	vld [tilespmem:s1+$0x19320];
	[tilespmem:s1+$0x192A0] =	vst v2;
	v2 =	vmul.f32 s0, v29  }
0x139: {  	v36 =	vld [tilespmem:s1+$0x19330];
	s16 =	spop (v2sf);
	[tilespmem:s1+$0x192B0] =	vst v3;
	v3 =	vmul.f32 s0, v30  }
0x13a: {  	v37 =	vld [tilespmem:s1+$0x19340];
	(v2sf) =	vpush v1, $0x7;
	s16 =	ssub.f32 $0.0e+00, s16;
	[tilespmem:s1+$0x192C0] =	vst v2;
	v2 =	vmul.f32 s0, v31  }
0x13b: {  	v38 =	vld [tilespmem:s1+$0x19350];
	[tilespmem:s1+$0x192D0] =	vst v3;
	v3 =	vmul.f32 s0, v32  }
0x13c: {  	v39 =	vld [tilespmem:s1+$0x19360];
	[tilespmem:s1+$0x192E0] =	vst v2;
	v2 =	vmul.f32 s16, v33  }
0x13d: {  	v40 =	vld [tilespmem:s1+$0x19370];
	[tilespmem:s1+$0x192F0] =	vst v3;
	v3 =	vmul.f32 s16, v34  }
0x13e: {  	v41 =	vld [tilespmem:s1+$0x19380];
	[tilespmem:s1+$0x19300] =	vst v2;
	v2 =	vmul.f32 s16, v35  }
0x13f: {  	v42 =	vld [tilespmem:s1+$0x19390];
	[tilespmem:s1+$0x19310] =	vst v3;
	v3 =	vmul.f32 s16, v36  }
0x140: {  	v43 =	vld [tilespmem:s1+$0x193A0];
	[tilespmem:s1+$0x19320] =	vst v2;
	v2 =	vmul.f32 s16, v37  }
0x141: {  	v44 =	vld [tilespmem:s1+$0x193B0];
	s0 =	spop (v2sf);
	[tilespmem:s1+$0x19330] =	vst v3;
	v3 =	vmul.f32 s16, v38  }
0x142: {  	v45 =	vld [tilespmem:s1+$0x193C0];
	(v2sf) =	vpush v1, $0x8;
	s0 =	ssub.f32 $0.0e+00, s0;
	[tilespmem:s1+$0x19340] =	vst v2;
	v2 =	vmul.f32 s16, v39  }
0x143: {  	v46 =	vld [tilespmem:s1+$0x193D0];
	[tilespmem:s1+$0x19350] =	vst v3;
	v3 =	vmul.f32 s16, v40  }
0x144: {  	v47 =	vld [tilespmem:s1+$0x193E0];
	[tilespmem:s1+$0x19360] =	vst v2;
	v2 =	vmul.f32 s0, v41  }
0x145: {  	v48 =	vld [tilespmem:s1+$0x193F0];
	[tilespmem:s1+$0x19370] =	vst v3;
	v3 =	vmul.f32 s0, v42  }
0x146: {  	v49 =	vld [tilespmem:s1+$0x19400];
	[tilespmem:s1+$0x19380] =	vst v2;
	v2 =	vmul.f32 s0, v43  }
0x147: {  	v50 =	vld [tilespmem:s1+$0x19410];
	[tilespmem:s1+$0x19390] =	vst v3;
	v3 =	vmul.f32 s0, v44  }
0x148: {  	v51 =	vld [tilespmem:s1+$0x19420];
	[tilespmem:s1+$0x193A0] =	vst v2;
	v2 =	vmul.f32 s0, v45  }
0x149: {  	v52 =	vld [tilespmem:s1+$0x19430];
	s16 =	spop (v2sf);
	[tilespmem:s1+$0x193B0] =	vst v3;
	v3 =	vmul.f32 s0, v46  }
0x14a: {  	v53 =	vld [tilespmem:s1+$0x19440];
	(v2sf) =	vpush v1, $0x9;
	s16 =	ssub.f32 $0.0e+00, s16;
	[tilespmem:s1+$0x193C0] =	vst v2;
	v2 =	vmul.f32 s0, v47  }
0x14b: {  	v54 =	vld [tilespmem:s1+$0x19450];
	[tilespmem:s1+$0x193D0] =	vst v3;
	v3 =	vmul.f32 s0, v48  }
0x14c: {  	v55 =	vld [tilespmem:s1+$0x19460];
	[tilespmem:s1+$0x193E0] =	vst v2;
	v2 =	vmul.f32 s16, v49  }
0x14d: {  	v56 =	vld [tilespmem:s1+$0x19470];
	[tilespmem:s1+$0x193F0] =	vst v3;
	v3 =	vmul.f32 s16, v50  }
0x14e: {  	v57 =	vld [tilespmem:s1+$0x19480];
	[tilespmem:s1+$0x19400] =	vst v2;
	v2 =	vmul.f32 s16, v51  }
0x14f: {  	v58 =	vld [tilespmem:s1+$0x19490];
	[tilespmem:s1+$0x19410] =	vst v3;
	v3 =	vmul.f32 s16, v52  }
0x150: {  	v59 =	vld [tilespmem:s1+$0x194A0];
	[tilespmem:s1+$0x19420] =	vst v2;
	v2 =	vmul.f32 s16, v53  }
0x151: {  	v60 =	vld [tilespmem:s1+$0x194B0];
	s0 =	spop (v2sf);
	[tilespmem:s1+$0x19430] =	vst v3;
	v3 =	vmul.f32 s16, v54  }
0x152: {  	v61 =	vld [tilespmem:s1+$0x194C0];
	(v2sf) =	vpush v1, $0xA;
	s0 =	ssub.f32 $0.0e+00, s0;
	[tilespmem:s1+$0x19440] =	vst v2;
	v2 =	vmul.f32 s16, v55  }
0x153: {  	v62 =	vld [tilespmem:s1+$0x194D0];
	[tilespmem:s1+$0x19450] =	vst v3;
	v3 =	vmul.f32 s16, v56  }
0x154: {  	v63 =	vld [tilespmem:s1+$0x194E0];
	[tilespmem:s1+$0x19460] =	vst v2;
	v2 =	vmul.f32 s0, v57  }
0x155: {  	v12 =	vld [tilespmem:s1+$0x194F0];
	[tilespmem:s1+$0x19470] =	vst v3;
	v3 =	vmul.f32 s0, v58  }
0x156: {  	v13 =	vld [tilespmem:s1+$0x19500];
	[tilespmem:s1+$0x19480] =	vst v2;
	v2 =	vmul.f32 s0, v59  }
0x157: {  	v14 =	vld [tilespmem:s1+$0x19510];
	[tilespmem:s1+$0x19490] =	vst v3;
	v3 =	vmul.f32 s0, v60  }
0x158: {  	v15 =	vld [tilespmem:s1+$0x19520];
	[tilespmem:s1+$0x194A0] =	vst v2;
	v2 =	vmul.f32 s0, v61  }
0x159: {  	v16 =	vld [tilespmem:s1+$0x19530];
	s16 =	spop (v2sf);
	[tilespmem:s1+$0x194B0] =	vst v3;
	v3 =	vmul.f32 s0, v62  }
0x15a: {  	v17 =	vld [tilespmem:s1+$0x19540];
	(v2sf) =	vpush v1, $0xB;
	s16 =	ssub.f32 $0.0e+00, s16;
	[tilespmem:s1+$0x194C0] =	vst v2;
	v2 =	vmul.f32 s0, v63  }
0x15b: {  	v18 =	vld [tilespmem:s1+$0x19550];
	[tilespmem:s1+$0x194D0] =	vst v3;
	v3 =	vmul.f32 s0, v12  }
0x15c: {  	v19 =	vld [tilespmem:s1+$0x19560];
	[tilespmem:s1+$0x194E0] =	vst v2;
	v2 =	vmul.f32 s16, v13  }
0x15d: {  	v20 =	vld [tilespmem:s1+$0x19570];
	[tilespmem:s1+$0x194F0] =	vst v3;
	v3 =	vmul.f32 s16, v14  }
0x15e: {  	v21 =	vld [tilespmem:s1+$0x19580];
	[tilespmem:s1+$0x19500] =	vst v2;
	v2 =	vmul.f32 s16, v15  }
0x15f: {  	v22 =	vld [tilespmem:s1+$0x19590];
	[tilespmem:s1+$0x19510] =	vst v3;
	v3 =	vmul.f32 s16, v16  }
0x160: {  	v23 =	vld [tilespmem:s1+$0x195A0];
	[tilespmem:s1+$0x19520] =	vst v2;
	v2 =	vmul.f32 s16, v17  }
0x161: {  	v24 =	vld [tilespmem:s1+$0x195B0];
	s0 =	spop (v2sf);
	[tilespmem:s1+$0x19530] =	vst v3;
	v3 =	vmul.f32 s16, v18  }
0x162: {  	v25 =	vld [tilespmem:s1+$0x195C0];
	(v2sf) =	vpush v1, $0xC;
	s0 =	ssub.f32 $0.0e+00, s0;
	[tilespmem:s1+$0x19540] =	vst v2;
	v2 =	vmul.f32 s16, v19  }
0x163: {  	v26 =	vld [tilespmem:s1+$0x195D0];
	[tilespmem:s1+$0x19550] =	vst v3;
	v3 =	vmul.f32 s16, v20  }
0x164: {  	v27 =	vld [tilespmem:s1+$0x195E0];
	[tilespmem:s1+$0x19560] =	vst v2;
	v2 =	vmul.f32 s0, v21  }
0x165: {  	v28 =	vld [tilespmem:s1+$0x195F0];
	[tilespmem:s1+$0x19570] =	vst v3;
	v3 =	vmul.f32 s0, v22  }
0x166: {  	v29 =	vld [tilespmem:s1+$0x19600];
	[tilespmem:s1+$0x19580] =	vst v2;
	v2 =	vmul.f32 s0, v23  }
0x167: {  	v30 =	vld [tilespmem:s1+$0x19610];
	[tilespmem:s1+$0x19590] =	vst v3;
	v3 =	vmul.f32 s0, v24  }
0x168: {  	v31 =	vld [tilespmem:s1+$0x19620];
	[tilespmem:s1+$0x195A0] =	vst v2;
	v2 =	vmul.f32 s0, v25  }
0x169: {  	v32 =	vld [tilespmem:s1+$0x19630];
	s16 =	spop (v2sf);
	[tilespmem:s1+$0x195B0] =	vst v3;
	v3 =	vmul.f32 s0, v26  }
0x16a: {  	v33 =	vld [tilespmem:s1+$0x19640];
	(v2sf) =	vpush v1, $0xD;
	s16 =	ssub.f32 $0.0e+00, s16;
	[tilespmem:s1+$0x195C0] =	vst v2;
	v2 =	vmul.f32 s0, v27  }
0x16b: {  	v34 =	vld [tilespmem:s1+$0x19650];
	[tilespmem:s1+$0x195D0] =	vst v3;
	v3 =	vmul.f32 s0, v28  }
0x16c: {  	v35 =	vld [tilespmem:s1+$0x19660];
	[tilespmem:s1+$0x195E0] =	vst v2;
	v2 =	vmul.f32 s16, v29  }
0x16d: {  	v36 =	vld [tilespmem:s1+$0x19670];
	[tilespmem:s1+$0x195F0] =	vst v3;
	v3 =	vmul.f32 s16, v30  }
0x16e: {  	v37 =	vld [tilespmem:s1+$0x19680];
	[tilespmem:s1+$0x19600] =	vst v2;
	v2 =	vmul.f32 s16, v31  }
0x16f: {  	v38 =	vld [tilespmem:s1+$0x19690];
	[tilespmem:s1+$0x19610] =	vst v3;
	v3 =	vmul.f32 s16, v32  }
0x170: {  	v39 =	vld [tilespmem:s1+$0x196A0];
	[tilespmem:s1+$0x19620] =	vst v2;
	v2 =	vmul.f32 s16, v33  }
0x171: {  	v40 =	vld [tilespmem:s1+$0x196B0];
	s0 =	spop (v2sf);
	[tilespmem:s1+$0x19630] =	vst v3;
	v3 =	vmul.f32 s16, v34  }
0x172: {  	v41 =	vld [tilespmem:s1+$0x196C0];
	(v2sf) =	vpush v1, $0xE;
	s0 =	ssub.f32 $0.0e+00, s0;
	[tilespmem:s1+$0x19640] =	vst v2;
	v2 =	vmul.f32 s16, v35  }
0x173: {  	v42 =	vld [tilespmem:s1+$0x196D0];
	[tilespmem:s1+$0x19650] =	vst v3;
	v3 =	vmul.f32 s16, v36  }
0x174: {  	v43 =	vld [tilespmem:s1+$0x196E0];
	[tilespmem:s1+$0x19660] =	vst v2;
	v2 =	vmul.f32 s0, v37  }
0x175: {  	v44 =	vld [tilespmem:s1+$0x196F0];
	[tilespmem:s1+$0x19670] =	vst v3;
	v3 =	vmul.f32 s0, v38  }
0x176: {  	v45 =	vld [tilespmem:s1+$0x19700];
	[tilespmem:s1+$0x19680] =	vst v2;
	v2 =	vmul.f32 s0, v39  }
0x177: {  	v46 =	vld [tilespmem:s1+$0x19710];
	[tilespmem:s1+$0x19690] =	vst v3;
	v3 =	vmul.f32 s0, v40  }
0x178: {  	v47 =	vld [tilespmem:s1+$0x19720];
	[tilespmem:s1+$0x196A0] =	vst v2;
	v2 =	vmul.f32 s0, v41  }
0x179: {  	v48 =	vld [tilespmem:s1+$0x19740];
	s16 =	spop (v2sf);
	[tilespmem:s1+$0x196B0] =	vst v3;
	v3 =	vmul.f32 s0, v42  }
0x17a: {  	(v2sf) =	vpush v1, $0xF;
	v1 =	vld [tilespmem:s1+$0x19730];
	s16 =	ssub.f32 $0.0e+00, s16;
	[tilespmem:s1+$0x196C0] =	vst v2;
	v2 =	vmul.f32 s0, v43  }
0x17b: {  	v49 =	vld [tilespmem:s1+$0x19750];
	[tilespmem:s1+$0x196D0] =	vst v3;
	v3 =	vmul.f32 s0, v44  }
0x17c: {  	v50 =	vld [tilespmem:s1+$0x19760];
	[tilespmem:s1+$0x196E0] =	vst v2;
	v2 =	vmul.f32 s16, v45  }
0x17d: {  	v51 =	vld [tilespmem:s1+$0x19770];
	[tilespmem:s1+$0x196F0] =	vst v3;
	v3 =	vmul.f32 s16, v46  }
0x17e: {  	v52 =	vld [tilespmem:s1+$0x19790];
	[tilespmem:s1+$0x19700] =	vst v2;
	v2 =	vmul.f32 s16, v47  }
0x17f: {  	v1 =	vmul.f32 s16, v1;
	[tilespmem:s1+$0x19710] =	vst v3;
	v3 =	vld [tilespmem:s1+$0x19780]  }
0x180: {  	v53 =	vld [tilespmem:s1+$0x197A0];
	[tilespmem:s1+$0x19720] =	vst v2;
	v2 =	vmul.f32 s16, v48  }
0x181: {  	v54 =	vld [tilespmem:s1+$0x197B0];
	[tilespmem:s1+$0x19730] =	vst v1;
	v1 =	vmul.f32 s16, v49;
	s0 =	spop (v2sf)  }
0x182: {  	v55 =	vld [tilespmem:s1+$0x197C0];
	s0 =	ssub.f32 $0.0e+00, s0;
	[tilespmem:s1+$0x19740] =	vst v2;
	v2 =	vmul.f32 s16, v50  }
0x183: {  	v56 =	vld [tilespmem:s1+$0x197E0];
	[tilespmem:s1+$0x19750] =	vst v1;
	v1 =	vmul.f32 s16, v51  }
0x184: {  	[tilespmem:s1+$0x19760] =	vst v2;
	v2 =	vmul.f32 s0, v3;
	v3 =	vld [tilespmem:s1+$0x197D0]  }
0x185: {  	v57 =	vld [tilespmem:s1+$0x197F0];
	[tilespmem:s1+$0x19770] =	vst v1;
	v1 =	vmul.f32 s0, v52  }
0x186: {  	v58 =	vld [tilespmem:s1+$0x19800];
	[tilespmem:s1+$0x19780] =	vst v2;
	v2 =	vmul.f32 s0, v53  }
0x187: {  	v59 =	vld [tilespmem:s1+$0x19810];
	[tilespmem:s1+$0x19790] =	vst v1;
	v1 =	vmul.f32 s0, v54  }
0x188: {  	v60 =	vld [tilespmem:s1+$0x19830];
	[tilespmem:s1+$0x197A0] =	vst v2;
	v2 =	vmul.f32 s0, v55  }
0x189: {  	[tilespmem:s1+$0x197B0] =	vst v1;
	s16 =	spop (v2sf);
	v1 =	vmul.f32 s0, v3;
	v3 =	vld [tilespmem:s1+$0x19820]  }
0x18a: {  	s16 =	ssub.f32 $0.0e+00, s16;
	[tilespmem:s1+$0x197C0] =	vst v2;
	v2 =	vmul.f32 s0, v56  }
0x18b: {  	v5 =	vmul.f32 s0, v57;
	[tilespmem:s1+$0x197D0] =	vst v1;
	v1 =	vld [tilespmem:s1+$0x19840]  }
0x18c: {  	v61 =	vld [tilespmem:s1+$0x19850];
	[tilespmem:s1+$0x197E0] =	vst v2;
	v2 =	vmul.f32 s16, v58  }
0x18d: {  	v63 =	vld [tilespmem:s1+$0x19860];
	[tilespmem:s1+$0x197F0] =	vst v5;
	v62 =	vmul.f32 s16, v59  }
0x18e: {  	v4 =	vmul.f32 s16, v60;
	[tilespmem:s1+$0x19800] =	vst v2;
	v2 =	vmul.f32 s16, v3;
	v3 =	vld [tilespmem:s1+$0x19870]  }
0x18f: {  	[tilespmem:s1+$0x19810] =	vst v62  }
0x190: {  	p0 =	sne.s32 s31, $0x7;
	[tilespmem:s1+$0x19830] =	vst v4;
	v1 =	vmul.f32 s16, v1  }
.Ltmp3:
0x191: {  	[tilespmem:s1+$0x19820] =	vst v2;
	v2 =	vmul.f32 s16, v61;
	(pc) =	sbr.rel @p0 .LBB2_9-.Ltmp3, $4  }
0x192: {  	[tilespmem:s1+$0x19840] =	vst v1;
	v1 =	vmul.f32 s16, v63  }
0x193: {  	[tilespmem:s1+$0x19850] =	vst v2;
	v2 =	vmul.f32 s16, v3  }
0x194: {  	[tilespmem:s1+$0x19860] =	vst v1  }
0x195: {  	s31 =	sadd.s32 $0x1, s31;
	[tilespmem:s1+$0x19870] =	vst v2  }
0x196: {  	s0 =	sadd.s32 s6, s30;
	s29 =	sadd.s32 $0x1, s29  }
0x197: {  	s0 =	sshrl.u32 s0, $0x3;
	p0 =	sne.s32 s29, $0x5  }
.Ltmp4:
0x198: {  	s0 =	sadd.s32 s8, s0;
	(pc) =	sbr.rel @p0 .LBB2_8-.Ltmp4, $4  }
0x199: {  	[hbm4b:s0+s3] =	stream.linear.scatter [tilespmem:s22], [sflag:$0x3], $0x4000, $0x38;
	[tilespmem:$0x1D300] =	vst v63  }
0x19a: {  	_ =	swait.ge [sflag:s17], $0x4000  }
0x19b: {  	[sflag:s17] =	ssyncset.done $0x0  }
0x19c: {  	[sflag:s17] =	ssyncadd.s32 $0xFFFFC000  }
0x19d: {  	s28 =	sadd.s32 $0x1, s28  }
0x19e: {  	p0 =	sne.s32 s28, s15  }
.Ltmp5:
0x19f: {  	_ = 	snop;
	(pc) =	sbr.rel @p0 .LBB2_1-.Ltmp5, $1  }
0x1a0: {  	_ =	sdelay $0x3  }
0x1a1: {  	_ =	sfence.sel $0x180000  }
0x1a2: {  	[bflag:$0x0] =	sbarrier.arrive $0xFFFF  }
0x1a3: {  	_ =	strace $0x9000004A  }
0x1a4: {  	s0 =	stileid.u32;
	[bflag:$0x2] =	sbarrier.arrive $0xFFFF  }
0x1a5: {  	p0 =	sne.s32 s0, $0x0;
	s0 =	rddreg [dreg:$0x4]  }
0x1a6: {  	s0 =	sadd.s32 @!p0 $0x100000, s0  }
0x1a7: {  	[sflag:s0] =	ssyncadd.tile.s32 @!p0 $0x1;
	_ =	shalt  }
.Lfunc_end2:
_tile_overlayer_lowered:
.L_overlay_start_2:
0x1a8: {  	(tag) =	ssettag $0x2  }
0x1a9: {  	s0 =	rddreg [dreg:$0x0];
	s2 =	stileid.u32  }
0x1aa: {  	s1 =	rddreg [dreg:$0x1];
	p0 =	sne.s32 s2, $0x0  }
0x1ab: {  	s3 =	rddreg [dreg:$0x2];
	[bflag:$0x3] =	sbarrier.arrive $0xFFFF;
	s2 =	simm.s32 @!p0 $0x1C03  }
0x1ac: {  	[timem:s3], [sflag:s2] =	dma.local @!p0 [hbm:s0], s1  }
0x1ad: {  	s0 =	simm.s32 @!p0 $0x3  }
0x1ae: {  	_ =	swait.ge @!p0 [sflag:s0], s1  }
0x1af: {  	s1 =	ssub.s32 @!p0 $0x0, s1;
	[sflag:s0] =	ssyncset.done @!p0 $0x0  }
0x1b0: {  	[sflag:s0] =	ssyncadd.s32 @!p0 s1  }
0x1b1: {  	[bflag:$0x3] =	sbarrier.arrive $0xFFFF  }
0x1b2: {  	_ =	shalt  }

</sc_bundles>
